<compile_context>
chip_gen: v7x
topology: tpu7x:2x2x1
jax: 0.10.2.dev20260603
libtpu: 0.0.44.dev20260713+nightly
codegen_flags: <defaults>
</compile_context>

<pallas_src>
import jax
import jax.numpy as jnp
from jax import lax
from jax.experimental import pallas as pl
from jax.experimental.pallas import tpu as pltpu
from jax.experimental.pallas import tpu_sc as plsc

B = 4096
L = 50
E = 64
NC = 2
NS = 16
NW = NC * NS
BPW = B // NW
CH = 8
NCH = BPW // CH
NG = 4
PADROWS = CH * L + 16


def _body(ctxidx_hbm, xtable_hbm, cemb_hbm, out_hbm,
          ctxidx_v, crows_v, buf0, buf1, outbuf, sem0, sem1):
    c = lax.axis_index("c")
    s = lax.axis_index("s")
    wid = s * NC + c
    base = wid * BPW

    pltpu.sync_copy(ctxidx_hbm.at[pl.ds(base, BPW)], ctxidx_v)
    pltpu.sync_copy(cemb_hbm.at[pl.ds(base, BPW)], crows_v)

    iota = lax.iota(jnp.int32, 16)

    def fire(kchunk, buf, sem):
        for jj in range(CH):
            pltpu.async_copy(xtable_hbm.at[ctxidx_v.at[kchunk * CH + jj]],
                             buf.at[pl.ds(jj * L, L)], sem)

    def drain(buf, sem):
        for jj in range(CH):
            pltpu.make_async_copy(xtable_hbm.at[ctxidx_v.at[jj]],
                                  buf.at[pl.ds(jj * L, L)], sem).wait()

    def compute(kchunk, buf):
        def jj_body(jj, carry):
            jglob = kchunk * CH + jj
            row0 = jj * L
            cv = [crows_v[jglob, pl.ds(i * 16, 16)] for i in range(E // 16)]
            outs = [jnp.zeros((16,), jnp.float32) for _ in range(NG)]
            for l in range(L):
                row = row0 + l
                p = cv[0] * buf[row, pl.ds(0, 16)]
                for i in range(1, E // 16):
                    p = p + cv[i] * buf[row, pl.ds(i * 16, 16)]
                s = jnp.sum(p)
                g, ll = divmod(l, 16)
                outs[g] = jnp.where(iota == ll, s, outs[g])
            jvec = jnp.full((16,), jj, jnp.int32)
            for g in range(NG):
                cols = g * 16 + iota
                plsc.store_scatter(outbuf, [jvec, cols], outs[g],
                                   mask=cols < L)
            return carry
        lax.fori_loop(0, CH, jj_body, 0)
        pltpu.sync_copy(outbuf, out_hbm.at[pl.ds(base + kchunk * CH, CH)])

    fire(0, buf0, sem0)

    def k2body(k2, carry):
        kc = 2 * k2
        fire(kc + 1, buf1, sem1)
        drain(buf0, sem0)
        compute(kc, buf0)

        @pl.when(kc + 2 < NCH)
        def _():
            fire(kc + 2, buf0, sem0)

        drain(buf1, sem1)
        compute(kc + 1, buf1)
        return carry

    lax.fori_loop(0, NCH // 2, k2body, 0)


_mesh = plsc.VectorSubcoreMesh(core_axis_name="c", subcore_axis_name="s")

_sc_call = pl.kernel(
    _body,
    out_type=jax.ShapeDtypeStruct((B, L), jnp.float32),
    mesh=_mesh,
    scratch_types=[
        pltpu.VMEM((BPW, L), jnp.int32),
        pltpu.VMEM((BPW, E), jnp.float32),
        pltpu.VMEM((PADROWS, E), jnp.float32),
        pltpu.VMEM((PADROWS, E), jnp.float32),
        pltpu.VMEM((CH, L), jnp.float32),
        pltpu.SemaphoreType.DMA,
        pltpu.SemaphoreType.DMA,
    ],
    compiler_params=pltpu.CompilerParams(needs_layout_passes=False, use_tc_tiling_on_sc=False),
)


@jax.jit
def kernel(center, context_negative, center_table, context_table):
    center_embed = jnp.take(center_table, center.reshape(B), axis=0,
                            mode="clip")
    return _sc_call(context_negative, context_table, center_embed)

# --- scband reference (transcript-rebuilt; emitter-appended) ---
"""Pipeline reference for scband-skip-gram-27367531610438 (READ-ONLY COPY).

The authoritative reference and input builder live on the scoring server;
editing this copy changes nothing except your own understanding.
"""

import jax, jax.numpy as jnp
import numpy as np

VOCAB = 100000
EMBED = 64
B = 4096
L = 50

def setup_inputs(seed: int = 0) -> dict:
    key = jax.random.key(seed)
    k1, k2, k3, k4 = jax.random.split(key, 4)
    center = jax.random.randint(k1, (B, 1), 0, VOCAB, dtype=jnp.int64 if jax.config.jax_enable_x64 else jnp.int32).astype(jnp.int32)
    context_negative = jax.random.randint(k2, (B, L), 0, VOCAB, dtype=jnp.int32)
    center_table = jax.random.normal(k3, (VOCAB, EMBED), dtype=jnp.float32)
    context_table = jax.random.normal(k4, (VOCAB, EMBED), dtype=jnp.float32)
    return {
        "center": center,
        "context_negative": context_negative,
        "center_table": center_table,
        "context_table": context_table,
    }

def reference(center, context_negative, center_table, context_table):
    # center: [B, 1] int, context_negative: [B, L] int
    center_embed = jnp.take(center_table, center, axis=0)            # [B, 1, E]
    context_embed = jnp.take(context_table, context_negative, axis=0)  # [B, L, E]
    # bmm([B,1,E], [B,E,L]) -> [B,1,L] -> squeeze(1) -> [B,L]
    out = jnp.einsum('bie,ble->bil', center_embed, context_embed)
    return jnp.squeeze(out, axis=1)

if __name__ == "__main__":
    import jax
    _d = setup_inputs()
    print(jax.jit(kernel)(*tuple(_d.values())))

</pallas_src>

<mosaic_0001>
#map = affine_map<(d0, d1) -> (0, 0)>
module attributes {stable_mosaic.version = 14 : i64} {
  func.func @_body(%arg0: i32, %arg1: i32, %arg2: memref<4096x50xi32, #tpu.memory_space<hbm>>, %arg3: memref<100000x64xf32, #tpu.memory_space<hbm>>, %arg4: memref<4096x64xf32, #tpu.memory_space<hbm>>, %arg5: memref<4096x50xf32, #tpu.memory_space<hbm>>, %arg6: memref<128x50xi32, #tpu.memory_space<vmem>>, %arg7: memref<128x64xf32, #tpu.memory_space<vmem>>, %arg8: memref<416x64xf32, #tpu.memory_space<vmem>>, %arg9: memref<416x64xf32, #tpu.memory_space<vmem>>, %arg10: memref<8x50xf32, #tpu.memory_space<vmem>>, %arg11: memref<!tpu.dma_semaphore, #tpu.memory_space<semaphore_mem>>, %arg12: memref<!tpu.dma_semaphore, #tpu.memory_space<semaphore_mem>>) attributes {dimension_semantics = [#tpu.dimension_semantics<core_parallel>, #tpu.dimension_semantics<subcore_parallel>], iteration_bounds = array<i64: 2, 16>, scalar_prefetch = 0 : i64, scratch_operands = 7 : i64, tpu.core_type = #tpu.core_type<sc_vector_subcore>, window_params = [{transform_indices = #map}, {transform_indices = #map}, {transform_indices = #map}, {transform_indices = #map}]} {
    %mul3A = arith.constant 2 : i32
    %mul3A_0 = arith.muli %arg1, %mul3A : i32
    %add3A = arith.addi %mul3A_0, %arg0 : i32
    %mul3A_1 = arith.constant 128 : i32
    %mul3A_2 = arith.muli %add3A, %mul3A_1 : i32
    "tpu.region"() ({
      %run_scoped3A = tpu.sem_alloc : memref<!tpu.dma_semaphore, #tpu.memory_space<semaphore_mem>>
      %dma_start3A_87 = arith.constant 0 : i32
      %dma_start3A_88 = tpu.memref_slice %arg2[%mul3A_2, %dma_start3A_87] : memref<4096x50xi32, #tpu.memory_space<hbm>> -> memref<128x50xi32, #tpu.memory_space<hbm>>
      %dma_start3A_89 = arith.constant 0 : i32
      %dma_start3A_90 = tpu.memref_slice %arg2[%mul3A_2, %dma_start3A_89] : memref<4096x50xi32, #tpu.memory_space<hbm>> -> memref<128x50xi32, #tpu.memory_space<hbm>>
      tpu.enqueue_dma source(%dma_start3A_90 : memref<128x50xi32, #tpu.memory_space<hbm>>) target(%arg6 : memref<128x50xi32, #tpu.memory_space<vmem>>) target_semaphore(%run_scoped3A : memref<!tpu.dma_semaphore, #tpu.memory_space<semaphore_mem>>)
      %dma_wait3A = arith.constant 0 : i32
      %dma_wait3A_91 = tpu.memref_slice %arg2[%mul3A_2, %dma_wait3A] : memref<4096x50xi32, #tpu.memory_space<hbm>> -> memref<128x50xi32, #tpu.memory_space<hbm>>
      %dma_wait3A_92 = arith.constant 0 : i32
      %dma_wait3A_93 = tpu.memref_slice %arg2[%mul3A_2, %dma_wait3A_92] : memref<4096x50xi32, #tpu.memory_space<hbm>> -> memref<128x50xi32, #tpu.memory_space<hbm>>
      tpu.wait_dma2 semaphore(%run_scoped3A : memref<!tpu.dma_semaphore, #tpu.memory_space<semaphore_mem>>) src(%dma_wait3A_93 : memref<128x50xi32, #tpu.memory_space<hbm>>) dst(%arg6 : memref<128x50xi32, #tpu.memory_space<vmem>>)
      tpu.yield
    }) : () -> ()
    "tpu.region"() ({
      %run_scoped3A = tpu.sem_alloc : memref<!tpu.dma_semaphore, #tpu.memory_space<semaphore_mem>>
      %dma_start3A_87 = arith.constant 0 : i32
      %dma_start3A_88 = tpu.memref_slice %arg4[%mul3A_2, %dma_start3A_87] : memref<4096x64xf32, #tpu.memory_space<hbm>> -> memref<128x64xf32, #tpu.memory_space<hbm>>
      %dma_start3A_89 = arith.constant 0 : i32
      %dma_start3A_90 = tpu.memref_slice %arg4[%mul3A_2, %dma_start3A_89] : memref<4096x64xf32, #tpu.memory_space<hbm>> -> memref<128x64xf32, #tpu.memory_space<hbm>>
      tpu.enqueue_dma source(%dma_start3A_90 : memref<128x64xf32, #tpu.memory_space<hbm>>) target(%arg7 : memref<128x64xf32, #tpu.memory_space<vmem>>) target_semaphore(%run_scoped3A : memref<!tpu.dma_semaphore, #tpu.memory_space<semaphore_mem>>)
      %dma_wait3A = arith.constant 0 : i32
      %dma_wait3A_91 = tpu.memref_slice %arg4[%mul3A_2, %dma_wait3A] : memref<4096x64xf32, #tpu.memory_space<hbm>> -> memref<128x64xf32, #tpu.memory_space<hbm>>
      %dma_wait3A_92 = arith.constant 0 : i32
      %dma_wait3A_93 = tpu.memref_slice %arg4[%mul3A_2, %dma_wait3A_92] : memref<4096x64xf32, #tpu.memory_space<hbm>> -> memref<128x64xf32, #tpu.memory_space<hbm>>
      tpu.wait_dma2 semaphore(%run_scoped3A : memref<!tpu.dma_semaphore, #tpu.memory_space<semaphore_mem>>) src(%dma_wait3A_93 : memref<128x64xf32, #tpu.memory_space<hbm>>) dst(%arg7 : memref<128x64xf32, #tpu.memory_space<vmem>>)
      tpu.yield
    }) : () -> ()
    %iota3A = tpu.iota {dimensions = array<i32: 0>} : vector<16xi32>
    %dma_start3A = arith.constant 0 : i32
    %dma_start3A_3 = arith.constant 0 : i32
    %dma_start3A_4 = arith.constant 0 : i32
    %dma_start3A_5 = tpu.memref_slice %arg8[%dma_start3A_3, %dma_start3A_4] : memref<416x64xf32, #tpu.memory_space<vmem>> -> memref<50x64xf32, #tpu.memory_space<vmem>>
    %dma_start3A_6 = arith.constant 0 : i32
    %dma_start3A_7 = tpu.memref_slice %arg6[%dma_start3A, %dma_start3A_6] : memref<128x50xi32, #tpu.memory_space<vmem>> -> memref<1x50xi32, #tpu.memory_space<vmem>>
    %dma_start3A_8 = tpu.memref_squeeze %dma_start3A_7 : memref<1x50xi32, #tpu.memory_space<vmem>> -> memref<50xi32, #tpu.memory_space<vmem>>
    %dma_start3A_9 = arith.constant 0 : i32
    %dma_start3A_10 = arith.constant 0 : i32
    %dma_start3A_11 = tpu.memref_slice %arg3[%dma_start3A_9, %dma_start3A_10] : memref<100000x64xf32, #tpu.memory_space<hbm>> -> memref<100000x64xf32, #tpu.memory_space<hbm>>
    tpu.enqueue_indirect_dma source(%dma_start3A_11 : memref<100000x64xf32, #tpu.memory_space<hbm>>) target(%dma_start3A_5 : memref<50x64xf32, #tpu.memory_space<vmem>>) offsets(%dma_start3A_8 : memref<50xi32, #tpu.memory_space<vmem>>) semaphore(%arg11 : memref<!tpu.dma_semaphore, #tpu.memory_space<semaphore_mem>>)
    %dma_start3A_12 = arith.constant 1 : i32
    %dma_start3A_13 = arith.constant 50 : i32
    %dma_start3A_14 = arith.constant 0 : i32
    %dma_start3A_15 = tpu.memref_slice %arg8[%dma_start3A_13, %dma_start3A_14] : memref<416x64xf32, #tpu.memory_space<vmem>> -> memref<50x64xf32, #tpu.memory_space<vmem>>
    %dma_start3A_16 = arith.constant 0 : i32
    %dma_start3A_17 = tpu.memref_slice %arg6[%dma_start3A_12, %dma_start3A_16] : memref<128x50xi32, #tpu.memory_space<vmem>> -> memref<1x50xi32, #tpu.memory_space<vmem>>
    %dma_start3A_18 = tpu.memref_squeeze %dma_start3A_17 : memref<1x50xi32, #tpu.memory_space<vmem>> -> memref<50xi32, #tpu.memory_space<vmem>>
    %dma_start3A_19 = arith.constant 0 : i32
    %dma_start3A_20 = arith.constant 0 : i32
    %dma_start3A_21 = tpu.memref_slice %arg3[%dma_start3A_19, %dma_start3A_20] : memref<100000x64xf32, #tpu.memory_space<hbm>> -> memref<100000x64xf32, #tpu.memory_space<hbm>>
    tpu.enqueue_indirect_dma source(%dma_start3A_21 : memref<100000x64xf32, #tpu.memory_space<hbm>>) target(%dma_start3A_15 : memref<50x64xf32, #tpu.memory_space<vmem>>) offsets(%dma_start3A_18 : memref<50xi32, #tpu.memory_space<vmem>>) semaphore(%arg11 : memref<!tpu.dma_semaphore, #tpu.memory_space<semaphore_mem>>)
    %dma_start3A_22 = arith.constant 2 : i32
    %dma_start3A_23 = arith.constant 100 : i32
    %dma_start3A_24 = arith.constant 0 : i32
    %dma_start3A_25 = tpu.memref_slice %arg8[%dma_start3A_23, %dma_start3A_24] : memref<416x64xf32, #tpu.memory_space<vmem>> -> memref<50x64xf32, #tpu.memory_space<vmem>>
    %dma_start3A_26 = arith.constant 0 : i32
    %dma_start3A_27 = tpu.memref_slice %arg6[%dma_start3A_22, %dma_start3A_26] : memref<128x50xi32, #tpu.memory_space<vmem>> -> memref<1x50xi32, #tpu.memory_space<vmem>>
    %dma_start3A_28 = tpu.memref_squeeze %dma_start3A_27 : memref<1x50xi32, #tpu.memory_space<vmem>> -> memref<50xi32, #tpu.memory_space<vmem>>
    %dma_start3A_29 = arith.constant 0 : i32
    %dma_start3A_30 = arith.constant 0 : i32
    %dma_start3A_31 = tpu.memref_slice %arg3[%dma_start3A_29, %dma_start3A_30] : memref<100000x64xf32, #tpu.memory_space<hbm>> -> memref<100000x64xf32, #tpu.memory_space<hbm>>
    tpu.enqueue_indirect_dma source(%dma_start3A_31 : memref<100000x64xf32, #tpu.memory_space<hbm>>) target(%dma_start3A_25 : memref<50x64xf32, #tpu.memory_space<vmem>>) offsets(%dma_start3A_28 : memref<50xi32, #tpu.memory_space<vmem>>) semaphore(%arg11 : memref<!tpu.dma_semaphore, #tpu.memory_space<semaphore_mem>>)
    %dma_start3A_32 = arith.constant 3 : i32
    %dma_start3A_33 = arith.constant 150 : i32
    %dma_start3A_34 = arith.constant 0 : i32
    %dma_start3A_35 = tpu.memref_slice %arg8[%dma_start3A_33, %dma_start3A_34] : memref<416x64xf32, #tpu.memory_space<vmem>> -> memref<50x64xf32, #tpu.memory_space<vmem>>
    %dma_start3A_36 = arith.constant 0 : i32
    %dma_start3A_37 = tpu.memref_slice %arg6[%dma_start3A_32, %dma_start3A_36] : memref<128x50xi32, #tpu.memory_space<vmem>> -> memref<1x50xi32, #tpu.memory_space<vmem>>
    %dma_start3A_38 = tpu.memref_squeeze %dma_start3A_37 : memref<1x50xi32, #tpu.memory_space<vmem>> -> memref<50xi32, #tpu.memory_space<vmem>>
    %dma_start3A_39 = arith.constant 0 : i32
    %dma_start3A_40 = arith.constant 0 : i32
    %dma_start3A_41 = tpu.memref_slice %arg3[%dma_start3A_39, %dma_start3A_40] : memref<100000x64xf32, #tpu.memory_space<hbm>> -> memref<100000x64xf32, #tpu.memory_space<hbm>>
    tpu.enqueue_indirect_dma source(%dma_start3A_41 : memref<100000x64xf32, #tpu.memory_space<hbm>>) target(%dma_start3A_35 : memref<50x64xf32, #tpu.memory_space<vmem>>) offsets(%dma_start3A_38 : memref<50xi32, #tpu.memory_space<vmem>>) semaphore(%arg11 : memref<!tpu.dma_semaphore, #tpu.memory_space<semaphore_mem>>)
    %dma_start3A_42 = arith.constant 4 : i32
    %dma_start3A_43 = arith.constant 200 : i32
    %dma_start3A_44 = arith.constant 0 : i32
    %dma_start3A_45 = tpu.memref_slice %arg8[%dma_start3A_43, %dma_start3A_44] : memref<416x64xf32, #tpu.memory_space<vmem>> -> memref<50x64xf32, #tpu.memory_space<vmem>>
    %dma_start3A_46 = arith.constant 0 : i32
    %dma_start3A_47 = tpu.memref_slice %arg6[%dma_start3A_42, %dma_start3A_46] : memref<128x50xi32, #tpu.memory_space<vmem>> -> memref<1x50xi32, #tpu.memory_space<vmem>>
    %dma_start3A_48 = tpu.memref_squeeze %dma_start3A_47 : memref<1x50xi32, #tpu.memory_space<vmem>> -> memref<50xi32, #tpu.memory_space<vmem>>
    %dma_start3A_49 = arith.constant 0 : i32
    %dma_start3A_50 = arith.constant 0 : i32
    %dma_start3A_51 = tpu.memref_slice %arg3[%dma_start3A_49, %dma_start3A_50] : memref<100000x64xf32, #tpu.memory_space<hbm>> -> memref<100000x64xf32, #tpu.memory_space<hbm>>
    tpu.enqueue_indirect_dma source(%dma_start3A_51 : memref<100000x64xf32, #tpu.memory_space<hbm>>) target(%dma_start3A_45 : memref<50x64xf32, #tpu.memory_space<vmem>>) offsets(%dma_start3A_48 : memref<50xi32, #tpu.memory_space<vmem>>) semaphore(%arg11 : memref<!tpu.dma_semaphore, #tpu.memory_space<semaphore_mem>>)
    %dma_start3A_52 = arith.constant 5 : i32
    %dma_start3A_53 = arith.constant 250 : i32
    %dma_start3A_54 = arith.constant 0 : i32
    %dma_start3A_55 = tpu.memref_slice %arg8[%dma_start3A_53, %dma_start3A_54] : memref<416x64xf32, #tpu.memory_space<vmem>> -> memref<50x64xf32, #tpu.memory_space<vmem>>
    %dma_start3A_56 = arith.constant 0 : i32
    %dma_start3A_57 = tpu.memref_slice %arg6[%dma_start3A_52, %dma_start3A_56] : memref<128x50xi32, #tpu.memory_space<vmem>> -> memref<1x50xi32, #tpu.memory_space<vmem>>
    %dma_start3A_58 = tpu.memref_squeeze %dma_start3A_57 : memref<1x50xi32, #tpu.memory_space<vmem>> -> memref<50xi32, #tpu.memory_space<vmem>>
    %dma_start3A_59 = arith.constant 0 : i32
    %dma_start3A_60 = arith.constant 0 : i32
    %dma_start3A_61 = tpu.memref_slice %arg3[%dma_start3A_59, %dma_start3A_60] : memref<100000x64xf32, #tpu.memory_space<hbm>> -> memref<100000x64xf32, #tpu.memory_space<hbm>>
    tpu.enqueue_indirect_dma source(%dma_start3A_61 : memref<100000x64xf32, #tpu.memory_space<hbm>>) target(%dma_start3A_55 : memref<50x64xf32, #tpu.memory_space<vmem>>) offsets(%dma_start3A_58 : memref<50xi32, #tpu.memory_space<vmem>>) semaphore(%arg11 : memref<!tpu.dma_semaphore, #tpu.memory_space<semaphore_mem>>)
    %dma_start3A_62 = arith.constant 6 : i32
    %dma_start3A_63 = arith.constant 300 : i32
    %dma_start3A_64 = arith.constant 0 : i32
    %dma_start3A_65 = tpu.memref_slice %arg8[%dma_start3A_63, %dma_start3A_64] : memref<416x64xf32, #tpu.memory_space<vmem>> -> memref<50x64xf32, #tpu.memory_space<vmem>>
    %dma_start3A_66 = arith.constant 0 : i32
    %dma_start3A_67 = tpu.memref_slice %arg6[%dma_start3A_62, %dma_start3A_66] : memref<128x50xi32, #tpu.memory_space<vmem>> -> memref<1x50xi32, #tpu.memory_space<vmem>>
    %dma_start3A_68 = tpu.memref_squeeze %dma_start3A_67 : memref<1x50xi32, #tpu.memory_space<vmem>> -> memref<50xi32, #tpu.memory_space<vmem>>
    %dma_start3A_69 = arith.constant 0 : i32
    %dma_start3A_70 = arith.constant 0 : i32
    %dma_start3A_71 = tpu.memref_slice %arg3[%dma_start3A_69, %dma_start3A_70] : memref<100000x64xf32, #tpu.memory_space<hbm>> -> memref<100000x64xf32, #tpu.memory_space<hbm>>
    tpu.enqueue_indirect_dma source(%dma_start3A_71 : memref<100000x64xf32, #tpu.memory_space<hbm>>) target(%dma_start3A_65 : memref<50x64xf32, #tpu.memory_space<vmem>>) offsets(%dma_start3A_68 : memref<50xi32, #tpu.memory_space<vmem>>) semaphore(%arg11 : memref<!tpu.dma_semaphore, #tpu.memory_space<semaphore_mem>>)
    %dma_start3A_72 = arith.constant 7 : i32
    %dma_start3A_73 = arith.constant 350 : i32
    %dma_start3A_74 = arith.constant 0 : i32
    %dma_start3A_75 = tpu.memref_slice %arg8[%dma_start3A_73, %dma_start3A_74] : memref<416x64xf32, #tpu.memory_space<vmem>> -> memref<50x64xf32, #tpu.memory_space<vmem>>
    %dma_start3A_76 = arith.constant 0 : i32
    %dma_start3A_77 = tpu.memref_slice %arg6[%dma_start3A_72, %dma_start3A_76] : memref<128x50xi32, #tpu.memory_space<vmem>> -> memref<1x50xi32, #tpu.memory_space<vmem>>
    %dma_start3A_78 = tpu.memref_squeeze %dma_start3A_77 : memref<1x50xi32, #tpu.memory_space<vmem>> -> memref<50xi32, #tpu.memory_space<vmem>>
    %dma_start3A_79 = arith.constant 0 : i32
    %dma_start3A_80 = arith.constant 0 : i32
    %dma_start3A_81 = tpu.memref_slice %arg3[%dma_start3A_79, %dma_start3A_80] : memref<100000x64xf32, #tpu.memory_space<hbm>> -> memref<100000x64xf32, #tpu.memory_space<hbm>>
    tpu.enqueue_indirect_dma source(%dma_start3A_81 : memref<100000x64xf32, #tpu.memory_space<hbm>>) target(%dma_start3A_75 : memref<50x64xf32, #tpu.memory_space<vmem>>) offsets(%dma_start3A_78 : memref<50xi32, #tpu.memory_space<vmem>>) semaphore(%arg11 : memref<!tpu.dma_semaphore, #tpu.memory_space<semaphore_mem>>)
    %scan3A = arith.constant 0 : i32
    %scan3A_82 = arith.constant 0 : i32
    %scan3A_83 = arith.constant 8 : i32
    %scan3A_84 = arith.addi %scan3A_82, %scan3A_83 : i32
    %scan3A_85 = arith.constant 1 : i32
    scf.for %scan3A_87 = %scan3A_82 to %scan3A_84 step %scan3A_85  : i32 {
      %mul3A_88 = arith.constant 2 : i32
      %mul3A_89 = arith.muli %mul3A_88, %scan3A_87 : i32
      %add3A_90 = arith.constant 1 : i32
      %add3A_91 = arith.addi %mul3A_89, %add3A_90 : i32
      %mul3A_92 = arith.constant 8 : i32
      %mul3A_93 = arith.muli %add3A_91, %mul3A_92 : i32
      %add3A_94 = arith.constant 0 : i32
      %add3A_95 = arith.addi %mul3A_93, %add3A_94 : i32
      %dma_start3A_96 = arith.constant 0 : i32
      %dma_start3A_97 = arith.constant 0 : i32
      %dma_start3A_98 = tpu.memref_slice %arg9[%dma_start3A_96, %dma_start3A_97] : memref<416x64xf32, #tpu.memory_space<vmem>> -> memref<50x64xf32, #tpu.memory_space<vmem>>
      %dma_start3A_99 = arith.constant 0 : i32
      %dma_start3A_100 = tpu.memref_slice %arg6[%add3A_95, %dma_start3A_99] : memref<128x50xi32, #tpu.memory_space<vmem>> -> memref<1x50xi32, #tpu.memory_space<vmem>>
      %dma_start3A_101 = tpu.memref_squeeze %dma_start3A_100 : memref<1x50xi32, #tpu.memory_space<vmem>> -> memref<50xi32, #tpu.memory_space<vmem>>
      %dma_start3A_102 = arith.constant 0 : i32
      %dma_start3A_103 = arith.constant 0 : i32
      %dma_start3A_104 = tpu.memref_slice %arg3[%dma_start3A_102, %dma_start3A_103] : memref<100000x64xf32, #tpu.memory_space<hbm>> -> memref<100000x64xf32, #tpu.memory_space<hbm>>
      tpu.enqueue_indirect_dma source(%dma_start3A_104 : memref<100000x64xf32, #tpu.memory_space<hbm>>) target(%dma_start3A_98 : memref<50x64xf32, #tpu.memory_space<vmem>>) offsets(%dma_start3A_101 : memref<50xi32, #tpu.memory_space<vmem>>) semaphore(%arg12 : memref<!tpu.dma_semaphore, #tpu.memory_space<semaphore_mem>>)
      %mul3A_105 = arith.constant 8 : i32
      %mul3A_106 = arith.muli %add3A_91, %mul3A_105 : i32
      %add3A_107 = arith.constant 1 : i32
      %add3A_108 = arith.addi %mul3A_106, %add3A_107 : i32
      %dma_start3A_109 = arith.constant 50 : i32
      %dma_start3A_110 = arith.constant 0 : i32
      %dma_start3A_111 = tpu.memref_slice %arg9[%dma_start3A_109, %dma_start3A_110] : memref<416x64xf32, #tpu.memory_space<vmem>> -> memref<50x64xf32, #tpu.memory_space<vmem>>
      %dma_start3A_112 = arith.constant 0 : i32
      %dma_start3A_113 = tpu.memref_slice %arg6[%add3A_108, %dma_start3A_112] : memref<128x50xi32, #tpu.memory_space<vmem>> -> memref<1x50xi32, #tpu.memory_space<vmem>>
      %dma_start3A_114 = tpu.memref_squeeze %dma_start3A_113 : memref<1x50xi32, #tpu.memory_space<vmem>> -> memref<50xi32, #tpu.memory_space<vmem>>
      %dma_start3A_115 = arith.constant 0 : i32
      %dma_start3A_116 = arith.constant 0 : i32
      %dma_start3A_117 = tpu.memref_slice %arg3[%dma_start3A_115, %dma_start3A_116] : memref<100000x64xf32, #tpu.memory_space<hbm>> -> memref<100000x64xf32, #tpu.memory_space<hbm>>
      tpu.enqueue_indirect_dma source(%dma_start3A_117 : memref<100000x64xf32, #tpu.memory_space<hbm>>) target(%dma_start3A_111 : memref<50x64xf32, #tpu.memory_space<vmem>>) offsets(%dma_start3A_114 : memref<50xi32, #tpu.memory_space<vmem>>) semaphore(%arg12 : memref<!tpu.dma_semaphore, #tpu.memory_space<semaphore_mem>>)
      %mul3A_118 = arith.constant 8 : i32
      %mul3A_119 = arith.muli %add3A_91, %mul3A_118 : i32
      %add3A_120 = arith.constant 2 : i32
      %add3A_121 = arith.addi %mul3A_119, %add3A_120 : i32
      %dma_start3A_122 = arith.constant 100 : i32
      %dma_start3A_123 = arith.constant 0 : i32
      %dma_start3A_124 = tpu.memref_slice %arg9[%dma_start3A_122, %dma_start3A_123] : memref<416x64xf32, #tpu.memory_space<vmem>> -> memref<50x64xf32, #tpu.memory_space<vmem>>
      %dma_start3A_125 = arith.constant 0 : i32
      %dma_start3A_126 = tpu.memref_slice %arg6[%add3A_121, %dma_start3A_125] : memref<128x50xi32, #tpu.memory_space<vmem>> -> memref<1x50xi32, #tpu.memory_space<vmem>>
      %dma_start3A_127 = tpu.memref_squeeze %dma_start3A_126 : memref<1x50xi32, #tpu.memory_space<vmem>> -> memref<50xi32, #tpu.memory_space<vmem>>
      %dma_start3A_128 = arith.constant 0 : i32
      %dma_start3A_129 = arith.constant 0 : i32
      %dma_start3A_130 = tpu.memref_slice %arg3[%dma_start3A_128, %dma_start3A_129] : memref<100000x64xf32, #tpu.memory_space<hbm>> -> memref<100000x64xf32, #tpu.memory_space<hbm>>
      tpu.enqueue_indirect_dma source(%dma_start3A_130 : memref<100000x64xf32, #tpu.memory_space<hbm>>) target(%dma_start3A_124 : memref<50x64xf32, #tpu.memory_space<vmem>>) offsets(%dma_start3A_127 : memref<50xi32, #tpu.memory_space<vmem>>) semaphore(%arg12 : memref<!tpu.dma_semaphore, #tpu.memory_space<semaphore_mem>>)
      %mul3A_131 = arith.constant 8 : i32
      %mul3A_132 = arith.muli %add3A_91, %mul3A_131 : i32
      %add3A_133 = arith.constant 3 : i32
      %add3A_134 = arith.addi %mul3A_132, %add3A_133 : i32
      %dma_start3A_135 = arith.constant 150 : i32
      %dma_start3A_136 = arith.constant 0 : i32
      %dma_start3A_137 = tpu.memref_slice %arg9[%dma_start3A_135, %dma_start3A_136] : memref<416x64xf32, #tpu.memory_space<vmem>> -> memref<50x64xf32, #tpu.memory_space<vmem>>
      %dma_start3A_138 = arith.constant 0 : i32
      %dma_start3A_139 = tpu.memref_slice %arg6[%add3A_134, %dma_start3A_138] : memref<128x50xi32, #tpu.memory_space<vmem>> -> memref<1x50xi32, #tpu.memory_space<vmem>>
      %dma_start3A_140 = tpu.memref_squeeze %dma_start3A_139 : memref<1x50xi32, #tpu.memory_space<vmem>> -> memref<50xi32, #tpu.memory_space<vmem>>
      %dma_start3A_141 = arith.constant 0 : i32
      %dma_start3A_142 = arith.constant 0 : i32
      %dma_start3A_143 = tpu.memref_slice %arg3[%dma_start3A_141, %dma_start3A_142] : memref<100000x64xf32, #tpu.memory_space<hbm>> -> memref<100000x64xf32, #tpu.memory_space<hbm>>
      tpu.enqueue_indirect_dma source(%dma_start3A_143 : memref<100000x64xf32, #tpu.memory_space<hbm>>) target(%dma_start3A_137 : memref<50x64xf32, #tpu.memory_space<vmem>>) offsets(%dma_start3A_140 : memref<50xi32, #tpu.memory_space<vmem>>) semaphore(%arg12 : memref<!tpu.dma_semaphore, #tpu.memory_space<semaphore_mem>>)
      %mul3A_144 = arith.constant 8 : i32
      %mul3A_145 = arith.muli %add3A_91, %mul3A_144 : i32
      %add3A_146 = arith.constant 4 : i32
      %add3A_147 = arith.addi %mul3A_145, %add3A_146 : i32
      %dma_start3A_148 = arith.constant 200 : i32
      %dma_start3A_149 = arith.constant 0 : i32
      %dma_start3A_150 = tpu.memref_slice %arg9[%dma_start3A_148, %dma_start3A_149] : memref<416x64xf32, #tpu.memory_space<vmem>> -> memref<50x64xf32, #tpu.memory_space<vmem>>
      %dma_start3A_151 = arith.constant 0 : i32
      %dma_start3A_152 = tpu.memref_slice %arg6[%add3A_147, %dma_start3A_151] : memref<128x50xi32, #tpu.memory_space<vmem>> -> memref<1x50xi32, #tpu.memory_space<vmem>>
      %dma_start3A_153 = tpu.memref_squeeze %dma_start3A_152 : memref<1x50xi32, #tpu.memory_space<vmem>> -> memref<50xi32, #tpu.memory_space<vmem>>
      %dma_start3A_154 = arith.constant 0 : i32
      %dma_start3A_155 = arith.constant 0 : i32
      %dma_start3A_156 = tpu.memref_slice %arg3[%dma_start3A_154, %dma_start3A_155] : memref<100000x64xf32, #tpu.memory_space<hbm>> -> memref<100000x64xf32, #tpu.memory_space<hbm>>
      tpu.enqueue_indirect_dma source(%dma_start3A_156 : memref<100000x64xf32, #tpu.memory_space<hbm>>) target(%dma_start3A_150 : memref<50x64xf32, #tpu.memory_space<vmem>>) offsets(%dma_start3A_153 : memref<50xi32, #tpu.memory_space<vmem>>) semaphore(%arg12 : memref<!tpu.dma_semaphore, #tpu.memory_space<semaphore_mem>>)
      %mul3A_157 = arith.constant 8 : i32
      %mul3A_158 = arith.muli %add3A_91, %mul3A_157 : i32
      %add3A_159 = arith.constant 5 : i32
      %add3A_160 = arith.addi %mul3A_158, %add3A_159 : i32
      %dma_start3A_161 = arith.constant 250 : i32
      %dma_start3A_162 = arith.constant 0 : i32
      %dma_start3A_163 = tpu.memref_slice %arg9[%dma_start3A_161, %dma_start3A_162] : memref<416x64xf32, #tpu.memory_space<vmem>> -> memref<50x64xf32, #tpu.memory_space<vmem>>
      %dma_start3A_164 = arith.constant 0 : i32
      %dma_start3A_165 = tpu.memref_slice %arg6[%add3A_160, %dma_start3A_164] : memref<128x50xi32, #tpu.memory_space<vmem>> -> memref<1x50xi32, #tpu.memory_space<vmem>>
      %dma_start3A_166 = tpu.memref_squeeze %dma_start3A_165 : memref<1x50xi32, #tpu.memory_space<vmem>> -> memref<50xi32, #tpu.memory_space<vmem>>
      %dma_start3A_167 = arith.constant 0 : i32
      %dma_start3A_168 = arith.constant 0 : i32
      %dma_start3A_169 = tpu.memref_slice %arg3[%dma_start3A_167, %dma_start3A_168] : memref<100000x64xf32, #tpu.memory_space<hbm>> -> memref<100000x64xf32, #tpu.memory_space<hbm>>
      tpu.enqueue_indirect_dma source(%dma_start3A_169 : memref<100000x64xf32, #tpu.memory_space<hbm>>) target(%dma_start3A_163 : memref<50x64xf32, #tpu.memory_space<vmem>>) offsets(%dma_start3A_166 : memref<50xi32, #tpu.memory_space<vmem>>) semaphore(%arg12 : memref<!tpu.dma_semaphore, #tpu.memory_space<semaphore_mem>>)
      %mul3A_170 = arith.constant 8 : i32
      %mul3A_171 = arith.muli %add3A_91, %mul3A_170 : i32
      %add3A_172 = arith.constant 6 : i32
      %add3A_173 = arith.addi %mul3A_171, %add3A_172 : i32
      %dma_start3A_174 = arith.constant 300 : i32
      %dma_start3A_175 = arith.constant 0 : i32
      %dma_start3A_176 = tpu.memref_slice %arg9[%dma_start3A_174, %dma_start3A_175] : memref<416x64xf32, #tpu.memory_space<vmem>> -> memref<50x64xf32, #tpu.memory_space<vmem>>
      %dma_start3A_177 = arith.constant 0 : i32
      %dma_start3A_178 = tpu.memref_slice %arg6[%add3A_173, %dma_start3A_177] : memref<128x50xi32, #tpu.memory_space<vmem>> -> memref<1x50xi32, #tpu.memory_space<vmem>>
      %dma_start3A_179 = tpu.memref_squeeze %dma_start3A_178 : memref<1x50xi32, #tpu.memory_space<vmem>> -> memref<50xi32, #tpu.memory_space<vmem>>
      %dma_start3A_180 = arith.constant 0 : i32
      %dma_start3A_181 = arith.constant 0 : i32
      %dma_start3A_182 = tpu.memref_slice %arg3[%dma_start3A_180, %dma_start3A_181] : memref<100000x64xf32, #tpu.memory_space<hbm>> -> memref<100000x64xf32, #tpu.memory_space<hbm>>
      tpu.enqueue_indirect_dma source(%dma_start3A_182 : memref<100000x64xf32, #tpu.memory_space<hbm>>) target(%dma_start3A_176 : memref<50x64xf32, #tpu.memory_space<vmem>>) offsets(%dma_start3A_179 : memref<50xi32, #tpu.memory_space<vmem>>) semaphore(%arg12 : memref<!tpu.dma_semaphore, #tpu.memory_space<semaphore_mem>>)
      %mul3A_183 = arith.constant 8 : i32
      %mul3A_184 = arith.muli %add3A_91, %mul3A_183 : i32
      %add3A_185 = arith.constant 7 : i32
      %add3A_186 = arith.addi %mul3A_184, %add3A_185 : i32
      %dma_start3A_187 = arith.constant 350 : i32
      %dma_start3A_188 = arith.constant 0 : i32
      %dma_start3A_189 = tpu.memref_slice %arg9[%dma_start3A_187, %dma_start3A_188] : memref<416x64xf32, #tpu.memory_space<vmem>> -> memref<50x64xf32, #tpu.memory_space<vmem>>
      %dma_start3A_190 = arith.constant 0 : i32
      %dma_start3A_191 = tpu.memref_slice %arg6[%add3A_186, %dma_start3A_190] : memref<128x50xi32, #tpu.memory_space<vmem>> -> memref<1x50xi32, #tpu.memory_space<vmem>>
      %dma_start3A_192 = tpu.memref_squeeze %dma_start3A_191 : memref<1x50xi32, #tpu.memory_space<vmem>> -> memref<50xi32, #tpu.memory_space<vmem>>
      %dma_start3A_193 = arith.constant 0 : i32
      %dma_start3A_194 = arith.constant 0 : i32
      %dma_start3A_195 = tpu.memref_slice %arg3[%dma_start3A_193, %dma_start3A_194] : memref<100000x64xf32, #tpu.memory_space<hbm>> -> memref<100000x64xf32, #tpu.memory_space<hbm>>
      tpu.enqueue_indirect_dma source(%dma_start3A_195 : memref<100000x64xf32, #tpu.memory_space<hbm>>) target(%dma_start3A_189 : memref<50x64xf32, #tpu.memory_space<vmem>>) offsets(%dma_start3A_192 : memref<50xi32, #tpu.memory_space<vmem>>) semaphore(%arg12 : memref<!tpu.dma_semaphore, #tpu.memory_space<semaphore_mem>>)
      %dma_wait3A = arith.constant 0 : i32
      %dma_wait3A_196 = arith.constant 0 : i32
      %dma_wait3A_197 = arith.constant 0 : i32
      %dma_wait3A_198 = tpu.memref_slice %arg8[%dma_wait3A_196, %dma_wait3A_197] : memref<416x64xf32, #tpu.memory_space<vmem>> -> memref<50x64xf32, #tpu.memory_space<vmem>>
      %dma_wait3A_199 = arith.constant 0 : i32
      %dma_wait3A_200 = tpu.memref_slice %arg6[%dma_wait3A, %dma_wait3A_199] : memref<128x50xi32, #tpu.memory_space<vmem>> -> memref<1x50xi32, #tpu.memory_space<vmem>>
      %dma_wait3A_201 = tpu.memref_squeeze %dma_wait3A_200 : memref<1x50xi32, #tpu.memory_space<vmem>> -> memref<50xi32, #tpu.memory_space<vmem>>
      %dma_wait3A_202 = arith.constant 0 : i32
      %dma_wait3A_203 = arith.constant 0 : i32
      %dma_wait3A_204 = tpu.memref_slice %arg3[%dma_wait3A_202, %dma_wait3A_203] : memref<100000x64xf32, #tpu.memory_space<hbm>> -> memref<100000x64xf32, #tpu.memory_space<hbm>>
      tpu.wait_indirect_dma semaphore(%arg11 : memref<!tpu.dma_semaphore, #tpu.memory_space<semaphore_mem>>) src(%dma_wait3A_204 : memref<100000x64xf32, #tpu.memory_space<hbm>>) dst(%dma_wait3A_198 : memref<50x64xf32, #tpu.memory_space<vmem>>)
      %dma_wait3A_205 = arith.constant 1 : i32
      %dma_wait3A_206 = arith.constant 50 : i32
      %dma_wait3A_207 = arith.constant 0 : i32
      %dma_wait3A_208 = tpu.memref_slice %arg8[%dma_wait3A_206, %dma_wait3A_207] : memref<416x64xf32, #tpu.memory_space<vmem>> -> memref<50x64xf32, #tpu.memory_space<vmem>>
      %dma_wait3A_209 = arith.constant 0 : i32
      %dma_wait3A_210 = tpu.memref_slice %arg6[%dma_wait3A_205, %dma_wait3A_209] : memref<128x50xi32, #tpu.memory_space<vmem>> -> memref<1x50xi32, #tpu.memory_space<vmem>>
      %dma_wait3A_211 = tpu.memref_squeeze %dma_wait3A_210 : memref<1x50xi32, #tpu.memory_space<vmem>> -> memref<50xi32, #tpu.memory_space<vmem>>
      %dma_wait3A_212 = arith.constant 0 : i32
      %dma_wait3A_213 = arith.constant 0 : i32
      %dma_wait3A_214 = tpu.memref_slice %arg3[%dma_wait3A_212, %dma_wait3A_213] : memref<100000x64xf32, #tpu.memory_space<hbm>> -> memref<100000x64xf32, #tpu.memory_space<hbm>>
      tpu.wait_indirect_dma semaphore(%arg11 : memref<!tpu.dma_semaphore, #tpu.memory_space<semaphore_mem>>) src(%dma_wait3A_214 : memref<100000x64xf32, #tpu.memory_space<hbm>>) dst(%dma_wait3A_208 : memref<50x64xf32, #tpu.memory_space<vmem>>)
      %dma_wait3A_215 = arith.constant 2 : i32
      %dma_wait3A_216 = arith.constant 100 : i32
      %dma_wait3A_217 = arith.constant 0 : i32
      %dma_wait3A_218 = tpu.memref_slice %arg8[%dma_wait3A_216, %dma_wait3A_217] : memref<416x64xf32, #tpu.memory_space<vmem>> -> memref<50x64xf32, #tpu.memory_space<vmem>>
      %dma_wait3A_219 = arith.constant 0 : i32
      %dma_wait3A_220 = tpu.memref_slice %arg6[%dma_wait3A_215, %dma_wait3A_219] : memref<128x50xi32, #tpu.memory_space<vmem>> -> memref<1x50xi32, #tpu.memory_space<vmem>>
      %dma_wait3A_221 = tpu.memref_squeeze %dma_wait3A_220 : memref<1x50xi32, #tpu.memory_space<vmem>> -> memref<50xi32, #tpu.memory_space<vmem>>
      %dma_wait3A_222 = arith.constant 0 : i32
      %dma_wait3A_223 = arith.constant 0 : i32
      %dma_wait3A_224 = tpu.memref_slice %arg3[%dma_wait3A_222, %dma_wait3A_223] : memref<100000x64xf32, #tpu.memory_space<hbm>> -> memref<100000x64xf32, #tpu.memory_space<hbm>>
      tpu.wait_indirect_dma semaphore(%arg11 : memref<!tpu.dma_semaphore, #tpu.memory_space<semaphore_mem>>) src(%dma_wait3A_224 : memref<100000x64xf32, #tpu.memory_space<hbm>>) dst(%dma_wait3A_218 : memref<50x64xf32, #tpu.memory_space<vmem>>)
      %dma_wait3A_225 = arith.constant 3 : i32
      %dma_wait3A_226 = arith.constant 150 : i32
      %dma_wait3A_227 = arith.constant 0 : i32
      %dma_wait3A_228 = tpu.memref_slice %arg8[%dma_wait3A_226, %dma_wait3A_227] : memref<416x64xf32, #tpu.memory_space<vmem>> -> memref<50x64xf32, #tpu.memory_space<vmem>>
      %dma_wait3A_229 = arith.constant 0 : i32
      %dma_wait3A_230 = tpu.memref_slice %arg6[%dma_wait3A_225, %dma_wait3A_229] : memref<128x50xi32, #tpu.memory_space<vmem>> -> memref<1x50xi32, #tpu.memory_space<vmem>>
      %dma_wait3A_231 = tpu.memref_squeeze %dma_wait3A_230 : memref<1x50xi32, #tpu.memory_space<vmem>> -> memref<50xi32, #tpu.memory_space<vmem>>
      %dma_wait3A_232 = arith.constant 0 : i32
      %dma_wait3A_233 = arith.constant 0 : i32
      %dma_wait3A_234 = tpu.memref_slice %arg3[%dma_wait3A_232, %dma_wait3A_233] : memref<100000x64xf32, #tpu.memory_space<hbm>> -> memref<100000x64xf32, #tpu.memory_space<hbm>>
      tpu.wait_indirect_dma semaphore(%arg11 : memref<!tpu.dma_semaphore, #tpu.memory_space<semaphore_mem>>) src(%dma_wait3A_234 : memref<100000x64xf32, #tpu.memory_space<hbm>>) dst(%dma_wait3A_228 : memref<50x64xf32, #tpu.memory_space<vmem>>)
      %dma_wait3A_235 = arith.constant 4 : i32
      %dma_wait3A_236 = arith.constant 200 : i32
      %dma_wait3A_237 = arith.constant 0 : i32
      %dma_wait3A_238 = tpu.memref_slice %arg8[%dma_wait3A_236, %dma_wait3A_237] : memref<416x64xf32, #tpu.memory_space<vmem>> -> memref<50x64xf32, #tpu.memory_space<vmem>>
      %dma_wait3A_239 = arith.constant 0 : i32
      %dma_wait3A_240 = tpu.memref_slice %arg6[%dma_wait3A_235, %dma_wait3A_239] : memref<128x50xi32, #tpu.memory_space<vmem>> -> memref<1x50xi32, #tpu.memory_space<vmem>>
      %dma_wait3A_241 = tpu.memref_squeeze %dma_wait3A_240 : memref<1x50xi32, #tpu.memory_space<vmem>> -> memref<50xi32, #tpu.memory_space<vmem>>
      %dma_wait3A_242 = arith.constant 0 : i32
      %dma_wait3A_243 = arith.constant 0 : i32
      %dma_wait3A_244 = tpu.memref_slice %arg3[%dma_wait3A_242, %dma_wait3A_243] : memref<100000x64xf32, #tpu.memory_space<hbm>> -> memref<100000x64xf32, #tpu.memory_space<hbm>>
      tpu.wait_indirect_dma semaphore(%arg11 : memref<!tpu.dma_semaphore, #tpu.memory_space<semaphore_mem>>) src(%dma_wait3A_244 : memref<100000x64xf32, #tpu.memory_space<hbm>>) dst(%dma_wait3A_238 : memref<50x64xf32, #tpu.memory_space<vmem>>)
      %dma_wait3A_245 = arith.constant 5 : i32
      %dma_wait3A_246 = arith.constant 250 : i32
      %dma_wait3A_247 = arith.constant 0 : i32
      %dma_wait3A_248 = tpu.memref_slice %arg8[%dma_wait3A_246, %dma_wait3A_247] : memref<416x64xf32, #tpu.memory_space<vmem>> -> memref<50x64xf32, #tpu.memory_space<vmem>>
      %dma_wait3A_249 = arith.constant 0 : i32
      %dma_wait3A_250 = tpu.memref_slice %arg6[%dma_wait3A_245, %dma_wait3A_249] : memref<128x50xi32, #tpu.memory_space<vmem>> -> memref<1x50xi32, #tpu.memory_space<vmem>>
      %dma_wait3A_251 = tpu.memref_squeeze %dma_wait3A_250 : memref<1x50xi32, #tpu.memory_space<vmem>> -> memref<50xi32, #tpu.memory_space<vmem>>
      %dma_wait3A_252 = arith.constant 0 : i32
      %dma_wait3A_253 = arith.constant 0 : i32
      %dma_wait3A_254 = tpu.memref_slice %arg3[%dma_wait3A_252, %dma_wait3A_253] : memref<100000x64xf32, #tpu.memory_space<hbm>> -> memref<100000x64xf32, #tpu.memory_space<hbm>>
      tpu.wait_indirect_dma semaphore(%arg11 : memref<!tpu.dma_semaphore, #tpu.memory_space<semaphore_mem>>) src(%dma_wait3A_254 : memref<100000x64xf32, #tpu.memory_space<hbm>>) dst(%dma_wait3A_248 : memref<50x64xf32, #tpu.memory_space<vmem>>)
      %dma_wait3A_255 = arith.constant 6 : i32
      %dma_wait3A_256 = arith.constant 300 : i32
      %dma_wait3A_257 = arith.constant 0 : i32
      %dma_wait3A_258 = tpu.memref_slice %arg8[%dma_wait3A_256, %dma_wait3A_257] : memref<416x64xf32, #tpu.memory_space<vmem>> -> memref<50x64xf32, #tpu.memory_space<vmem>>
      %dma_wait3A_259 = arith.constant 0 : i32
      %dma_wait3A_260 = tpu.memref_slice %arg6[%dma_wait3A_255, %dma_wait3A_259] : memref<128x50xi32, #tpu.memory_space<vmem>> -> memref<1x50xi32, #tpu.memory_space<vmem>>
      %dma_wait3A_261 = tpu.memref_squeeze %dma_wait3A_260 : memref<1x50xi32, #tpu.memory_space<vmem>> -> memref<50xi32, #tpu.memory_space<vmem>>
      %dma_wait3A_262 = arith.constant 0 : i32
      %dma_wait3A_263 = arith.constant 0 : i32
      %dma_wait3A_264 = tpu.memref_slice %arg3[%dma_wait3A_262, %dma_wait3A_263] : memref<100000x64xf32, #tpu.memory_space<hbm>> -> memref<100000x64xf32, #tpu.memory_space<hbm>>
      tpu.wait_indirect_dma semaphore(%arg11 : memref<!tpu.dma_semaphore, #tpu.memory_space<semaphore_mem>>) src(%dma_wait3A_264 : memref<100000x64xf32, #tpu.memory_space<hbm>>) dst(%dma_wait3A_258 : memref<50x64xf32, #tpu.memory_space<vmem>>)
      %dma_wait3A_265 = arith.constant 7 : i32
      %dma_wait3A_266 = arith.constant 350 : i32
      %dma_wait3A_267 = arith.constant 0 : i32
      %dma_wait3A_268 = tpu.memref_slice %arg8[%dma_wait3A_266, %dma_wait3A_267] : memref<416x64xf32, #tpu.memory_space<vmem>> -> memref<50x64xf32, #tpu.memory_space<vmem>>
      %dma_wait3A_269 = arith.constant 0 : i32
      %dma_wait3A_270 = tpu.memref_slice %arg6[%dma_wait3A_265, %dma_wait3A_269] : memref<128x50xi32, #tpu.memory_space<vmem>> -> memref<1x50xi32, #tpu.memory_space<vmem>>
      %dma_wait3A_271 = tpu.memref_squeeze %dma_wait3A_270 : memref<1x50xi32, #tpu.memory_space<vmem>> -> memref<50xi32, #tpu.memory_space<vmem>>
      %dma_wait3A_272 = arith.constant 0 : i32
      %dma_wait3A_273 = arith.constant 0 : i32
      %dma_wait3A_274 = tpu.memref_slice %arg3[%dma_wait3A_272, %dma_wait3A_273] : memref<100000x64xf32, #tpu.memory_space<hbm>> -> memref<100000x64xf32, #tpu.memory_space<hbm>>
      tpu.wait_indirect_dma semaphore(%arg11 : memref<!tpu.dma_semaphore, #tpu.memory_space<semaphore_mem>>) src(%dma_wait3A_274 : memref<100000x64xf32, #tpu.memory_space<hbm>>) dst(%dma_wait3A_268 : memref<50x64xf32, #tpu.memory_space<vmem>>)
      %scan3A_275 = arith.constant 0 : i32
      %scan3A_276 = arith.constant 0 : i32
      %scan3A_277 = arith.constant 8 : i32
      %scan3A_278 = arith.addi %scan3A_276, %scan3A_277 : i32
      %scan3A_279 = arith.constant 1 : i32
      scf.for %scan3A_379 = %scan3A_276 to %scan3A_278 step %scan3A_279  : i32 {
        %mul3A_380 = arith.constant 8 : i32
        %mul3A_381 = arith.muli %mul3A_89, %mul3A_380 : i32
        %add3A_382 = arith.addi %mul3A_381, %scan3A_379 : i32
        %mul3A_383 = arith.constant 50 : i32
        %mul3A_384 = arith.muli %scan3A_379, %mul3A_383 : i32
        %get3A = arith.index_cast %add3A_382 : i32 to index
        %get3A_385 = arith.constant 0 : index
        %get3A_386 = tpu.vector_load %arg7[%get3A, %get3A_385] {strides = array<i32>} : memref<128x64xf32, #tpu.memory_space<vmem>>, vector<16xf32>,
        %get3A_387 = arith.index_cast %add3A_382 : i32 to index
        %get3A_388 = arith.constant 16 : index
        %get3A_389 = tpu.vector_load %arg7[%get3A_387, %get3A_388] {strides = array<i32>} : memref<128x64xf32, #tpu.memory_space<vmem>>, vector<16xf32>,
        %get3A_390 = arith.index_cast %add3A_382 : i32 to index
        %get3A_391 = arith.constant 32 : index
        %get3A_392 = tpu.vector_load %arg7[%get3A_390, %get3A_391] {strides = array<i32>} : memref<128x64xf32, #tpu.memory_space<vmem>>, vector<16xf32>,
        %get3A_393 = arith.index_cast %add3A_382 : i32 to index
        %get3A_394 = arith.constant 48 : index
        %get3A_395 = tpu.vector_load %arg7[%get3A_393, %get3A_394] {strides = array<i32>} : memref<128x64xf32, #tpu.memory_space<vmem>>, vector<16xf32>,
        %broadcast_in_dim3A = arith.constant 0.000000e+00 : f32
        %broadcast_in_dim3A_396 = vector.broadcast %broadcast_in_dim3A : f32 to vector<16xf32>
        %broadcast_in_dim3A_397 = arith.constant 0.000000e+00 : f32
        %broadcast_in_dim3A_398 = vector.broadcast %broadcast_in_dim3A_397 : f32 to vector<16xf32>
        %broadcast_in_dim3A_399 = arith.constant 0.000000e+00 : f32
        %broadcast_in_dim3A_400 = vector.broadcast %broadcast_in_dim3A_399 : f32 to vector<16xf32>
        %broadcast_in_dim3A_401 = arith.constant 0.000000e+00 : f32
        %broadcast_in_dim3A_402 = vector.broadcast %broadcast_in_dim3A_401 : f32 to vector<16xf32>
        %add3A_403 = arith.constant 0 : i32
        %add3A_404 = arith.addi %mul3A_384, %add3A_403 : i32
        %get3A_405 = arith.index_cast %add3A_404 : i32 to index
        %get3A_406 = arith.constant 0 : index
        %get3A_407 = tpu.vector_load %arg8[%get3A_405, %get3A_406] {strides = array<i32>} : memref<416x64xf32, #tpu.memory_space<vmem>>, vector<16xf32>,
        %mul3A_408 = arith.mulf %get3A_386, %get3A_407 : vector<16xf32>
        %get3A_409 = arith.index_cast %add3A_404 : i32 to index
        %get3A_410 = arith.constant 16 : index
        %get3A_411 = tpu.vector_load %arg8[%get3A_409, %get3A_410] {strides = array<i32>} : memref<416x64xf32, #tpu.memory_space<vmem>>, vector<16xf32>,
        %mul3A_412 = arith.mulf %get3A_389, %get3A_411 : vector<16xf32>
        %add3A_413 = arith.addf %mul3A_408, %mul3A_412 : vector<16xf32>
        %get3A_414 = arith.index_cast %add3A_404 : i32 to index
        %get3A_415 = arith.constant 32 : index
        %get3A_416 = tpu.vector_load %arg8[%get3A_414, %get3A_415] {strides = array<i32>} : memref<416x64xf32, #tpu.memory_space<vmem>>, vector<16xf32>,
        %mul3A_417 = arith.mulf %get3A_392, %get3A_416 : vector<16xf32>
        %add3A_418 = arith.addf %add3A_413, %mul3A_417 : vector<16xf32>
        %get3A_419 = arith.index_cast %add3A_404 : i32 to index
        %get3A_420 = arith.constant 48 : index
        %get3A_421 = tpu.vector_load %arg8[%get3A_419, %get3A_420] {strides = array<i32>} : memref<416x64xf32, #tpu.memory_space<vmem>>, vector<16xf32>,
        %mul3A_422 = arith.mulf %get3A_395, %get3A_421 : vector<16xf32>
        %add3A_423 = arith.addf %add3A_418, %mul3A_422 : vector<16xf32>
        %reduce_sum3A = arith.constant true
        %reduce_sum3A_424 = vector.broadcast %reduce_sum3A : i1 to vector<16xi1>
        %reduce_sum3A_425 = tpu.scan <sum>, %add3A_423 masked %reduce_sum3A_424 : vector<16xf32>, vector<16xi1> -> vector<16xf32>
        %reduce_sum3A_426 = vector.extract %reduce_sum3A_425[15] : f32 from vector<16xf32>
        %eq3A = arith.constant 0 : i32
        %eq3A_427 = vector.broadcast %eq3A : i32 to vector<16xi32>
        %eq3A_428 = arith.cmpi eq, %iota3A, %eq3A_427 : vector<16xi32>
        %broadcast_in_dim3A_429 = vector.broadcast %reduce_sum3A_426 : f32 to vector<16xf32>
        %select_n3A = arith.select %eq3A_428, %broadcast_in_dim3A_429, %broadcast_in_dim3A_396 : vector<16xi1>, vector<16xf32>
        %add3A_430 = arith.constant 1 : i32
        %add3A_431 = arith.addi %mul3A_384, %add3A_430 : i32
        %get3A_432 = arith.index_cast %add3A_431 : i32 to index
        %get3A_433 = arith.constant 0 : index
        %get3A_434 = tpu.vector_load %arg8[%get3A_432, %get3A_433] {strides = array<i32>} : memref<416x64xf32, #tpu.memory_space<vmem>>, vector<16xf32>,
        %mul3A_435 = arith.mulf %get3A_386, %get3A_434 : vector<16xf32>
        %get3A_436 = arith.index_cast %add3A_431 : i32 to index
        %get3A_437 = arith.constant 16 : index
        %get3A_438 = tpu.vector_load %arg8[%get3A_436, %get3A_437] {strides = array<i32>} : memref<416x64xf32, #tpu.memory_space<vmem>>, vector<16xf32>,
        %mul3A_439 = arith.mulf %get3A_389, %get3A_438 : vector<16xf32>
        %add3A_440 = arith.addf %mul3A_435, %mul3A_439 : vector<16xf32>
        %get3A_441 = arith.index_cast %add3A_431 : i32 to index
        %get3A_442 = arith.constant 32 : index
        %get3A_443 = tpu.vector_load %arg8[%get3A_441, %get3A_442] {strides = array<i32>} : memref<416x64xf32, #tpu.memory_space<vmem>>, vector<16xf32>,
        %mul3A_444 = arith.mulf %get3A_392, %get3A_443 : vector<16xf32>
        %add3A_445 = arith.addf %add3A_440, %mul3A_444 : vector<16xf32>
        %get3A_446 = arith.index_cast %add3A_431 : i32 to index
        %get3A_447 = arith.constant 48 : index
        %get3A_448 = tpu.vector_load %arg8[%get3A_446, %get3A_447] {strides = array<i32>} : memref<416x64xf32, #tpu.memory_space<vmem>>, vector<16xf32>,
        %mul3A_449 = arith.mulf %get3A_395, %get3A_448 : vector<16xf32>
        %add3A_450 = arith.addf %add3A_445, %mul3A_449 : vector<16xf32>
        %reduce_sum3A_451 = arith.constant true
        %reduce_sum3A_452 = vector.broadcast %reduce_sum3A_451 : i1 to vector<16xi1>
        %reduce_sum3A_453 = tpu.scan <sum>, %add3A_450 masked %reduce_sum3A_452 : vector<16xf32>, vector<16xi1> -> vector<16xf32>
        %reduce_sum3A_454 = vector.extract %reduce_sum3A_453[15] : f32 from vector<16xf32>
        %eq3A_455 = arith.constant 1 : i32
        %eq3A_456 = vector.broadcast %eq3A_455 : i32 to vector<16xi32>
        %eq3A_457 = arith.cmpi eq, %iota3A, %eq3A_456 : vector<16xi32>
        %broadcast_in_dim3A_458 = vector.broadcast %reduce_sum3A_454 : f32 to vector<16xf32>
        %select_n3A_459 = arith.select %eq3A_457, %broadcast_in_dim3A_458, %select_n3A : vector<16xi1>, vector<16xf32>
        %add3A_460 = arith.constant 2 : i32
        %add3A_461 = arith.addi %mul3A_384, %add3A_460 : i32
        %get3A_462 = arith.index_cast %add3A_461 : i32 to index
        %get3A_463 = arith.constant 0 : index
        %get3A_464 = tpu.vector_load %arg8[%get3A_462, %get3A_463] {strides = array<i32>} : memref<416x64xf32, #tpu.memory_space<vmem>>, vector<16xf32>,
        %mul3A_465 = arith.mulf %get3A_386, %get3A_464 : vector<16xf32>
        %get3A_466 = arith.index_cast %add3A_461 : i32 to index
        %get3A_467 = arith.constant 16 : index
        %get3A_468 = tpu.vector_load %arg8[%get3A_466, %get3A_467] {strides = array<i32>} : memref<416x64xf32, #tpu.memory_space<vmem>>, vector<16xf32>,
        %mul3A_469 = arith.mulf %get3A_389, %get3A_468 : vector<16xf32>
        %add3A_470 = arith.addf %mul3A_465, %mul3A_469 : vector<16xf32>
        %get3A_471 = arith.index_cast %add3A_461 : i32 to index
        %get3A_472 = arith.constant 32 : index
        %get3A_473 = tpu.vector_load %arg8[%get3A_471, %get3A_472] {strides = array<i32>} : memref<416x64xf32, #tpu.memory_space<vmem>>, vector<16xf32>,
        %mul3A_474 = arith.mulf %get3A_392, %get3A_473 : vector<16xf32>
        %add3A_475 = arith.addf %add3A_470, %mul3A_474 : vector<16xf32>
        %get3A_476 = arith.index_cast %add3A_461 : i32 to index
        %get3A_477 = arith.constant 48 : index
        %get3A_478 = tpu.vector_load %arg8[%get3A_476, %get3A_477] {strides = array<i32>} : memref<416x64xf32, #tpu.memory_space<vmem>>, vector<16xf32>,
        %mul3A_479 = arith.mulf %get3A_395, %get3A_478 : vector<16xf32>
        %add3A_480 = arith.addf %add3A_475, %mul3A_479 : vector<16xf32>
        %reduce_sum3A_481 = arith.constant true
        %reduce_sum3A_482 = vector.broadcast %reduce_sum3A_481 : i1 to vector<16xi1>
        %reduce_sum3A_483 = tpu.scan <sum>, %add3A_480 masked %reduce_sum3A_482 : vector<16xf32>, vector<16xi1> -> vector<16xf32>
        %reduce_sum3A_484 = vector.extract %reduce_sum3A_483[15] : f32 from vector<16xf32>
        %eq3A_485 = arith.constant 2 : i32
        %eq3A_486 = vector.broadcast %eq3A_485 : i32 to vector<16xi32>
        %eq3A_487 = arith.cmpi eq, %iota3A, %eq3A_486 : vector<16xi32>
        %broadcast_in_dim3A_488 = vector.broadcast %reduce_sum3A_484 : f32 to vector<16xf32>
        %select_n3A_489 = arith.select %eq3A_487, %broadcast_in_dim3A_488, %select_n3A_459 : vector<16xi1>, vector<16xf32>
        %add3A_490 = arith.constant 3 : i32
        %add3A_491 = arith.addi %mul3A_384, %add3A_490 : i32
        %get3A_492 = arith.index_cast %add3A_491 : i32 to index
        %get3A_493 = arith.constant 0 : index
        %get3A_494 = tpu.vector_load %arg8[%get3A_492, %get3A_493] {strides = array<i32>} : memref<416x64xf32, #tpu.memory_space<vmem>>, vector<16xf32>,
        %mul3A_495 = arith.mulf %get3A_386, %get3A_494 : vector<16xf32>
        %get3A_496 = arith.index_cast %add3A_491 : i32 to index
        %get3A_497 = arith.constant 16 : index
        %get3A_498 = tpu.vector_load %arg8[%get3A_496, %get3A_497] {strides = array<i32>} : memref<416x64xf32, #tpu.memory_space<vmem>>, vector<16xf32>,
        %mul3A_499 = arith.mulf %get3A_389, %get3A_498 : vector<16xf32>
        %add3A_500 = arith.addf %mul3A_495, %mul3A_499 : vector<16xf32>
        %get3A_501 = arith.index_cast %add3A_491 : i32 to index
        %get3A_502 = arith.constant 32 : index
        %get3A_503 = tpu.vector_load %arg8[%get3A_501, %get3A_502] {strides = array<i32>} : memref<416x64xf32, #tpu.memory_space<vmem>>, vector<16xf32>,
        %mul3A_504 = arith.mulf %get3A_392, %get3A_503 : vector<16xf32>
        %add3A_505 = arith.addf %add3A_500, %mul3A_504 : vector<16xf32>
        %get3A_506 = arith.index_cast %add3A_491 : i32 to index
        %get3A_507 = arith.constant 48 : index
        %get3A_508 = tpu.vector_load %arg8[%get3A_506, %get3A_507] {strides = array<i32>} : memref<416x64xf32, #tpu.memory_space<vmem>>, vector<16xf32>,
        %mul3A_509 = arith.mulf %get3A_395, %get3A_508 : vector<16xf32>
        %add3A_510 = arith.addf %add3A_505, %mul3A_509 : vector<16xf32>
        %reduce_sum3A_511 = arith.constant true
        %reduce_sum3A_512 = vector.broadcast %reduce_sum3A_511 : i1 to vector<16xi1>
        %reduce_sum3A_513 = tpu.scan <sum>, %add3A_510 masked %reduce_sum3A_512 : vector<16xf32>, vector<16xi1> -> vector<16xf32>
        %reduce_sum3A_514 = vector.extract %reduce_sum3A_513[15] : f32 from vector<16xf32>
        %eq3A_515 = arith.constant 3 : i32
        %eq3A_516 = vector.broadcast %eq3A_515 : i32 to vector<16xi32>
        %eq3A_517 = arith.cmpi eq, %iota3A, %eq3A_516 : vector<16xi32>
        %broadcast_in_dim3A_518 = vector.broadcast %reduce_sum3A_514 : f32 to vector<16xf32>
        %select_n3A_519 = arith.select %eq3A_517, %broadcast_in_dim3A_518, %select_n3A_489 : vector<16xi1>, vector<16xf32>
        %add3A_520 = arith.constant 4 : i32
        %add3A_521 = arith.addi %mul3A_384, %add3A_520 : i32
        %get3A_522 = arith.index_cast %add3A_521 : i32 to index
        %get3A_523 = arith.constant 0 : index
        %get3A_524 = tpu.vector_load %arg8[%get3A_522, %get3A_523] {strides = array<i32>} : memref<416x64xf32, #tpu.memory_space<vmem>>, vector<16xf32>,
        %mul3A_525 = arith.mulf %get3A_386, %get3A_524 : vector<16xf32>
        %get3A_526 = arith.index_cast %add3A_521 : i32 to index
        %get3A_527 = arith.constant 16 : index
        %get3A_528 = tpu.vector_load %arg8[%get3A_526, %get3A_527] {strides = array<i32>} : memref<416x64xf32, #tpu.memory_space<vmem>>, vector<16xf32>,
        %mul3A_529 = arith.mulf %get3A_389, %get3A_528 : vector<16xf32>
        %add3A_530 = arith.addf %mul3A_525, %mul3A_529 : vector<16xf32>
        %get3A_531 = arith.index_cast %add3A_521 : i32 to index
        %get3A_532 = arith.constant 32 : index
        %get3A_533 = tpu.vector_load %arg8[%get3A_531, %get3A_532] {strides = array<i32>} : memref<416x64xf32, #tpu.memory_space<vmem>>, vector<16xf32>,
        %mul3A_534 = arith.mulf %get3A_392, %get3A_533 : vector<16xf32>
        %add3A_535 = arith.addf %add3A_530, %mul3A_534 : vector<16xf32>
        %get3A_536 = arith.index_cast %add3A_521 : i32 to index
        %get3A_537 = arith.constant 48 : index
        %get3A_538 = tpu.vector_load %arg8[%get3A_536, %get3A_537] {strides = array<i32>} : memref<416x64xf32, #tpu.memory_space<vmem>>, vector<16xf32>,
        %mul3A_539 = arith.mulf %get3A_395, %get3A_538 : vector<16xf32>
        %add3A_540 = arith.addf %add3A_535, %mul3A_539 : vector<16xf32>
        %reduce_sum3A_541 = arith.constant true
        %reduce_sum3A_542 = vector.broadcast %reduce_sum3A_541 : i1 to vector<16xi1>
        %reduce_sum3A_543 = tpu.scan <sum>, %add3A_540 masked %reduce_sum3A_542 : vector<16xf32>, vector<16xi1> -> vector<16xf32>
        %reduce_sum3A_544 = vector.extract %reduce_sum3A_543[15] : f32 from vector<16xf32>
        %eq3A_545 = arith.constant 4 : i32
        %eq3A_546 = vector.broadcast %eq3A_545 : i32 to vector<16xi32>
        %eq3A_547 = arith.cmpi eq, %iota3A, %eq3A_546 : vector<16xi32>
        %broadcast_in_dim3A_548 = vector.broadcast %reduce_sum3A_544 : f32 to vector<16xf32>
        %select_n3A_549 = arith.select %eq3A_547, %broadcast_in_dim3A_548, %select_n3A_519 : vector<16xi1>, vector<16xf32>
        %add3A_550 = arith.constant 5 : i32
        %add3A_551 = arith.addi %mul3A_384, %add3A_550 : i32
        %get3A_552 = arith.index_cast %add3A_551 : i32 to index
        %get3A_553 = arith.constant 0 : index
        %get3A_554 = tpu.vector_load %arg8[%get3A_552, %get3A_553] {strides = array<i32>} : memref<416x64xf32, #tpu.memory_space<vmem>>, vector<16xf32>,
        %mul3A_555 = arith.mulf %get3A_386, %get3A_554 : vector<16xf32>
        %get3A_556 = arith.index_cast %add3A_551 : i32 to index
        %get3A_557 = arith.constant 16 : index
        %get3A_558 = tpu.vector_load %arg8[%get3A_556, %get3A_557] {strides = array<i32>} : memref<416x64xf32, #tpu.memory_space<vmem>>, vector<16xf32>,
        %mul3A_559 = arith.mulf %get3A_389, %get3A_558 : vector<16xf32>
        %add3A_560 = arith.addf %mul3A_555, %mul3A_559 : vector<16xf32>
        %get3A_561 = arith.index_cast %add3A_551 : i32 to index
        %get3A_562 = arith.constant 32 : index
        %get3A_563 = tpu.vector_load %arg8[%get3A_561, %get3A_562] {strides = array<i32>} : memref<416x64xf32, #tpu.memory_space<vmem>>, vector<16xf32>,
        %mul3A_564 = arith.mulf %get3A_392, %get3A_563 : vector<16xf32>
        %add3A_565 = arith.addf %add3A_560, %mul3A_564 : vector<16xf32>
        %get3A_566 = arith.index_cast %add3A_551 : i32 to index
        %get3A_567 = arith.constant 48 : index
        %get3A_568 = tpu.vector_load %arg8[%get3A_566, %get3A_567] {strides = array<i32>} : memref<416x64xf32, #tpu.memory_space<vmem>>, vector<16xf32>,
        %mul3A_569 = arith.mulf %get3A_395, %get3A_568 : vector<16xf32>
        %add3A_570 = arith.addf %add3A_565, %mul3A_569 : vector<16xf32>
        %reduce_sum3A_571 = arith.constant true
        %reduce_sum3A_572 = vector.broadcast %reduce_sum3A_571 : i1 to vector<16xi1>
        %reduce_sum3A_573 = tpu.scan <sum>, %add3A_570 masked %reduce_sum3A_572 : vector<16xf32>, vector<16xi1> -> vector<16xf32>
        %reduce_sum3A_574 = vector.extract %reduce_sum3A_573[15] : f32 from vector<16xf32>
        %eq3A_575 = arith.constant 5 : i32
        %eq3A_576 = vector.broadcast %eq3A_575 : i32 to vector<16xi32>
        %eq3A_577 = arith.cmpi eq, %iota3A, %eq3A_576 : vector<16xi32>
        %broadcast_in_dim3A_578 = vector.broadcast %reduce_sum3A_574 : f32 to vector<16xf32>
        %select_n3A_579 = arith.select %eq3A_577, %broadcast_in_dim3A_578, %select_n3A_549 : vector<16xi1>, vector<16xf32>
        %add3A_580 = arith.constant 6 : i32
        %add3A_581 = arith.addi %mul3A_384, %add3A_580 : i32
        %get3A_582 = arith.index_cast %add3A_581 : i32 to index
        %get3A_583 = arith.constant 0 : index
        %get3A_584 = tpu.vector_load %arg8[%get3A_582, %get3A_583] {strides = array<i32>} : memref<416x64xf32, #tpu.memory_space<vmem>>, vector<16xf32>,
        %mul3A_585 = arith.mulf %get3A_386, %get3A_584 : vector<16xf32>
        %get3A_586 = arith.index_cast %add3A_581 : i32 to index
        %get3A_587 = arith.constant 16 : index
        %get3A_588 = tpu.vector_load %arg8[%get3A_586, %get3A_587] {strides = array<i32>} : memref<416x64xf32, #tpu.memory_space<vmem>>, vector<16xf32>,
        %mul3A_589 = arith.mulf %get3A_389, %get3A_588 : vector<16xf32>
        %add3A_590 = arith.addf %mul3A_585, %mul3A_589 : vector<16xf32>
        %get3A_591 = arith.index_cast %add3A_581 : i32 to index
        %get3A_592 = arith.constant 32 : index
        %get3A_593 = tpu.vector_load %arg8[%get3A_591, %get3A_592] {strides = array<i32>} : memref<416x64xf32, #tpu.memory_space<vmem>>, vector<16xf32>,
        %mul3A_594 = arith.mulf %get3A_392, %get3A_593 : vector<16xf32>
        %add3A_595 = arith.addf %add3A_590, %mul3A_594 : vector<16xf32>
        %get3A_596 = arith.index_cast %add3A_581 : i32 to index
        %get3A_597 = arith.constant 48 : index
        %get3A_598 = tpu.vector_load %arg8[%get3A_596, %get3A_597] {strides = array<i32>} : memref<416x64xf32, #tpu.memory_space<vmem>>, vector<16xf32>,
        %mul3A_599 = arith.mulf %get3A_395, %get3A_598 : vector<16xf32>
        %add3A_600 = arith.addf %add3A_595, %mul3A_599 : vector<16xf32>
        %reduce_sum3A_601 = arith.constant true
        %reduce_sum3A_602 = vector.broadcast %reduce_sum3A_601 : i1 to vector<16xi1>
        %reduce_sum3A_603 = tpu.scan <sum>, %add3A_600 masked %reduce_sum3A_602 : vector<16xf32>, vector<16xi1> -> vector<16xf32>
        %reduce_sum3A_604 = vector.extract %reduce_sum3A_603[15] : f32 from vector<16xf32>
        %eq3A_605 = arith.constant 6 : i32
        %eq3A_606 = vector.broadcast %eq3A_605 : i32 to vector<16xi32>
        %eq3A_607 = arith.cmpi eq, %iota3A, %eq3A_606 : vector<16xi32>
        %broadcast_in_dim3A_608 = vector.broadcast %reduce_sum3A_604 : f32 to vector<16xf32>
        %select_n3A_609 = arith.select %eq3A_607, %broadcast_in_dim3A_608, %select_n3A_579 : vector<16xi1>, vector<16xf32>
        %add3A_610 = arith.constant 7 : i32
        %add3A_611 = arith.addi %mul3A_384, %add3A_610 : i32
        %get3A_612 = arith.index_cast %add3A_611 : i32 to index
        %get3A_613 = arith.constant 0 : index
        %get3A_614 = tpu.vector_load %arg8[%get3A_612, %get3A_613] {strides = array<i32>} : memref<416x64xf32, #tpu.memory_space<vmem>>, vector<16xf32>,
        %mul3A_615 = arith.mulf %get3A_386, %get3A_614 : vector<16xf32>
        %get3A_616 = arith.index_cast %add3A_611 : i32 to index
        %get3A_617 = arith.constant 16 : index
        %get3A_618 = tpu.vector_load %arg8[%get3A_616, %get3A_617] {strides = array<i32>} : memref<416x64xf32, #tpu.memory_space<vmem>>, vector<16xf32>,
        %mul3A_619 = arith.mulf %get3A_389, %get3A_618 : vector<16xf32>
        %add3A_620 = arith.addf %mul3A_615, %mul3A_619 : vector<16xf32>
        %get3A_621 = arith.index_cast %add3A_611 : i32 to index
        %get3A_622 = arith.constant 32 : index
        %get3A_623 = tpu.vector_load %arg8[%get3A_621, %get3A_622] {strides = array<i32>} : memref<416x64xf32, #tpu.memory_space<vmem>>, vector<16xf32>,
        %mul3A_624 = arith.mulf %get3A_392, %get3A_623 : vector<16xf32>
        %add3A_625 = arith.addf %add3A_620, %mul3A_624 : vector<16xf32>
        %get3A_626 = arith.index_cast %add3A_611 : i32 to index
        %get3A_627 = arith.constant 48 : index
        %get3A_628 = tpu.vector_load %arg8[%get3A_626, %get3A_627] {strides = array<i32>} : memref<416x64xf32, #tpu.memory_space<vmem>>, vector<16xf32>,
        %mul3A_629 = arith.mulf %get3A_395, %get3A_628 : vector<16xf32>
        %add3A_630 = arith.addf %add3A_625, %mul3A_629 : vector<16xf32>
        %reduce_sum3A_631 = arith.constant true
        %reduce_sum3A_632 = vector.broadcast %reduce_sum3A_631 : i1 to vector<16xi1>
        %reduce_sum3A_633 = tpu.scan <sum>, %add3A_630 masked %reduce_sum3A_632 : vector<16xf32>, vector<16xi1> -> vector<16xf32>
        %reduce_sum3A_634 = vector.extract %reduce_sum3A_633[15] : f32 from vector<16xf32>
        %eq3A_635 = arith.constant 7 : i32
        %eq3A_636 = vector.broadcast %eq3A_635 : i32 to vector<16xi32>
        %eq3A_637 = arith.cmpi eq, %iota3A, %eq3A_636 : vector<16xi32>
        %broadcast_in_dim3A_638 = vector.broadcast %reduce_sum3A_634 : f32 to vector<16xf32>
        %select_n3A_639 = arith.select %eq3A_637, %broadcast_in_dim3A_638, %select_n3A_609 : vector<16xi1>, vector<16xf32>
        %add3A_640 = arith.constant 8 : i32
        %add3A_641 = arith.addi %mul3A_384, %add3A_640 : i32
        %get3A_642 = arith.index_cast %add3A_641 : i32 to index
        %get3A_643 = arith.constant 0 : index
        %get3A_644 = tpu.vector_load %arg8[%get3A_642, %get3A_643] {strides = array<i32>} : memref<416x64xf32, #tpu.memory_space<vmem>>, vector<16xf32>,
        %mul3A_645 = arith.mulf %get3A_386, %get3A_644 : vector<16xf32>
        %get3A_646 = arith.index_cast %add3A_641 : i32 to index
        %get3A_647 = arith.constant 16 : index
        %get3A_648 = tpu.vector_load %arg8[%get3A_646, %get3A_647] {strides = array<i32>} : memref<416x64xf32, #tpu.memory_space<vmem>>, vector<16xf32>,
        %mul3A_649 = arith.mulf %get3A_389, %get3A_648 : vector<16xf32>
        %add3A_650 = arith.addf %mul3A_645, %mul3A_649 : vector<16xf32>
        %get3A_651 = arith.index_cast %add3A_641 : i32 to index
        %get3A_652 = arith.constant 32 : index
        %get3A_653 = tpu.vector_load %arg8[%get3A_651, %get3A_652] {strides = array<i32>} : memref<416x64xf32, #tpu.memory_space<vmem>>, vector<16xf32>,
        %mul3A_654 = arith.mulf %get3A_392, %get3A_653 : vector<16xf32>
        %add3A_655 = arith.addf %add3A_650, %mul3A_654 : vector<16xf32>
        %get3A_656 = arith.index_cast %add3A_641 : i32 to index
        %get3A_657 = arith.constant 48 : index
        %get3A_658 = tpu.vector_load %arg8[%get3A_656, %get3A_657] {strides = array<i32>} : memref<416x64xf32, #tpu.memory_space<vmem>>, vector<16xf32>,
        %mul3A_659 = arith.mulf %get3A_395, %get3A_658 : vector<16xf32>
        %add3A_660 = arith.addf %add3A_655, %mul3A_659 : vector<16xf32>
        %reduce_sum3A_661 = arith.constant true
        %reduce_sum3A_662 = vector.broadcast %reduce_sum3A_661 : i1 to vector<16xi1>
        %reduce_sum3A_663 = tpu.scan <sum>, %add3A_660 masked %reduce_sum3A_662 : vector<16xf32>, vector<16xi1> -> vector<16xf32>
        %reduce_sum3A_664 = vector.extract %reduce_sum3A_663[15] : f32 from vector<16xf32>
        %eq3A_665 = arith.constant 8 : i32
        %eq3A_666 = vector.broadcast %eq3A_665 : i32 to vector<16xi32>
        %eq3A_667 = arith.cmpi eq, %iota3A, %eq3A_666 : vector<16xi32>
        %broadcast_in_dim3A_668 = vector.broadcast %reduce_sum3A_664 : f32 to vector<16xf32>
        %select_n3A_669 = arith.select %eq3A_667, %broadcast_in_dim3A_668, %select_n3A_639 : vector<16xi1>, vector<16xf32>
        %add3A_670 = arith.constant 9 : i32
        %add3A_671 = arith.addi %mul3A_384, %add3A_670 : i32
        %get3A_672 = arith.index_cast %add3A_671 : i32 to index
        %get3A_673 = arith.constant 0 : index
        %get3A_674 = tpu.vector_load %arg8[%get3A_672, %get3A_673] {strides = array<i32>} : memref<416x64xf32, #tpu.memory_space<vmem>>, vector<16xf32>,
        %mul3A_675 = arith.mulf %get3A_386, %get3A_674 : vector<16xf32>
        %get3A_676 = arith.index_cast %add3A_671 : i32 to index
        %get3A_677 = arith.constant 16 : index
        %get3A_678 = tpu.vector_load %arg8[%get3A_676, %get3A_677] {strides = array<i32>} : memref<416x64xf32, #tpu.memory_space<vmem>>, vector<16xf32>,
        %mul3A_679 = arith.mulf %get3A_389, %get3A_678 : vector<16xf32>
        %add3A_680 = arith.addf %mul3A_675, %mul3A_679 : vector<16xf32>
        %get3A_681 = arith.index_cast %add3A_671 : i32 to index
        %get3A_682 = arith.constant 32 : index
        %get3A_683 = tpu.vector_load %arg8[%get3A_681, %get3A_682] {strides = array<i32>} : memref<416x64xf32, #tpu.memory_space<vmem>>, vector<16xf32>,
        %mul3A_684 = arith.mulf %get3A_392, %get3A_683 : vector<16xf32>
        %add3A_685 = arith.addf %add3A_680, %mul3A_684 : vector<16xf32>
        %get3A_686 = arith.index_cast %add3A_671 : i32 to index
        %get3A_687 = arith.constant 48 : index
        %get3A_688 = tpu.vector_load %arg8[%get3A_686, %get3A_687] {strides = array<i32>} : memref<416x64xf32, #tpu.memory_space<vmem>>, vector<16xf32>,
        %mul3A_689 = arith.mulf %get3A_395, %get3A_688 : vector<16xf32>
        %add3A_690 = arith.addf %add3A_685, %mul3A_689 : vector<16xf32>
        %reduce_sum3A_691 = arith.constant true
        %reduce_sum3A_692 = vector.broadcast %reduce_sum3A_691 : i1 to vector<16xi1>
        %reduce_sum3A_693 = tpu.scan <sum>, %add3A_690 masked %reduce_sum3A_692 : vector<16xf32>, vector<16xi1> -> vector<16xf32>
        %reduce_sum3A_694 = vector.extract %reduce_sum3A_693[15] : f32 from vector<16xf32>
        %eq3A_695 = arith.constant 9 : i32
        %eq3A_696 = vector.broadcast %eq3A_695 : i32 to vector<16xi32>
        %eq3A_697 = arith.cmpi eq, %iota3A, %eq3A_696 : vector<16xi32>
        %broadcast_in_dim3A_698 = vector.broadcast %reduce_sum3A_694 : f32 to vector<16xf32>
        %select_n3A_699 = arith.select %eq3A_697, %broadcast_in_dim3A_698, %select_n3A_669 : vector<16xi1>, vector<16xf32>
        %add3A_700 = arith.constant 10 : i32
        %add3A_701 = arith.addi %mul3A_384, %add3A_700 : i32
        %get3A_702 = arith.index_cast %add3A_701 : i32 to index
        %get3A_703 = arith.constant 0 : index
        %get3A_704 = tpu.vector_load %arg8[%get3A_702, %get3A_703] {strides = array<i32>} : memref<416x64xf32, #tpu.memory_space<vmem>>, vector<16xf32>,
        %mul3A_705 = arith.mulf %get3A_386, %get3A_704 : vector<16xf32>
        %get3A_706 = arith.index_cast %add3A_701 : i32 to index
        %get3A_707 = arith.constant 16 : index
        %get3A_708 = tpu.vector_load %arg8[%get3A_706, %get3A_707] {strides = array<i32>} : memref<416x64xf32, #tpu.memory_space<vmem>>, vector<16xf32>,
        %mul3A_709 = arith.mulf %get3A_389, %get3A_708 : vector<16xf32>
        %add3A_710 = arith.addf %mul3A_705, %mul3A_709 : vector<16xf32>
        %get3A_711 = arith.index_cast %add3A_701 : i32 to index
        %get3A_712 = arith.constant 32 : index
        %get3A_713 = tpu.vector_load %arg8[%get3A_711, %get3A_712] {strides = array<i32>} : memref<416x64xf32, #tpu.memory_space<vmem>>, vector<16xf32>,
        %mul3A_714 = arith.mulf %get3A_392, %get3A_713 : vector<16xf32>
        %add3A_715 = arith.addf %add3A_710, %mul3A_714 : vector<16xf32>
        %get3A_716 = arith.index_cast %add3A_701 : i32 to index
        %get3A_717 = arith.constant 48 : index
        %get3A_718 = tpu.vector_load %arg8[%get3A_716, %get3A_717] {strides = array<i32>} : memref<416x64xf32, #tpu.memory_space<vmem>>, vector<16xf32>,
        %mul3A_719 = arith.mulf %get3A_395, %get3A_718 : vector<16xf32>
        %add3A_720 = arith.addf %add3A_715, %mul3A_719 : vector<16xf32>
        %reduce_sum3A_721 = arith.constant true
        %reduce_sum3A_722 = vector.broadcast %reduce_sum3A_721 : i1 to vector<16xi1>
        %reduce_sum3A_723 = tpu.scan <sum>, %add3A_720 masked %reduce_sum3A_722 : vector<16xf32>, vector<16xi1> -> vector<16xf32>
        %reduce_sum3A_724 = vector.extract %reduce_sum3A_723[15] : f32 from vector<16xf32>
        %eq3A_725 = arith.constant 10 : i32
        %eq3A_726 = vector.broadcast %eq3A_725 : i32 to vector<16xi32>
        %eq3A_727 = arith.cmpi eq, %iota3A, %eq3A_726 : vector<16xi32>
        %broadcast_in_dim3A_728 = vector.broadcast %reduce_sum3A_724 : f32 to vector<16xf32>
        %select_n3A_729 = arith.select %eq3A_727, %broadcast_in_dim3A_728, %select_n3A_699 : vector<16xi1>, vector<16xf32>
        %add3A_730 = arith.constant 11 : i32
        %add3A_731 = arith.addi %mul3A_384, %add3A_730 : i32
        %get3A_732 = arith.index_cast %add3A_731 : i32 to index
        %get3A_733 = arith.constant 0 : index
        %get3A_734 = tpu.vector_load %arg8[%get3A_732, %get3A_733] {strides = array<i32>} : memref<416x64xf32, #tpu.memory_space<vmem>>, vector<16xf32>,
        %mul3A_735 = arith.mulf %get3A_386, %get3A_734 : vector<16xf32>
        %get3A_736 = arith.index_cast %add3A_731 : i32 to index
        %get3A_737 = arith.constant 16 : index
        %get3A_738 = tpu.vector_load %arg8[%get3A_736, %get3A_737] {strides = array<i32>} : memref<416x64xf32, #tpu.memory_space<vmem>>, vector<16xf32>,
        %mul3A_739 = arith.mulf %get3A_389, %get3A_738 : vector<16xf32>
        %add3A_740 = arith.addf %mul3A_735, %mul3A_739 : vector<16xf32>
        %get3A_741 = arith.index_cast %add3A_731 : i32 to index
        %get3A_742 = arith.constant 32 : index
        %get3A_743 = tpu.vector_load %arg8[%get3A_741, %get3A_742] {strides = array<i32>} : memref<416x64xf32, #tpu.memory_space<vmem>>, vector<16xf32>,
        %mul3A_744 = arith.mulf %get3A_392, %get3A_743 : vector<16xf32>
        %add3A_745 = arith.addf %add3A_740, %mul3A_744 : vector<16xf32>
        %get3A_746 = arith.index_cast %add3A_731 : i32 to index
        %get3A_747 = arith.constant 48 : index
        %get3A_748 = tpu.vector_load %arg8[%get3A_746, %get3A_747] {strides = array<i32>} : memref<416x64xf32, #tpu.memory_space<vmem>>, vector<16xf32>,
        %mul3A_749 = arith.mulf %get3A_395, %get3A_748 : vector<16xf32>
        %add3A_750 = arith.addf %add3A_745, %mul3A_749 : vector<16xf32>
        %reduce_sum3A_751 = arith.constant true
        %reduce_sum3A_752 = vector.broadcast %reduce_sum3A_751 : i1 to vector<16xi1>
        %reduce_sum3A_753 = tpu.scan <sum>, %add3A_750 masked %reduce_sum3A_752 : vector<16xf32>, vector<16xi1> -> vector<16xf32>
        %reduce_sum3A_754 = vector.extract %reduce_sum3A_753[15] : f32 from vector<16xf32>
        %eq3A_755 = arith.constant 11 : i32
        %eq3A_756 = vector.broadcast %eq3A_755 : i32 to vector<16xi32>
        %eq3A_757 = arith.cmpi eq, %iota3A, %eq3A_756 : vector<16xi32>
        %broadcast_in_dim3A_758 = vector.broadcast %reduce_sum3A_754 : f32 to vector<16xf32>
        %select_n3A_759 = arith.select %eq3A_757, %broadcast_in_dim3A_758, %select_n3A_729 : vector<16xi1>, vector<16xf32>
        %add3A_760 = arith.constant 12 : i32
        %add3A_761 = arith.addi %mul3A_384, %add3A_760 : i32
        %get3A_762 = arith.index_cast %add3A_761 : i32 to index
        %get3A_763 = arith.constant 0 : index
        %get3A_764 = tpu.vector_load %arg8[%get3A_762, %get3A_763] {strides = array<i32>} : memref<416x64xf32, #tpu.memory_space<vmem>>, vector<16xf32>,
        %mul3A_765 = arith.mulf %get3A_386, %get3A_764 : vector<16xf32>
        %get3A_766 = arith.index_cast %add3A_761 : i32 to index
        %get3A_767 = arith.constant 16 : index
        %get3A_768 = tpu.vector_load %arg8[%get3A_766, %get3A_767] {strides = array<i32>} : memref<416x64xf32, #tpu.memory_space<vmem>>, vector<16xf32>,
        %mul3A_769 = arith.mulf %get3A_389, %get3A_768 : vector<16xf32>
        %add3A_770 = arith.addf %mul3A_765, %mul3A_769 : vector<16xf32>
        %get3A_771 = arith.index_cast %add3A_761 : i32 to index
        %get3A_772 = arith.constant 32 : index
        %get3A_773 = tpu.vector_load %arg8[%get3A_771, %get3A_772] {strides = array<i32>} : memref<416x64xf32, #tpu.memory_space<vmem>>, vector<16xf32>,
        %mul3A_774 = arith.mulf %get3A_392, %get3A_773 : vector<16xf32>
        %add3A_775 = arith.addf %add3A_770, %mul3A_774 : vector<16xf32>
        %get3A_776 = arith.index_cast %add3A_761 : i32 to index
        %get3A_777 = arith.constant 48 : index
        %get3A_778 = tpu.vector_load %arg8[%get3A_776, %get3A_777] {strides = array<i32>} : memref<416x64xf32, #tpu.memory_space<vmem>>, vector<16xf32>,
        %mul3A_779 = arith.mulf %get3A_395, %get3A_778 : vector<16xf32>
        %add3A_780 = arith.addf %add3A_775, %mul3A_779 : vector<16xf32>
        %reduce_sum3A_781 = arith.constant true
        %reduce_sum3A_782 = vector.broadcast %reduce_sum3A_781 : i1 to vector<16xi1>
        %reduce_sum3A_783 = tpu.scan <sum>, %add3A_780 masked %reduce_sum3A_782 : vector<16xf32>, vector<16xi1> -> vector<16xf32>
        %reduce_sum3A_784 = vector.extract %reduce_sum3A_783[15] : f32 from vector<16xf32>
        %eq3A_785 = arith.constant 12 : i32
        %eq3A_786 = vector.broadcast %eq3A_785 : i32 to vector<16xi32>
        %eq3A_787 = arith.cmpi eq, %iota3A, %eq3A_786 : vector<16xi32>
        %broadcast_in_dim3A_788 = vector.broadcast %reduce_sum3A_784 : f32 to vector<16xf32>
        %select_n3A_789 = arith.select %eq3A_787, %broadcast_in_dim3A_788, %select_n3A_759 : vector<16xi1>, vector<16xf32>
        %add3A_790 = arith.constant 13 : i32
        %add3A_791 = arith.addi %mul3A_384, %add3A_790 : i32
        %get3A_792 = arith.index_cast %add3A_791 : i32 to index
        %get3A_793 = arith.constant 0 : index
        %get3A_794 = tpu.vector_load %arg8[%get3A_792, %get3A_793] {strides = array<i32>} : memref<416x64xf32, #tpu.memory_space<vmem>>, vector<16xf32>,
        %mul3A_795 = arith.mulf %get3A_386, %get3A_794 : vector<16xf32>
        %get3A_796 = arith.index_cast %add3A_791 : i32 to index
        %get3A_797 = arith.constant 16 : index
        %get3A_798 = tpu.vector_load %arg8[%get3A_796, %get3A_797] {strides = array<i32>} : memref<416x64xf32, #tpu.memory_space<vmem>>, vector<16xf32>,
        %mul3A_799 = arith.mulf %get3A_389, %get3A_798 : vector<16xf32>
        %add3A_800 = arith.addf %mul3A_795, %mul3A_799 : vector<16xf32>
        %get3A_801 = arith.index_cast %add3A_791 : i32 to index
        %get3A_802 = arith.constant 32 : index
        %get3A_803 = tpu.vector_load %arg8[%get3A_801, %get3A_802] {strides = array<i32>} : memref<416x64xf32, #tpu.memory_space<vmem>>, vector<16xf32>,
        %mul3A_804 = arith.mulf %get3A_392, %get3A_803 : vector<16xf32>
        %add3A_805 = arith.addf %add3A_800, %mul3A_804 : vector<16xf32>
        %get3A_806 = arith.index_cast %add3A_791 : i32 to index
        %get3A_807 = arith.constant 48 : index
        %get3A_808 = tpu.vector_load %arg8[%get3A_806, %get3A_807] {strides = array<i32>} : memref<416x64xf32, #tpu.memory_space<vmem>>, vector<16xf32>,
        %mul3A_809 = arith.mulf %get3A_395, %get3A_808 : vector<16xf32>
        %add3A_810 = arith.addf %add3A_805, %mul3A_809 : vector<16xf32>
        %reduce_sum3A_811 = arith.constant true
        %reduce_sum3A_812 = vector.broadcast %reduce_sum3A_811 : i1 to vector<16xi1>
        %reduce_sum3A_813 = tpu.scan <sum>, %add3A_810 masked %reduce_sum3A_812 : vector<16xf32>, vector<16xi1> -> vector<16xf32>
        %reduce_sum3A_814 = vector.extract %reduce_sum3A_813[15] : f32 from vector<16xf32>
        %eq3A_815 = arith.constant 13 : i32
        %eq3A_816 = vector.broadcast %eq3A_815 : i32 to vector<16xi32>
        %eq3A_817 = arith.cmpi eq, %iota3A, %eq3A_816 : vector<16xi32>
        %broadcast_in_dim3A_818 = vector.broadcast %reduce_sum3A_814 : f32 to vector<16xf32>
        %select_n3A_819 = arith.select %eq3A_817, %broadcast_in_dim3A_818, %select_n3A_789 : vector<16xi1>, vector<16xf32>
        %add3A_820 = arith.constant 14 : i32
        %add3A_821 = arith.addi %mul3A_384, %add3A_820 : i32
        %get3A_822 = arith.index_cast %add3A_821 : i32 to index
        %get3A_823 = arith.constant 0 : index
        %get3A_824 = tpu.vector_load %arg8[%get3A_822, %get3A_823] {strides = array<i32>} : memref<416x64xf32, #tpu.memory_space<vmem>>, vector<16xf32>,
        %mul3A_825 = arith.mulf %get3A_386, %get3A_824 : vector<16xf32>
        %get3A_826 = arith.index_cast %add3A_821 : i32 to index
        %get3A_827 = arith.constant 16 : index
        %get3A_828 = tpu.vector_load %arg8[%get3A_826, %get3A_827] {strides = array<i32>} : memref<416x64xf32, #tpu.memory_space<vmem>>, vector<16xf32>,
        %mul3A_829 = arith.mulf %get3A_389, %get3A_828 : vector<16xf32>
        %add3A_830 = arith.addf %mul3A_825, %mul3A_829 : vector<16xf32>
        %get3A_831 = arith.index_cast %add3A_821 : i32 to index
        %get3A_832 = arith.constant 32 : index
        %get3A_833 = tpu.vector_load %arg8[%get3A_831, %get3A_832] {strides = array<i32>} : memref<416x64xf32, #tpu.memory_space<vmem>>, vector<16xf32>,
        %mul3A_834 = arith.mulf %get3A_392, %get3A_833 : vector<16xf32>
        %add3A_835 = arith.addf %add3A_830, %mul3A_834 : vector<16xf32>
        %get3A_836 = arith.index_cast %add3A_821 : i32 to index
        %get3A_837 = arith.constant 48 : index
        %get3A_838 = tpu.vector_load %arg8[%get3A_836, %get3A_837] {strides = array<i32>} : memref<416x64xf32, #tpu.memory_space<vmem>>, vector<16xf32>,
        %mul3A_839 = arith.mulf %get3A_395, %get3A_838 : vector<16xf32>
        %add3A_840 = arith.addf %add3A_835, %mul3A_839 : vector<16xf32>
        %reduce_sum3A_841 = arith.constant true
        %reduce_sum3A_842 = vector.broadcast %reduce_sum3A_841 : i1 to vector<16xi1>
        %reduce_sum3A_843 = tpu.scan <sum>, %add3A_840 masked %reduce_sum3A_842 : vector<16xf32>, vector<16xi1> -> vector<16xf32>
        %reduce_sum3A_844 = vector.extract %reduce_sum3A_843[15] : f32 from vector<16xf32>
        %eq3A_845 = arith.constant 14 : i32
        %eq3A_846 = vector.broadcast %eq3A_845 : i32 to vector<16xi32>
        %eq3A_847 = arith.cmpi eq, %iota3A, %eq3A_846 : vector<16xi32>
        %broadcast_in_dim3A_848 = vector.broadcast %reduce_sum3A_844 : f32 to vector<16xf32>
        %select_n3A_849 = arith.select %eq3A_847, %broadcast_in_dim3A_848, %select_n3A_819 : vector<16xi1>, vector<16xf32>
        %add3A_850 = arith.constant 15 : i32
        %add3A_851 = arith.addi %mul3A_384, %add3A_850 : i32
        %get3A_852 = arith.index_cast %add3A_851 : i32 to index
        %get3A_853 = arith.constant 0 : index
        %get3A_854 = tpu.vector_load %arg8[%get3A_852, %get3A_853] {strides = array<i32>} : memref<416x64xf32, #tpu.memory_space<vmem>>, vector<16xf32>,
        %mul3A_855 = arith.mulf %get3A_386, %get3A_854 : vector<16xf32>
        %get3A_856 = arith.index_cast %add3A_851 : i32 to index
        %get3A_857 = arith.constant 16 : index
        %get3A_858 = tpu.vector_load %arg8[%get3A_856, %get3A_857] {strides = array<i32>} : memref<416x64xf32, #tpu.memory_space<vmem>>, vector<16xf32>,
        %mul3A_859 = arith.mulf %get3A_389, %get3A_858 : vector<16xf32>
        %add3A_860 = arith.addf %mul3A_855, %mul3A_859 : vector<16xf32>
        %get3A_861 = arith.index_cast %add3A_851 : i32 to index
        %get3A_862 = arith.constant 32 : index
        %get3A_863 = tpu.vector_load %arg8[%get3A_861, %get3A_862] {strides = array<i32>} : memref<416x64xf32, #tpu.memory_space<vmem>>, vector<16xf32>,
        %mul3A_864 = arith.mulf %get3A_392, %get3A_863 : vector<16xf32>
        %add3A_865 = arith.addf %add3A_860, %mul3A_864 : vector<16xf32>
        %get3A_866 = arith.index_cast %add3A_851 : i32 to index
        %get3A_867 = arith.constant 48 : index
        %get3A_868 = tpu.vector_load %arg8[%get3A_866, %get3A_867] {strides = array<i32>} : memref<416x64xf32, #tpu.memory_space<vmem>>, vector<16xf32>,
        %mul3A_869 = arith.mulf %get3A_395, %get3A_868 : vector<16xf32>
        %add3A_870 = arith.addf %add3A_865, %mul3A_869 : vector<16xf32>
        %reduce_sum3A_871 = arith.constant true
        %reduce_sum3A_872 = vector.broadcast %reduce_sum3A_871 : i1 to vector<16xi1>
        %reduce_sum3A_873 = tpu.scan <sum>, %add3A_870 masked %reduce_sum3A_872 : vector<16xf32>, vector<16xi1> -> vector<16xf32>
        %reduce_sum3A_874 = vector.extract %reduce_sum3A_873[15] : f32 from vector<16xf32>
        %eq3A_875 = arith.constant 15 : i32
        %eq3A_876 = vector.broadcast %eq3A_875 : i32 to vector<16xi32>
        %eq3A_877 = arith.cmpi eq, %iota3A, %eq3A_876 : vector<16xi32>
        %broadcast_in_dim3A_878 = vector.broadcast %reduce_sum3A_874 : f32 to vector<16xf32>
        %select_n3A_879 = arith.select %eq3A_877, %broadcast_in_dim3A_878, %select_n3A_849 : vector<16xi1>, vector<16xf32>
        %add3A_880 = arith.constant 16 : i32
        %add3A_881 = arith.addi %mul3A_384, %add3A_880 : i32
        %get3A_882 = arith.index_cast %add3A_881 : i32 to index
        %get3A_883 = arith.constant 0 : index
        %get3A_884 = tpu.vector_load %arg8[%get3A_882, %get3A_883] {strides = array<i32>} : memref<416x64xf32, #tpu.memory_space<vmem>>, vector<16xf32>,
        %mul3A_885 = arith.mulf %get3A_386, %get3A_884 : vector<16xf32>
        %get3A_886 = arith.index_cast %add3A_881 : i32 to index
        %get3A_887 = arith.constant 16 : index
        %get3A_888 = tpu.vector_load %arg8[%get3A_886, %get3A_887] {strides = array<i32>} : memref<416x64xf32, #tpu.memory_space<vmem>>, vector<16xf32>,
        %mul3A_889 = arith.mulf %get3A_389, %get3A_888 : vector<16xf32>
        %add3A_890 = arith.addf %mul3A_885, %mul3A_889 : vector<16xf32>
        %get3A_891 = arith.index_cast %add3A_881 : i32 to index
        %get3A_892 = arith.constant 32 : index
        %get3A_893 = tpu.vector_load %arg8[%get3A_891, %get3A_892] {strides = array<i32>} : memref<416x64xf32, #tpu.memory_space<vmem>>, vector<16xf32>,
        %mul3A_894 = arith.mulf %get3A_392, %get3A_893 : vector<16xf32>
        %add3A_895 = arith.addf %add3A_890, %mul3A_894 : vector<16xf32>
        %get3A_896 = arith.index_cast %add3A_881 : i32 to index
        %get3A_897 = arith.constant 48 : index
        %get3A_898 = tpu.vector_load %arg8[%get3A_896, %get3A_897] {strides = array<i32>} : memref<416x64xf32, #tpu.memory_space<vmem>>, vector<16xf32>,
        %mul3A_899 = arith.mulf %get3A_395, %get3A_898 : vector<16xf32>
        %add3A_900 = arith.addf %add3A_895, %mul3A_899 : vector<16xf32>
        %reduce_sum3A_901 = arith.constant true
        %reduce_sum3A_902 = vector.broadcast %reduce_sum3A_901 : i1 to vector<16xi1>
        %reduce_sum3A_903 = tpu.scan <sum>, %add3A_900 masked %reduce_sum3A_902 : vector<16xf32>, vector<16xi1> -> vector<16xf32>
        %reduce_sum3A_904 = vector.extract %reduce_sum3A_903[15] : f32 from vector<16xf32>
        %eq3A_905 = arith.constant 0 : i32
        %eq3A_906 = vector.broadcast %eq3A_905 : i32 to vector<16xi32>
        %eq3A_907 = arith.cmpi eq, %iota3A, %eq3A_906 : vector<16xi32>
        %broadcast_in_dim3A_908 = vector.broadcast %reduce_sum3A_904 : f32 to vector<16xf32>
        %select_n3A_909 = arith.select %eq3A_907, %broadcast_in_dim3A_908, %broadcast_in_dim3A_398 : vector<16xi1>, vector<16xf32>
        %add3A_910 = arith.constant 17 : i32
        %add3A_911 = arith.addi %mul3A_384, %add3A_910 : i32
        %get3A_912 = arith.index_cast %add3A_911 : i32 to index
        %get3A_913 = arith.constant 0 : index
        %get3A_914 = tpu.vector_load %arg8[%get3A_912, %get3A_913] {strides = array<i32>} : memref<416x64xf32, #tpu.memory_space<vmem>>, vector<16xf32>,
        %mul3A_915 = arith.mulf %get3A_386, %get3A_914 : vector<16xf32>
        %get3A_916 = arith.index_cast %add3A_911 : i32 to index
        %get3A_917 = arith.constant 16 : index
        %get3A_918 = tpu.vector_load %arg8[%get3A_916, %get3A_917] {strides = array<i32>} : memref<416x64xf32, #tpu.memory_space<vmem>>, vector<16xf32>,
        %mul3A_919 = arith.mulf %get3A_389, %get3A_918 : vector<16xf32>
        %add3A_920 = arith.addf %mul3A_915, %mul3A_919 : vector<16xf32>
        %get3A_921 = arith.index_cast %add3A_911 : i32 to index
        %get3A_922 = arith.constant 32 : index
        %get3A_923 = tpu.vector_load %arg8[%get3A_921, %get3A_922] {strides = array<i32>} : memref<416x64xf32, #tpu.memory_space<vmem>>, vector<16xf32>,
        %mul3A_924 = arith.mulf %get3A_392, %get3A_923 : vector<16xf32>
        %add3A_925 = arith.addf %add3A_920, %mul3A_924 : vector<16xf32>
        %get3A_926 = arith.index_cast %add3A_911 : i32 to index
        %get3A_927 = arith.constant 48 : index
        %get3A_928 = tpu.vector_load %arg8[%get3A_926, %get3A_927] {strides = array<i32>} : memref<416x64xf32, #tpu.memory_space<vmem>>, vector<16xf32>,
        %mul3A_929 = arith.mulf %get3A_395, %get3A_928 : vector<16xf32>
        %add3A_930 = arith.addf %add3A_925, %mul3A_929 : vector<16xf32>
        %reduce_sum3A_931 = arith.constant true
        %reduce_sum3A_932 = vector.broadcast %reduce_sum3A_931 : i1 to vector<16xi1>
        %reduce_sum3A_933 = tpu.scan <sum>, %add3A_930 masked %reduce_sum3A_932 : vector<16xf32>, vector<16xi1> -> vector<16xf32>
        %reduce_sum3A_934 = vector.extract %reduce_sum3A_933[15] : f32 from vector<16xf32>
        %eq3A_935 = arith.constant 1 : i32
        %eq3A_936 = vector.broadcast %eq3A_935 : i32 to vector<16xi32>
        %eq3A_937 = arith.cmpi eq, %iota3A, %eq3A_936 : vector<16xi32>
        %broadcast_in_dim3A_938 = vector.broadcast %reduce_sum3A_934 : f32 to vector<16xf32>
        %select_n3A_939 = arith.select %eq3A_937, %broadcast_in_dim3A_938, %select_n3A_909 : vector<16xi1>, vector<16xf32>
        %add3A_940 = arith.constant 18 : i32
        %add3A_941 = arith.addi %mul3A_384, %add3A_940 : i32
        %get3A_942 = arith.index_cast %add3A_941 : i32 to index
        %get3A_943 = arith.constant 0 : index
        %get3A_944 = tpu.vector_load %arg8[%get3A_942, %get3A_943] {strides = array<i32>} : memref<416x64xf32, #tpu.memory_space<vmem>>, vector<16xf32>,
        %mul3A_945 = arith.mulf %get3A_386, %get3A_944 : vector<16xf32>
        %get3A_946 = arith.index_cast %add3A_941 : i32 to index
        %get3A_947 = arith.constant 16 : index
        %get3A_948 = tpu.vector_load %arg8[%get3A_946, %get3A_947] {strides = array<i32>} : memref<416x64xf32, #tpu.memory_space<vmem>>, vector<16xf32>,
        %mul3A_949 = arith.mulf %get3A_389, %get3A_948 : vector<16xf32>
        %add3A_950 = arith.addf %mul3A_945, %mul3A_949 : vector<16xf32>
        %get3A_951 = arith.index_cast %add3A_941 : i32 to index
        %get3A_952 = arith.constant 32 : index
        %get3A_953 = tpu.vector_load %arg8[%get3A_951, %get3A_952] {strides = array<i32>} : memref<416x64xf32, #tpu.memory_space<vmem>>, vector<16xf32>,
        %mul3A_954 = arith.mulf %get3A_392, %get3A_953 : vector<16xf32>
        %add3A_955 = arith.addf %add3A_950, %mul3A_954 : vector<16xf32>
        %get3A_956 = arith.index_cast %add3A_941 : i32 to index
        %get3A_957 = arith.constant 48 : index
        %get3A_958 = tpu.vector_load %arg8[%get3A_956, %get3A_957] {strides = array<i32>} : memref<416x64xf32, #tpu.memory_space<vmem>>, vector<16xf32>,
        %mul3A_959 = arith.mulf %get3A_395, %get3A_958 : vector<16xf32>
        %add3A_960 = arith.addf %add3A_955, %mul3A_959 : vector<16xf32>
        %reduce_sum3A_961 = arith.constant true
        %reduce_sum3A_962 = vector.broadcast %reduce_sum3A_961 : i1 to vector<16xi1>
        %reduce_sum3A_963 = tpu.scan <sum>, %add3A_960 masked %reduce_sum3A_962 : vector<16xf32>, vector<16xi1> -> vector<16xf32>
        %reduce_sum3A_964 = vector.extract %reduce_sum3A_963[15] : f32 from vector<16xf32>
        %eq3A_965 = arith.constant 2 : i32
        %eq3A_966 = vector.broadcast %eq3A_965 : i32 to vector<16xi32>
        %eq3A_967 = arith.cmpi eq, %iota3A, %eq3A_966 : vector<16xi32>
        %broadcast_in_dim3A_968 = vector.broadcast %reduce_sum3A_964 : f32 to vector<16xf32>
        %select_n3A_969 = arith.select %eq3A_967, %broadcast_in_dim3A_968, %select_n3A_939 : vector<16xi1>, vector<16xf32>
        %add3A_970 = arith.constant 19 : i32
        %add3A_971 = arith.addi %mul3A_384, %add3A_970 : i32
        %get3A_972 = arith.index_cast %add3A_971 : i32 to index
        %get3A_973 = arith.constant 0 : index
        %get3A_974 = tpu.vector_load %arg8[%get3A_972, %get3A_973] {strides = array<i32>} : memref<416x64xf32, #tpu.memory_space<vmem>>, vector<16xf32>,
        %mul3A_975 = arith.mulf %get3A_386, %get3A_974 : vector<16xf32>
        %get3A_976 = arith.index_cast %add3A_971 : i32 to index
        %get3A_977 = arith.constant 16 : index
        %get3A_978 = tpu.vector_load %arg8[%get3A_976, %get3A_977] {strides = array<i32>} : memref<416x64xf32, #tpu.memory_space<vmem>>, vector<16xf32>,
        %mul3A_979 = arith.mulf %get3A_389, %get3A_978 : vector<16xf32>
        %add3A_980 = arith.addf %mul3A_975, %mul3A_979 : vector<16xf32>
        %get3A_981 = arith.index_cast %add3A_971 : i32 to index
        %get3A_982 = arith.constant 32 : index
        %get3A_983 = tpu.vector_load %arg8[%get3A_981, %get3A_982] {strides = array<i32>} : memref<416x64xf32, #tpu.memory_space<vmem>>, vector<16xf32>,
        %mul3A_984 = arith.mulf %get3A_392, %get3A_983 : vector<16xf32>
        %add3A_985 = arith.addf %add3A_980, %mul3A_984 : vector<16xf32>
        %get3A_986 = arith.index_cast %add3A_971 : i32 to index
        %get3A_987 = arith.constant 48 : index
        %get3A_988 = tpu.vector_load %arg8[%get3A_986, %get3A_987] {strides = array<i32>} : memref<416x64xf32, #tpu.memory_space<vmem>>, vector<16xf32>,
        %mul3A_989 = arith.mulf %get3A_395, %get3A_988 : vector<16xf32>
        %add3A_990 = arith.addf %add3A_985, %mul3A_989 : vector<16xf32>
        %reduce_sum3A_991 = arith.constant true
        %reduce_sum3A_992 = vector.broadcast %reduce_sum3A_991 : i1 to vector<16xi1>
        %reduce_sum3A_993 = tpu.scan <sum>, %add3A_990 masked %reduce_sum3A_992 : vector<16xf32>, vector<16xi1> -> vector<16xf32>
        %reduce_sum3A_994 = vector.extract %reduce_sum3A_993[15] : f32 from vector<16xf32>
        %eq3A_995 = arith.constant 3 : i32
        %eq3A_996 = vector.broadcast %eq3A_995 : i32 to vector<16xi32>
        %eq3A_997 = arith.cmpi eq, %iota3A, %eq3A_996 : vector<16xi32>
        %broadcast_in_dim3A_998 = vector.broadcast %reduce_sum3A_994 : f32 to vector<16xf32>
        %select_n3A_999 = arith.select %eq3A_997, %broadcast_in_dim3A_998, %select_n3A_969 : vector<16xi1>, vector<16xf32>
        %add3A_1000 = arith.constant 20 : i32
        %add3A_1001 = arith.addi %mul3A_384, %add3A_1000 : i32
        %get3A_1002 = arith.index_cast %add3A_1001 : i32 to index
        %get3A_1003 = arith.constant 0 : index
        %get3A_1004 = tpu.vector_load %arg8[%get3A_1002, %get3A_1003] {strides = array<i32>} : memref<416x64xf32, #tpu.memory_space<vmem>>, vector<16xf32>,
        %mul3A_1005 = arith.mulf %get3A_386, %get3A_1004 : vector<16xf32>
        %get3A_1006 = arith.index_cast %add3A_1001 : i32 to index
        %get3A_1007 = arith.constant 16 : index
        %get3A_1008 = tpu.vector_load %arg8[%get3A_1006, %get3A_1007] {strides = array<i32>} : memref<416x64xf32, #tpu.memory_space<vmem>>, vector<16xf32>,
        %mul3A_1009 = arith.mulf %get3A_389, %get3A_1008 : vector<16xf32>
        %add3A_1010 = arith.addf %mul3A_1005, %mul3A_1009 : vector<16xf32>
        %get3A_1011 = arith.index_cast %add3A_1001 : i32 to index
        %get3A_1012 = arith.constant 32 : index
        %get3A_1013 = tpu.vector_load %arg8[%get3A_1011, %get3A_1012] {strides = array<i32>} : memref<416x64xf32, #tpu.memory_space<vmem>>, vector<16xf32>,
        %mul3A_1014 = arith.mulf %get3A_392, %get3A_1013 : vector<16xf32>
        %add3A_1015 = arith.addf %add3A_1010, %mul3A_1014 : vector<16xf32>
        %get3A_1016 = arith.index_cast %add3A_1001 : i32 to index
        %get3A_1017 = arith.constant 48 : index
        %get3A_1018 = tpu.vector_load %arg8[%get3A_1016, %get3A_1017] {strides = array<i32>} : memref<416x64xf32, #tpu.memory_space<vmem>>, vector<16xf32>,
        %mul3A_1019 = arith.mulf %get3A_395, %get3A_1018 : vector<16xf32>
        %add3A_1020 = arith.addf %add3A_1015, %mul3A_1019 : vector<16xf32>
        %reduce_sum3A_1021 = arith.constant true
        %reduce_sum3A_1022 = vector.broadcast %reduce_sum3A_1021 : i1 to vector<16xi1>
        %reduce_sum3A_1023 = tpu.scan <sum>, %add3A_1020 masked %reduce_sum3A_1022 : vector<16xf32>, vector<16xi1> -> vector<16xf32>
        %reduce_sum3A_1024 = vector.extract %reduce_sum3A_1023[15] : f32 from vector<16xf32>
        %eq3A_1025 = arith.constant 4 : i32
        %eq3A_1026 = vector.broadcast %eq3A_1025 : i32 to vector<16xi32>
        %eq3A_1027 = arith.cmpi eq, %iota3A, %eq3A_1026 : vector<16xi32>
        %broadcast_in_dim3A_1028 = vector.broadcast %reduce_sum3A_1024 : f32 to vector<16xf32>
        %select_n3A_1029 = arith.select %eq3A_1027, %broadcast_in_dim3A_1028, %select_n3A_999 : vector<16xi1>, vector<16xf32>
        %add3A_1030 = arith.constant 21 : i32
        %add3A_1031 = arith.addi %mul3A_384, %add3A_1030 : i32
        %get3A_1032 = arith.index_cast %add3A_1031 : i32 to index
        %get3A_1033 = arith.constant 0 : index
        %get3A_1034 = tpu.vector_load %arg8[%get3A_1032, %get3A_1033] {strides = array<i32>} : memref<416x64xf32, #tpu.memory_space<vmem>>, vector<16xf32>,
        %mul3A_1035 = arith.mulf %get3A_386, %get3A_1034 : vector<16xf32>
        %get3A_1036 = arith.index_cast %add3A_1031 : i32 to index
        %get3A_1037 = arith.constant 16 : index
        %get3A_1038 = tpu.vector_load %arg8[%get3A_1036, %get3A_1037] {strides = array<i32>} : memref<416x64xf32, #tpu.memory_space<vmem>>, vector<16xf32>,
        %mul3A_1039 = arith.mulf %get3A_389, %get3A_1038 : vector<16xf32>
        %add3A_1040 = arith.addf %mul3A_1035, %mul3A_1039 : vector<16xf32>
        %get3A_1041 = arith.index_cast %add3A_1031 : i32 to index
        %get3A_1042 = arith.constant 32 : index
        %get3A_1043 = tpu.vector_load %arg8[%get3A_1041, %get3A_1042] {strides = array<i32>} : memref<416x64xf32, #tpu.memory_space<vmem>>, vector<16xf32>,
        %mul3A_1044 = arith.mulf %get3A_392, %get3A_1043 : vector<16xf32>
        %add3A_1045 = arith.addf %add3A_1040, %mul3A_1044 : vector<16xf32>
        %get3A_1046 = arith.index_cast %add3A_1031 : i32 to index
        %get3A_1047 = arith.constant 48 : index
        %get3A_1048 = tpu.vector_load %arg8[%get3A_1046, %get3A_1047] {strides = array<i32>} : memref<416x64xf32, #tpu.memory_space<vmem>>, vector<16xf32>,
        %mul3A_1049 = arith.mulf %get3A_395, %get3A_1048 : vector<16xf32>
        %add3A_1050 = arith.addf %add3A_1045, %mul3A_1049 : vector<16xf32>
        %reduce_sum3A_1051 = arith.constant true
        %reduce_sum3A_1052 = vector.broadcast %reduce_sum3A_1051 : i1 to vector<16xi1>
        %reduce_sum3A_1053 = tpu.scan <sum>, %add3A_1050 masked %reduce_sum3A_1052 : vector<16xf32>, vector<16xi1> -> vector<16xf32>
        %reduce_sum3A_1054 = vector.extract %reduce_sum3A_1053[15] : f32 from vector<16xf32>
        %eq3A_1055 = arith.constant 5 : i32
        %eq3A_1056 = vector.broadcast %eq3A_1055 : i32 to vector<16xi32>
        %eq3A_1057 = arith.cmpi eq, %iota3A, %eq3A_1056 : vector<16xi32>
        %broadcast_in_dim3A_1058 = vector.broadcast %reduce_sum3A_1054 : f32 to vector<16xf32>
        %select_n3A_1059 = arith.select %eq3A_1057, %broadcast_in_dim3A_1058, %select_n3A_1029 : vector<16xi1>, vector<16xf32>
        %add3A_1060 = arith.constant 22 : i32
        %add3A_1061 = arith.addi %mul3A_384, %add3A_1060 : i32
        %get3A_1062 = arith.index_cast %add3A_1061 : i32 to index
        %get3A_1063 = arith.constant 0 : index
        %get3A_1064 = tpu.vector_load %arg8[%get3A_1062, %get3A_1063] {strides = array<i32>} : memref<416x64xf32, #tpu.memory_space<vmem>>, vector<16xf32>,
        %mul3A_1065 = arith.mulf %get3A_386, %get3A_1064 : vector<16xf32>
        %get3A_1066 = arith.index_cast %add3A_1061 : i32 to index
        %get3A_1067 = arith.constant 16 : index
        %get3A_1068 = tpu.vector_load %arg8[%get3A_1066, %get3A_1067] {strides = array<i32>} : memref<416x64xf32, #tpu.memory_space<vmem>>, vector<16xf32>,
        %mul3A_1069 = arith.mulf %get3A_389, %get3A_1068 : vector<16xf32>
        %add3A_1070 = arith.addf %mul3A_1065, %mul3A_1069 : vector<16xf32>
        %get3A_1071 = arith.index_cast %add3A_1061 : i32 to index
        %get3A_1072 = arith.constant 32 : index
        %get3A_1073 = tpu.vector_load %arg8[%get3A_1071, %get3A_1072] {strides = array<i32>} : memref<416x64xf32, #tpu.memory_space<vmem>>, vector<16xf32>,
        %mul3A_1074 = arith.mulf %get3A_392, %get3A_1073 : vector<16xf32>
        %add3A_1075 = arith.addf %add3A_1070, %mul3A_1074 : vector<16xf32>
        %get3A_1076 = arith.index_cast %add3A_1061 : i32 to index
        %get3A_1077 = arith.constant 48 : index
        %get3A_1078 = tpu.vector_load %arg8[%get3A_1076, %get3A_1077] {strides = array<i32>} : memref<416x64xf32, #tpu.memory_space<vmem>>, vector<16xf32>,
        %mul3A_1079 = arith.mulf %get3A_395, %get3A_1078 : vector<16xf32>
        %add3A_1080 = arith.addf %add3A_1075, %mul3A_1079 : vector<16xf32>
        %reduce_sum3A_1081 = arith.constant true
        %reduce_sum3A_1082 = vector.broadcast %reduce_sum3A_1081 : i1 to vector<16xi1>
        %reduce_sum3A_1083 = tpu.scan <sum>, %add3A_1080 masked %reduce_sum3A_1082 : vector<16xf32>, vector<16xi1> -> vector<16xf32>
        %reduce_sum3A_1084 = vector.extract %reduce_sum3A_1083[15] : f32 from vector<16xf32>
        %eq3A_1085 = arith.constant 6 : i32
        %eq3A_1086 = vector.broadcast %eq3A_1085 : i32 to vector<16xi32>
        %eq3A_1087 = arith.cmpi eq, %iota3A, %eq3A_1086 : vector<16xi32>
        %broadcast_in_dim3A_1088 = vector.broadcast %reduce_sum3A_1084 : f32 to vector<16xf32>
        %select_n3A_1089 = arith.select %eq3A_1087, %broadcast_in_dim3A_1088, %select_n3A_1059 : vector<16xi1>, vector<16xf32>
        %add3A_1090 = arith.constant 23 : i32
        %add3A_1091 = arith.addi %mul3A_384, %add3A_1090 : i32
        %get3A_1092 = arith.index_cast %add3A_1091 : i32 to index
        %get3A_1093 = arith.constant 0 : index
        %get3A_1094 = tpu.vector_load %arg8[%get3A_1092, %get3A_1093] {strides = array<i32>} : memref<416x64xf32, #tpu.memory_space<vmem>>, vector<16xf32>,
        %mul3A_1095 = arith.mulf %get3A_386, %get3A_1094 : vector<16xf32>
        %get3A_1096 = arith.index_cast %add3A_1091 : i32 to index
        %get3A_1097 = arith.constant 16 : index
        %get3A_1098 = tpu.vector_load %arg8[%get3A_1096, %get3A_1097] {strides = array<i32>} : memref<416x64xf32, #tpu.memory_space<vmem>>, vector<16xf32>,
        %mul3A_1099 = arith.mulf %get3A_389, %get3A_1098 : vector<16xf32>
        %add3A_1100 = arith.addf %mul3A_1095, %mul3A_1099 : vector<16xf32>
        %get3A_1101 = arith.index_cast %add3A_1091 : i32 to index
        %get3A_1102 = arith.constant 32 : index
        %get3A_1103 = tpu.vector_load %arg8[%get3A_1101, %get3A_1102] {strides = array<i32>} : memref<416x64xf32, #tpu.memory_space<vmem>>, vector<16xf32>,
        %mul3A_1104 = arith.mulf %get3A_392, %get3A_1103 : vector<16xf32>
        %add3A_1105 = arith.addf %add3A_1100, %mul3A_1104 : vector<16xf32>
        %get3A_1106 = arith.index_cast %add3A_1091 : i32 to index
        %get3A_1107 = arith.constant 48 : index
        %get3A_1108 = tpu.vector_load %arg8[%get3A_1106, %get3A_1107] {strides = array<i32>} : memref<416x64xf32, #tpu.memory_space<vmem>>, vector<16xf32>,
        %mul3A_1109 = arith.mulf %get3A_395, %get3A_1108 : vector<16xf32>
        %add3A_1110 = arith.addf %add3A_1105, %mul3A_1109 : vector<16xf32>
        %reduce_sum3A_1111 = arith.constant true
        %reduce_sum3A_1112 = vector.broadcast %reduce_sum3A_1111 : i1 to vector<16xi1>
        %reduce_sum3A_1113 = tpu.scan <sum>, %add3A_1110 masked %reduce_sum3A_1112 : vector<16xf32>, vector<16xi1> -> vector<16xf32>
        %reduce_sum3A_1114 = vector.extract %reduce_sum3A_1113[15] : f32 from vector<16xf32>
        %eq3A_1115 = arith.constant 7 : i32
        %eq3A_1116 = vector.broadcast %eq3A_1115 : i32 to vector<16xi32>
        %eq3A_1117 = arith.cmpi eq, %iota3A, %eq3A_1116 : vector<16xi32>
        %broadcast_in_dim3A_1118 = vector.broadcast %reduce_sum3A_1114 : f32 to vector<16xf32>
        %select_n3A_1119 = arith.select %eq3A_1117, %broadcast_in_dim3A_1118, %select_n3A_1089 : vector<16xi1>, vector<16xf32>
        %add3A_1120 = arith.constant 24 : i32
        %add3A_1121 = arith.addi %mul3A_384, %add3A_1120 : i32
        %get3A_1122 = arith.index_cast %add3A_1121 : i32 to index
        %get3A_1123 = arith.constant 0 : index
        %get3A_1124 = tpu.vector_load %arg8[%get3A_1122, %get3A_1123] {strides = array<i32>} : memref<416x64xf32, #tpu.memory_space<vmem>>, vector<16xf32>,
        %mul3A_1125 = arith.mulf %get3A_386, %get3A_1124 : vector<16xf32>
        %get3A_1126 = arith.index_cast %add3A_1121 : i32 to index
        %get3A_1127 = arith.constant 16 : index
        %get3A_1128 = tpu.vector_load %arg8[%get3A_1126, %get3A_1127] {strides = array<i32>} : memref<416x64xf32, #tpu.memory_space<vmem>>, vector<16xf32>,
        %mul3A_1129 = arith.mulf %get3A_389, %get3A_1128 : vector<16xf32>
        %add3A_1130 = arith.addf %mul3A_1125, %mul3A_1129 : vector<16xf32>
        %get3A_1131 = arith.index_cast %add3A_1121 : i32 to index
        %get3A_1132 = arith.constant 32 : index
        %get3A_1133 = tpu.vector_load %arg8[%get3A_1131, %get3A_1132] {strides = array<i32>} : memref<416x64xf32, #tpu.memory_space<vmem>>, vector<16xf32>,
        %mul3A_1134 = arith.mulf %get3A_392, %get3A_1133 : vector<16xf32>
        %add3A_1135 = arith.addf %add3A_1130, %mul3A_1134 : vector<16xf32>
        %get3A_1136 = arith.index_cast %add3A_1121 : i32 to index
        %get3A_1137 = arith.constant 48 : index
        %get3A_1138 = tpu.vector_load %arg8[%get3A_1136, %get3A_1137] {strides = array<i32>} : memref<416x64xf32, #tpu.memory_space<vmem>>, vector<16xf32>,
        %mul3A_1139 = arith.mulf %get3A_395, %get3A_1138 : vector<16xf32>
        %add3A_1140 = arith.addf %add3A_1135, %mul3A_1139 : vector<16xf32>
        %reduce_sum3A_1141 = arith.constant true
        %reduce_sum3A_1142 = vector.broadcast %reduce_sum3A_1141 : i1 to vector<16xi1>
        %reduce_sum3A_1143 = tpu.scan <sum>, %add3A_1140 masked %reduce_sum3A_1142 : vector<16xf32>, vector<16xi1> -> vector<16xf32>
        %reduce_sum3A_1144 = vector.extract %reduce_sum3A_1143[15] : f32 from vector<16xf32>
        %eq3A_1145 = arith.constant 8 : i32
        %eq3A_1146 = vector.broadcast %eq3A_1145 : i32 to vector<16xi32>
        %eq3A_1147 = arith.cmpi eq, %iota3A, %eq3A_1146 : vector<16xi32>
        %broadcast_in_dim3A_1148 = vector.broadcast %reduce_sum3A_1144 : f32 to vector<16xf32>
        %select_n3A_1149 = arith.select %eq3A_1147, %broadcast_in_dim3A_1148, %select_n3A_1119 : vector<16xi1>, vector<16xf32>
        %add3A_1150 = arith.constant 25 : i32
        %add3A_1151 = arith.addi %mul3A_384, %add3A_1150 : i32
        %get3A_1152 = arith.index_cast %add3A_1151 : i32 to index
        %get3A_1153 = arith.constant 0 : index
        %get3A_1154 = tpu.vector_load %arg8[%get3A_1152, %get3A_1153] {strides = array<i32>} : memref<416x64xf32, #tpu.memory_space<vmem>>, vector<16xf32>,
        %mul3A_1155 = arith.mulf %get3A_386, %get3A_1154 : vector<16xf32>
        %get3A_1156 = arith.index_cast %add3A_1151 : i32 to index
        %get3A_1157 = arith.constant 16 : index
        %get3A_1158 = tpu.vector_load %arg8[%get3A_1156, %get3A_1157] {strides = array<i32>} : memref<416x64xf32, #tpu.memory_space<vmem>>, vector<16xf32>,
        %mul3A_1159 = arith.mulf %get3A_389, %get3A_1158 : vector<16xf32>
        %add3A_1160 = arith.addf %mul3A_1155, %mul3A_1159 : vector<16xf32>
        %get3A_1161 = arith.index_cast %add3A_1151 : i32 to index
        %get3A_1162 = arith.constant 32 : index
        %get3A_1163 = tpu.vector_load %arg8[%get3A_1161, %get3A_1162] {strides = array<i32>} : memref<416x64xf32, #tpu.memory_space<vmem>>, vector<16xf32>,
        %mul3A_1164 = arith.mulf %get3A_392, %get3A_1163 : vector<16xf32>
        %add3A_1165 = arith.addf %add3A_1160, %mul3A_1164 : vector<16xf32>
        %get3A_1166 = arith.index_cast %add3A_1151 : i32 to index
        %get3A_1167 = arith.constant 48 : index
        %get3A_1168 = tpu.vector_load %arg8[%get3A_1166, %get3A_1167] {strides = array<i32>} : memref<416x64xf32, #tpu.memory_space<vmem>>, vector<16xf32>,
        %mul3A_1169 = arith.mulf %get3A_395, %get3A_1168 : vector<16xf32>
        %add3A_1170 = arith.addf %add3A_1165, %mul3A_1169 : vector<16xf32>
        %reduce_sum3A_1171 = arith.constant true
        %reduce_sum3A_1172 = vector.broadcast %reduce_sum3A_1171 : i1 to vector<16xi1>
        %reduce_sum3A_1173 = tpu.scan <sum>, %add3A_1170 masked %reduce_sum3A_1172 : vector<16xf32>, vector<16xi1> -> vector<16xf32>
        %reduce_sum3A_1174 = vector.extract %reduce_sum3A_1173[15] : f32 from vector<16xf32>
        %eq3A_1175 = arith.constant 9 : i32
        %eq3A_1176 = vector.broadcast %eq3A_1175 : i32 to vector<16xi32>
        %eq3A_1177 = arith.cmpi eq, %iota3A, %eq3A_1176 : vector<16xi32>
        %broadcast_in_dim3A_1178 = vector.broadcast %reduce_sum3A_1174 : f32 to vector<16xf32>
        %select_n3A_1179 = arith.select %eq3A_1177, %broadcast_in_dim3A_1178, %select_n3A_1149 : vector<16xi1>, vector<16xf32>
        %add3A_1180 = arith.constant 26 : i32
        %add3A_1181 = arith.addi %mul3A_384, %add3A_1180 : i32
        %get3A_1182 = arith.index_cast %add3A_1181 : i32 to index
        %get3A_1183 = arith.constant 0 : index
        %get3A_1184 = tpu.vector_load %arg8[%get3A_1182, %get3A_1183] {strides = array<i32>} : memref<416x64xf32, #tpu.memory_space<vmem>>, vector<16xf32>,
        %mul3A_1185 = arith.mulf %get3A_386, %get3A_1184 : vector<16xf32>
        %get3A_1186 = arith.index_cast %add3A_1181 : i32 to index
        %get3A_1187 = arith.constant 16 : index
        %get3A_1188 = tpu.vector_load %arg8[%get3A_1186, %get3A_1187] {strides = array<i32>} : memref<416x64xf32, #tpu.memory_space<vmem>>, vector<16xf32>,
        %mul3A_1189 = arith.mulf %get3A_389, %get3A_1188 : vector<16xf32>
        %add3A_1190 = arith.addf %mul3A_1185, %mul3A_1189 : vector<16xf32>
        %get3A_1191 = arith.index_cast %add3A_1181 : i32 to index
        %get3A_1192 = arith.constant 32 : index
        %get3A_1193 = tpu.vector_load %arg8[%get3A_1191, %get3A_1192] {strides = array<i32>} : memref<416x64xf32, #tpu.memory_space<vmem>>, vector<16xf32>,
        %mul3A_1194 = arith.mulf %get3A_392, %get3A_1193 : vector<16xf32>
        %add3A_1195 = arith.addf %add3A_1190, %mul3A_1194 : vector<16xf32>
        %get3A_1196 = arith.index_cast %add3A_1181 : i32 to index
        %get3A_1197 = arith.constant 48 : index
        %get3A_1198 = tpu.vector_load %arg8[%get3A_1196, %get3A_1197] {strides = array<i32>} : memref<416x64xf32, #tpu.memory_space<vmem>>, vector<16xf32>,
        %mul3A_1199 = arith.mulf %get3A_395, %get3A_1198 : vector<16xf32>
        %add3A_1200 = arith.addf %add3A_1195, %mul3A_1199 : vector<16xf32>
        %reduce_sum3A_1201 = arith.constant true
        %reduce_sum3A_1202 = vector.broadcast %reduce_sum3A_1201 : i1 to vector<16xi1>
        %reduce_sum3A_1203 = tpu.scan <sum>, %add3A_1200 masked %reduce_sum3A_1202 : vector<16xf32>, vector<16xi1> -> vector<16xf32>
        %reduce_sum3A_1204 = vector.extract %reduce_sum3A_1203[15] : f32 from vector<16xf32>
        %eq3A_1205 = arith.constant 10 : i32
        %eq3A_1206 = vector.broadcast %eq3A_1205 : i32 to vector<16xi32>
        %eq3A_1207 = arith.cmpi eq, %iota3A, %eq3A_1206 : vector<16xi32>
        %broadcast_in_dim3A_1208 = vector.broadcast %reduce_sum3A_1204 : f32 to vector<16xf32>
        %select_n3A_1209 = arith.select %eq3A_1207, %broadcast_in_dim3A_1208, %select_n3A_1179 : vector<16xi1>, vector<16xf32>
        %add3A_1210 = arith.constant 27 : i32
        %add3A_1211 = arith.addi %mul3A_384, %add3A_1210 : i32
        %get3A_1212 = arith.index_cast %add3A_1211 : i32 to index
        %get3A_1213 = arith.constant 0 : index
        %get3A_1214 = tpu.vector_load %arg8[%get3A_1212, %get3A_1213] {strides = array<i32>} : memref<416x64xf32, #tpu.memory_space<vmem>>, vector<16xf32>,
        %mul3A_1215 = arith.mulf %get3A_386, %get3A_1214 : vector<16xf32>
        %get3A_1216 = arith.index_cast %add3A_1211 : i32 to index
        %get3A_1217 = arith.constant 16 : index
        %get3A_1218 = tpu.vector_load %arg8[%get3A_1216, %get3A_1217] {strides = array<i32>} : memref<416x64xf32, #tpu.memory_space<vmem>>, vector<16xf32>,
        %mul3A_1219 = arith.mulf %get3A_389, %get3A_1218 : vector<16xf32>
        %add3A_1220 = arith.addf %mul3A_1215, %mul3A_1219 : vector<16xf32>
        %get3A_1221 = arith.index_cast %add3A_1211 : i32 to index
        %get3A_1222 = arith.constant 32 : index
        %get3A_1223 = tpu.vector_load %arg8[%get3A_1221, %get3A_1222] {strides = array<i32>} : memref<416x64xf32, #tpu.memory_space<vmem>>, vector<16xf32>,
        %mul3A_1224 = arith.mulf %get3A_392, %get3A_1223 : vector<16xf32>
        %add3A_1225 = arith.addf %add3A_1220, %mul3A_1224 : vector<16xf32>
        %get3A_1226 = arith.index_cast %add3A_1211 : i32 to index
        %get3A_1227 = arith.constant 48 : index
        %get3A_1228 = tpu.vector_load %arg8[%get3A_1226, %get3A_1227] {strides = array<i32>} : memref<416x64xf32, #tpu.memory_space<vmem>>, vector<16xf32>,
        %mul3A_1229 = arith.mulf %get3A_395, %get3A_1228 : vector<16xf32>
        %add3A_1230 = arith.addf %add3A_1225, %mul3A_1229 : vector<16xf32>
        %reduce_sum3A_1231 = arith.constant true
        %reduce_sum3A_1232 = vector.broadcast %reduce_sum3A_1231 : i1 to vector<16xi1>
        %reduce_sum3A_1233 = tpu.scan <sum>, %add3A_1230 masked %reduce_sum3A_1232 : vector<16xf32>, vector<16xi1> -> vector<16xf32>
        %reduce_sum3A_1234 = vector.extract %reduce_sum3A_1233[15] : f32 from vector<16xf32>
        %eq3A_1235 = arith.constant 11 : i32
        %eq3A_1236 = vector.broadcast %eq3A_1235 : i32 to vector<16xi32>
        %eq3A_1237 = arith.cmpi eq, %iota3A, %eq3A_1236 : vector<16xi32>
        %broadcast_in_dim3A_1238 = vector.broadcast %reduce_sum3A_1234 : f32 to vector<16xf32>
        %select_n3A_1239 = arith.select %eq3A_1237, %broadcast_in_dim3A_1238, %select_n3A_1209 : vector<16xi1>, vector<16xf32>
        %add3A_1240 = arith.constant 28 : i32
        %add3A_1241 = arith.addi %mul3A_384, %add3A_1240 : i32
        %get3A_1242 = arith.index_cast %add3A_1241 : i32 to index
        %get3A_1243 = arith.constant 0 : index
        %get3A_1244 = tpu.vector_load %arg8[%get3A_1242, %get3A_1243] {strides = array<i32>} : memref<416x64xf32, #tpu.memory_space<vmem>>, vector<16xf32>,
        %mul3A_1245 = arith.mulf %get3A_386, %get3A_1244 : vector<16xf32>
        %get3A_1246 = arith.index_cast %add3A_1241 : i32 to index
        %get3A_1247 = arith.constant 16 : index
        %get3A_1248 = tpu.vector_load %arg8[%get3A_1246, %get3A_1247] {strides = array<i32>} : memref<416x64xf32, #tpu.memory_space<vmem>>, vector<16xf32>,
        %mul3A_1249 = arith.mulf %get3A_389, %get3A_1248 : vector<16xf32>
        %add3A_1250 = arith.addf %mul3A_1245, %mul3A_1249 : vector<16xf32>
        %get3A_1251 = arith.index_cast %add3A_1241 : i32 to index
        %get3A_1252 = arith.constant 32 : index
        %get3A_1253 = tpu.vector_load %arg8[%get3A_1251, %get3A_1252] {strides = array<i32>} : memref<416x64xf32, #tpu.memory_space<vmem>>, vector<16xf32>,
        %mul3A_1254 = arith.mulf %get3A_392, %get3A_1253 : vector<16xf32>
        %add3A_1255 = arith.addf %add3A_1250, %mul3A_1254 : vector<16xf32>
        %get3A_1256 = arith.index_cast %add3A_1241 : i32 to index
        %get3A_1257 = arith.constant 48 : index
        %get3A_1258 = tpu.vector_load %arg8[%get3A_1256, %get3A_1257] {strides = array<i32>} : memref<416x64xf32, #tpu.memory_space<vmem>>, vector<16xf32>,
        %mul3A_1259 = arith.mulf %get3A_395, %get3A_1258 : vector<16xf32>
        %add3A_1260 = arith.addf %add3A_1255, %mul3A_1259 : vector<16xf32>
        %reduce_sum3A_1261 = arith.constant true
        %reduce_sum3A_1262 = vector.broadcast %reduce_sum3A_1261 : i1 to vector<16xi1>
        %reduce_sum3A_1263 = tpu.scan <sum>, %add3A_1260 masked %reduce_sum3A_1262 : vector<16xf32>, vector<16xi1> -> vector<16xf32>
        %reduce_sum3A_1264 = vector.extract %reduce_sum3A_1263[15] : f32 from vector<16xf32>
        %eq3A_1265 = arith.constant 12 : i32
        %eq3A_1266 = vector.broadcast %eq3A_1265 : i32 to vector<16xi32>
        %eq3A_1267 = arith.cmpi eq, %iota3A, %eq3A_1266 : vector<16xi32>
        %broadcast_in_dim3A_1268 = vector.broadcast %reduce_sum3A_1264 : f32 to vector<16xf32>
        %select_n3A_1269 = arith.select %eq3A_1267, %broadcast_in_dim3A_1268, %select_n3A_1239 : vector<16xi1>, vector<16xf32>
        %add3A_1270 = arith.constant 29 : i32
        %add3A_1271 = arith.addi %mul3A_384, %add3A_1270 : i32
        %get3A_1272 = arith.index_cast %add3A_1271 : i32 to index
        %get3A_1273 = arith.constant 0 : index
        %get3A_1274 = tpu.vector_load %arg8[%get3A_1272, %get3A_1273] {strides = array<i32>} : memref<416x64xf32, #tpu.memory_space<vmem>>, vector<16xf32>,
        %mul3A_1275 = arith.mulf %get3A_386, %get3A_1274 : vector<16xf32>
        %get3A_1276 = arith.index_cast %add3A_1271 : i32 to index
        %get3A_1277 = arith.constant 16 : index
        %get3A_1278 = tpu.vector_load %arg8[%get3A_1276, %get3A_1277] {strides = array<i32>} : memref<416x64xf32, #tpu.memory_space<vmem>>, vector<16xf32>,
        %mul3A_1279 = arith.mulf %get3A_389, %get3A_1278 : vector<16xf32>
        %add3A_1280 = arith.addf %mul3A_1275, %mul3A_1279 : vector<16xf32>
        %get3A_1281 = arith.index_cast %add3A_1271 : i32 to index
        %get3A_1282 = arith.constant 32 : index
        %get3A_1283 = tpu.vector_load %arg8[%get3A_1281, %get3A_1282] {strides = array<i32>} : memref<416x64xf32, #tpu.memory_space<vmem>>, vector<16xf32>,
        %mul3A_1284 = arith.mulf %get3A_392, %get3A_1283 : vector<16xf32>
        %add3A_1285 = arith.addf %add3A_1280, %mul3A_1284 : vector<16xf32>
        %get3A_1286 = arith.index_cast %add3A_1271 : i32 to index
        %get3A_1287 = arith.constant 48 : index
        %get3A_1288 = tpu.vector_load %arg8[%get3A_1286, %get3A_1287] {strides = array<i32>} : memref<416x64xf32, #tpu.memory_space<vmem>>, vector<16xf32>,
        %mul3A_1289 = arith.mulf %get3A_395, %get3A_1288 : vector<16xf32>
        %add3A_1290 = arith.addf %add3A_1285, %mul3A_1289 : vector<16xf32>
        %reduce_sum3A_1291 = arith.constant true
        %reduce_sum3A_1292 = vector.broadcast %reduce_sum3A_1291 : i1 to vector<16xi1>
        %reduce_sum3A_1293 = tpu.scan <sum>, %add3A_1290 masked %reduce_sum3A_1292 : vector<16xf32>, vector<16xi1> -> vector<16xf32>
        %reduce_sum3A_1294 = vector.extract %reduce_sum3A_1293[15] : f32 from vector<16xf32>
        %eq3A_1295 = arith.constant 13 : i32
        %eq3A_1296 = vector.broadcast %eq3A_1295 : i32 to vector<16xi32>
        %eq3A_1297 = arith.cmpi eq, %iota3A, %eq3A_1296 : vector<16xi32>
        %broadcast_in_dim3A_1298 = vector.broadcast %reduce_sum3A_1294 : f32 to vector<16xf32>
        %select_n3A_1299 = arith.select %eq3A_1297, %broadcast_in_dim3A_1298, %select_n3A_1269 : vector<16xi1>, vector<16xf32>
        %add3A_1300 = arith.constant 30 : i32
        %add3A_1301 = arith.addi %mul3A_384, %add3A_1300 : i32
        %get3A_1302 = arith.index_cast %add3A_1301 : i32 to index
        %get3A_1303 = arith.constant 0 : index
        %get3A_1304 = tpu.vector_load %arg8[%get3A_1302, %get3A_1303] {strides = array<i32>} : memref<416x64xf32, #tpu.memory_space<vmem>>, vector<16xf32>,
        %mul3A_1305 = arith.mulf %get3A_386, %get3A_1304 : vector<16xf32>
        %get3A_1306 = arith.index_cast %add3A_1301 : i32 to index
        %get3A_1307 = arith.constant 16 : index
        %get3A_1308 = tpu.vector_load %arg8[%get3A_1306, %get3A_1307] {strides = array<i32>} : memref<416x64xf32, #tpu.memory_space<vmem>>, vector<16xf32>,
        %mul3A_1309 = arith.mulf %get3A_389, %get3A_1308 : vector<16xf32>
        %add3A_1310 = arith.addf %mul3A_1305, %mul3A_1309 : vector<16xf32>
        %get3A_1311 = arith.index_cast %add3A_1301 : i32 to index
        %get3A_1312 = arith.constant 32 : index
        %get3A_1313 = tpu.vector_load %arg8[%get3A_1311, %get3A_1312] {strides = array<i32>} : memref<416x64xf32, #tpu.memory_space<vmem>>, vector<16xf32>,
        %mul3A_1314 = arith.mulf %get3A_392, %get3A_1313 : vector<16xf32>
        %add3A_1315 = arith.addf %add3A_1310, %mul3A_1314 : vector<16xf32>
        %get3A_1316 = arith.index_cast %add3A_1301 : i32 to index
        %get3A_1317 = arith.constant 48 : index
        %get3A_1318 = tpu.vector_load %arg8[%get3A_1316, %get3A_1317] {strides = array<i32>} : memref<416x64xf32, #tpu.memory_space<vmem>>, vector<16xf32>,
        %mul3A_1319 = arith.mulf %get3A_395, %get3A_1318 : vector<16xf32>
        %add3A_1320 = arith.addf %add3A_1315, %mul3A_1319 : vector<16xf32>
        %reduce_sum3A_1321 = arith.constant true
        %reduce_sum3A_1322 = vector.broadcast %reduce_sum3A_1321 : i1 to vector<16xi1>
        %reduce_sum3A_1323 = tpu.scan <sum>, %add3A_1320 masked %reduce_sum3A_1322 : vector<16xf32>, vector<16xi1> -> vector<16xf32>
        %reduce_sum3A_1324 = vector.extract %reduce_sum3A_1323[15] : f32 from vector<16xf32>
        %eq3A_1325 = arith.constant 14 : i32
        %eq3A_1326 = vector.broadcast %eq3A_1325 : i32 to vector<16xi32>
        %eq3A_1327 = arith.cmpi eq, %iota3A, %eq3A_1326 : vector<16xi32>
        %broadcast_in_dim3A_1328 = vector.broadcast %reduce_sum3A_1324 : f32 to vector<16xf32>
        %select_n3A_1329 = arith.select %eq3A_1327, %broadcast_in_dim3A_1328, %select_n3A_1299 : vector<16xi1>, vector<16xf32>
        %add3A_1330 = arith.constant 31 : i32
        %add3A_1331 = arith.addi %mul3A_384, %add3A_1330 : i32
        %get3A_1332 = arith.index_cast %add3A_1331 : i32 to index
        %get3A_1333 = arith.constant 0 : index
        %get3A_1334 = tpu.vector_load %arg8[%get3A_1332, %get3A_1333] {strides = array<i32>} : memref<416x64xf32, #tpu.memory_space<vmem>>, vector<16xf32>,
        %mul3A_1335 = arith.mulf %get3A_386, %get3A_1334 : vector<16xf32>
        %get3A_1336 = arith.index_cast %add3A_1331 : i32 to index
        %get3A_1337 = arith.constant 16 : index
        %get3A_1338 = tpu.vector_load %arg8[%get3A_1336, %get3A_1337] {strides = array<i32>} : memref<416x64xf32, #tpu.memory_space<vmem>>, vector<16xf32>,
        %mul3A_1339 = arith.mulf %get3A_389, %get3A_1338 : vector<16xf32>
        %add3A_1340 = arith.addf %mul3A_1335, %mul3A_1339 : vector<16xf32>
        %get3A_1341 = arith.index_cast %add3A_1331 : i32 to index
        %get3A_1342 = arith.constant 32 : index
        %get3A_1343 = tpu.vector_load %arg8[%get3A_1341, %get3A_1342] {strides = array<i32>} : memref<416x64xf32, #tpu.memory_space<vmem>>, vector<16xf32>,
        %mul3A_1344 = arith.mulf %get3A_392, %get3A_1343 : vector<16xf32>
        %add3A_1345 = arith.addf %add3A_1340, %mul3A_1344 : vector<16xf32>
        %get3A_1346 = arith.index_cast %add3A_1331 : i32 to index
        %get3A_1347 = arith.constant 48 : index
        %get3A_1348 = tpu.vector_load %arg8[%get3A_1346, %get3A_1347] {strides = array<i32>} : memref<416x64xf32, #tpu.memory_space<vmem>>, vector<16xf32>,
        %mul3A_1349 = arith.mulf %get3A_395, %get3A_1348 : vector<16xf32>
        %add3A_1350 = arith.addf %add3A_1345, %mul3A_1349 : vector<16xf32>
        %reduce_sum3A_1351 = arith.constant true
        %reduce_sum3A_1352 = vector.broadcast %reduce_sum3A_1351 : i1 to vector<16xi1>
        %reduce_sum3A_1353 = tpu.scan <sum>, %add3A_1350 masked %reduce_sum3A_1352 : vector<16xf32>, vector<16xi1> -> vector<16xf32>
        %reduce_sum3A_1354 = vector.extract %reduce_sum3A_1353[15] : f32 from vector<16xf32>
        %eq3A_1355 = arith.constant 15 : i32
        %eq3A_1356 = vector.broadcast %eq3A_1355 : i32 to vector<16xi32>
        %eq3A_1357 = arith.cmpi eq, %iota3A, %eq3A_1356 : vector<16xi32>
        %broadcast_in_dim3A_1358 = vector.broadcast %reduce_sum3A_1354 : f32 to vector<16xf32>
        %select_n3A_1359 = arith.select %eq3A_1357, %broadcast_in_dim3A_1358, %select_n3A_1329 : vector<16xi1>, vector<16xf32>
        %add3A_1360 = arith.constant 32 : i32
        %add3A_1361 = arith.addi %mul3A_384, %add3A_1360 : i32
        %get3A_1362 = arith.index_cast %add3A_1361 : i32 to index
        %get3A_1363 = arith.constant 0 : index
        %get3A_1364 = tpu.vector_load %arg8[%get3A_1362, %get3A_1363] {strides = array<i32>} : memref<416x64xf32, #tpu.memory_space<vmem>>, vector<16xf32>,
        %mul3A_1365 = arith.mulf %get3A_386, %get3A_1364 : vector<16xf32>
        %get3A_1366 = arith.index_cast %add3A_1361 : i32 to index
        %get3A_1367 = arith.constant 16 : index
        %get3A_1368 = tpu.vector_load %arg8[%get3A_1366, %get3A_1367] {strides = array<i32>} : memref<416x64xf32, #tpu.memory_space<vmem>>, vector<16xf32>,
        %mul3A_1369 = arith.mulf %get3A_389, %get3A_1368 : vector<16xf32>
        %add3A_1370 = arith.addf %mul3A_1365, %mul3A_1369 : vector<16xf32>
        %get3A_1371 = arith.index_cast %add3A_1361 : i32 to index
        %get3A_1372 = arith.constant 32 : index
        %get3A_1373 = tpu.vector_load %arg8[%get3A_1371, %get3A_1372] {strides = array<i32>} : memref<416x64xf32, #tpu.memory_space<vmem>>, vector<16xf32>,
        %mul3A_1374 = arith.mulf %get3A_392, %get3A_1373 : vector<16xf32>
        %add3A_1375 = arith.addf %add3A_1370, %mul3A_1374 : vector<16xf32>
        %get3A_1376 = arith.index_cast %add3A_1361 : i32 to index
        %get3A_1377 = arith.constant 48 : index
        %get3A_1378 = tpu.vector_load %arg8[%get3A_1376, %get3A_1377] {strides = array<i32>} : memref<416x64xf32, #tpu.memory_space<vmem>>, vector<16xf32>,
        %mul3A_1379 = arith.mulf %get3A_395, %get3A_1378 : vector<16xf32>
        %add3A_1380 = arith.addf %add3A_1375, %mul3A_1379 : vector<16xf32>
        %reduce_sum3A_1381 = arith.constant true
        %reduce_sum3A_1382 = vector.broadcast %reduce_sum3A_1381 : i1 to vector<16xi1>
        %reduce_sum3A_1383 = tpu.scan <sum>, %add3A_1380 masked %reduce_sum3A_1382 : vector<16xf32>, vector<16xi1> -> vector<16xf32>
        %reduce_sum3A_1384 = vector.extract %reduce_sum3A_1383[15] : f32 from vector<16xf32>
        %eq3A_1385 = arith.constant 0 : i32
        %eq3A_1386 = vector.broadcast %eq3A_1385 : i32 to vector<16xi32>
        %eq3A_1387 = arith.cmpi eq, %iota3A, %eq3A_1386 : vector<16xi32>
        %broadcast_in_dim3A_1388 = vector.broadcast %reduce_sum3A_1384 : f32 to vector<16xf32>
        %select_n3A_1389 = arith.select %eq3A_1387, %broadcast_in_dim3A_1388, %broadcast_in_dim3A_400 : vector<16xi1>, vector<16xf32>
        %add3A_1390 = arith.constant 33 : i32
        %add3A_1391 = arith.addi %mul3A_384, %add3A_1390 : i32
        %get3A_1392 = arith.index_cast %add3A_1391 : i32 to index
        %get3A_1393 = arith.constant 0 : index
        %get3A_1394 = tpu.vector_load %arg8[%get3A_1392, %get3A_1393] {strides = array<i32>} : memref<416x64xf32, #tpu.memory_space<vmem>>, vector<16xf32>,
        %mul3A_1395 = arith.mulf %get3A_386, %get3A_1394 : vector<16xf32>
        %get3A_1396 = arith.index_cast %add3A_1391 : i32 to index
        %get3A_1397 = arith.constant 16 : index
        %get3A_1398 = tpu.vector_load %arg8[%get3A_1396, %get3A_1397] {strides = array<i32>} : memref<416x64xf32, #tpu.memory_space<vmem>>, vector<16xf32>,
        %mul3A_1399 = arith.mulf %get3A_389, %get3A_1398 : vector<16xf32>
        %add3A_1400 = arith.addf %mul3A_1395, %mul3A_1399 : vector<16xf32>
        %get3A_1401 = arith.index_cast %add3A_1391 : i32 to index
        %get3A_1402 = arith.constant 32 : index
        %get3A_1403 = tpu.vector_load %arg8[%get3A_1401, %get3A_1402] {strides = array<i32>} : memref<416x64xf32, #tpu.memory_space<vmem>>, vector<16xf32>,
        %mul3A_1404 = arith.mulf %get3A_392, %get3A_1403 : vector<16xf32>
        %add3A_1405 = arith.addf %add3A_1400, %mul3A_1404 : vector<16xf32>
        %get3A_1406 = arith.index_cast %add3A_1391 : i32 to index
        %get3A_1407 = arith.constant 48 : index
        %get3A_1408 = tpu.vector_load %arg8[%get3A_1406, %get3A_1407] {strides = array<i32>} : memref<416x64xf32, #tpu.memory_space<vmem>>, vector<16xf32>,
        %mul3A_1409 = arith.mulf %get3A_395, %get3A_1408 : vector<16xf32>
        %add3A_1410 = arith.addf %add3A_1405, %mul3A_1409 : vector<16xf32>
        %reduce_sum3A_1411 = arith.constant true
        %reduce_sum3A_1412 = vector.broadcast %reduce_sum3A_1411 : i1 to vector<16xi1>
        %reduce_sum3A_1413 = tpu.scan <sum>, %add3A_1410 masked %reduce_sum3A_1412 : vector<16xf32>, vector<16xi1> -> vector<16xf32>
        %reduce_sum3A_1414 = vector.extract %reduce_sum3A_1413[15] : f32 from vector<16xf32>
        %eq3A_1415 = arith.constant 1 : i32
        %eq3A_1416 = vector.broadcast %eq3A_1415 : i32 to vector<16xi32>
        %eq3A_1417 = arith.cmpi eq, %iota3A, %eq3A_1416 : vector<16xi32>
        %broadcast_in_dim3A_1418 = vector.broadcast %reduce_sum3A_1414 : f32 to vector<16xf32>
        %select_n3A_1419 = arith.select %eq3A_1417, %broadcast_in_dim3A_1418, %select_n3A_1389 : vector<16xi1>, vector<16xf32>
        %add3A_1420 = arith.constant 34 : i32
        %add3A_1421 = arith.addi %mul3A_384, %add3A_1420 : i32
        %get3A_1422 = arith.index_cast %add3A_1421 : i32 to index
        %get3A_1423 = arith.constant 0 : index
        %get3A_1424 = tpu.vector_load %arg8[%get3A_1422, %get3A_1423] {strides = array<i32>} : memref<416x64xf32, #tpu.memory_space<vmem>>, vector<16xf32>,
        %mul3A_1425 = arith.mulf %get3A_386, %get3A_1424 : vector<16xf32>
        %get3A_1426 = arith.index_cast %add3A_1421 : i32 to index
        %get3A_1427 = arith.constant 16 : index
        %get3A_1428 = tpu.vector_load %arg8[%get3A_1426, %get3A_1427] {strides = array<i32>} : memref<416x64xf32, #tpu.memory_space<vmem>>, vector<16xf32>,
        %mul3A_1429 = arith.mulf %get3A_389, %get3A_1428 : vector<16xf32>
        %add3A_1430 = arith.addf %mul3A_1425, %mul3A_1429 : vector<16xf32>
        %get3A_1431 = arith.index_cast %add3A_1421 : i32 to index
        %get3A_1432 = arith.constant 32 : index
        %get3A_1433 = tpu.vector_load %arg8[%get3A_1431, %get3A_1432] {strides = array<i32>} : memref<416x64xf32, #tpu.memory_space<vmem>>, vector<16xf32>,
        %mul3A_1434 = arith.mulf %get3A_392, %get3A_1433 : vector<16xf32>
        %add3A_1435 = arith.addf %add3A_1430, %mul3A_1434 : vector<16xf32>
        %get3A_1436 = arith.index_cast %add3A_1421 : i32 to index
        %get3A_1437 = arith.constant 48 : index
        %get3A_1438 = tpu.vector_load %arg8[%get3A_1436, %get3A_1437] {strides = array<i32>} : memref<416x64xf32, #tpu.memory_space<vmem>>, vector<16xf32>,
        %mul3A_1439 = arith.mulf %get3A_395, %get3A_1438 : vector<16xf32>
        %add3A_1440 = arith.addf %add3A_1435, %mul3A_1439 : vector<16xf32>
        %reduce_sum3A_1441 = arith.constant true
        %reduce_sum3A_1442 = vector.broadcast %reduce_sum3A_1441 : i1 to vector<16xi1>
        %reduce_sum3A_1443 = tpu.scan <sum>, %add3A_1440 masked %reduce_sum3A_1442 : vector<16xf32>, vector<16xi1> -> vector<16xf32>
        %reduce_sum3A_1444 = vector.extract %reduce_sum3A_1443[15] : f32 from vector<16xf32>
        %eq3A_1445 = arith.constant 2 : i32
        %eq3A_1446 = vector.broadcast %eq3A_1445 : i32 to vector<16xi32>
        %eq3A_1447 = arith.cmpi eq, %iota3A, %eq3A_1446 : vector<16xi32>
        %broadcast_in_dim3A_1448 = vector.broadcast %reduce_sum3A_1444 : f32 to vector<16xf32>
        %select_n3A_1449 = arith.select %eq3A_1447, %broadcast_in_dim3A_1448, %select_n3A_1419 : vector<16xi1>, vector<16xf32>
        %add3A_1450 = arith.constant 35 : i32
        %add3A_1451 = arith.addi %mul3A_384, %add3A_1450 : i32
        %get3A_1452 = arith.index_cast %add3A_1451 : i32 to index
        %get3A_1453 = arith.constant 0 : index
        %get3A_1454 = tpu.vector_load %arg8[%get3A_1452, %get3A_1453] {strides = array<i32>} : memref<416x64xf32, #tpu.memory_space<vmem>>, vector<16xf32>,
        %mul3A_1455 = arith.mulf %get3A_386, %get3A_1454 : vector<16xf32>
        %get3A_1456 = arith.index_cast %add3A_1451 : i32 to index
        %get3A_1457 = arith.constant 16 : index
        %get3A_1458 = tpu.vector_load %arg8[%get3A_1456, %get3A_1457] {strides = array<i32>} : memref<416x64xf32, #tpu.memory_space<vmem>>, vector<16xf32>,
        %mul3A_1459 = arith.mulf %get3A_389, %get3A_1458 : vector<16xf32>
        %add3A_1460 = arith.addf %mul3A_1455, %mul3A_1459 : vector<16xf32>
        %get3A_1461 = arith.index_cast %add3A_1451 : i32 to index
        %get3A_1462 = arith.constant 32 : index
        %get3A_1463 = tpu.vector_load %arg8[%get3A_1461, %get3A_1462] {strides = array<i32>} : memref<416x64xf32, #tpu.memory_space<vmem>>, vector<16xf32>,
        %mul3A_1464 = arith.mulf %get3A_392, %get3A_1463 : vector<16xf32>
        %add3A_1465 = arith.addf %add3A_1460, %mul3A_1464 : vector<16xf32>
        %get3A_1466 = arith.index_cast %add3A_1451 : i32 to index
        %get3A_1467 = arith.constant 48 : index
        %get3A_1468 = tpu.vector_load %arg8[%get3A_1466, %get3A_1467] {strides = array<i32>} : memref<416x64xf32, #tpu.memory_space<vmem>>, vector<16xf32>,
        %mul3A_1469 = arith.mulf %get3A_395, %get3A_1468 : vector<16xf32>
        %add3A_1470 = arith.addf %add3A_1465, %mul3A_1469 : vector<16xf32>
        %reduce_sum3A_1471 = arith.constant true
        %reduce_sum3A_1472 = vector.broadcast %reduce_sum3A_1471 : i1 to vector<16xi1>
        %reduce_sum3A_1473 = tpu.scan <sum>, %add3A_1470 masked %reduce_sum3A_1472 : vector<16xf32>, vector<16xi1> -> vector<16xf32>
        %reduce_sum3A_1474 = vector.extract %reduce_sum3A_1473[15] : f32 from vector<16xf32>
        %eq3A_1475 = arith.constant 3 : i32
        %eq3A_1476 = vector.broadcast %eq3A_1475 : i32 to vector<16xi32>
        %eq3A_1477 = arith.cmpi eq, %iota3A, %eq3A_1476 : vector<16xi32>
        %broadcast_in_dim3A_1478 = vector.broadcast %reduce_sum3A_1474 : f32 to vector<16xf32>
        %select_n3A_1479 = arith.select %eq3A_1477, %broadcast_in_dim3A_1478, %select_n3A_1449 : vector<16xi1>, vector<16xf32>
        %add3A_1480 = arith.constant 36 : i32
        %add3A_1481 = arith.addi %mul3A_384, %add3A_1480 : i32
        %get3A_1482 = arith.index_cast %add3A_1481 : i32 to index
        %get3A_1483 = arith.constant 0 : index
        %get3A_1484 = tpu.vector_load %arg8[%get3A_1482, %get3A_1483] {strides = array<i32>} : memref<416x64xf32, #tpu.memory_space<vmem>>, vector<16xf32>,
        %mul3A_1485 = arith.mulf %get3A_386, %get3A_1484 : vector<16xf32>
        %get3A_1486 = arith.index_cast %add3A_1481 : i32 to index
        %get3A_1487 = arith.constant 16 : index
        %get3A_1488 = tpu.vector_load %arg8[%get3A_1486, %get3A_1487] {strides = array<i32>} : memref<416x64xf32, #tpu.memory_space<vmem>>, vector<16xf32>,
        %mul3A_1489 = arith.mulf %get3A_389, %get3A_1488 : vector<16xf32>
        %add3A_1490 = arith.addf %mul3A_1485, %mul3A_1489 : vector<16xf32>
        %get3A_1491 = arith.index_cast %add3A_1481 : i32 to index
        %get3A_1492 = arith.constant 32 : index
        %get3A_1493 = tpu.vector_load %arg8[%get3A_1491, %get3A_1492] {strides = array<i32>} : memref<416x64xf32, #tpu.memory_space<vmem>>, vector<16xf32>,
        %mul3A_1494 = arith.mulf %get3A_392, %get3A_1493 : vector<16xf32>
        %add3A_1495 = arith.addf %add3A_1490, %mul3A_1494 : vector<16xf32>
        %get3A_1496 = arith.index_cast %add3A_1481 : i32 to index
        %get3A_1497 = arith.constant 48 : index
        %get3A_1498 = tpu.vector_load %arg8[%get3A_1496, %get3A_1497] {strides = array<i32>} : memref<416x64xf32, #tpu.memory_space<vmem>>, vector<16xf32>,
        %mul3A_1499 = arith.mulf %get3A_395, %get3A_1498 : vector<16xf32>
        %add3A_1500 = arith.addf %add3A_1495, %mul3A_1499 : vector<16xf32>
        %reduce_sum3A_1501 = arith.constant true
        %reduce_sum3A_1502 = vector.broadcast %reduce_sum3A_1501 : i1 to vector<16xi1>
        %reduce_sum3A_1503 = tpu.scan <sum>, %add3A_1500 masked %reduce_sum3A_1502 : vector<16xf32>, vector<16xi1> -> vector<16xf32>
        %reduce_sum3A_1504 = vector.extract %reduce_sum3A_1503[15] : f32 from vector<16xf32>
        %eq3A_1505 = arith.constant 4 : i32
        %eq3A_1506 = vector.broadcast %eq3A_1505 : i32 to vector<16xi32>
        %eq3A_1507 = arith.cmpi eq, %iota3A, %eq3A_1506 : vector<16xi32>
        %broadcast_in_dim3A_1508 = vector.broadcast %reduce_sum3A_1504 : f32 to vector<16xf32>
        %select_n3A_1509 = arith.select %eq3A_1507, %broadcast_in_dim3A_1508, %select_n3A_1479 : vector<16xi1>, vector<16xf32>
        %add3A_1510 = arith.constant 37 : i32
        %add3A_1511 = arith.addi %mul3A_384, %add3A_1510 : i32
        %get3A_1512 = arith.index_cast %add3A_1511 : i32 to index
        %get3A_1513 = arith.constant 0 : index
        %get3A_1514 = tpu.vector_load %arg8[%get3A_1512, %get3A_1513] {strides = array<i32>} : memref<416x64xf32, #tpu.memory_space<vmem>>, vector<16xf32>,
        %mul3A_1515 = arith.mulf %get3A_386, %get3A_1514 : vector<16xf32>
        %get3A_1516 = arith.index_cast %add3A_1511 : i32 to index
        %get3A_1517 = arith.constant 16 : index
        %get3A_1518 = tpu.vector_load %arg8[%get3A_1516, %get3A_1517] {strides = array<i32>} : memref<416x64xf32, #tpu.memory_space<vmem>>, vector<16xf32>,
        %mul3A_1519 = arith.mulf %get3A_389, %get3A_1518 : vector<16xf32>
        %add3A_1520 = arith.addf %mul3A_1515, %mul3A_1519 : vector<16xf32>
        %get3A_1521 = arith.index_cast %add3A_1511 : i32 to index
        %get3A_1522 = arith.constant 32 : index
        %get3A_1523 = tpu.vector_load %arg8[%get3A_1521, %get3A_1522] {strides = array<i32>} : memref<416x64xf32, #tpu.memory_space<vmem>>, vector<16xf32>,
        %mul3A_1524 = arith.mulf %get3A_392, %get3A_1523 : vector<16xf32>
        %add3A_1525 = arith.addf %add3A_1520, %mul3A_1524 : vector<16xf32>
        %get3A_1526 = arith.index_cast %add3A_1511 : i32 to index
        %get3A_1527 = arith.constant 48 : index
        %get3A_1528 = tpu.vector_load %arg8[%get3A_1526, %get3A_1527] {strides = array<i32>} : memref<416x64xf32, #tpu.memory_space<vmem>>, vector<16xf32>,
        %mul3A_1529 = arith.mulf %get3A_395, %get3A_1528 : vector<16xf32>
        %add3A_1530 = arith.addf %add3A_1525, %mul3A_1529 : vector<16xf32>
        %reduce_sum3A_1531 = arith.constant true
        %reduce_sum3A_1532 = vector.broadcast %reduce_sum3A_1531 : i1 to vector<16xi1>
        %reduce_sum3A_1533 = tpu.scan <sum>, %add3A_1530 masked %reduce_sum3A_1532 : vector<16xf32>, vector<16xi1> -> vector<16xf32>
        %reduce_sum3A_1534 = vector.extract %reduce_sum3A_1533[15] : f32 from vector<16xf32>
        %eq3A_1535 = arith.constant 5 : i32
        %eq3A_1536 = vector.broadcast %eq3A_1535 : i32 to vector<16xi32>
        %eq3A_1537 = arith.cmpi eq, %iota3A, %eq3A_1536 : vector<16xi32>
        %broadcast_in_dim3A_1538 = vector.broadcast %reduce_sum3A_1534 : f32 to vector<16xf32>
        %select_n3A_1539 = arith.select %eq3A_1537, %broadcast_in_dim3A_1538, %select_n3A_1509 : vector<16xi1>, vector<16xf32>
        %add3A_1540 = arith.constant 38 : i32
        %add3A_1541 = arith.addi %mul3A_384, %add3A_1540 : i32
        %get3A_1542 = arith.index_cast %add3A_1541 : i32 to index
        %get3A_1543 = arith.constant 0 : index
        %get3A_1544 = tpu.vector_load %arg8[%get3A_1542, %get3A_1543] {strides = array<i32>} : memref<416x64xf32, #tpu.memory_space<vmem>>, vector<16xf32>,
        %mul3A_1545 = arith.mulf %get3A_386, %get3A_1544 : vector<16xf32>
        %get3A_1546 = arith.index_cast %add3A_1541 : i32 to index
        %get3A_1547 = arith.constant 16 : index
        %get3A_1548 = tpu.vector_load %arg8[%get3A_1546, %get3A_1547] {strides = array<i32>} : memref<416x64xf32, #tpu.memory_space<vmem>>, vector<16xf32>,
        %mul3A_1549 = arith.mulf %get3A_389, %get3A_1548 : vector<16xf32>
        %add3A_1550 = arith.addf %mul3A_1545, %mul3A_1549 : vector<16xf32>
        %get3A_1551 = arith.index_cast %add3A_1541 : i32 to index
        %get3A_1552 = arith.constant 32 : index
        %get3A_1553 = tpu.vector_load %arg8[%get3A_1551, %get3A_1552] {strides = array<i32>} : memref<416x64xf32, #tpu.memory_space<vmem>>, vector<16xf32>,
        %mul3A_1554 = arith.mulf %get3A_392, %get3A_1553 : vector<16xf32>
        %add3A_1555 = arith.addf %add3A_1550, %mul3A_1554 : vector<16xf32>
        %get3A_1556 = arith.index_cast %add3A_1541 : i32 to index
        %get3A_1557 = arith.constant 48 : index
        %get3A_1558 = tpu.vector_load %arg8[%get3A_1556, %get3A_1557] {strides = array<i32>} : memref<416x64xf32, #tpu.memory_space<vmem>>, vector<16xf32>,
        %mul3A_1559 = arith.mulf %get3A_395, %get3A_1558 : vector<16xf32>
        %add3A_1560 = arith.addf %add3A_1555, %mul3A_1559 : vector<16xf32>
        %reduce_sum3A_1561 = arith.constant true
        %reduce_sum3A_1562 = vector.broadcast %reduce_sum3A_1561 : i1 to vector<16xi1>
        %reduce_sum3A_1563 = tpu.scan <sum>, %add3A_1560 masked %reduce_sum3A_1562 : vector<16xf32>, vector<16xi1> -> vector<16xf32>
        %reduce_sum3A_1564 = vector.extract %reduce_sum3A_1563[15] : f32 from vector<16xf32>
        %eq3A_1565 = arith.constant 6 : i32
        %eq3A_1566 = vector.broadcast %eq3A_1565 : i32 to vector<16xi32>
        %eq3A_1567 = arith.cmpi eq, %iota3A, %eq3A_1566 : vector<16xi32>
        %broadcast_in_dim3A_1568 = vector.broadcast %reduce_sum3A_1564 : f32 to vector<16xf32>
        %select_n3A_1569 = arith.select %eq3A_1567, %broadcast_in_dim3A_1568, %select_n3A_1539 : vector<16xi1>, vector<16xf32>
        %add3A_1570 = arith.constant 39 : i32
        %add3A_1571 = arith.addi %mul3A_384, %add3A_1570 : i32
        %get3A_1572 = arith.index_cast %add3A_1571 : i32 to index
        %get3A_1573 = arith.constant 0 : index
        %get3A_1574 = tpu.vector_load %arg8[%get3A_1572, %get3A_1573] {strides = array<i32>} : memref<416x64xf32, #tpu.memory_space<vmem>>, vector<16xf32>,
        %mul3A_1575 = arith.mulf %get3A_386, %get3A_1574 : vector<16xf32>
        %get3A_1576 = arith.index_cast %add3A_1571 : i32 to index
        %get3A_1577 = arith.constant 16 : index
        %get3A_1578 = tpu.vector_load %arg8[%get3A_1576, %get3A_1577] {strides = array<i32>} : memref<416x64xf32, #tpu.memory_space<vmem>>, vector<16xf32>,
        %mul3A_1579 = arith.mulf %get3A_389, %get3A_1578 : vector<16xf32>
        %add3A_1580 = arith.addf %mul3A_1575, %mul3A_1579 : vector<16xf32>
        %get3A_1581 = arith.index_cast %add3A_1571 : i32 to index
        %get3A_1582 = arith.constant 32 : index
        %get3A_1583 = tpu.vector_load %arg8[%get3A_1581, %get3A_1582] {strides = array<i32>} : memref<416x64xf32, #tpu.memory_space<vmem>>, vector<16xf32>,
        %mul3A_1584 = arith.mulf %get3A_392, %get3A_1583 : vector<16xf32>
        %add3A_1585 = arith.addf %add3A_1580, %mul3A_1584 : vector<16xf32>
        %get3A_1586 = arith.index_cast %add3A_1571 : i32 to index
        %get3A_1587 = arith.constant 48 : index
        %get3A_1588 = tpu.vector_load %arg8[%get3A_1586, %get3A_1587] {strides = array<i32>} : memref<416x64xf32, #tpu.memory_space<vmem>>, vector<16xf32>,
        %mul3A_1589 = arith.mulf %get3A_395, %get3A_1588 : vector<16xf32>
        %add3A_1590 = arith.addf %add3A_1585, %mul3A_1589 : vector<16xf32>
        %reduce_sum3A_1591 = arith.constant true
        %reduce_sum3A_1592 = vector.broadcast %reduce_sum3A_1591 : i1 to vector<16xi1>
        %reduce_sum3A_1593 = tpu.scan <sum>, %add3A_1590 masked %reduce_sum3A_1592 : vector<16xf32>, vector<16xi1> -> vector<16xf32>
        %reduce_sum3A_1594 = vector.extract %reduce_sum3A_1593[15] : f32 from vector<16xf32>
        %eq3A_1595 = arith.constant 7 : i32
        %eq3A_1596 = vector.broadcast %eq3A_1595 : i32 to vector<16xi32>
        %eq3A_1597 = arith.cmpi eq, %iota3A, %eq3A_1596 : vector<16xi32>
        %broadcast_in_dim3A_1598 = vector.broadcast %reduce_sum3A_1594 : f32 to vector<16xf32>
        %select_n3A_1599 = arith.select %eq3A_1597, %broadcast_in_dim3A_1598, %select_n3A_1569 : vector<16xi1>, vector<16xf32>
        %add3A_1600 = arith.constant 40 : i32
        %add3A_1601 = arith.addi %mul3A_384, %add3A_1600 : i32
        %get3A_1602 = arith.index_cast %add3A_1601 : i32 to index
        %get3A_1603 = arith.constant 0 : index
        %get3A_1604 = tpu.vector_load %arg8[%get3A_1602, %get3A_1603] {strides = array<i32>} : memref<416x64xf32, #tpu.memory_space<vmem>>, vector<16xf32>,
        %mul3A_1605 = arith.mulf %get3A_386, %get3A_1604 : vector<16xf32>
        %get3A_1606 = arith.index_cast %add3A_1601 : i32 to index
        %get3A_1607 = arith.constant 16 : index
        %get3A_1608 = tpu.vector_load %arg8[%get3A_1606, %get3A_1607] {strides = array<i32>} : memref<416x64xf32, #tpu.memory_space<vmem>>, vector<16xf32>,
        %mul3A_1609 = arith.mulf %get3A_389, %get3A_1608 : vector<16xf32>
        %add3A_1610 = arith.addf %mul3A_1605, %mul3A_1609 : vector<16xf32>
        %get3A_1611 = arith.index_cast %add3A_1601 : i32 to index
        %get3A_1612 = arith.constant 32 : index
        %get3A_1613 = tpu.vector_load %arg8[%get3A_1611, %get3A_1612] {strides = array<i32>} : memref<416x64xf32, #tpu.memory_space<vmem>>, vector<16xf32>,
        %mul3A_1614 = arith.mulf %get3A_392, %get3A_1613 : vector<16xf32>
        %add3A_1615 = arith.addf %add3A_1610, %mul3A_1614 : vector<16xf32>
        %get3A_1616 = arith.index_cast %add3A_1601 : i32 to index
        %get3A_1617 = arith.constant 48 : index
        %get3A_1618 = tpu.vector_load %arg8[%get3A_1616, %get3A_1617] {strides = array<i32>} : memref<416x64xf32, #tpu.memory_space<vmem>>, vector<16xf32>,
        %mul3A_1619 = arith.mulf %get3A_395, %get3A_1618 : vector<16xf32>
        %add3A_1620 = arith.addf %add3A_1615, %mul3A_1619 : vector<16xf32>
        %reduce_sum3A_1621 = arith.constant true
        %reduce_sum3A_1622 = vector.broadcast %reduce_sum3A_1621 : i1 to vector<16xi1>
        %reduce_sum3A_1623 = tpu.scan <sum>, %add3A_1620 masked %reduce_sum3A_1622 : vector<16xf32>, vector<16xi1> -> vector<16xf32>
        %reduce_sum3A_1624 = vector.extract %reduce_sum3A_1623[15] : f32 from vector<16xf32>
        %eq3A_1625 = arith.constant 8 : i32
        %eq3A_1626 = vector.broadcast %eq3A_1625 : i32 to vector<16xi32>
        %eq3A_1627 = arith.cmpi eq, %iota3A, %eq3A_1626 : vector<16xi32>
        %broadcast_in_dim3A_1628 = vector.broadcast %reduce_sum3A_1624 : f32 to vector<16xf32>
        %select_n3A_1629 = arith.select %eq3A_1627, %broadcast_in_dim3A_1628, %select_n3A_1599 : vector<16xi1>, vector<16xf32>
        %add3A_1630 = arith.constant 41 : i32
        %add3A_1631 = arith.addi %mul3A_384, %add3A_1630 : i32
        %get3A_1632 = arith.index_cast %add3A_1631 : i32 to index
        %get3A_1633 = arith.constant 0 : index
        %get3A_1634 = tpu.vector_load %arg8[%get3A_1632, %get3A_1633] {strides = array<i32>} : memref<416x64xf32, #tpu.memory_space<vmem>>, vector<16xf32>,
        %mul3A_1635 = arith.mulf %get3A_386, %get3A_1634 : vector<16xf32>
        %get3A_1636 = arith.index_cast %add3A_1631 : i32 to index
        %get3A_1637 = arith.constant 16 : index
        %get3A_1638 = tpu.vector_load %arg8[%get3A_1636, %get3A_1637] {strides = array<i32>} : memref<416x64xf32, #tpu.memory_space<vmem>>, vector<16xf32>,
        %mul3A_1639 = arith.mulf %get3A_389, %get3A_1638 : vector<16xf32>
        %add3A_1640 = arith.addf %mul3A_1635, %mul3A_1639 : vector<16xf32>
        %get3A_1641 = arith.index_cast %add3A_1631 : i32 to index
        %get3A_1642 = arith.constant 32 : index
        %get3A_1643 = tpu.vector_load %arg8[%get3A_1641, %get3A_1642] {strides = array<i32>} : memref<416x64xf32, #tpu.memory_space<vmem>>, vector<16xf32>,
        %mul3A_1644 = arith.mulf %get3A_392, %get3A_1643 : vector<16xf32>
        %add3A_1645 = arith.addf %add3A_1640, %mul3A_1644 : vector<16xf32>
        %get3A_1646 = arith.index_cast %add3A_1631 : i32 to index
        %get3A_1647 = arith.constant 48 : index
        %get3A_1648 = tpu.vector_load %arg8[%get3A_1646, %get3A_1647] {strides = array<i32>} : memref<416x64xf32, #tpu.memory_space<vmem>>, vector<16xf32>,
        %mul3A_1649 = arith.mulf %get3A_395, %get3A_1648 : vector<16xf32>
        %add3A_1650 = arith.addf %add3A_1645, %mul3A_1649 : vector<16xf32>
        %reduce_sum3A_1651 = arith.constant true
        %reduce_sum3A_1652 = vector.broadcast %reduce_sum3A_1651 : i1 to vector<16xi1>
        %reduce_sum3A_1653 = tpu.scan <sum>, %add3A_1650 masked %reduce_sum3A_1652 : vector<16xf32>, vector<16xi1> -> vector<16xf32>
        %reduce_sum3A_1654 = vector.extract %reduce_sum3A_1653[15] : f32 from vector<16xf32>
        %eq3A_1655 = arith.constant 9 : i32
        %eq3A_1656 = vector.broadcast %eq3A_1655 : i32 to vector<16xi32>
        %eq3A_1657 = arith.cmpi eq, %iota3A, %eq3A_1656 : vector<16xi32>
        %broadcast_in_dim3A_1658 = vector.broadcast %reduce_sum3A_1654 : f32 to vector<16xf32>
        %select_n3A_1659 = arith.select %eq3A_1657, %broadcast_in_dim3A_1658, %select_n3A_1629 : vector<16xi1>, vector<16xf32>
        %add3A_1660 = arith.constant 42 : i32
        %add3A_1661 = arith.addi %mul3A_384, %add3A_1660 : i32
        %get3A_1662 = arith.index_cast %add3A_1661 : i32 to index
        %get3A_1663 = arith.constant 0 : index
        %get3A_1664 = tpu.vector_load %arg8[%get3A_1662, %get3A_1663] {strides = array<i32>} : memref<416x64xf32, #tpu.memory_space<vmem>>, vector<16xf32>,
        %mul3A_1665 = arith.mulf %get3A_386, %get3A_1664 : vector<16xf32>
        %get3A_1666 = arith.index_cast %add3A_1661 : i32 to index
        %get3A_1667 = arith.constant 16 : index
        %get3A_1668 = tpu.vector_load %arg8[%get3A_1666, %get3A_1667] {strides = array<i32>} : memref<416x64xf32, #tpu.memory_space<vmem>>, vector<16xf32>,
        %mul3A_1669 = arith.mulf %get3A_389, %get3A_1668 : vector<16xf32>
        %add3A_1670 = arith.addf %mul3A_1665, %mul3A_1669 : vector<16xf32>
        %get3A_1671 = arith.index_cast %add3A_1661 : i32 to index
        %get3A_1672 = arith.constant 32 : index
        %get3A_1673 = tpu.vector_load %arg8[%get3A_1671, %get3A_1672] {strides = array<i32>} : memref<416x64xf32, #tpu.memory_space<vmem>>, vector<16xf32>,
        %mul3A_1674 = arith.mulf %get3A_392, %get3A_1673 : vector<16xf32>
        %add3A_1675 = arith.addf %add3A_1670, %mul3A_1674 : vector<16xf32>
        %get3A_1676 = arith.index_cast %add3A_1661 : i32 to index
        %get3A_1677 = arith.constant 48 : index
        %get3A_1678 = tpu.vector_load %arg8[%get3A_1676, %get3A_1677] {strides = array<i32>} : memref<416x64xf32, #tpu.memory_space<vmem>>, vector<16xf32>,
        %mul3A_1679 = arith.mulf %get3A_395, %get3A_1678 : vector<16xf32>
        %add3A_1680 = arith.addf %add3A_1675, %mul3A_1679 : vector<16xf32>
        %reduce_sum3A_1681 = arith.constant true
        %reduce_sum3A_1682 = vector.broadcast %reduce_sum3A_1681 : i1 to vector<16xi1>
        %reduce_sum3A_1683 = tpu.scan <sum>, %add3A_1680 masked %reduce_sum3A_1682 : vector<16xf32>, vector<16xi1> -> vector<16xf32>
        %reduce_sum3A_1684 = vector.extract %reduce_sum3A_1683[15] : f32 from vector<16xf32>
        %eq3A_1685 = arith.constant 10 : i32
        %eq3A_1686 = vector.broadcast %eq3A_1685 : i32 to vector<16xi32>
        %eq3A_1687 = arith.cmpi eq, %iota3A, %eq3A_1686 : vector<16xi32>
        %broadcast_in_dim3A_1688 = vector.broadcast %reduce_sum3A_1684 : f32 to vector<16xf32>
        %select_n3A_1689 = arith.select %eq3A_1687, %broadcast_in_dim3A_1688, %select_n3A_1659 : vector<16xi1>, vector<16xf32>
        %add3A_1690 = arith.constant 43 : i32
        %add3A_1691 = arith.addi %mul3A_384, %add3A_1690 : i32
        %get3A_1692 = arith.index_cast %add3A_1691 : i32 to index
        %get3A_1693 = arith.constant 0 : index
        %get3A_1694 = tpu.vector_load %arg8[%get3A_1692, %get3A_1693] {strides = array<i32>} : memref<416x64xf32, #tpu.memory_space<vmem>>, vector<16xf32>,
        %mul3A_1695 = arith.mulf %get3A_386, %get3A_1694 : vector<16xf32>
        %get3A_1696 = arith.index_cast %add3A_1691 : i32 to index
        %get3A_1697 = arith.constant 16 : index
        %get3A_1698 = tpu.vector_load %arg8[%get3A_1696, %get3A_1697] {strides = array<i32>} : memref<416x64xf32, #tpu.memory_space<vmem>>, vector<16xf32>,
        %mul3A_1699 = arith.mulf %get3A_389, %get3A_1698 : vector<16xf32>
        %add3A_1700 = arith.addf %mul3A_1695, %mul3A_1699 : vector<16xf32>
        %get3A_1701 = arith.index_cast %add3A_1691 : i32 to index
        %get3A_1702 = arith.constant 32 : index
        %get3A_1703 = tpu.vector_load %arg8[%get3A_1701, %get3A_1702] {strides = array<i32>} : memref<416x64xf32, #tpu.memory_space<vmem>>, vector<16xf32>,
        %mul3A_1704 = arith.mulf %get3A_392, %get3A_1703 : vector<16xf32>
        %add3A_1705 = arith.addf %add3A_1700, %mul3A_1704 : vector<16xf32>
        %get3A_1706 = arith.index_cast %add3A_1691 : i32 to index
        %get3A_1707 = arith.constant 48 : index
        %get3A_1708 = tpu.vector_load %arg8[%get3A_1706, %get3A_1707] {strides = array<i32>} : memref<416x64xf32, #tpu.memory_space<vmem>>, vector<16xf32>,
        %mul3A_1709 = arith.mulf %get3A_395, %get3A_1708 : vector<16xf32>
        %add3A_1710 = arith.addf %add3A_1705, %mul3A_1709 : vector<16xf32>
        %reduce_sum3A_1711 = arith.constant true
        %reduce_sum3A_1712 = vector.broadcast %reduce_sum3A_1711 : i1 to vector<16xi1>
        %reduce_sum3A_1713 = tpu.scan <sum>, %add3A_1710 masked %reduce_sum3A_1712 : vector<16xf32>, vector<16xi1> -> vector<16xf32>
        %reduce_sum3A_1714 = vector.extract %reduce_sum3A_1713[15] : f32 from vector<16xf32>
        %eq3A_1715 = arith.constant 11 : i32
        %eq3A_1716 = vector.broadcast %eq3A_1715 : i32 to vector<16xi32>
        %eq3A_1717 = arith.cmpi eq, %iota3A, %eq3A_1716 : vector<16xi32>
        %broadcast_in_dim3A_1718 = vector.broadcast %reduce_sum3A_1714 : f32 to vector<16xf32>
        %select_n3A_1719 = arith.select %eq3A_1717, %broadcast_in_dim3A_1718, %select_n3A_1689 : vector<16xi1>, vector<16xf32>
        %add3A_1720 = arith.constant 44 : i32
        %add3A_1721 = arith.addi %mul3A_384, %add3A_1720 : i32
        %get3A_1722 = arith.index_cast %add3A_1721 : i32 to index
        %get3A_1723 = arith.constant 0 : index
        %get3A_1724 = tpu.vector_load %arg8[%get3A_1722, %get3A_1723] {strides = array<i32>} : memref<416x64xf32, #tpu.memory_space<vmem>>, vector<16xf32>,
        %mul3A_1725 = arith.mulf %get3A_386, %get3A_1724 : vector<16xf32>
        %get3A_1726 = arith.index_cast %add3A_1721 : i32 to index
        %get3A_1727 = arith.constant 16 : index
        %get3A_1728 = tpu.vector_load %arg8[%get3A_1726, %get3A_1727] {strides = array<i32>} : memref<416x64xf32, #tpu.memory_space<vmem>>, vector<16xf32>,
        %mul3A_1729 = arith.mulf %get3A_389, %get3A_1728 : vector<16xf32>
        %add3A_1730 = arith.addf %mul3A_1725, %mul3A_1729 : vector<16xf32>
        %get3A_1731 = arith.index_cast %add3A_1721 : i32 to index
        %get3A_1732 = arith.constant 32 : index
        %get3A_1733 = tpu.vector_load %arg8[%get3A_1731, %get3A_1732] {strides = array<i32>} : memref<416x64xf32, #tpu.memory_space<vmem>>, vector<16xf32>,
        %mul3A_1734 = arith.mulf %get3A_392, %get3A_1733 : vector<16xf32>
        %add3A_1735 = arith.addf %add3A_1730, %mul3A_1734 : vector<16xf32>
        %get3A_1736 = arith.index_cast %add3A_1721 : i32 to index
        %get3A_1737 = arith.constant 48 : index
        %get3A_1738 = tpu.vector_load %arg8[%get3A_1736, %get3A_1737] {strides = array<i32>} : memref<416x64xf32, #tpu.memory_space<vmem>>, vector<16xf32>,
        %mul3A_1739 = arith.mulf %get3A_395, %get3A_1738 : vector<16xf32>
        %add3A_1740 = arith.addf %add3A_1735, %mul3A_1739 : vector<16xf32>
        %reduce_sum3A_1741 = arith.constant true
        %reduce_sum3A_1742 = vector.broadcast %reduce_sum3A_1741 : i1 to vector<16xi1>
        %reduce_sum3A_1743 = tpu.scan <sum>, %add3A_1740 masked %reduce_sum3A_1742 : vector<16xf32>, vector<16xi1> -> vector<16xf32>
        %reduce_sum3A_1744 = vector.extract %reduce_sum3A_1743[15] : f32 from vector<16xf32>
        %eq3A_1745 = arith.constant 12 : i32
        %eq3A_1746 = vector.broadcast %eq3A_1745 : i32 to vector<16xi32>
        %eq3A_1747 = arith.cmpi eq, %iota3A, %eq3A_1746 : vector<16xi32>
        %broadcast_in_dim3A_1748 = vector.broadcast %reduce_sum3A_1744 : f32 to vector<16xf32>
        %select_n3A_1749 = arith.select %eq3A_1747, %broadcast_in_dim3A_1748, %select_n3A_1719 : vector<16xi1>, vector<16xf32>
        %add3A_1750 = arith.constant 45 : i32
        %add3A_1751 = arith.addi %mul3A_384, %add3A_1750 : i32
        %get3A_1752 = arith.index_cast %add3A_1751 : i32 to index
        %get3A_1753 = arith.constant 0 : index
        %get3A_1754 = tpu.vector_load %arg8[%get3A_1752, %get3A_1753] {strides = array<i32>} : memref<416x64xf32, #tpu.memory_space<vmem>>, vector<16xf32>,
        %mul3A_1755 = arith.mulf %get3A_386, %get3A_1754 : vector<16xf32>
        %get3A_1756 = arith.index_cast %add3A_1751 : i32 to index
        %get3A_1757 = arith.constant 16 : index
        %get3A_1758 = tpu.vector_load %arg8[%get3A_1756, %get3A_1757] {strides = array<i32>} : memref<416x64xf32, #tpu.memory_space<vmem>>, vector<16xf32>,
        %mul3A_1759 = arith.mulf %get3A_389, %get3A_1758 : vector<16xf32>
        %add3A_1760 = arith.addf %mul3A_1755, %mul3A_1759 : vector<16xf32>
        %get3A_1761 = arith.index_cast %add3A_1751 : i32 to index
        %get3A_1762 = arith.constant 32 : index
        %get3A_1763 = tpu.vector_load %arg8[%get3A_1761, %get3A_1762] {strides = array<i32>} : memref<416x64xf32, #tpu.memory_space<vmem>>, vector<16xf32>,
        %mul3A_1764 = arith.mulf %get3A_392, %get3A_1763 : vector<16xf32>
        %add3A_1765 = arith.addf %add3A_1760, %mul3A_1764 : vector<16xf32>
        %get3A_1766 = arith.index_cast %add3A_1751 : i32 to index
        %get3A_1767 = arith.constant 48 : index
        %get3A_1768 = tpu.vector_load %arg8[%get3A_1766, %get3A_1767] {strides = array<i32>} : memref<416x64xf32, #tpu.memory_space<vmem>>, vector<16xf32>,
        %mul3A_1769 = arith.mulf %get3A_395, %get3A_1768 : vector<16xf32>
        %add3A_1770 = arith.addf %add3A_1765, %mul3A_1769 : vector<16xf32>
        %reduce_sum3A_1771 = arith.constant true
        %reduce_sum3A_1772 = vector.broadcast %reduce_sum3A_1771 : i1 to vector<16xi1>
        %reduce_sum3A_1773 = tpu.scan <sum>, %add3A_1770 masked %reduce_sum3A_1772 : vector<16xf32>, vector<16xi1> -> vector<16xf32>
        %reduce_sum3A_1774 = vector.extract %reduce_sum3A_1773[15] : f32 from vector<16xf32>
        %eq3A_1775 = arith.constant 13 : i32
        %eq3A_1776 = vector.broadcast %eq3A_1775 : i32 to vector<16xi32>
        %eq3A_1777 = arith.cmpi eq, %iota3A, %eq3A_1776 : vector<16xi32>
        %broadcast_in_dim3A_1778 = vector.broadcast %reduce_sum3A_1774 : f32 to vector<16xf32>
        %select_n3A_1779 = arith.select %eq3A_1777, %broadcast_in_dim3A_1778, %select_n3A_1749 : vector<16xi1>, vector<16xf32>
        %add3A_1780 = arith.constant 46 : i32
        %add3A_1781 = arith.addi %mul3A_384, %add3A_1780 : i32
        %get3A_1782 = arith.index_cast %add3A_1781 : i32 to index
        %get3A_1783 = arith.constant 0 : index
        %get3A_1784 = tpu.vector_load %arg8[%get3A_1782, %get3A_1783] {strides = array<i32>} : memref<416x64xf32, #tpu.memory_space<vmem>>, vector<16xf32>,
        %mul3A_1785 = arith.mulf %get3A_386, %get3A_1784 : vector<16xf32>
        %get3A_1786 = arith.index_cast %add3A_1781 : i32 to index
        %get3A_1787 = arith.constant 16 : index
        %get3A_1788 = tpu.vector_load %arg8[%get3A_1786, %get3A_1787] {strides = array<i32>} : memref<416x64xf32, #tpu.memory_space<vmem>>, vector<16xf32>,
        %mul3A_1789 = arith.mulf %get3A_389, %get3A_1788 : vector<16xf32>
        %add3A_1790 = arith.addf %mul3A_1785, %mul3A_1789 : vector<16xf32>
        %get3A_1791 = arith.index_cast %add3A_1781 : i32 to index
        %get3A_1792 = arith.constant 32 : index
        %get3A_1793 = tpu.vector_load %arg8[%get3A_1791, %get3A_1792] {strides = array<i32>} : memref<416x64xf32, #tpu.memory_space<vmem>>, vector<16xf32>,
        %mul3A_1794 = arith.mulf %get3A_392, %get3A_1793 : vector<16xf32>
        %add3A_1795 = arith.addf %add3A_1790, %mul3A_1794 : vector<16xf32>
        %get3A_1796 = arith.index_cast %add3A_1781 : i32 to index
        %get3A_1797 = arith.constant 48 : index
        %get3A_1798 = tpu.vector_load %arg8[%get3A_1796, %get3A_1797] {strides = array<i32>} : memref<416x64xf32, #tpu.memory_space<vmem>>, vector<16xf32>,
        %mul3A_1799 = arith.mulf %get3A_395, %get3A_1798 : vector<16xf32>
        %add3A_1800 = arith.addf %add3A_1795, %mul3A_1799 : vector<16xf32>
        %reduce_sum3A_1801 = arith.constant true
        %reduce_sum3A_1802 = vector.broadcast %reduce_sum3A_1801 : i1 to vector<16xi1>
        %reduce_sum3A_1803 = tpu.scan <sum>, %add3A_1800 masked %reduce_sum3A_1802 : vector<16xf32>, vector<16xi1> -> vector<16xf32>
        %reduce_sum3A_1804 = vector.extract %reduce_sum3A_1803[15] : f32 from vector<16xf32>
        %eq3A_1805 = arith.constant 14 : i32
        %eq3A_1806 = vector.broadcast %eq3A_1805 : i32 to vector<16xi32>
        %eq3A_1807 = arith.cmpi eq, %iota3A, %eq3A_1806 : vector<16xi32>
        %broadcast_in_dim3A_1808 = vector.broadcast %reduce_sum3A_1804 : f32 to vector<16xf32>
        %select_n3A_1809 = arith.select %eq3A_1807, %broadcast_in_dim3A_1808, %select_n3A_1779 : vector<16xi1>, vector<16xf32>
        %add3A_1810 = arith.constant 47 : i32
        %add3A_1811 = arith.addi %mul3A_384, %add3A_1810 : i32
        %get3A_1812 = arith.index_cast %add3A_1811 : i32 to index
        %get3A_1813 = arith.constant 0 : index
        %get3A_1814 = tpu.vector_load %arg8[%get3A_1812, %get3A_1813] {strides = array<i32>} : memref<416x64xf32, #tpu.memory_space<vmem>>, vector<16xf32>,
        %mul3A_1815 = arith.mulf %get3A_386, %get3A_1814 : vector<16xf32>
        %get3A_1816 = arith.index_cast %add3A_1811 : i32 to index
        %get3A_1817 = arith.constant 16 : index
        %get3A_1818 = tpu.vector_load %arg8[%get3A_1816, %get3A_1817] {strides = array<i32>} : memref<416x64xf32, #tpu.memory_space<vmem>>, vector<16xf32>,
        %mul3A_1819 = arith.mulf %get3A_389, %get3A_1818 : vector<16xf32>
        %add3A_1820 = arith.addf %mul3A_1815, %mul3A_1819 : vector<16xf32>
        %get3A_1821 = arith.index_cast %add3A_1811 : i32 to index
        %get3A_1822 = arith.constant 32 : index
        %get3A_1823 = tpu.vector_load %arg8[%get3A_1821, %get3A_1822] {strides = array<i32>} : memref<416x64xf32, #tpu.memory_space<vmem>>, vector<16xf32>,
        %mul3A_1824 = arith.mulf %get3A_392, %get3A_1823 : vector<16xf32>
        %add3A_1825 = arith.addf %add3A_1820, %mul3A_1824 : vector<16xf32>
        %get3A_1826 = arith.index_cast %add3A_1811 : i32 to index
        %get3A_1827 = arith.constant 48 : index
        %get3A_1828 = tpu.vector_load %arg8[%get3A_1826, %get3A_1827] {strides = array<i32>} : memref<416x64xf32, #tpu.memory_space<vmem>>, vector<16xf32>,
        %mul3A_1829 = arith.mulf %get3A_395, %get3A_1828 : vector<16xf32>
        %add3A_1830 = arith.addf %add3A_1825, %mul3A_1829 : vector<16xf32>
        %reduce_sum3A_1831 = arith.constant true
        %reduce_sum3A_1832 = vector.broadcast %reduce_sum3A_1831 : i1 to vector<16xi1>
        %reduce_sum3A_1833 = tpu.scan <sum>, %add3A_1830 masked %reduce_sum3A_1832 : vector<16xf32>, vector<16xi1> -> vector<16xf32>
        %reduce_sum3A_1834 = vector.extract %reduce_sum3A_1833[15] : f32 from vector<16xf32>
        %eq3A_1835 = arith.constant 15 : i32
        %eq3A_1836 = vector.broadcast %eq3A_1835 : i32 to vector<16xi32>
        %eq3A_1837 = arith.cmpi eq, %iota3A, %eq3A_1836 : vector<16xi32>
        %broadcast_in_dim3A_1838 = vector.broadcast %reduce_sum3A_1834 : f32 to vector<16xf32>
        %select_n3A_1839 = arith.select %eq3A_1837, %broadcast_in_dim3A_1838, %select_n3A_1809 : vector<16xi1>, vector<16xf32>
        %add3A_1840 = arith.constant 48 : i32
        %add3A_1841 = arith.addi %mul3A_384, %add3A_1840 : i32
        %get3A_1842 = arith.index_cast %add3A_1841 : i32 to index
        %get3A_1843 = arith.constant 0 : index
        %get3A_1844 = tpu.vector_load %arg8[%get3A_1842, %get3A_1843] {strides = array<i32>} : memref<416x64xf32, #tpu.memory_space<vmem>>, vector<16xf32>,
        %mul3A_1845 = arith.mulf %get3A_386, %get3A_1844 : vector<16xf32>
        %get3A_1846 = arith.index_cast %add3A_1841 : i32 to index
        %get3A_1847 = arith.constant 16 : index
        %get3A_1848 = tpu.vector_load %arg8[%get3A_1846, %get3A_1847] {strides = array<i32>} : memref<416x64xf32, #tpu.memory_space<vmem>>, vector<16xf32>,
        %mul3A_1849 = arith.mulf %get3A_389, %get3A_1848 : vector<16xf32>
        %add3A_1850 = arith.addf %mul3A_1845, %mul3A_1849 : vector<16xf32>
        %get3A_1851 = arith.index_cast %add3A_1841 : i32 to index
        %get3A_1852 = arith.constant 32 : index
        %get3A_1853 = tpu.vector_load %arg8[%get3A_1851, %get3A_1852] {strides = array<i32>} : memref<416x64xf32, #tpu.memory_space<vmem>>, vector<16xf32>,
        %mul3A_1854 = arith.mulf %get3A_392, %get3A_1853 : vector<16xf32>
        %add3A_1855 = arith.addf %add3A_1850, %mul3A_1854 : vector<16xf32>
        %get3A_1856 = arith.index_cast %add3A_1841 : i32 to index
        %get3A_1857 = arith.constant 48 : index
        %get3A_1858 = tpu.vector_load %arg8[%get3A_1856, %get3A_1857] {strides = array<i32>} : memref<416x64xf32, #tpu.memory_space<vmem>>, vector<16xf32>,
        %mul3A_1859 = arith.mulf %get3A_395, %get3A_1858 : vector<16xf32>
        %add3A_1860 = arith.addf %add3A_1855, %mul3A_1859 : vector<16xf32>
        %reduce_sum3A_1861 = arith.constant true
        %reduce_sum3A_1862 = vector.broadcast %reduce_sum3A_1861 : i1 to vector<16xi1>
        %reduce_sum3A_1863 = tpu.scan <sum>, %add3A_1860 masked %reduce_sum3A_1862 : vector<16xf32>, vector<16xi1> -> vector<16xf32>
        %reduce_sum3A_1864 = vector.extract %reduce_sum3A_1863[15] : f32 from vector<16xf32>
        %eq3A_1865 = arith.constant 0 : i32
        %eq3A_1866 = vector.broadcast %eq3A_1865 : i32 to vector<16xi32>
        %eq3A_1867 = arith.cmpi eq, %iota3A, %eq3A_1866 : vector<16xi32>
        %broadcast_in_dim3A_1868 = vector.broadcast %reduce_sum3A_1864 : f32 to vector<16xf32>
        %select_n3A_1869 = arith.select %eq3A_1867, %broadcast_in_dim3A_1868, %broadcast_in_dim3A_402 : vector<16xi1>, vector<16xf32>
        %add3A_1870 = arith.constant 49 : i32
        %add3A_1871 = arith.addi %mul3A_384, %add3A_1870 : i32
        %get3A_1872 = arith.index_cast %add3A_1871 : i32 to index
        %get3A_1873 = arith.constant 0 : index
        %get3A_1874 = tpu.vector_load %arg8[%get3A_1872, %get3A_1873] {strides = array<i32>} : memref<416x64xf32, #tpu.memory_space<vmem>>, vector<16xf32>,
        %mul3A_1875 = arith.mulf %get3A_386, %get3A_1874 : vector<16xf32>
        %get3A_1876 = arith.index_cast %add3A_1871 : i32 to index
        %get3A_1877 = arith.constant 16 : index
        %get3A_1878 = tpu.vector_load %arg8[%get3A_1876, %get3A_1877] {strides = array<i32>} : memref<416x64xf32, #tpu.memory_space<vmem>>, vector<16xf32>,
        %mul3A_1879 = arith.mulf %get3A_389, %get3A_1878 : vector<16xf32>
        %add3A_1880 = arith.addf %mul3A_1875, %mul3A_1879 : vector<16xf32>
        %get3A_1881 = arith.index_cast %add3A_1871 : i32 to index
        %get3A_1882 = arith.constant 32 : index
        %get3A_1883 = tpu.vector_load %arg8[%get3A_1881, %get3A_1882] {strides = array<i32>} : memref<416x64xf32, #tpu.memory_space<vmem>>, vector<16xf32>,
        %mul3A_1884 = arith.mulf %get3A_392, %get3A_1883 : vector<16xf32>
        %add3A_1885 = arith.addf %add3A_1880, %mul3A_1884 : vector<16xf32>
        %get3A_1886 = arith.index_cast %add3A_1871 : i32 to index
        %get3A_1887 = arith.constant 48 : index
        %get3A_1888 = tpu.vector_load %arg8[%get3A_1886, %get3A_1887] {strides = array<i32>} : memref<416x64xf32, #tpu.memory_space<vmem>>, vector<16xf32>,
        %mul3A_1889 = arith.mulf %get3A_395, %get3A_1888 : vector<16xf32>
        %add3A_1890 = arith.addf %add3A_1885, %mul3A_1889 : vector<16xf32>
        %reduce_sum3A_1891 = arith.constant true
        %reduce_sum3A_1892 = vector.broadcast %reduce_sum3A_1891 : i1 to vector<16xi1>
        %reduce_sum3A_1893 = tpu.scan <sum>, %add3A_1890 masked %reduce_sum3A_1892 : vector<16xf32>, vector<16xi1> -> vector<16xf32>
        %reduce_sum3A_1894 = vector.extract %reduce_sum3A_1893[15] : f32 from vector<16xf32>
        %eq3A_1895 = arith.constant 1 : i32
        %eq3A_1896 = vector.broadcast %eq3A_1895 : i32 to vector<16xi32>
        %eq3A_1897 = arith.cmpi eq, %iota3A, %eq3A_1896 : vector<16xi32>
        %broadcast_in_dim3A_1898 = vector.broadcast %reduce_sum3A_1894 : f32 to vector<16xf32>
        %select_n3A_1899 = arith.select %eq3A_1897, %broadcast_in_dim3A_1898, %select_n3A_1869 : vector<16xi1>, vector<16xf32>
        %broadcast_in_dim3A_1900 = vector.broadcast %scan3A_379 : i32 to vector<16xi32>
        %add3A_1901 = arith.constant 0 : i32
        %add3A_1902 = vector.broadcast %add3A_1901 : i32 to vector<16xi32>
        %add3A_1903 = arith.addi %add3A_1902, %iota3A : vector<16xi32>
        %lt3A_1904 = arith.constant 50 : i32
        %lt3A_1905 = vector.broadcast %lt3A_1904 : i32 to vector<16xi32>
        %lt3A_1906 = arith.cmpi slt, %add3A_1903, %lt3A_1905 : vector<16xi32>
        tpu.vector_store_idx %arg10[%broadcast_in_dim3A_1900, %add3A_1903], %select_n3A_879 masked %lt3A_1906 : memref<8x50xf32, #tpu.memory_space<vmem>>[vector<16xi32>, vector<16xi32>], vector<16xf32>, vector<16xi1>
        %add3A_1907 = arith.constant 16 : i32
        %add3A_1908 = vector.broadcast %add3A_1907 : i32 to vector<16xi32>
        %add3A_1909 = arith.addi %add3A_1908, %iota3A : vector<16xi32>
        %lt3A_1910 = arith.constant 50 : i32
        %lt3A_1911 = vector.broadcast %lt3A_1910 : i32 to vector<16xi32>
        %lt3A_1912 = arith.cmpi slt, %add3A_1909, %lt3A_1911 : vector<16xi32>
        tpu.vector_store_idx %arg10[%broadcast_in_dim3A_1900, %add3A_1909], %select_n3A_1359 masked %lt3A_1912 : memref<8x50xf32, #tpu.memory_space<vmem>>[vector<16xi32>, vector<16xi32>], vector<16xf32>, vector<16xi1>
        %add3A_1913 = arith.constant 32 : i32
        %add3A_1914 = vector.broadcast %add3A_1913 : i32 to vector<16xi32>
        %add3A_1915 = arith.addi %add3A_1914, %iota3A : vector<16xi32>
        %lt3A_1916 = arith.constant 50 : i32
        %lt3A_1917 = vector.broadcast %lt3A_1916 : i32 to vector<16xi32>
        %lt3A_1918 = arith.cmpi slt, %add3A_1915, %lt3A_1917 : vector<16xi32>
        tpu.vector_store_idx %arg10[%broadcast_in_dim3A_1900, %add3A_1915], %select_n3A_1839 masked %lt3A_1918 : memref<8x50xf32, #tpu.memory_space<vmem>>[vector<16xi32>, vector<16xi32>], vector<16xf32>, vector<16xi1>
        %add3A_1919 = arith.constant 48 : i32
        %add3A_1920 = vector.broadcast %add3A_1919 : i32 to vector<16xi32>
        %add3A_1921 = arith.addi %add3A_1920, %iota3A : vector<16xi32>
        %lt3A_1922 = arith.constant 50 : i32
        %lt3A_1923 = vector.broadcast %lt3A_1922 : i32 to vector<16xi32>
        %lt3A_1924 = arith.cmpi slt, %add3A_1921, %lt3A_1923 : vector<16xi32>
        tpu.vector_store_idx %arg10[%broadcast_in_dim3A_1900, %add3A_1921], %select_n3A_1899 masked %lt3A_1924 : memref<8x50xf32, #tpu.memory_space<vmem>>[vector<16xi32>, vector<16xi32>], vector<16xf32>, vector<16xi1>
      }
      %scan3A_280 = arith.constant 8 : i32
      %mul3A_281 = arith.constant 8 : i32
      %mul3A_282 = arith.muli %mul3A_89, %mul3A_281 : i32
      %add3A_283 = arith.addi %mul3A_2, %mul3A_282 : i32
      "tpu.region"() ({
        %run_scoped3A = tpu.sem_alloc : memref<!tpu.dma_semaphore, #tpu.memory_space<semaphore_mem>>
        %dma_start3A_379 = arith.constant 0 : i32
        %dma_start3A_380 = tpu.memref_slice %arg5[%add3A_283, %dma_start3A_379] : memref<4096x50xf32, #tpu.memory_space<hbm>> -> memref<8x50xf32, #tpu.memory_space<hbm>>
        %dma_start3A_381 = arith.constant 0 : i32
        %dma_start3A_382 = tpu.memref_slice %arg5[%add3A_283, %dma_start3A_381] : memref<4096x50xf32, #tpu.memory_space<hbm>> -> memref<8x50xf32, #tpu.memory_space<hbm>>
        tpu.enqueue_dma source(%arg10 : memref<8x50xf32, #tpu.memory_space<vmem>>) target(%dma_start3A_382 : memref<8x50xf32, #tpu.memory_space<hbm>>) target_semaphore(%run_scoped3A : memref<!tpu.dma_semaphore, #tpu.memory_space<semaphore_mem>>)
        %dma_wait3A_383 = arith.constant 0 : i32
        %dma_wait3A_384 = tpu.memref_slice %arg5[%add3A_283, %dma_wait3A_383] : memref<4096x50xf32, #tpu.memory_space<hbm>> -> memref<8x50xf32, #tpu.memory_space<hbm>>
        %dma_wait3A_385 = arith.constant 0 : i32
        %dma_wait3A_386 = tpu.memref_slice %arg5[%add3A_283, %dma_wait3A_385] : memref<4096x50xf32, #tpu.memory_space<hbm>> -> memref<8x50xf32, #tpu.memory_space<hbm>>
        tpu.wait_dma2 semaphore(%run_scoped3A : memref<!tpu.dma_semaphore, #tpu.memory_space<semaphore_mem>>) src(%arg10 : memref<8x50xf32, #tpu.memory_space<vmem>>) dst(%dma_wait3A_386 : memref<8x50xf32, #tpu.memory_space<hbm>>)
        tpu.yield
      }) : () -> ()
      %add3A_284 = arith.constant 2 : i32
      %add3A_285 = arith.addi %mul3A_89, %add3A_284 : i32
      %lt3A = arith.constant 16 : i32
      %lt3A_286 = arith.cmpi slt, %add3A_285, %lt3A : i32
      %convert_element_type3A = arith.extui %lt3A_286 : i1 to i32
      %cond3A = arith.constant 0 : i32
      %cond3A_287 = arith.cmpi ne, %convert_element_type3A, %cond3A : i32
      scf.if %cond3A_287 {
        %add3A_379 = arith.constant 2 : i32
        %add3A_380 = arith.addi %mul3A_89, %add3A_379 : i32
        %mul3A_381 = arith.constant 8 : i32
        %mul3A_382 = arith.muli %add3A_380, %mul3A_381 : i32
        %add3A_383 = arith.constant 0 : i32
        %add3A_384 = arith.addi %mul3A_382, %add3A_383 : i32
        %dma_start3A_385 = arith.constant 0 : i32
        %dma_start3A_386 = arith.constant 0 : i32
        %dma_start3A_387 = tpu.memref_slice %arg8[%dma_start3A_385, %dma_start3A_386] : memref<416x64xf32, #tpu.memory_space<vmem>> -> memref<50x64xf32, #tpu.memory_space<vmem>>
        %dma_start3A_388 = arith.constant 0 : i32
        %dma_start3A_389 = tpu.memref_slice %arg6[%add3A_384, %dma_start3A_388] : memref<128x50xi32, #tpu.memory_space<vmem>> -> memref<1x50xi32, #tpu.memory_space<vmem>>
        %dma_start3A_390 = tpu.memref_squeeze %dma_start3A_389 : memref<1x50xi32, #tpu.memory_space<vmem>> -> memref<50xi32, #tpu.memory_space<vmem>>
        %dma_start3A_391 = arith.constant 0 : i32
        %dma_start3A_392 = arith.constant 0 : i32
        %dma_start3A_393 = tpu.memref_slice %arg3[%dma_start3A_391, %dma_start3A_392] : memref<100000x64xf32, #tpu.memory_space<hbm>> -> memref<100000x64xf32, #tpu.memory_space<hbm>>
        tpu.enqueue_indirect_dma source(%dma_start3A_393 : memref<100000x64xf32, #tpu.memory_space<hbm>>) target(%dma_start3A_387 : memref<50x64xf32, #tpu.memory_space<vmem>>) offsets(%dma_start3A_390 : memref<50xi32, #tpu.memory_space<vmem>>) semaphore(%arg11 : memref<!tpu.dma_semaphore, #tpu.memory_space<semaphore_mem>>)
        %mul3A_394 = arith.constant 8 : i32
        %mul3A_395 = arith.muli %add3A_380, %mul3A_394 : i32
        %add3A_396 = arith.constant 1 : i32
        %add3A_397 = arith.addi %mul3A_395, %add3A_396 : i32
        %dma_start3A_398 = arith.constant 50 : i32
        %dma_start3A_399 = arith.constant 0 : i32
        %dma_start3A_400 = tpu.memref_slice %arg8[%dma_start3A_398, %dma_start3A_399] : memref<416x64xf32, #tpu.memory_space<vmem>> -> memref<50x64xf32, #tpu.memory_space<vmem>>
        %dma_start3A_401 = arith.constant 0 : i32
        %dma_start3A_402 = tpu.memref_slice %arg6[%add3A_397, %dma_start3A_401] : memref<128x50xi32, #tpu.memory_space<vmem>> -> memref<1x50xi32, #tpu.memory_space<vmem>>
        %dma_start3A_403 = tpu.memref_squeeze %dma_start3A_402 : memref<1x50xi32, #tpu.memory_space<vmem>> -> memref<50xi32, #tpu.memory_space<vmem>>
        %dma_start3A_404 = arith.constant 0 : i32
        %dma_start3A_405 = arith.constant 0 : i32
        %dma_start3A_406 = tpu.memref_slice %arg3[%dma_start3A_404, %dma_start3A_405] : memref<100000x64xf32, #tpu.memory_space<hbm>> -> memref<100000x64xf32, #tpu.memory_space<hbm>>
        tpu.enqueue_indirect_dma source(%dma_start3A_406 : memref<100000x64xf32, #tpu.memory_space<hbm>>) target(%dma_start3A_400 : memref<50x64xf32, #tpu.memory_space<vmem>>) offsets(%dma_start3A_403 : memref<50xi32, #tpu.memory_space<vmem>>) semaphore(%arg11 : memref<!tpu.dma_semaphore, #tpu.memory_space<semaphore_mem>>)
        %mul3A_407 = arith.constant 8 : i32
        %mul3A_408 = arith.muli %add3A_380, %mul3A_407 : i32
        %add3A_409 = arith.constant 2 : i32
        %add3A_410 = arith.addi %mul3A_408, %add3A_409 : i32
        %dma_start3A_411 = arith.constant 100 : i32
        %dma_start3A_412 = arith.constant 0 : i32
        %dma_start3A_413 = tpu.memref_slice %arg8[%dma_start3A_411, %dma_start3A_412] : memref<416x64xf32, #tpu.memory_space<vmem>> -> memref<50x64xf32, #tpu.memory_space<vmem>>
        %dma_start3A_414 = arith.constant 0 : i32
        %dma_start3A_415 = tpu.memref_slice %arg6[%add3A_410, %dma_start3A_414] : memref<128x50xi32, #tpu.memory_space<vmem>> -> memref<1x50xi32, #tpu.memory_space<vmem>>
        %dma_start3A_416 = tpu.memref_squeeze %dma_start3A_415 : memref<1x50xi32, #tpu.memory_space<vmem>> -> memref<50xi32, #tpu.memory_space<vmem>>
        %dma_start3A_417 = arith.constant 0 : i32
        %dma_start3A_418 = arith.constant 0 : i32
        %dma_start3A_419 = tpu.memref_slice %arg3[%dma_start3A_417, %dma_start3A_418] : memref<100000x64xf32, #tpu.memory_space<hbm>> -> memref<100000x64xf32, #tpu.memory_space<hbm>>
        tpu.enqueue_indirect_dma source(%dma_start3A_419 : memref<100000x64xf32, #tpu.memory_space<hbm>>) target(%dma_start3A_413 : memref<50x64xf32, #tpu.memory_space<vmem>>) offsets(%dma_start3A_416 : memref<50xi32, #tpu.memory_space<vmem>>) semaphore(%arg11 : memref<!tpu.dma_semaphore, #tpu.memory_space<semaphore_mem>>)
        %mul3A_420 = arith.constant 8 : i32
        %mul3A_421 = arith.muli %add3A_380, %mul3A_420 : i32
        %add3A_422 = arith.constant 3 : i32
        %add3A_423 = arith.addi %mul3A_421, %add3A_422 : i32
        %dma_start3A_424 = arith.constant 150 : i32
        %dma_start3A_425 = arith.constant 0 : i32
        %dma_start3A_426 = tpu.memref_slice %arg8[%dma_start3A_424, %dma_start3A_425] : memref<416x64xf32, #tpu.memory_space<vmem>> -> memref<50x64xf32, #tpu.memory_space<vmem>>
        %dma_start3A_427 = arith.constant 0 : i32
        %dma_start3A_428 = tpu.memref_slice %arg6[%add3A_423, %dma_start3A_427] : memref<128x50xi32, #tpu.memory_space<vmem>> -> memref<1x50xi32, #tpu.memory_space<vmem>>
        %dma_start3A_429 = tpu.memref_squeeze %dma_start3A_428 : memref<1x50xi32, #tpu.memory_space<vmem>> -> memref<50xi32, #tpu.memory_space<vmem>>
        %dma_start3A_430 = arith.constant 0 : i32
        %dma_start3A_431 = arith.constant 0 : i32
        %dma_start3A_432 = tpu.memref_slice %arg3[%dma_start3A_430, %dma_start3A_431] : memref<100000x64xf32, #tpu.memory_space<hbm>> -> memref<100000x64xf32, #tpu.memory_space<hbm>>
        tpu.enqueue_indirect_dma source(%dma_start3A_432 : memref<100000x64xf32, #tpu.memory_space<hbm>>) target(%dma_start3A_426 : memref<50x64xf32, #tpu.memory_space<vmem>>) offsets(%dma_start3A_429 : memref<50xi32, #tpu.memory_space<vmem>>) semaphore(%arg11 : memref<!tpu.dma_semaphore, #tpu.memory_space<semaphore_mem>>)
        %mul3A_433 = arith.constant 8 : i32
        %mul3A_434 = arith.muli %add3A_380, %mul3A_433 : i32
        %add3A_435 = arith.constant 4 : i32
        %add3A_436 = arith.addi %mul3A_434, %add3A_435 : i32
        %dma_start3A_437 = arith.constant 200 : i32
        %dma_start3A_438 = arith.constant 0 : i32
        %dma_start3A_439 = tpu.memref_slice %arg8[%dma_start3A_437, %dma_start3A_438] : memref<416x64xf32, #tpu.memory_space<vmem>> -> memref<50x64xf32, #tpu.memory_space<vmem>>
        %dma_start3A_440 = arith.constant 0 : i32
        %dma_start3A_441 = tpu.memref_slice %arg6[%add3A_436, %dma_start3A_440] : memref<128x50xi32, #tpu.memory_space<vmem>> -> memref<1x50xi32, #tpu.memory_space<vmem>>
        %dma_start3A_442 = tpu.memref_squeeze %dma_start3A_441 : memref<1x50xi32, #tpu.memory_space<vmem>> -> memref<50xi32, #tpu.memory_space<vmem>>
        %dma_start3A_443 = arith.constant 0 : i32
        %dma_start3A_444 = arith.constant 0 : i32
        %dma_start3A_445 = tpu.memref_slice %arg3[%dma_start3A_443, %dma_start3A_444] : memref<100000x64xf32, #tpu.memory_space<hbm>> -> memref<100000x64xf32, #tpu.memory_space<hbm>>
        tpu.enqueue_indirect_dma source(%dma_start3A_445 : memref<100000x64xf32, #tpu.memory_space<hbm>>) target(%dma_start3A_439 : memref<50x64xf32, #tpu.memory_space<vmem>>) offsets(%dma_start3A_442 : memref<50xi32, #tpu.memory_space<vmem>>) semaphore(%arg11 : memref<!tpu.dma_semaphore, #tpu.memory_space<semaphore_mem>>)
        %mul3A_446 = arith.constant 8 : i32
        %mul3A_447 = arith.muli %add3A_380, %mul3A_446 : i32
        %add3A_448 = arith.constant 5 : i32
        %add3A_449 = arith.addi %mul3A_447, %add3A_448 : i32
        %dma_start3A_450 = arith.constant 250 : i32
        %dma_start3A_451 = arith.constant 0 : i32
        %dma_start3A_452 = tpu.memref_slice %arg8[%dma_start3A_450, %dma_start3A_451] : memref<416x64xf32, #tpu.memory_space<vmem>> -> memref<50x64xf32, #tpu.memory_space<vmem>>
        %dma_start3A_453 = arith.constant 0 : i32
        %dma_start3A_454 = tpu.memref_slice %arg6[%add3A_449, %dma_start3A_453] : memref<128x50xi32, #tpu.memory_space<vmem>> -> memref<1x50xi32, #tpu.memory_space<vmem>>
        %dma_start3A_455 = tpu.memref_squeeze %dma_start3A_454 : memref<1x50xi32, #tpu.memory_space<vmem>> -> memref<50xi32, #tpu.memory_space<vmem>>
        %dma_start3A_456 = arith.constant 0 : i32
        %dma_start3A_457 = arith.constant 0 : i32
        %dma_start3A_458 = tpu.memref_slice %arg3[%dma_start3A_456, %dma_start3A_457] : memref<100000x64xf32, #tpu.memory_space<hbm>> -> memref<100000x64xf32, #tpu.memory_space<hbm>>
        tpu.enqueue_indirect_dma source(%dma_start3A_458 : memref<100000x64xf32, #tpu.memory_space<hbm>>) target(%dma_start3A_452 : memref<50x64xf32, #tpu.memory_space<vmem>>) offsets(%dma_start3A_455 : memref<50xi32, #tpu.memory_space<vmem>>) semaphore(%arg11 : memref<!tpu.dma_semaphore, #tpu.memory_space<semaphore_mem>>)
        %mul3A_459 = arith.constant 8 : i32
        %mul3A_460 = arith.muli %add3A_380, %mul3A_459 : i32
        %add3A_461 = arith.constant 6 : i32
        %add3A_462 = arith.addi %mul3A_460, %add3A_461 : i32
        %dma_start3A_463 = arith.constant 300 : i32
        %dma_start3A_464 = arith.constant 0 : i32
        %dma_start3A_465 = tpu.memref_slice %arg8[%dma_start3A_463, %dma_start3A_464] : memref<416x64xf32, #tpu.memory_space<vmem>> -> memref<50x64xf32, #tpu.memory_space<vmem>>
        %dma_start3A_466 = arith.constant 0 : i32
        %dma_start3A_467 = tpu.memref_slice %arg6[%add3A_462, %dma_start3A_466] : memref<128x50xi32, #tpu.memory_space<vmem>> -> memref<1x50xi32, #tpu.memory_space<vmem>>
        %dma_start3A_468 = tpu.memref_squeeze %dma_start3A_467 : memref<1x50xi32, #tpu.memory_space<vmem>> -> memref<50xi32, #tpu.memory_space<vmem>>
        %dma_start3A_469 = arith.constant 0 : i32
        %dma_start3A_470 = arith.constant 0 : i32
        %dma_start3A_471 = tpu.memref_slice %arg3[%dma_start3A_469, %dma_start3A_470] : memref<100000x64xf32, #tpu.memory_space<hbm>> -> memref<100000x64xf32, #tpu.memory_space<hbm>>
        tpu.enqueue_indirect_dma source(%dma_start3A_471 : memref<100000x64xf32, #tpu.memory_space<hbm>>) target(%dma_start3A_465 : memref<50x64xf32, #tpu.memory_space<vmem>>) offsets(%dma_start3A_468 : memref<50xi32, #tpu.memory_space<vmem>>) semaphore(%arg11 : memref<!tpu.dma_semaphore, #tpu.memory_space<semaphore_mem>>)
        %mul3A_472 = arith.constant 8 : i32
        %mul3A_473 = arith.muli %add3A_380, %mul3A_472 : i32
        %add3A_474 = arith.constant 7 : i32
        %add3A_475 = arith.addi %mul3A_473, %add3A_474 : i32
        %dma_start3A_476 = arith.constant 350 : i32
        %dma_start3A_477 = arith.constant 0 : i32
        %dma_start3A_478 = tpu.memref_slice %arg8[%dma_start3A_476, %dma_start3A_477] : memref<416x64xf32, #tpu.memory_space<vmem>> -> memref<50x64xf32, #tpu.memory_space<vmem>>
        %dma_start3A_479 = arith.constant 0 : i32
        %dma_start3A_480 = tpu.memref_slice %arg6[%add3A_475, %dma_start3A_479] : memref<128x50xi32, #tpu.memory_space<vmem>> -> memref<1x50xi32, #tpu.memory_space<vmem>>
        %dma_start3A_481 = tpu.memref_squeeze %dma_start3A_480 : memref<1x50xi32, #tpu.memory_space<vmem>> -> memref<50xi32, #tpu.memory_space<vmem>>
        %dma_start3A_482 = arith.constant 0 : i32
        %dma_start3A_483 = arith.constant 0 : i32
        %dma_start3A_484 = tpu.memref_slice %arg3[%dma_start3A_482, %dma_start3A_483] : memref<100000x64xf32, #tpu.memory_space<hbm>> -> memref<100000x64xf32, #tpu.memory_space<hbm>>
        tpu.enqueue_indirect_dma source(%dma_start3A_484 : memref<100000x64xf32, #tpu.memory_space<hbm>>) target(%dma_start3A_478 : memref<50x64xf32, #tpu.memory_space<vmem>>) offsets(%dma_start3A_481 : memref<50xi32, #tpu.memory_space<vmem>>) semaphore(%arg11 : memref<!tpu.dma_semaphore, #tpu.memory_space<semaphore_mem>>)
      } else {
      }
      %dma_wait3A_288 = arith.constant 0 : i32
      %dma_wait3A_289 = arith.constant 0 : i32
      %dma_wait3A_290 = arith.constant 0 : i32
      %dma_wait3A_291 = tpu.memref_slice %arg9[%dma_wait3A_289, %dma_wait3A_290] : memref<416x64xf32, #tpu.memory_space<vmem>> -> memref<50x64xf32, #tpu.memory_space<vmem>>
      %dma_wait3A_292 = arith.constant 0 : i32
      %dma_wait3A_293 = tpu.memref_slice %arg6[%dma_wait3A_288, %dma_wait3A_292] : memref<128x50xi32, #tpu.memory_space<vmem>> -> memref<1x50xi32, #tpu.memory_space<vmem>>
      %dma_wait3A_294 = tpu.memref_squeeze %dma_wait3A_293 : memref<1x50xi32, #tpu.memory_space<vmem>> -> memref<50xi32, #tpu.memory_space<vmem>>
      %dma_wait3A_295 = arith.constant 0 : i32
      %dma_wait3A_296 = arith.constant 0 : i32
      %dma_wait3A_297 = tpu.memref_slice %arg3[%dma_wait3A_295, %dma_wait3A_296] : memref<100000x64xf32, #tpu.memory_space<hbm>> -> memref<100000x64xf32, #tpu.memory_space<hbm>>
      tpu.wait_indirect_dma semaphore(%arg12 : memref<!tpu.dma_semaphore, #tpu.memory_space<semaphore_mem>>) src(%dma_wait3A_297 : memref<100000x64xf32, #tpu.memory_space<hbm>>) dst(%dma_wait3A_291 : memref<50x64xf32, #tpu.memory_space<vmem>>)
      %dma_wait3A_298 = arith.constant 1 : i32
      %dma_wait3A_299 = arith.constant 50 : i32
      %dma_wait3A_300 = arith.constant 0 : i32
      %dma_wait3A_301 = tpu.memref_slice %arg9[%dma_wait3A_299, %dma_wait3A_300] : memref<416x64xf32, #tpu.memory_space<vmem>> -> memref<50x64xf32, #tpu.memory_space<vmem>>
      %dma_wait3A_302 = arith.constant 0 : i32
      %dma_wait3A_303 = tpu.memref_slice %arg6[%dma_wait3A_298, %dma_wait3A_302] : memref<128x50xi32, #tpu.memory_space<vmem>> -> memref<1x50xi32, #tpu.memory_space<vmem>>
      %dma_wait3A_304 = tpu.memref_squeeze %dma_wait3A_303 : memref<1x50xi32, #tpu.memory_space<vmem>> -> memref<50xi32, #tpu.memory_space<vmem>>
      %dma_wait3A_305 = arith.constant 0 : i32
      %dma_wait3A_306 = arith.constant 0 : i32
      %dma_wait3A_307 = tpu.memref_slice %arg3[%dma_wait3A_305, %dma_wait3A_306] : memref<100000x64xf32, #tpu.memory_space<hbm>> -> memref<100000x64xf32, #tpu.memory_space<hbm>>
      tpu.wait_indirect_dma semaphore(%arg12 : memref<!tpu.dma_semaphore, #tpu.memory_space<semaphore_mem>>) src(%dma_wait3A_307 : memref<100000x64xf32, #tpu.memory_space<hbm>>) dst(%dma_wait3A_301 : memref<50x64xf32, #tpu.memory_space<vmem>>)
      %dma_wait3A_308 = arith.constant 2 : i32
      %dma_wait3A_309 = arith.constant 100 : i32
      %dma_wait3A_310 = arith.constant 0 : i32
      %dma_wait3A_311 = tpu.memref_slice %arg9[%dma_wait3A_309, %dma_wait3A_310] : memref<416x64xf32, #tpu.memory_space<vmem>> -> memref<50x64xf32, #tpu.memory_space<vmem>>
      %dma_wait3A_312 = arith.constant 0 : i32
      %dma_wait3A_313 = tpu.memref_slice %arg6[%dma_wait3A_308, %dma_wait3A_312] : memref<128x50xi32, #tpu.memory_space<vmem>> -> memref<1x50xi32, #tpu.memory_space<vmem>>
      %dma_wait3A_314 = tpu.memref_squeeze %dma_wait3A_313 : memref<1x50xi32, #tpu.memory_space<vmem>> -> memref<50xi32, #tpu.memory_space<vmem>>
      %dma_wait3A_315 = arith.constant 0 : i32
      %dma_wait3A_316 = arith.constant 0 : i32
      %dma_wait3A_317 = tpu.memref_slice %arg3[%dma_wait3A_315, %dma_wait3A_316] : memref<100000x64xf32, #tpu.memory_space<hbm>> -> memref<100000x64xf32, #tpu.memory_space<hbm>>
      tpu.wait_indirect_dma semaphore(%arg12 : memref<!tpu.dma_semaphore, #tpu.memory_space<semaphore_mem>>) src(%dma_wait3A_317 : memref<100000x64xf32, #tpu.memory_space<hbm>>) dst(%dma_wait3A_311 : memref<50x64xf32, #tpu.memory_space<vmem>>)
      %dma_wait3A_318 = arith.constant 3 : i32
      %dma_wait3A_319 = arith.constant 150 : i32
      %dma_wait3A_320 = arith.constant 0 : i32
      %dma_wait3A_321 = tpu.memref_slice %arg9[%dma_wait3A_319, %dma_wait3A_320] : memref<416x64xf32, #tpu.memory_space<vmem>> -> memref<50x64xf32, #tpu.memory_space<vmem>>
      %dma_wait3A_322 = arith.constant 0 : i32
      %dma_wait3A_323 = tpu.memref_slice %arg6[%dma_wait3A_318, %dma_wait3A_322] : memref<128x50xi32, #tpu.memory_space<vmem>> -> memref<1x50xi32, #tpu.memory_space<vmem>>
      %dma_wait3A_324 = tpu.memref_squeeze %dma_wait3A_323 : memref<1x50xi32, #tpu.memory_space<vmem>> -> memref<50xi32, #tpu.memory_space<vmem>>
      %dma_wait3A_325 = arith.constant 0 : i32
      %dma_wait3A_326 = arith.constant 0 : i32
      %dma_wait3A_327 = tpu.memref_slice %arg3[%dma_wait3A_325, %dma_wait3A_326] : memref<100000x64xf32, #tpu.memory_space<hbm>> -> memref<100000x64xf32, #tpu.memory_space<hbm>>
      tpu.wait_indirect_dma semaphore(%arg12 : memref<!tpu.dma_semaphore, #tpu.memory_space<semaphore_mem>>) src(%dma_wait3A_327 : memref<100000x64xf32, #tpu.memory_space<hbm>>) dst(%dma_wait3A_321 : memref<50x64xf32, #tpu.memory_space<vmem>>)
      %dma_wait3A_328 = arith.constant 4 : i32
      %dma_wait3A_329 = arith.constant 200 : i32
      %dma_wait3A_330 = arith.constant 0 : i32
      %dma_wait3A_331 = tpu.memref_slice %arg9[%dma_wait3A_329, %dma_wait3A_330] : memref<416x64xf32, #tpu.memory_space<vmem>> -> memref<50x64xf32, #tpu.memory_space<vmem>>
      %dma_wait3A_332 = arith.constant 0 : i32
      %dma_wait3A_333 = tpu.memref_slice %arg6[%dma_wait3A_328, %dma_wait3A_332] : memref<128x50xi32, #tpu.memory_space<vmem>> -> memref<1x50xi32, #tpu.memory_space<vmem>>
      %dma_wait3A_334 = tpu.memref_squeeze %dma_wait3A_333 : memref<1x50xi32, #tpu.memory_space<vmem>> -> memref<50xi32, #tpu.memory_space<vmem>>
      %dma_wait3A_335 = arith.constant 0 : i32
      %dma_wait3A_336 = arith.constant 0 : i32
      %dma_wait3A_337 = tpu.memref_slice %arg3[%dma_wait3A_335, %dma_wait3A_336] : memref<100000x64xf32, #tpu.memory_space<hbm>> -> memref<100000x64xf32, #tpu.memory_space<hbm>>
      tpu.wait_indirect_dma semaphore(%arg12 : memref<!tpu.dma_semaphore, #tpu.memory_space<semaphore_mem>>) src(%dma_wait3A_337 : memref<100000x64xf32, #tpu.memory_space<hbm>>) dst(%dma_wait3A_331 : memref<50x64xf32, #tpu.memory_space<vmem>>)
      %dma_wait3A_338 = arith.constant 5 : i32
      %dma_wait3A_339 = arith.constant 250 : i32
      %dma_wait3A_340 = arith.constant 0 : i32
      %dma_wait3A_341 = tpu.memref_slice %arg9[%dma_wait3A_339, %dma_wait3A_340] : memref<416x64xf32, #tpu.memory_space<vmem>> -> memref<50x64xf32, #tpu.memory_space<vmem>>
      %dma_wait3A_342 = arith.constant 0 : i32
      %dma_wait3A_343 = tpu.memref_slice %arg6[%dma_wait3A_338, %dma_wait3A_342] : memref<128x50xi32, #tpu.memory_space<vmem>> -> memref<1x50xi32, #tpu.memory_space<vmem>>
      %dma_wait3A_344 = tpu.memref_squeeze %dma_wait3A_343 : memref<1x50xi32, #tpu.memory_space<vmem>> -> memref<50xi32, #tpu.memory_space<vmem>>
      %dma_wait3A_345 = arith.constant 0 : i32
      %dma_wait3A_346 = arith.constant 0 : i32
      %dma_wait3A_347 = tpu.memref_slice %arg3[%dma_wait3A_345, %dma_wait3A_346] : memref<100000x64xf32, #tpu.memory_space<hbm>> -> memref<100000x64xf32, #tpu.memory_space<hbm>>
      tpu.wait_indirect_dma semaphore(%arg12 : memref<!tpu.dma_semaphore, #tpu.memory_space<semaphore_mem>>) src(%dma_wait3A_347 : memref<100000x64xf32, #tpu.memory_space<hbm>>) dst(%dma_wait3A_341 : memref<50x64xf32, #tpu.memory_space<vmem>>)
      %dma_wait3A_348 = arith.constant 6 : i32
      %dma_wait3A_349 = arith.constant 300 : i32
      %dma_wait3A_350 = arith.constant 0 : i32
      %dma_wait3A_351 = tpu.memref_slice %arg9[%dma_wait3A_349, %dma_wait3A_350] : memref<416x64xf32, #tpu.memory_space<vmem>> -> memref<50x64xf32, #tpu.memory_space<vmem>>
      %dma_wait3A_352 = arith.constant 0 : i32
      %dma_wait3A_353 = tpu.memref_slice %arg6[%dma_wait3A_348, %dma_wait3A_352] : memref<128x50xi32, #tpu.memory_space<vmem>> -> memref<1x50xi32, #tpu.memory_space<vmem>>
      %dma_wait3A_354 = tpu.memref_squeeze %dma_wait3A_353 : memref<1x50xi32, #tpu.memory_space<vmem>> -> memref<50xi32, #tpu.memory_space<vmem>>
      %dma_wait3A_355 = arith.constant 0 : i32
      %dma_wait3A_356 = arith.constant 0 : i32
      %dma_wait3A_357 = tpu.memref_slice %arg3[%dma_wait3A_355, %dma_wait3A_356] : memref<100000x64xf32, #tpu.memory_space<hbm>> -> memref<100000x64xf32, #tpu.memory_space<hbm>>
      tpu.wait_indirect_dma semaphore(%arg12 : memref<!tpu.dma_semaphore, #tpu.memory_space<semaphore_mem>>) src(%dma_wait3A_357 : memref<100000x64xf32, #tpu.memory_space<hbm>>) dst(%dma_wait3A_351 : memref<50x64xf32, #tpu.memory_space<vmem>>)
      %dma_wait3A_358 = arith.constant 7 : i32
      %dma_wait3A_359 = arith.constant 350 : i32
      %dma_wait3A_360 = arith.constant 0 : i32
      %dma_wait3A_361 = tpu.memref_slice %arg9[%dma_wait3A_359, %dma_wait3A_360] : memref<416x64xf32, #tpu.memory_space<vmem>> -> memref<50x64xf32, #tpu.memory_space<vmem>>
      %dma_wait3A_362 = arith.constant 0 : i32
      %dma_wait3A_363 = tpu.memref_slice %arg6[%dma_wait3A_358, %dma_wait3A_362] : memref<128x50xi32, #tpu.memory_space<vmem>> -> memref<1x50xi32, #tpu.memory_space<vmem>>
      %dma_wait3A_364 = tpu.memref_squeeze %dma_wait3A_363 : memref<1x50xi32, #tpu.memory_space<vmem>> -> memref<50xi32, #tpu.memory_space<vmem>>
      %dma_wait3A_365 = arith.constant 0 : i32
      %dma_wait3A_366 = arith.constant 0 : i32
      %dma_wait3A_367 = tpu.memref_slice %arg3[%dma_wait3A_365, %dma_wait3A_366] : memref<100000x64xf32, #tpu.memory_space<hbm>> -> memref<100000x64xf32, #tpu.memory_space<hbm>>
      tpu.wait_indirect_dma semaphore(%arg12 : memref<!tpu.dma_semaphore, #tpu.memory_space<semaphore_mem>>) src(%dma_wait3A_367 : memref<100000x64xf32, #tpu.memory_space<hbm>>) dst(%dma_wait3A_361 : memref<50x64xf32, #tpu.memory_space<vmem>>)
      %add3A_368 = arith.constant 1 : i32
      %add3A_369 = arith.addi %mul3A_89, %add3A_368 : i32
      %scan3A_370 = arith.constant 0 : i32
      %scan3A_371 = arith.constant 0 : i32
      %scan3A_372 = arith.constant 8 : i32
      %scan3A_373 = arith.addi %scan3A_371, %scan3A_372 : i32
      %scan3A_374 = arith.constant 1 : i32
      scf.for %scan3A_379 = %scan3A_371 to %scan3A_373 step %scan3A_374  : i32 {
        %mul3A_380 = arith.constant 8 : i32
        %mul3A_381 = arith.muli %add3A_369, %mul3A_380 : i32
        %add3A_382 = arith.addi %mul3A_381, %scan3A_379 : i32
        %mul3A_383 = arith.constant 50 : i32
        %mul3A_384 = arith.muli %scan3A_379, %mul3A_383 : i32
        %get3A = arith.index_cast %add3A_382 : i32 to index
        %get3A_385 = arith.constant 0 : index
        %get3A_386 = tpu.vector_load %arg7[%get3A, %get3A_385] {strides = array<i32>} : memref<128x64xf32, #tpu.memory_space<vmem>>, vector<16xf32>,
        %get3A_387 = arith.index_cast %add3A_382 : i32 to index
        %get3A_388 = arith.constant 16 : index
        %get3A_389 = tpu.vector_load %arg7[%get3A_387, %get3A_388] {strides = array<i32>} : memref<128x64xf32, #tpu.memory_space<vmem>>, vector<16xf32>,
        %get3A_390 = arith.index_cast %add3A_382 : i32 to index
        %get3A_391 = arith.constant 32 : index
        %get3A_392 = tpu.vector_load %arg7[%get3A_390, %get3A_391] {strides = array<i32>} : memref<128x64xf32, #tpu.memory_space<vmem>>, vector<16xf32>,
        %get3A_393 = arith.index_cast %add3A_382 : i32 to index
        %get3A_394 = arith.constant 48 : index
        %get3A_395 = tpu.vector_load %arg7[%get3A_393, %get3A_394] {strides = array<i32>} : memref<128x64xf32, #tpu.memory_space<vmem>>, vector<16xf32>,
        %broadcast_in_dim3A = arith.constant 0.000000e+00 : f32
        %broadcast_in_dim3A_396 = vector.broadcast %broadcast_in_dim3A : f32 to vector<16xf32>
        %broadcast_in_dim3A_397 = arith.constant 0.000000e+00 : f32
        %broadcast_in_dim3A_398 = vector.broadcast %broadcast_in_dim3A_397 : f32 to vector<16xf32>
        %broadcast_in_dim3A_399 = arith.constant 0.000000e+00 : f32
        %broadcast_in_dim3A_400 = vector.broadcast %broadcast_in_dim3A_399 : f32 to vector<16xf32>
        %broadcast_in_dim3A_401 = arith.constant 0.000000e+00 : f32
        %broadcast_in_dim3A_402 = vector.broadcast %broadcast_in_dim3A_401 : f32 to vector<16xf32>
        %add3A_403 = arith.constant 0 : i32
        %add3A_404 = arith.addi %mul3A_384, %add3A_403 : i32
        %get3A_405 = arith.index_cast %add3A_404 : i32 to index
        %get3A_406 = arith.constant 0 : index
        %get3A_407 = tpu.vector_load %arg9[%get3A_405, %get3A_406] {strides = array<i32>} : memref<416x64xf32, #tpu.memory_space<vmem>>, vector<16xf32>,
        %mul3A_408 = arith.mulf %get3A_386, %get3A_407 : vector<16xf32>
        %get3A_409 = arith.index_cast %add3A_404 : i32 to index
        %get3A_410 = arith.constant 16 : index
        %get3A_411 = tpu.vector_load %arg9[%get3A_409, %get3A_410] {strides = array<i32>} : memref<416x64xf32, #tpu.memory_space<vmem>>, vector<16xf32>,
        %mul3A_412 = arith.mulf %get3A_389, %get3A_411 : vector<16xf32>
        %add3A_413 = arith.addf %mul3A_408, %mul3A_412 : vector<16xf32>
        %get3A_414 = arith.index_cast %add3A_404 : i32 to index
        %get3A_415 = arith.constant 32 : index
        %get3A_416 = tpu.vector_load %arg9[%get3A_414, %get3A_415] {strides = array<i32>} : memref<416x64xf32, #tpu.memory_space<vmem>>, vector<16xf32>,
        %mul3A_417 = arith.mulf %get3A_392, %get3A_416 : vector<16xf32>
        %add3A_418 = arith.addf %add3A_413, %mul3A_417 : vector<16xf32>
        %get3A_419 = arith.index_cast %add3A_404 : i32 to index
        %get3A_420 = arith.constant 48 : index
        %get3A_421 = tpu.vector_load %arg9[%get3A_419, %get3A_420] {strides = array<i32>} : memref<416x64xf32, #tpu.memory_space<vmem>>, vector<16xf32>,
        %mul3A_422 = arith.mulf %get3A_395, %get3A_421 : vector<16xf32>
        %add3A_423 = arith.addf %add3A_418, %mul3A_422 : vector<16xf32>
        %reduce_sum3A = arith.constant true
        %reduce_sum3A_424 = vector.broadcast %reduce_sum3A : i1 to vector<16xi1>
        %reduce_sum3A_425 = tpu.scan <sum>, %add3A_423 masked %reduce_sum3A_424 : vector<16xf32>, vector<16xi1> -> vector<16xf32>
        %reduce_sum3A_426 = vector.extract %reduce_sum3A_425[15] : f32 from vector<16xf32>
        %eq3A = arith.constant 0 : i32
        %eq3A_427 = vector.broadcast %eq3A : i32 to vector<16xi32>
        %eq3A_428 = arith.cmpi eq, %iota3A, %eq3A_427 : vector<16xi32>
        %broadcast_in_dim3A_429 = vector.broadcast %reduce_sum3A_426 : f32 to vector<16xf32>
        %select_n3A = arith.select %eq3A_428, %broadcast_in_dim3A_429, %broadcast_in_dim3A_396 : vector<16xi1>, vector<16xf32>
        %add3A_430 = arith.constant 1 : i32
        %add3A_431 = arith.addi %mul3A_384, %add3A_430 : i32
        %get3A_432 = arith.index_cast %add3A_431 : i32 to index
        %get3A_433 = arith.constant 0 : index
        %get3A_434 = tpu.vector_load %arg9[%get3A_432, %get3A_433] {strides = array<i32>} : memref<416x64xf32, #tpu.memory_space<vmem>>, vector<16xf32>,
        %mul3A_435 = arith.mulf %get3A_386, %get3A_434 : vector<16xf32>
        %get3A_436 = arith.index_cast %add3A_431 : i32 to index
        %get3A_437 = arith.constant 16 : index
        %get3A_438 = tpu.vector_load %arg9[%get3A_436, %get3A_437] {strides = array<i32>} : memref<416x64xf32, #tpu.memory_space<vmem>>, vector<16xf32>,
        %mul3A_439 = arith.mulf %get3A_389, %get3A_438 : vector<16xf32>
        %add3A_440 = arith.addf %mul3A_435, %mul3A_439 : vector<16xf32>
        %get3A_441 = arith.index_cast %add3A_431 : i32 to index
        %get3A_442 = arith.constant 32 : index
        %get3A_443 = tpu.vector_load %arg9[%get3A_441, %get3A_442] {strides = array<i32>} : memref<416x64xf32, #tpu.memory_space<vmem>>, vector<16xf32>,
        %mul3A_444 = arith.mulf %get3A_392, %get3A_443 : vector<16xf32>
        %add3A_445 = arith.addf %add3A_440, %mul3A_444 : vector<16xf32>
        %get3A_446 = arith.index_cast %add3A_431 : i32 to index
        %get3A_447 = arith.constant 48 : index
        %get3A_448 = tpu.vector_load %arg9[%get3A_446, %get3A_447] {strides = array<i32>} : memref<416x64xf32, #tpu.memory_space<vmem>>, vector<16xf32>,
        %mul3A_449 = arith.mulf %get3A_395, %get3A_448 : vector<16xf32>
        %add3A_450 = arith.addf %add3A_445, %mul3A_449 : vector<16xf32>
        %reduce_sum3A_451 = arith.constant true
        %reduce_sum3A_452 = vector.broadcast %reduce_sum3A_451 : i1 to vector<16xi1>
        %reduce_sum3A_453 = tpu.scan <sum>, %add3A_450 masked %reduce_sum3A_452 : vector<16xf32>, vector<16xi1> -> vector<16xf32>
        %reduce_sum3A_454 = vector.extract %reduce_sum3A_453[15] : f32 from vector<16xf32>
        %eq3A_455 = arith.constant 1 : i32
        %eq3A_456 = vector.broadcast %eq3A_455 : i32 to vector<16xi32>
        %eq3A_457 = arith.cmpi eq, %iota3A, %eq3A_456 : vector<16xi32>
        %broadcast_in_dim3A_458 = vector.broadcast %reduce_sum3A_454 : f32 to vector<16xf32>
        %select_n3A_459 = arith.select %eq3A_457, %broadcast_in_dim3A_458, %select_n3A : vector<16xi1>, vector<16xf32>
        %add3A_460 = arith.constant 2 : i32
        %add3A_461 = arith.addi %mul3A_384, %add3A_460 : i32
        %get3A_462 = arith.index_cast %add3A_461 : i32 to index
        %get3A_463 = arith.constant 0 : index
        %get3A_464 = tpu.vector_load %arg9[%get3A_462, %get3A_463] {strides = array<i32>} : memref<416x64xf32, #tpu.memory_space<vmem>>, vector<16xf32>,
        %mul3A_465 = arith.mulf %get3A_386, %get3A_464 : vector<16xf32>
        %get3A_466 = arith.index_cast %add3A_461 : i32 to index
        %get3A_467 = arith.constant 16 : index
        %get3A_468 = tpu.vector_load %arg9[%get3A_466, %get3A_467] {strides = array<i32>} : memref<416x64xf32, #tpu.memory_space<vmem>>, vector<16xf32>,
        %mul3A_469 = arith.mulf %get3A_389, %get3A_468 : vector<16xf32>
        %add3A_470 = arith.addf %mul3A_465, %mul3A_469 : vector<16xf32>
        %get3A_471 = arith.index_cast %add3A_461 : i32 to index
        %get3A_472 = arith.constant 32 : index
        %get3A_473 = tpu.vector_load %arg9[%get3A_471, %get3A_472] {strides = array<i32>} : memref<416x64xf32, #tpu.memory_space<vmem>>, vector<16xf32>,
        %mul3A_474 = arith.mulf %get3A_392, %get3A_473 : vector<16xf32>
        %add3A_475 = arith.addf %add3A_470, %mul3A_474 : vector<16xf32>
        %get3A_476 = arith.index_cast %add3A_461 : i32 to index
        %get3A_477 = arith.constant 48 : index
        %get3A_478 = tpu.vector_load %arg9[%get3A_476, %get3A_477] {strides = array<i32>} : memref<416x64xf32, #tpu.memory_space<vmem>>, vector<16xf32>,
        %mul3A_479 = arith.mulf %get3A_395, %get3A_478 : vector<16xf32>
        %add3A_480 = arith.addf %add3A_475, %mul3A_479 : vector<16xf32>
        %reduce_sum3A_481 = arith.constant true
        %reduce_sum3A_482 = vector.broadcast %reduce_sum3A_481 : i1 to vector<16xi1>
        %reduce_sum3A_483 = tpu.scan <sum>, %add3A_480 masked %reduce_sum3A_482 : vector<16xf32>, vector<16xi1> -> vector<16xf32>
        %reduce_sum3A_484 = vector.extract %reduce_sum3A_483[15] : f32 from vector<16xf32>
        %eq3A_485 = arith.constant 2 : i32
        %eq3A_486 = vector.broadcast %eq3A_485 : i32 to vector<16xi32>
        %eq3A_487 = arith.cmpi eq, %iota3A, %eq3A_486 : vector<16xi32>
        %broadcast_in_dim3A_488 = vector.broadcast %reduce_sum3A_484 : f32 to vector<16xf32>
        %select_n3A_489 = arith.select %eq3A_487, %broadcast_in_dim3A_488, %select_n3A_459 : vector<16xi1>, vector<16xf32>
        %add3A_490 = arith.constant 3 : i32
        %add3A_491 = arith.addi %mul3A_384, %add3A_490 : i32
        %get3A_492 = arith.index_cast %add3A_491 : i32 to index
        %get3A_493 = arith.constant 0 : index
        %get3A_494 = tpu.vector_load %arg9[%get3A_492, %get3A_493] {strides = array<i32>} : memref<416x64xf32, #tpu.memory_space<vmem>>, vector<16xf32>,
        %mul3A_495 = arith.mulf %get3A_386, %get3A_494 : vector<16xf32>
        %get3A_496 = arith.index_cast %add3A_491 : i32 to index
        %get3A_497 = arith.constant 16 : index
        %get3A_498 = tpu.vector_load %arg9[%get3A_496, %get3A_497] {strides = array<i32>} : memref<416x64xf32, #tpu.memory_space<vmem>>, vector<16xf32>,
        %mul3A_499 = arith.mulf %get3A_389, %get3A_498 : vector<16xf32>
        %add3A_500 = arith.addf %mul3A_495, %mul3A_499 : vector<16xf32>
        %get3A_501 = arith.index_cast %add3A_491 : i32 to index
        %get3A_502 = arith.constant 32 : index
        %get3A_503 = tpu.vector_load %arg9[%get3A_501, %get3A_502] {strides = array<i32>} : memref<416x64xf32, #tpu.memory_space<vmem>>, vector<16xf32>,
        %mul3A_504 = arith.mulf %get3A_392, %get3A_503 : vector<16xf32>
        %add3A_505 = arith.addf %add3A_500, %mul3A_504 : vector<16xf32>
        %get3A_506 = arith.index_cast %add3A_491 : i32 to index
        %get3A_507 = arith.constant 48 : index
        %get3A_508 = tpu.vector_load %arg9[%get3A_506, %get3A_507] {strides = array<i32>} : memref<416x64xf32, #tpu.memory_space<vmem>>, vector<16xf32>,
        %mul3A_509 = arith.mulf %get3A_395, %get3A_508 : vector<16xf32>
        %add3A_510 = arith.addf %add3A_505, %mul3A_509 : vector<16xf32>
        %reduce_sum3A_511 = arith.constant true
        %reduce_sum3A_512 = vector.broadcast %reduce_sum3A_511 : i1 to vector<16xi1>
        %reduce_sum3A_513 = tpu.scan <sum>, %add3A_510 masked %reduce_sum3A_512 : vector<16xf32>, vector<16xi1> -> vector<16xf32>
        %reduce_sum3A_514 = vector.extract %reduce_sum3A_513[15] : f32 from vector<16xf32>
        %eq3A_515 = arith.constant 3 : i32
        %eq3A_516 = vector.broadcast %eq3A_515 : i32 to vector<16xi32>
        %eq3A_517 = arith.cmpi eq, %iota3A, %eq3A_516 : vector<16xi32>
        %broadcast_in_dim3A_518 = vector.broadcast %reduce_sum3A_514 : f32 to vector<16xf32>
        %select_n3A_519 = arith.select %eq3A_517, %broadcast_in_dim3A_518, %select_n3A_489 : vector<16xi1>, vector<16xf32>
        %add3A_520 = arith.constant 4 : i32
        %add3A_521 = arith.addi %mul3A_384, %add3A_520 : i32
        %get3A_522 = arith.index_cast %add3A_521 : i32 to index
        %get3A_523 = arith.constant 0 : index
        %get3A_524 = tpu.vector_load %arg9[%get3A_522, %get3A_523] {strides = array<i32>} : memref<416x64xf32, #tpu.memory_space<vmem>>, vector<16xf32>,
        %mul3A_525 = arith.mulf %get3A_386, %get3A_524 : vector<16xf32>
        %get3A_526 = arith.index_cast %add3A_521 : i32 to index
        %get3A_527 = arith.constant 16 : index
        %get3A_528 = tpu.vector_load %arg9[%get3A_526, %get3A_527] {strides = array<i32>} : memref<416x64xf32, #tpu.memory_space<vmem>>, vector<16xf32>,
        %mul3A_529 = arith.mulf %get3A_389, %get3A_528 : vector<16xf32>
        %add3A_530 = arith.addf %mul3A_525, %mul3A_529 : vector<16xf32>
        %get3A_531 = arith.index_cast %add3A_521 : i32 to index
        %get3A_532 = arith.constant 32 : index
        %get3A_533 = tpu.vector_load %arg9[%get3A_531, %get3A_532] {strides = array<i32>} : memref<416x64xf32, #tpu.memory_space<vmem>>, vector<16xf32>,
        %mul3A_534 = arith.mulf %get3A_392, %get3A_533 : vector<16xf32>
        %add3A_535 = arith.addf %add3A_530, %mul3A_534 : vector<16xf32>
        %get3A_536 = arith.index_cast %add3A_521 : i32 to index
        %get3A_537 = arith.constant 48 : index
        %get3A_538 = tpu.vector_load %arg9[%get3A_536, %get3A_537] {strides = array<i32>} : memref<416x64xf32, #tpu.memory_space<vmem>>, vector<16xf32>,
        %mul3A_539 = arith.mulf %get3A_395, %get3A_538 : vector<16xf32>
        %add3A_540 = arith.addf %add3A_535, %mul3A_539 : vector<16xf32>
        %reduce_sum3A_541 = arith.constant true
        %reduce_sum3A_542 = vector.broadcast %reduce_sum3A_541 : i1 to vector<16xi1>
        %reduce_sum3A_543 = tpu.scan <sum>, %add3A_540 masked %reduce_sum3A_542 : vector<16xf32>, vector<16xi1> -> vector<16xf32>
        %reduce_sum3A_544 = vector.extract %reduce_sum3A_543[15] : f32 from vector<16xf32>
        %eq3A_545 = arith.constant 4 : i32
        %eq3A_546 = vector.broadcast %eq3A_545 : i32 to vector<16xi32>
        %eq3A_547 = arith.cmpi eq, %iota3A, %eq3A_546 : vector<16xi32>
        %broadcast_in_dim3A_548 = vector.broadcast %reduce_sum3A_544 : f32 to vector<16xf32>
        %select_n3A_549 = arith.select %eq3A_547, %broadcast_in_dim3A_548, %select_n3A_519 : vector<16xi1>, vector<16xf32>
        %add3A_550 = arith.constant 5 : i32
        %add3A_551 = arith.addi %mul3A_384, %add3A_550 : i32
        %get3A_552 = arith.index_cast %add3A_551 : i32 to index
        %get3A_553 = arith.constant 0 : index
        %get3A_554 = tpu.vector_load %arg9[%get3A_552, %get3A_553] {strides = array<i32>} : memref<416x64xf32, #tpu.memory_space<vmem>>, vector<16xf32>,
        %mul3A_555 = arith.mulf %get3A_386, %get3A_554 : vector<16xf32>
        %get3A_556 = arith.index_cast %add3A_551 : i32 to index
        %get3A_557 = arith.constant 16 : index
        %get3A_558 = tpu.vector_load %arg9[%get3A_556, %get3A_557] {strides = array<i32>} : memref<416x64xf32, #tpu.memory_space<vmem>>, vector<16xf32>,
        %mul3A_559 = arith.mulf %get3A_389, %get3A_558 : vector<16xf32>
        %add3A_560 = arith.addf %mul3A_555, %mul3A_559 : vector<16xf32>
        %get3A_561 = arith.index_cast %add3A_551 : i32 to index
        %get3A_562 = arith.constant 32 : index
        %get3A_563 = tpu.vector_load %arg9[%get3A_561, %get3A_562] {strides = array<i32>} : memref<416x64xf32, #tpu.memory_space<vmem>>, vector<16xf32>,
        %mul3A_564 = arith.mulf %get3A_392, %get3A_563 : vector<16xf32>
        %add3A_565 = arith.addf %add3A_560, %mul3A_564 : vector<16xf32>
        %get3A_566 = arith.index_cast %add3A_551 : i32 to index
        %get3A_567 = arith.constant 48 : index
        %get3A_568 = tpu.vector_load %arg9[%get3A_566, %get3A_567] {strides = array<i32>} : memref<416x64xf32, #tpu.memory_space<vmem>>, vector<16xf32>,
        %mul3A_569 = arith.mulf %get3A_395, %get3A_568 : vector<16xf32>
        %add3A_570 = arith.addf %add3A_565, %mul3A_569 : vector<16xf32>
        %reduce_sum3A_571 = arith.constant true
        %reduce_sum3A_572 = vector.broadcast %reduce_sum3A_571 : i1 to vector<16xi1>
        %reduce_sum3A_573 = tpu.scan <sum>, %add3A_570 masked %reduce_sum3A_572 : vector<16xf32>, vector<16xi1> -> vector<16xf32>
        %reduce_sum3A_574 = vector.extract %reduce_sum3A_573[15] : f32 from vector<16xf32>
        %eq3A_575 = arith.constant 5 : i32
        %eq3A_576 = vector.broadcast %eq3A_575 : i32 to vector<16xi32>
        %eq3A_577 = arith.cmpi eq, %iota3A, %eq3A_576 : vector<16xi32>
        %broadcast_in_dim3A_578 = vector.broadcast %reduce_sum3A_574 : f32 to vector<16xf32>
        %select_n3A_579 = arith.select %eq3A_577, %broadcast_in_dim3A_578, %select_n3A_549 : vector<16xi1>, vector<16xf32>
        %add3A_580 = arith.constant 6 : i32
        %add3A_581 = arith.addi %mul3A_384, %add3A_580 : i32
        %get3A_582 = arith.index_cast %add3A_581 : i32 to index
        %get3A_583 = arith.constant 0 : index
        %get3A_584 = tpu.vector_load %arg9[%get3A_582, %get3A_583] {strides = array<i32>} : memref<416x64xf32, #tpu.memory_space<vmem>>, vector<16xf32>,
        %mul3A_585 = arith.mulf %get3A_386, %get3A_584 : vector<16xf32>
        %get3A_586 = arith.index_cast %add3A_581 : i32 to index
        %get3A_587 = arith.constant 16 : index
        %get3A_588 = tpu.vector_load %arg9[%get3A_586, %get3A_587] {strides = array<i32>} : memref<416x64xf32, #tpu.memory_space<vmem>>, vector<16xf32>,
        %mul3A_589 = arith.mulf %get3A_389, %get3A_588 : vector<16xf32>
        %add3A_590 = arith.addf %mul3A_585, %mul3A_589 : vector<16xf32>
        %get3A_591 = arith.index_cast %add3A_581 : i32 to index
        %get3A_592 = arith.constant 32 : index
        %get3A_593 = tpu.vector_load %arg9[%get3A_591, %get3A_592] {strides = array<i32>} : memref<416x64xf32, #tpu.memory_space<vmem>>, vector<16xf32>,
        %mul3A_594 = arith.mulf %get3A_392, %get3A_593 : vector<16xf32>
        %add3A_595 = arith.addf %add3A_590, %mul3A_594 : vector<16xf32>
        %get3A_596 = arith.index_cast %add3A_581 : i32 to index
        %get3A_597 = arith.constant 48 : index
        %get3A_598 = tpu.vector_load %arg9[%get3A_596, %get3A_597] {strides = array<i32>} : memref<416x64xf32, #tpu.memory_space<vmem>>, vector<16xf32>,
        %mul3A_599 = arith.mulf %get3A_395, %get3A_598 : vector<16xf32>
        %add3A_600 = arith.addf %add3A_595, %mul3A_599 : vector<16xf32>
        %reduce_sum3A_601 = arith.constant true
        %reduce_sum3A_602 = vector.broadcast %reduce_sum3A_601 : i1 to vector<16xi1>
        %reduce_sum3A_603 = tpu.scan <sum>, %add3A_600 masked %reduce_sum3A_602 : vector<16xf32>, vector<16xi1> -> vector<16xf32>
        %reduce_sum3A_604 = vector.extract %reduce_sum3A_603[15] : f32 from vector<16xf32>
        %eq3A_605 = arith.constant 6 : i32
        %eq3A_606 = vector.broadcast %eq3A_605 : i32 to vector<16xi32>
        %eq3A_607 = arith.cmpi eq, %iota3A, %eq3A_606 : vector<16xi32>
        %broadcast_in_dim3A_608 = vector.broadcast %reduce_sum3A_604 : f32 to vector<16xf32>
        %select_n3A_609 = arith.select %eq3A_607, %broadcast_in_dim3A_608, %select_n3A_579 : vector<16xi1>, vector<16xf32>
        %add3A_610 = arith.constant 7 : i32
        %add3A_611 = arith.addi %mul3A_384, %add3A_610 : i32
        %get3A_612 = arith.index_cast %add3A_611 : i32 to index
        %get3A_613 = arith.constant 0 : index
        %get3A_614 = tpu.vector_load %arg9[%get3A_612, %get3A_613] {strides = array<i32>} : memref<416x64xf32, #tpu.memory_space<vmem>>, vector<16xf32>,
        %mul3A_615 = arith.mulf %get3A_386, %get3A_614 : vector<16xf32>
        %get3A_616 = arith.index_cast %add3A_611 : i32 to index
        %get3A_617 = arith.constant 16 : index
        %get3A_618 = tpu.vector_load %arg9[%get3A_616, %get3A_617] {strides = array<i32>} : memref<416x64xf32, #tpu.memory_space<vmem>>, vector<16xf32>,
        %mul3A_619 = arith.mulf %get3A_389, %get3A_618 : vector<16xf32>
        %add3A_620 = arith.addf %mul3A_615, %mul3A_619 : vector<16xf32>
        %get3A_621 = arith.index_cast %add3A_611 : i32 to index
        %get3A_622 = arith.constant 32 : index
        %get3A_623 = tpu.vector_load %arg9[%get3A_621, %get3A_622] {strides = array<i32>} : memref<416x64xf32, #tpu.memory_space<vmem>>, vector<16xf32>,
        %mul3A_624 = arith.mulf %get3A_392, %get3A_623 : vector<16xf32>
        %add3A_625 = arith.addf %add3A_620, %mul3A_624 : vector<16xf32>
        %get3A_626 = arith.index_cast %add3A_611 : i32 to index
        %get3A_627 = arith.constant 48 : index
        %get3A_628 = tpu.vector_load %arg9[%get3A_626, %get3A_627] {strides = array<i32>} : memref<416x64xf32, #tpu.memory_space<vmem>>, vector<16xf32>,
        %mul3A_629 = arith.mulf %get3A_395, %get3A_628 : vector<16xf32>
        %add3A_630 = arith.addf %add3A_625, %mul3A_629 : vector<16xf32>
        %reduce_sum3A_631 = arith.constant true
        %reduce_sum3A_632 = vector.broadcast %reduce_sum3A_631 : i1 to vector<16xi1>
        %reduce_sum3A_633 = tpu.scan <sum>, %add3A_630 masked %reduce_sum3A_632 : vector<16xf32>, vector<16xi1> -> vector<16xf32>
        %reduce_sum3A_634 = vector.extract %reduce_sum3A_633[15] : f32 from vector<16xf32>
        %eq3A_635 = arith.constant 7 : i32
        %eq3A_636 = vector.broadcast %eq3A_635 : i32 to vector<16xi32>
        %eq3A_637 = arith.cmpi eq, %iota3A, %eq3A_636 : vector<16xi32>
        %broadcast_in_dim3A_638 = vector.broadcast %reduce_sum3A_634 : f32 to vector<16xf32>
        %select_n3A_639 = arith.select %eq3A_637, %broadcast_in_dim3A_638, %select_n3A_609 : vector<16xi1>, vector<16xf32>
        %add3A_640 = arith.constant 8 : i32
        %add3A_641 = arith.addi %mul3A_384, %add3A_640 : i32
        %get3A_642 = arith.index_cast %add3A_641 : i32 to index
        %get3A_643 = arith.constant 0 : index
        %get3A_644 = tpu.vector_load %arg9[%get3A_642, %get3A_643] {strides = array<i32>} : memref<416x64xf32, #tpu.memory_space<vmem>>, vector<16xf32>,
        %mul3A_645 = arith.mulf %get3A_386, %get3A_644 : vector<16xf32>
        %get3A_646 = arith.index_cast %add3A_641 : i32 to index
        %get3A_647 = arith.constant 16 : index
        %get3A_648 = tpu.vector_load %arg9[%get3A_646, %get3A_647] {strides = array<i32>} : memref<416x64xf32, #tpu.memory_space<vmem>>, vector<16xf32>,
        %mul3A_649 = arith.mulf %get3A_389, %get3A_648 : vector<16xf32>
        %add3A_650 = arith.addf %mul3A_645, %mul3A_649 : vector<16xf32>
        %get3A_651 = arith.index_cast %add3A_641 : i32 to index
        %get3A_652 = arith.constant 32 : index
        %get3A_653 = tpu.vector_load %arg9[%get3A_651, %get3A_652] {strides = array<i32>} : memref<416x64xf32, #tpu.memory_space<vmem>>, vector<16xf32>,
        %mul3A_654 = arith.mulf %get3A_392, %get3A_653 : vector<16xf32>
        %add3A_655 = arith.addf %add3A_650, %mul3A_654 : vector<16xf32>
        %get3A_656 = arith.index_cast %add3A_641 : i32 to index
        %get3A_657 = arith.constant 48 : index
        %get3A_658 = tpu.vector_load %arg9[%get3A_656, %get3A_657] {strides = array<i32>} : memref<416x64xf32, #tpu.memory_space<vmem>>, vector<16xf32>,
        %mul3A_659 = arith.mulf %get3A_395, %get3A_658 : vector<16xf32>
        %add3A_660 = arith.addf %add3A_655, %mul3A_659 : vector<16xf32>
        %reduce_sum3A_661 = arith.constant true
        %reduce_sum3A_662 = vector.broadcast %reduce_sum3A_661 : i1 to vector<16xi1>
        %reduce_sum3A_663 = tpu.scan <sum>, %add3A_660 masked %reduce_sum3A_662 : vector<16xf32>, vector<16xi1> -> vector<16xf32>
        %reduce_sum3A_664 = vector.extract %reduce_sum3A_663[15] : f32 from vector<16xf32>
        %eq3A_665 = arith.constant 8 : i32
        %eq3A_666 = vector.broadcast %eq3A_665 : i32 to vector<16xi32>
        %eq3A_667 = arith.cmpi eq, %iota3A, %eq3A_666 : vector<16xi32>
        %broadcast_in_dim3A_668 = vector.broadcast %reduce_sum3A_664 : f32 to vector<16xf32>
        %select_n3A_669 = arith.select %eq3A_667, %broadcast_in_dim3A_668, %select_n3A_639 : vector<16xi1>, vector<16xf32>
        %add3A_670 = arith.constant 9 : i32
        %add3A_671 = arith.addi %mul3A_384, %add3A_670 : i32
        %get3A_672 = arith.index_cast %add3A_671 : i32 to index
        %get3A_673 = arith.constant 0 : index
        %get3A_674 = tpu.vector_load %arg9[%get3A_672, %get3A_673] {strides = array<i32>} : memref<416x64xf32, #tpu.memory_space<vmem>>, vector<16xf32>,
        %mul3A_675 = arith.mulf %get3A_386, %get3A_674 : vector<16xf32>
        %get3A_676 = arith.index_cast %add3A_671 : i32 to index
        %get3A_677 = arith.constant 16 : index
        %get3A_678 = tpu.vector_load %arg9[%get3A_676, %get3A_677] {strides = array<i32>} : memref<416x64xf32, #tpu.memory_space<vmem>>, vector<16xf32>,
        %mul3A_679 = arith.mulf %get3A_389, %get3A_678 : vector<16xf32>
        %add3A_680 = arith.addf %mul3A_675, %mul3A_679 : vector<16xf32>
        %get3A_681 = arith.index_cast %add3A_671 : i32 to index
        %get3A_682 = arith.constant 32 : index
        %get3A_683 = tpu.vector_load %arg9[%get3A_681, %get3A_682] {strides = array<i32>} : memref<416x64xf32, #tpu.memory_space<vmem>>, vector<16xf32>,
        %mul3A_684 = arith.mulf %get3A_392, %get3A_683 : vector<16xf32>
        %add3A_685 = arith.addf %add3A_680, %mul3A_684 : vector<16xf32>
        %get3A_686 = arith.index_cast %add3A_671 : i32 to index
        %get3A_687 = arith.constant 48 : index
        %get3A_688 = tpu.vector_load %arg9[%get3A_686, %get3A_687] {strides = array<i32>} : memref<416x64xf32, #tpu.memory_space<vmem>>, vector<16xf32>,
        %mul3A_689 = arith.mulf %get3A_395, %get3A_688 : vector<16xf32>
        %add3A_690 = arith.addf %add3A_685, %mul3A_689 : vector<16xf32>
        %reduce_sum3A_691 = arith.constant true
        %reduce_sum3A_692 = vector.broadcast %reduce_sum3A_691 : i1 to vector<16xi1>
        %reduce_sum3A_693 = tpu.scan <sum>, %add3A_690 masked %reduce_sum3A_692 : vector<16xf32>, vector<16xi1> -> vector<16xf32>
        %reduce_sum3A_694 = vector.extract %reduce_sum3A_693[15] : f32 from vector<16xf32>
        %eq3A_695 = arith.constant 9 : i32
        %eq3A_696 = vector.broadcast %eq3A_695 : i32 to vector<16xi32>
        %eq3A_697 = arith.cmpi eq, %iota3A, %eq3A_696 : vector<16xi32>
        %broadcast_in_dim3A_698 = vector.broadcast %reduce_sum3A_694 : f32 to vector<16xf32>
        %select_n3A_699 = arith.select %eq3A_697, %broadcast_in_dim3A_698, %select_n3A_669 : vector<16xi1>, vector<16xf32>
        %add3A_700 = arith.constant 10 : i32
        %add3A_701 = arith.addi %mul3A_384, %add3A_700 : i32
        %get3A_702 = arith.index_cast %add3A_701 : i32 to index
        %get3A_703 = arith.constant 0 : index
        %get3A_704 = tpu.vector_load %arg9[%get3A_702, %get3A_703] {strides = array<i32>} : memref<416x64xf32, #tpu.memory_space<vmem>>, vector<16xf32>,
        %mul3A_705 = arith.mulf %get3A_386, %get3A_704 : vector<16xf32>
        %get3A_706 = arith.index_cast %add3A_701 : i32 to index
        %get3A_707 = arith.constant 16 : index
        %get3A_708 = tpu.vector_load %arg9[%get3A_706, %get3A_707] {strides = array<i32>} : memref<416x64xf32, #tpu.memory_space<vmem>>, vector<16xf32>,
        %mul3A_709 = arith.mulf %get3A_389, %get3A_708 : vector<16xf32>
        %add3A_710 = arith.addf %mul3A_705, %mul3A_709 : vector<16xf32>
        %get3A_711 = arith.index_cast %add3A_701 : i32 to index
        %get3A_712 = arith.constant 32 : index
        %get3A_713 = tpu.vector_load %arg9[%get3A_711, %get3A_712] {strides = array<i32>} : memref<416x64xf32, #tpu.memory_space<vmem>>, vector<16xf32>,
        %mul3A_714 = arith.mulf %get3A_392, %get3A_713 : vector<16xf32>
        %add3A_715 = arith.addf %add3A_710, %mul3A_714 : vector<16xf32>
        %get3A_716 = arith.index_cast %add3A_701 : i32 to index
        %get3A_717 = arith.constant 48 : index
        %get3A_718 = tpu.vector_load %arg9[%get3A_716, %get3A_717] {strides = array<i32>} : memref<416x64xf32, #tpu.memory_space<vmem>>, vector<16xf32>,
        %mul3A_719 = arith.mulf %get3A_395, %get3A_718 : vector<16xf32>
        %add3A_720 = arith.addf %add3A_715, %mul3A_719 : vector<16xf32>
        %reduce_sum3A_721 = arith.constant true
        %reduce_sum3A_722 = vector.broadcast %reduce_sum3A_721 : i1 to vector<16xi1>
        %reduce_sum3A_723 = tpu.scan <sum>, %add3A_720 masked %reduce_sum3A_722 : vector<16xf32>, vector<16xi1> -> vector<16xf32>
        %reduce_sum3A_724 = vector.extract %reduce_sum3A_723[15] : f32 from vector<16xf32>
        %eq3A_725 = arith.constant 10 : i32
        %eq3A_726 = vector.broadcast %eq3A_725 : i32 to vector<16xi32>
        %eq3A_727 = arith.cmpi eq, %iota3A, %eq3A_726 : vector<16xi32>
        %broadcast_in_dim3A_728 = vector.broadcast %reduce_sum3A_724 : f32 to vector<16xf32>
        %select_n3A_729 = arith.select %eq3A_727, %broadcast_in_dim3A_728, %select_n3A_699 : vector<16xi1>, vector<16xf32>
        %add3A_730 = arith.constant 11 : i32
        %add3A_731 = arith.addi %mul3A_384, %add3A_730 : i32
        %get3A_732 = arith.index_cast %add3A_731 : i32 to index
        %get3A_733 = arith.constant 0 : index
        %get3A_734 = tpu.vector_load %arg9[%get3A_732, %get3A_733] {strides = array<i32>} : memref<416x64xf32, #tpu.memory_space<vmem>>, vector<16xf32>,
        %mul3A_735 = arith.mulf %get3A_386, %get3A_734 : vector<16xf32>
        %get3A_736 = arith.index_cast %add3A_731 : i32 to index
        %get3A_737 = arith.constant 16 : index
        %get3A_738 = tpu.vector_load %arg9[%get3A_736, %get3A_737] {strides = array<i32>} : memref<416x64xf32, #tpu.memory_space<vmem>>, vector<16xf32>,
        %mul3A_739 = arith.mulf %get3A_389, %get3A_738 : vector<16xf32>
        %add3A_740 = arith.addf %mul3A_735, %mul3A_739 : vector<16xf32>
        %get3A_741 = arith.index_cast %add3A_731 : i32 to index
        %get3A_742 = arith.constant 32 : index
        %get3A_743 = tpu.vector_load %arg9[%get3A_741, %get3A_742] {strides = array<i32>} : memref<416x64xf32, #tpu.memory_space<vmem>>, vector<16xf32>,
        %mul3A_744 = arith.mulf %get3A_392, %get3A_743 : vector<16xf32>
        %add3A_745 = arith.addf %add3A_740, %mul3A_744 : vector<16xf32>
        %get3A_746 = arith.index_cast %add3A_731 : i32 to index
        %get3A_747 = arith.constant 48 : index
        %get3A_748 = tpu.vector_load %arg9[%get3A_746, %get3A_747] {strides = array<i32>} : memref<416x64xf32, #tpu.memory_space<vmem>>, vector<16xf32>,
        %mul3A_749 = arith.mulf %get3A_395, %get3A_748 : vector<16xf32>
        %add3A_750 = arith.addf %add3A_745, %mul3A_749 : vector<16xf32>
        %reduce_sum3A_751 = arith.constant true
        %reduce_sum3A_752 = vector.broadcast %reduce_sum3A_751 : i1 to vector<16xi1>
        %reduce_sum3A_753 = tpu.scan <sum>, %add3A_750 masked %reduce_sum3A_752 : vector<16xf32>, vector<16xi1> -> vector<16xf32>
        %reduce_sum3A_754 = vector.extract %reduce_sum3A_753[15] : f32 from vector<16xf32>
        %eq3A_755 = arith.constant 11 : i32
        %eq3A_756 = vector.broadcast %eq3A_755 : i32 to vector<16xi32>
        %eq3A_757 = arith.cmpi eq, %iota3A, %eq3A_756 : vector<16xi32>
        %broadcast_in_dim3A_758 = vector.broadcast %reduce_sum3A_754 : f32 to vector<16xf32>
        %select_n3A_759 = arith.select %eq3A_757, %broadcast_in_dim3A_758, %select_n3A_729 : vector<16xi1>, vector<16xf32>
        %add3A_760 = arith.constant 12 : i32
        %add3A_761 = arith.addi %mul3A_384, %add3A_760 : i32
        %get3A_762 = arith.index_cast %add3A_761 : i32 to index
        %get3A_763 = arith.constant 0 : index
        %get3A_764 = tpu.vector_load %arg9[%get3A_762, %get3A_763] {strides = array<i32>} : memref<416x64xf32, #tpu.memory_space<vmem>>, vector<16xf32>,
        %mul3A_765 = arith.mulf %get3A_386, %get3A_764 : vector<16xf32>
        %get3A_766 = arith.index_cast %add3A_761 : i32 to index
        %get3A_767 = arith.constant 16 : index
        %get3A_768 = tpu.vector_load %arg9[%get3A_766, %get3A_767] {strides = array<i32>} : memref<416x64xf32, #tpu.memory_space<vmem>>, vector<16xf32>,
        %mul3A_769 = arith.mulf %get3A_389, %get3A_768 : vector<16xf32>
        %add3A_770 = arith.addf %mul3A_765, %mul3A_769 : vector<16xf32>
        %get3A_771 = arith.index_cast %add3A_761 : i32 to index
        %get3A_772 = arith.constant 32 : index
        %get3A_773 = tpu.vector_load %arg9[%get3A_771, %get3A_772] {strides = array<i32>} : memref<416x64xf32, #tpu.memory_space<vmem>>, vector<16xf32>,
        %mul3A_774 = arith.mulf %get3A_392, %get3A_773 : vector<16xf32>
        %add3A_775 = arith.addf %add3A_770, %mul3A_774 : vector<16xf32>
        %get3A_776 = arith.index_cast %add3A_761 : i32 to index
        %get3A_777 = arith.constant 48 : index
        %get3A_778 = tpu.vector_load %arg9[%get3A_776, %get3A_777] {strides = array<i32>} : memref<416x64xf32, #tpu.memory_space<vmem>>, vector<16xf32>,
        %mul3A_779 = arith.mulf %get3A_395, %get3A_778 : vector<16xf32>
        %add3A_780 = arith.addf %add3A_775, %mul3A_779 : vector<16xf32>
        %reduce_sum3A_781 = arith.constant true
        %reduce_sum3A_782 = vector.broadcast %reduce_sum3A_781 : i1 to vector<16xi1>
        %reduce_sum3A_783 = tpu.scan <sum>, %add3A_780 masked %reduce_sum3A_782 : vector<16xf32>, vector<16xi1> -> vector<16xf32>
        %reduce_sum3A_784 = vector.extract %reduce_sum3A_783[15] : f32 from vector<16xf32>
        %eq3A_785 = arith.constant 12 : i32
        %eq3A_786 = vector.broadcast %eq3A_785 : i32 to vector<16xi32>
        %eq3A_787 = arith.cmpi eq, %iota3A, %eq3A_786 : vector<16xi32>
        %broadcast_in_dim3A_788 = vector.broadcast %reduce_sum3A_784 : f32 to vector<16xf32>
        %select_n3A_789 = arith.select %eq3A_787, %broadcast_in_dim3A_788, %select_n3A_759 : vector<16xi1>, vector<16xf32>
        %add3A_790 = arith.constant 13 : i32
        %add3A_791 = arith.addi %mul3A_384, %add3A_790 : i32
        %get3A_792 = arith.index_cast %add3A_791 : i32 to index
        %get3A_793 = arith.constant 0 : index
        %get3A_794 = tpu.vector_load %arg9[%get3A_792, %get3A_793] {strides = array<i32>} : memref<416x64xf32, #tpu.memory_space<vmem>>, vector<16xf32>,
        %mul3A_795 = arith.mulf %get3A_386, %get3A_794 : vector<16xf32>
        %get3A_796 = arith.index_cast %add3A_791 : i32 to index
        %get3A_797 = arith.constant 16 : index
        %get3A_798 = tpu.vector_load %arg9[%get3A_796, %get3A_797] {strides = array<i32>} : memref<416x64xf32, #tpu.memory_space<vmem>>, vector<16xf32>,
        %mul3A_799 = arith.mulf %get3A_389, %get3A_798 : vector<16xf32>
        %add3A_800 = arith.addf %mul3A_795, %mul3A_799 : vector<16xf32>
        %get3A_801 = arith.index_cast %add3A_791 : i32 to index
        %get3A_802 = arith.constant 32 : index
        %get3A_803 = tpu.vector_load %arg9[%get3A_801, %get3A_802] {strides = array<i32>} : memref<416x64xf32, #tpu.memory_space<vmem>>, vector<16xf32>,
        %mul3A_804 = arith.mulf %get3A_392, %get3A_803 : vector<16xf32>
        %add3A_805 = arith.addf %add3A_800, %mul3A_804 : vector<16xf32>
        %get3A_806 = arith.index_cast %add3A_791 : i32 to index
        %get3A_807 = arith.constant 48 : index
        %get3A_808 = tpu.vector_load %arg9[%get3A_806, %get3A_807] {strides = array<i32>} : memref<416x64xf32, #tpu.memory_space<vmem>>, vector<16xf32>,
        %mul3A_809 = arith.mulf %get3A_395, %get3A_808 : vector<16xf32>
        %add3A_810 = arith.addf %add3A_805, %mul3A_809 : vector<16xf32>
        %reduce_sum3A_811 = arith.constant true
        %reduce_sum3A_812 = vector.broadcast %reduce_sum3A_811 : i1 to vector<16xi1>
        %reduce_sum3A_813 = tpu.scan <sum>, %add3A_810 masked %reduce_sum3A_812 : vector<16xf32>, vector<16xi1> -> vector<16xf32>
        %reduce_sum3A_814 = vector.extract %reduce_sum3A_813[15] : f32 from vector<16xf32>
        %eq3A_815 = arith.constant 13 : i32
        %eq3A_816 = vector.broadcast %eq3A_815 : i32 to vector<16xi32>
        %eq3A_817 = arith.cmpi eq, %iota3A, %eq3A_816 : vector<16xi32>
        %broadcast_in_dim3A_818 = vector.broadcast %reduce_sum3A_814 : f32 to vector<16xf32>
        %select_n3A_819 = arith.select %eq3A_817, %broadcast_in_dim3A_818, %select_n3A_789 : vector<16xi1>, vector<16xf32>
        %add3A_820 = arith.constant 14 : i32
        %add3A_821 = arith.addi %mul3A_384, %add3A_820 : i32
        %get3A_822 = arith.index_cast %add3A_821 : i32 to index
        %get3A_823 = arith.constant 0 : index
        %get3A_824 = tpu.vector_load %arg9[%get3A_822, %get3A_823] {strides = array<i32>} : memref<416x64xf32, #tpu.memory_space<vmem>>, vector<16xf32>,
        %mul3A_825 = arith.mulf %get3A_386, %get3A_824 : vector<16xf32>
        %get3A_826 = arith.index_cast %add3A_821 : i32 to index
        %get3A_827 = arith.constant 16 : index
        %get3A_828 = tpu.vector_load %arg9[%get3A_826, %get3A_827] {strides = array<i32>} : memref<416x64xf32, #tpu.memory_space<vmem>>, vector<16xf32>,
        %mul3A_829 = arith.mulf %get3A_389, %get3A_828 : vector<16xf32>
        %add3A_830 = arith.addf %mul3A_825, %mul3A_829 : vector<16xf32>
        %get3A_831 = arith.index_cast %add3A_821 : i32 to index
        %get3A_832 = arith.constant 32 : index
        %get3A_833 = tpu.vector_load %arg9[%get3A_831, %get3A_832] {strides = array<i32>} : memref<416x64xf32, #tpu.memory_space<vmem>>, vector<16xf32>,
        %mul3A_834 = arith.mulf %get3A_392, %get3A_833 : vector<16xf32>
        %add3A_835 = arith.addf %add3A_830, %mul3A_834 : vector<16xf32>
        %get3A_836 = arith.index_cast %add3A_821 : i32 to index
        %get3A_837 = arith.constant 48 : index
        %get3A_838 = tpu.vector_load %arg9[%get3A_836, %get3A_837] {strides = array<i32>} : memref<416x64xf32, #tpu.memory_space<vmem>>, vector<16xf32>,
        %mul3A_839 = arith.mulf %get3A_395, %get3A_838 : vector<16xf32>
        %add3A_840 = arith.addf %add3A_835, %mul3A_839 : vector<16xf32>
        %reduce_sum3A_841 = arith.constant true
        %reduce_sum3A_842 = vector.broadcast %reduce_sum3A_841 : i1 to vector<16xi1>
        %reduce_sum3A_843 = tpu.scan <sum>, %add3A_840 masked %reduce_sum3A_842 : vector<16xf32>, vector<16xi1> -> vector<16xf32>
        %reduce_sum3A_844 = vector.extract %reduce_sum3A_843[15] : f32 from vector<16xf32>
        %eq3A_845 = arith.constant 14 : i32
        %eq3A_846 = vector.broadcast %eq3A_845 : i32 to vector<16xi32>
        %eq3A_847 = arith.cmpi eq, %iota3A, %eq3A_846 : vector<16xi32>
        %broadcast_in_dim3A_848 = vector.broadcast %reduce_sum3A_844 : f32 to vector<16xf32>
        %select_n3A_849 = arith.select %eq3A_847, %broadcast_in_dim3A_848, %select_n3A_819 : vector<16xi1>, vector<16xf32>
        %add3A_850 = arith.constant 15 : i32
        %add3A_851 = arith.addi %mul3A_384, %add3A_850 : i32
        %get3A_852 = arith.index_cast %add3A_851 : i32 to index
        %get3A_853 = arith.constant 0 : index
        %get3A_854 = tpu.vector_load %arg9[%get3A_852, %get3A_853] {strides = array<i32>} : memref<416x64xf32, #tpu.memory_space<vmem>>, vector<16xf32>,
        %mul3A_855 = arith.mulf %get3A_386, %get3A_854 : vector<16xf32>
        %get3A_856 = arith.index_cast %add3A_851 : i32 to index
        %get3A_857 = arith.constant 16 : index
        %get3A_858 = tpu.vector_load %arg9[%get3A_856, %get3A_857] {strides = array<i32>} : memref<416x64xf32, #tpu.memory_space<vmem>>, vector<16xf32>,
        %mul3A_859 = arith.mulf %get3A_389, %get3A_858 : vector<16xf32>
        %add3A_860 = arith.addf %mul3A_855, %mul3A_859 : vector<16xf32>
        %get3A_861 = arith.index_cast %add3A_851 : i32 to index
        %get3A_862 = arith.constant 32 : index
        %get3A_863 = tpu.vector_load %arg9[%get3A_861, %get3A_862] {strides = array<i32>} : memref<416x64xf32, #tpu.memory_space<vmem>>, vector<16xf32>,
        %mul3A_864 = arith.mulf %get3A_392, %get3A_863 : vector<16xf32>
        %add3A_865 = arith.addf %add3A_860, %mul3A_864 : vector<16xf32>
        %get3A_866 = arith.index_cast %add3A_851 : i32 to index
        %get3A_867 = arith.constant 48 : index
        %get3A_868 = tpu.vector_load %arg9[%get3A_866, %get3A_867] {strides = array<i32>} : memref<416x64xf32, #tpu.memory_space<vmem>>, vector<16xf32>,
        %mul3A_869 = arith.mulf %get3A_395, %get3A_868 : vector<16xf32>
        %add3A_870 = arith.addf %add3A_865, %mul3A_869 : vector<16xf32>
        %reduce_sum3A_871 = arith.constant true
        %reduce_sum3A_872 = vector.broadcast %reduce_sum3A_871 : i1 to vector<16xi1>
        %reduce_sum3A_873 = tpu.scan <sum>, %add3A_870 masked %reduce_sum3A_872 : vector<16xf32>, vector<16xi1> -> vector<16xf32>
        %reduce_sum3A_874 = vector.extract %reduce_sum3A_873[15] : f32 from vector<16xf32>
        %eq3A_875 = arith.constant 15 : i32
        %eq3A_876 = vector.broadcast %eq3A_875 : i32 to vector<16xi32>
        %eq3A_877 = arith.cmpi eq, %iota3A, %eq3A_876 : vector<16xi32>
        %broadcast_in_dim3A_878 = vector.broadcast %reduce_sum3A_874 : f32 to vector<16xf32>
        %select_n3A_879 = arith.select %eq3A_877, %broadcast_in_dim3A_878, %select_n3A_849 : vector<16xi1>, vector<16xf32>
        %add3A_880 = arith.constant 16 : i32
        %add3A_881 = arith.addi %mul3A_384, %add3A_880 : i32
        %get3A_882 = arith.index_cast %add3A_881 : i32 to index
        %get3A_883 = arith.constant 0 : index
        %get3A_884 = tpu.vector_load %arg9[%get3A_882, %get3A_883] {strides = array<i32>} : memref<416x64xf32, #tpu.memory_space<vmem>>, vector<16xf32>,
        %mul3A_885 = arith.mulf %get3A_386, %get3A_884 : vector<16xf32>
        %get3A_886 = arith.index_cast %add3A_881 : i32 to index
        %get3A_887 = arith.constant 16 : index
        %get3A_888 = tpu.vector_load %arg9[%get3A_886, %get3A_887] {strides = array<i32>} : memref<416x64xf32, #tpu.memory_space<vmem>>, vector<16xf32>,
        %mul3A_889 = arith.mulf %get3A_389, %get3A_888 : vector<16xf32>
        %add3A_890 = arith.addf %mul3A_885, %mul3A_889 : vector<16xf32>
        %get3A_891 = arith.index_cast %add3A_881 : i32 to index
        %get3A_892 = arith.constant 32 : index
        %get3A_893 = tpu.vector_load %arg9[%get3A_891, %get3A_892] {strides = array<i32>} : memref<416x64xf32, #tpu.memory_space<vmem>>, vector<16xf32>,
        %mul3A_894 = arith.mulf %get3A_392, %get3A_893 : vector<16xf32>
        %add3A_895 = arith.addf %add3A_890, %mul3A_894 : vector<16xf32>
        %get3A_896 = arith.index_cast %add3A_881 : i32 to index
        %get3A_897 = arith.constant 48 : index
        %get3A_898 = tpu.vector_load %arg9[%get3A_896, %get3A_897] {strides = array<i32>} : memref<416x64xf32, #tpu.memory_space<vmem>>, vector<16xf32>,
        %mul3A_899 = arith.mulf %get3A_395, %get3A_898 : vector<16xf32>
        %add3A_900 = arith.addf %add3A_895, %mul3A_899 : vector<16xf32>
        %reduce_sum3A_901 = arith.constant true
        %reduce_sum3A_902 = vector.broadcast %reduce_sum3A_901 : i1 to vector<16xi1>
        %reduce_sum3A_903 = tpu.scan <sum>, %add3A_900 masked %reduce_sum3A_902 : vector<16xf32>, vector<16xi1> -> vector<16xf32>
        %reduce_sum3A_904 = vector.extract %reduce_sum3A_903[15] : f32 from vector<16xf32>
        %eq3A_905 = arith.constant 0 : i32
        %eq3A_906 = vector.broadcast %eq3A_905 : i32 to vector<16xi32>
        %eq3A_907 = arith.cmpi eq, %iota3A, %eq3A_906 : vector<16xi32>
        %broadcast_in_dim3A_908 = vector.broadcast %reduce_sum3A_904 : f32 to vector<16xf32>
        %select_n3A_909 = arith.select %eq3A_907, %broadcast_in_dim3A_908, %broadcast_in_dim3A_398 : vector<16xi1>, vector<16xf32>
        %add3A_910 = arith.constant 17 : i32
        %add3A_911 = arith.addi %mul3A_384, %add3A_910 : i32
        %get3A_912 = arith.index_cast %add3A_911 : i32 to index
        %get3A_913 = arith.constant 0 : index
        %get3A_914 = tpu.vector_load %arg9[%get3A_912, %get3A_913] {strides = array<i32>} : memref<416x64xf32, #tpu.memory_space<vmem>>, vector<16xf32>,
        %mul3A_915 = arith.mulf %get3A_386, %get3A_914 : vector<16xf32>
        %get3A_916 = arith.index_cast %add3A_911 : i32 to index
        %get3A_917 = arith.constant 16 : index
        %get3A_918 = tpu.vector_load %arg9[%get3A_916, %get3A_917] {strides = array<i32>} : memref<416x64xf32, #tpu.memory_space<vmem>>, vector<16xf32>,
        %mul3A_919 = arith.mulf %get3A_389, %get3A_918 : vector<16xf32>
        %add3A_920 = arith.addf %mul3A_915, %mul3A_919 : vector<16xf32>
        %get3A_921 = arith.index_cast %add3A_911 : i32 to index
        %get3A_922 = arith.constant 32 : index
        %get3A_923 = tpu.vector_load %arg9[%get3A_921, %get3A_922] {strides = array<i32>} : memref<416x64xf32, #tpu.memory_space<vmem>>, vector<16xf32>,
        %mul3A_924 = arith.mulf %get3A_392, %get3A_923 : vector<16xf32>
        %add3A_925 = arith.addf %add3A_920, %mul3A_924 : vector<16xf32>
        %get3A_926 = arith.index_cast %add3A_911 : i32 to index
        %get3A_927 = arith.constant 48 : index
        %get3A_928 = tpu.vector_load %arg9[%get3A_926, %get3A_927] {strides = array<i32>} : memref<416x64xf32, #tpu.memory_space<vmem>>, vector<16xf32>,
        %mul3A_929 = arith.mulf %get3A_395, %get3A_928 : vector<16xf32>
        %add3A_930 = arith.addf %add3A_925, %mul3A_929 : vector<16xf32>
        %reduce_sum3A_931 = arith.constant true
        %reduce_sum3A_932 = vector.broadcast %reduce_sum3A_931 : i1 to vector<16xi1>
        %reduce_sum3A_933 = tpu.scan <sum>, %add3A_930 masked %reduce_sum3A_932 : vector<16xf32>, vector<16xi1> -> vector<16xf32>
        %reduce_sum3A_934 = vector.extract %reduce_sum3A_933[15] : f32 from vector<16xf32>
        %eq3A_935 = arith.constant 1 : i32
        %eq3A_936 = vector.broadcast %eq3A_935 : i32 to vector<16xi32>
        %eq3A_937 = arith.cmpi eq, %iota3A, %eq3A_936 : vector<16xi32>
        %broadcast_in_dim3A_938 = vector.broadcast %reduce_sum3A_934 : f32 to vector<16xf32>
        %select_n3A_939 = arith.select %eq3A_937, %broadcast_in_dim3A_938, %select_n3A_909 : vector<16xi1>, vector<16xf32>
        %add3A_940 = arith.constant 18 : i32
        %add3A_941 = arith.addi %mul3A_384, %add3A_940 : i32
        %get3A_942 = arith.index_cast %add3A_941 : i32 to index
        %get3A_943 = arith.constant 0 : index
        %get3A_944 = tpu.vector_load %arg9[%get3A_942, %get3A_943] {strides = array<i32>} : memref<416x64xf32, #tpu.memory_space<vmem>>, vector<16xf32>,
        %mul3A_945 = arith.mulf %get3A_386, %get3A_944 : vector<16xf32>
        %get3A_946 = arith.index_cast %add3A_941 : i32 to index
        %get3A_947 = arith.constant 16 : index
        %get3A_948 = tpu.vector_load %arg9[%get3A_946, %get3A_947] {strides = array<i32>} : memref<416x64xf32, #tpu.memory_space<vmem>>, vector<16xf32>,
        %mul3A_949 = arith.mulf %get3A_389, %get3A_948 : vector<16xf32>
        %add3A_950 = arith.addf %mul3A_945, %mul3A_949 : vector<16xf32>
        %get3A_951 = arith.index_cast %add3A_941 : i32 to index
        %get3A_952 = arith.constant 32 : index
        %get3A_953 = tpu.vector_load %arg9[%get3A_951, %get3A_952] {strides = array<i32>} : memref<416x64xf32, #tpu.memory_space<vmem>>, vector<16xf32>,
        %mul3A_954 = arith.mulf %get3A_392, %get3A_953 : vector<16xf32>
        %add3A_955 = arith.addf %add3A_950, %mul3A_954 : vector<16xf32>
        %get3A_956 = arith.index_cast %add3A_941 : i32 to index
        %get3A_957 = arith.constant 48 : index
        %get3A_958 = tpu.vector_load %arg9[%get3A_956, %get3A_957] {strides = array<i32>} : memref<416x64xf32, #tpu.memory_space<vmem>>, vector<16xf32>,
        %mul3A_959 = arith.mulf %get3A_395, %get3A_958 : vector<16xf32>
        %add3A_960 = arith.addf %add3A_955, %mul3A_959 : vector<16xf32>
        %reduce_sum3A_961 = arith.constant true
        %reduce_sum3A_962 = vector.broadcast %reduce_sum3A_961 : i1 to vector<16xi1>
        %reduce_sum3A_963 = tpu.scan <sum>, %add3A_960 masked %reduce_sum3A_962 : vector<16xf32>, vector<16xi1> -> vector<16xf32>
        %reduce_sum3A_964 = vector.extract %reduce_sum3A_963[15] : f32 from vector<16xf32>
        %eq3A_965 = arith.constant 2 : i32
        %eq3A_966 = vector.broadcast %eq3A_965 : i32 to vector<16xi32>
        %eq3A_967 = arith.cmpi eq, %iota3A, %eq3A_966 : vector<16xi32>
        %broadcast_in_dim3A_968 = vector.broadcast %reduce_sum3A_964 : f32 to vector<16xf32>
        %select_n3A_969 = arith.select %eq3A_967, %broadcast_in_dim3A_968, %select_n3A_939 : vector<16xi1>, vector<16xf32>
        %add3A_970 = arith.constant 19 : i32
        %add3A_971 = arith.addi %mul3A_384, %add3A_970 : i32
        %get3A_972 = arith.index_cast %add3A_971 : i32 to index
        %get3A_973 = arith.constant 0 : index
        %get3A_974 = tpu.vector_load %arg9[%get3A_972, %get3A_973] {strides = array<i32>} : memref<416x64xf32, #tpu.memory_space<vmem>>, vector<16xf32>,
        %mul3A_975 = arith.mulf %get3A_386, %get3A_974 : vector<16xf32>
        %get3A_976 = arith.index_cast %add3A_971 : i32 to index
        %get3A_977 = arith.constant 16 : index
        %get3A_978 = tpu.vector_load %arg9[%get3A_976, %get3A_977] {strides = array<i32>} : memref<416x64xf32, #tpu.memory_space<vmem>>, vector<16xf32>,
        %mul3A_979 = arith.mulf %get3A_389, %get3A_978 : vector<16xf32>
        %add3A_980 = arith.addf %mul3A_975, %mul3A_979 : vector<16xf32>
        %get3A_981 = arith.index_cast %add3A_971 : i32 to index
        %get3A_982 = arith.constant 32 : index
        %get3A_983 = tpu.vector_load %arg9[%get3A_981, %get3A_982] {strides = array<i32>} : memref<416x64xf32, #tpu.memory_space<vmem>>, vector<16xf32>,
        %mul3A_984 = arith.mulf %get3A_392, %get3A_983 : vector<16xf32>
        %add3A_985 = arith.addf %add3A_980, %mul3A_984 : vector<16xf32>
        %get3A_986 = arith.index_cast %add3A_971 : i32 to index
        %get3A_987 = arith.constant 48 : index
        %get3A_988 = tpu.vector_load %arg9[%get3A_986, %get3A_987] {strides = array<i32>} : memref<416x64xf32, #tpu.memory_space<vmem>>, vector<16xf32>,
        %mul3A_989 = arith.mulf %get3A_395, %get3A_988 : vector<16xf32>
        %add3A_990 = arith.addf %add3A_985, %mul3A_989 : vector<16xf32>
        %reduce_sum3A_991 = arith.constant true
        %reduce_sum3A_992 = vector.broadcast %reduce_sum3A_991 : i1 to vector<16xi1>
        %reduce_sum3A_993 = tpu.scan <sum>, %add3A_990 masked %reduce_sum3A_992 : vector<16xf32>, vector<16xi1> -> vector<16xf32>
        %reduce_sum3A_994 = vector.extract %reduce_sum3A_993[15] : f32 from vector<16xf32>
        %eq3A_995 = arith.constant 3 : i32
        %eq3A_996 = vector.broadcast %eq3A_995 : i32 to vector<16xi32>
        %eq3A_997 = arith.cmpi eq, %iota3A, %eq3A_996 : vector<16xi32>
        %broadcast_in_dim3A_998 = vector.broadcast %reduce_sum3A_994 : f32 to vector<16xf32>
        %select_n3A_999 = arith.select %eq3A_997, %broadcast_in_dim3A_998, %select_n3A_969 : vector<16xi1>, vector<16xf32>
        %add3A_1000 = arith.constant 20 : i32
        %add3A_1001 = arith.addi %mul3A_384, %add3A_1000 : i32
        %get3A_1002 = arith.index_cast %add3A_1001 : i32 to index
        %get3A_1003 = arith.constant 0 : index
        %get3A_1004 = tpu.vector_load %arg9[%get3A_1002, %get3A_1003] {strides = array<i32>} : memref<416x64xf32, #tpu.memory_space<vmem>>, vector<16xf32>,
        %mul3A_1005 = arith.mulf %get3A_386, %get3A_1004 : vector<16xf32>
        %get3A_1006 = arith.index_cast %add3A_1001 : i32 to index
        %get3A_1007 = arith.constant 16 : index
        %get3A_1008 = tpu.vector_load %arg9[%get3A_1006, %get3A_1007] {strides = array<i32>} : memref<416x64xf32, #tpu.memory_space<vmem>>, vector<16xf32>,
        %mul3A_1009 = arith.mulf %get3A_389, %get3A_1008 : vector<16xf32>
        %add3A_1010 = arith.addf %mul3A_1005, %mul3A_1009 : vector<16xf32>
        %get3A_1011 = arith.index_cast %add3A_1001 : i32 to index
        %get3A_1012 = arith.constant 32 : index
        %get3A_1013 = tpu.vector_load %arg9[%get3A_1011, %get3A_1012] {strides = array<i32>} : memref<416x64xf32, #tpu.memory_space<vmem>>, vector<16xf32>,
        %mul3A_1014 = arith.mulf %get3A_392, %get3A_1013 : vector<16xf32>
        %add3A_1015 = arith.addf %add3A_1010, %mul3A_1014 : vector<16xf32>
        %get3A_1016 = arith.index_cast %add3A_1001 : i32 to index
        %get3A_1017 = arith.constant 48 : index
        %get3A_1018 = tpu.vector_load %arg9[%get3A_1016, %get3A_1017] {strides = array<i32>} : memref<416x64xf32, #tpu.memory_space<vmem>>, vector<16xf32>,
        %mul3A_1019 = arith.mulf %get3A_395, %get3A_1018 : vector<16xf32>
        %add3A_1020 = arith.addf %add3A_1015, %mul3A_1019 : vector<16xf32>
        %reduce_sum3A_1021 = arith.constant true
        %reduce_sum3A_1022 = vector.broadcast %reduce_sum3A_1021 : i1 to vector<16xi1>
        %reduce_sum3A_1023 = tpu.scan <sum>, %add3A_1020 masked %reduce_sum3A_1022 : vector<16xf32>, vector<16xi1> -> vector<16xf32>
        %reduce_sum3A_1024 = vector.extract %reduce_sum3A_1023[15] : f32 from vector<16xf32>
        %eq3A_1025 = arith.constant 4 : i32
        %eq3A_1026 = vector.broadcast %eq3A_1025 : i32 to vector<16xi32>
        %eq3A_1027 = arith.cmpi eq, %iota3A, %eq3A_1026 : vector<16xi32>
        %broadcast_in_dim3A_1028 = vector.broadcast %reduce_sum3A_1024 : f32 to vector<16xf32>
        %select_n3A_1029 = arith.select %eq3A_1027, %broadcast_in_dim3A_1028, %select_n3A_999 : vector<16xi1>, vector<16xf32>
        %add3A_1030 = arith.constant 21 : i32
        %add3A_1031 = arith.addi %mul3A_384, %add3A_1030 : i32
        %get3A_1032 = arith.index_cast %add3A_1031 : i32 to index
        %get3A_1033 = arith.constant 0 : index
        %get3A_1034 = tpu.vector_load %arg9[%get3A_1032, %get3A_1033] {strides = array<i32>} : memref<416x64xf32, #tpu.memory_space<vmem>>, vector<16xf32>,
        %mul3A_1035 = arith.mulf %get3A_386, %get3A_1034 : vector<16xf32>
        %get3A_1036 = arith.index_cast %add3A_1031 : i32 to index
        %get3A_1037 = arith.constant 16 : index
        %get3A_1038 = tpu.vector_load %arg9[%get3A_1036, %get3A_1037] {strides = array<i32>} : memref<416x64xf32, #tpu.memory_space<vmem>>, vector<16xf32>,
        %mul3A_1039 = arith.mulf %get3A_389, %get3A_1038 : vector<16xf32>
        %add3A_1040 = arith.addf %mul3A_1035, %mul3A_1039 : vector<16xf32>
        %get3A_1041 = arith.index_cast %add3A_1031 : i32 to index
        %get3A_1042 = arith.constant 32 : index
        %get3A_1043 = tpu.vector_load %arg9[%get3A_1041, %get3A_1042] {strides = array<i32>} : memref<416x64xf32, #tpu.memory_space<vmem>>, vector<16xf32>,
        %mul3A_1044 = arith.mulf %get3A_392, %get3A_1043 : vector<16xf32>
        %add3A_1045 = arith.addf %add3A_1040, %mul3A_1044 : vector<16xf32>
        %get3A_1046 = arith.index_cast %add3A_1031 : i32 to index
        %get3A_1047 = arith.constant 48 : index
        %get3A_1048 = tpu.vector_load %arg9[%get3A_1046, %get3A_1047] {strides = array<i32>} : memref<416x64xf32, #tpu.memory_space<vmem>>, vector<16xf32>,
        %mul3A_1049 = arith.mulf %get3A_395, %get3A_1048 : vector<16xf32>
        %add3A_1050 = arith.addf %add3A_1045, %mul3A_1049 : vector<16xf32>
        %reduce_sum3A_1051 = arith.constant true
        %reduce_sum3A_1052 = vector.broadcast %reduce_sum3A_1051 : i1 to vector<16xi1>
        %reduce_sum3A_1053 = tpu.scan <sum>, %add3A_1050 masked %reduce_sum3A_1052 : vector<16xf32>, vector<16xi1> -> vector<16xf32>
        %reduce_sum3A_1054 = vector.extract %reduce_sum3A_1053[15] : f32 from vector<16xf32>
        %eq3A_1055 = arith.constant 5 : i32
        %eq3A_1056 = vector.broadcast %eq3A_1055 : i32 to vector<16xi32>
        %eq3A_1057 = arith.cmpi eq, %iota3A, %eq3A_1056 : vector<16xi32>
        %broadcast_in_dim3A_1058 = vector.broadcast %reduce_sum3A_1054 : f32 to vector<16xf32>
        %select_n3A_1059 = arith.select %eq3A_1057, %broadcast_in_dim3A_1058, %select_n3A_1029 : vector<16xi1>, vector<16xf32>
        %add3A_1060 = arith.constant 22 : i32
        %add3A_1061 = arith.addi %mul3A_384, %add3A_1060 : i32
        %get3A_1062 = arith.index_cast %add3A_1061 : i32 to index
        %get3A_1063 = arith.constant 0 : index
        %get3A_1064 = tpu.vector_load %arg9[%get3A_1062, %get3A_1063] {strides = array<i32>} : memref<416x64xf32, #tpu.memory_space<vmem>>, vector<16xf32>,
        %mul3A_1065 = arith.mulf %get3A_386, %get3A_1064 : vector<16xf32>
        %get3A_1066 = arith.index_cast %add3A_1061 : i32 to index
        %get3A_1067 = arith.constant 16 : index
        %get3A_1068 = tpu.vector_load %arg9[%get3A_1066, %get3A_1067] {strides = array<i32>} : memref<416x64xf32, #tpu.memory_space<vmem>>, vector<16xf32>,
        %mul3A_1069 = arith.mulf %get3A_389, %get3A_1068 : vector<16xf32>
        %add3A_1070 = arith.addf %mul3A_1065, %mul3A_1069 : vector<16xf32>
        %get3A_1071 = arith.index_cast %add3A_1061 : i32 to index
        %get3A_1072 = arith.constant 32 : index
        %get3A_1073 = tpu.vector_load %arg9[%get3A_1071, %get3A_1072] {strides = array<i32>} : memref<416x64xf32, #tpu.memory_space<vmem>>, vector<16xf32>,
        %mul3A_1074 = arith.mulf %get3A_392, %get3A_1073 : vector<16xf32>
        %add3A_1075 = arith.addf %add3A_1070, %mul3A_1074 : vector<16xf32>
        %get3A_1076 = arith.index_cast %add3A_1061 : i32 to index
        %get3A_1077 = arith.constant 48 : index
        %get3A_1078 = tpu.vector_load %arg9[%get3A_1076, %get3A_1077] {strides = array<i32>} : memref<416x64xf32, #tpu.memory_space<vmem>>, vector<16xf32>,
        %mul3A_1079 = arith.mulf %get3A_395, %get3A_1078 : vector<16xf32>
        %add3A_1080 = arith.addf %add3A_1075, %mul3A_1079 : vector<16xf32>
        %reduce_sum3A_1081 = arith.constant true
        %reduce_sum3A_1082 = vector.broadcast %reduce_sum3A_1081 : i1 to vector<16xi1>
        %reduce_sum3A_1083 = tpu.scan <sum>, %add3A_1080 masked %reduce_sum3A_1082 : vector<16xf32>, vector<16xi1> -> vector<16xf32>
        %reduce_sum3A_1084 = vector.extract %reduce_sum3A_1083[15] : f32 from vector<16xf32>
        %eq3A_1085 = arith.constant 6 : i32
        %eq3A_1086 = vector.broadcast %eq3A_1085 : i32 to vector<16xi32>
        %eq3A_1087 = arith.cmpi eq, %iota3A, %eq3A_1086 : vector<16xi32>
        %broadcast_in_dim3A_1088 = vector.broadcast %reduce_sum3A_1084 : f32 to vector<16xf32>
        %select_n3A_1089 = arith.select %eq3A_1087, %broadcast_in_dim3A_1088, %select_n3A_1059 : vector<16xi1>, vector<16xf32>
        %add3A_1090 = arith.constant 23 : i32
        %add3A_1091 = arith.addi %mul3A_384, %add3A_1090 : i32
        %get3A_1092 = arith.index_cast %add3A_1091 : i32 to index
        %get3A_1093 = arith.constant 0 : index
        %get3A_1094 = tpu.vector_load %arg9[%get3A_1092, %get3A_1093] {strides = array<i32>} : memref<416x64xf32, #tpu.memory_space<vmem>>, vector<16xf32>,
        %mul3A_1095 = arith.mulf %get3A_386, %get3A_1094 : vector<16xf32>
        %get3A_1096 = arith.index_cast %add3A_1091 : i32 to index
        %get3A_1097 = arith.constant 16 : index
        %get3A_1098 = tpu.vector_load %arg9[%get3A_1096, %get3A_1097] {strides = array<i32>} : memref<416x64xf32, #tpu.memory_space<vmem>>, vector<16xf32>,
        %mul3A_1099 = arith.mulf %get3A_389, %get3A_1098 : vector<16xf32>
        %add3A_1100 = arith.addf %mul3A_1095, %mul3A_1099 : vector<16xf32>
        %get3A_1101 = arith.index_cast %add3A_1091 : i32 to index
        %get3A_1102 = arith.constant 32 : index
        %get3A_1103 = tpu.vector_load %arg9[%get3A_1101, %get3A_1102] {strides = array<i32>} : memref<416x64xf32, #tpu.memory_space<vmem>>, vector<16xf32>,
        %mul3A_1104 = arith.mulf %get3A_392, %get3A_1103 : vector<16xf32>
        %add3A_1105 = arith.addf %add3A_1100, %mul3A_1104 : vector<16xf32>
        %get3A_1106 = arith.index_cast %add3A_1091 : i32 to index
        %get3A_1107 = arith.constant 48 : index
        %get3A_1108 = tpu.vector_load %arg9[%get3A_1106, %get3A_1107] {strides = array<i32>} : memref<416x64xf32, #tpu.memory_space<vmem>>, vector<16xf32>,
        %mul3A_1109 = arith.mulf %get3A_395, %get3A_1108 : vector<16xf32>
        %add3A_1110 = arith.addf %add3A_1105, %mul3A_1109 : vector<16xf32>
        %reduce_sum3A_1111 = arith.constant true
        %reduce_sum3A_1112 = vector.broadcast %reduce_sum3A_1111 : i1 to vector<16xi1>
        %reduce_sum3A_1113 = tpu.scan <sum>, %add3A_1110 masked %reduce_sum3A_1112 : vector<16xf32>, vector<16xi1> -> vector<16xf32>
        %reduce_sum3A_1114 = vector.extract %reduce_sum3A_1113[15] : f32 from vector<16xf32>
        %eq3A_1115 = arith.constant 7 : i32
        %eq3A_1116 = vector.broadcast %eq3A_1115 : i32 to vector<16xi32>
        %eq3A_1117 = arith.cmpi eq, %iota3A, %eq3A_1116 : vector<16xi32>
        %broadcast_in_dim3A_1118 = vector.broadcast %reduce_sum3A_1114 : f32 to vector<16xf32>
        %select_n3A_1119 = arith.select %eq3A_1117, %broadcast_in_dim3A_1118, %select_n3A_1089 : vector<16xi1>, vector<16xf32>
        %add3A_1120 = arith.constant 24 : i32
        %add3A_1121 = arith.addi %mul3A_384, %add3A_1120 : i32
        %get3A_1122 = arith.index_cast %add3A_1121 : i32 to index
        %get3A_1123 = arith.constant 0 : index
        %get3A_1124 = tpu.vector_load %arg9[%get3A_1122, %get3A_1123] {strides = array<i32>} : memref<416x64xf32, #tpu.memory_space<vmem>>, vector<16xf32>,
        %mul3A_1125 = arith.mulf %get3A_386, %get3A_1124 : vector<16xf32>
        %get3A_1126 = arith.index_cast %add3A_1121 : i32 to index
        %get3A_1127 = arith.constant 16 : index
        %get3A_1128 = tpu.vector_load %arg9[%get3A_1126, %get3A_1127] {strides = array<i32>} : memref<416x64xf32, #tpu.memory_space<vmem>>, vector<16xf32>,
        %mul3A_1129 = arith.mulf %get3A_389, %get3A_1128 : vector<16xf32>
        %add3A_1130 = arith.addf %mul3A_1125, %mul3A_1129 : vector<16xf32>
        %get3A_1131 = arith.index_cast %add3A_1121 : i32 to index
        %get3A_1132 = arith.constant 32 : index
        %get3A_1133 = tpu.vector_load %arg9[%get3A_1131, %get3A_1132] {strides = array<i32>} : memref<416x64xf32, #tpu.memory_space<vmem>>, vector<16xf32>,
        %mul3A_1134 = arith.mulf %get3A_392, %get3A_1133 : vector<16xf32>
        %add3A_1135 = arith.addf %add3A_1130, %mul3A_1134 : vector<16xf32>
        %get3A_1136 = arith.index_cast %add3A_1121 : i32 to index
        %get3A_1137 = arith.constant 48 : index
        %get3A_1138 = tpu.vector_load %arg9[%get3A_1136, %get3A_1137] {strides = array<i32>} : memref<416x64xf32, #tpu.memory_space<vmem>>, vector<16xf32>,
        %mul3A_1139 = arith.mulf %get3A_395, %get3A_1138 : vector<16xf32>
        %add3A_1140 = arith.addf %add3A_1135, %mul3A_1139 : vector<16xf32>
        %reduce_sum3A_1141 = arith.constant true
        %reduce_sum3A_1142 = vector.broadcast %reduce_sum3A_1141 : i1 to vector<16xi1>
        %reduce_sum3A_1143 = tpu.scan <sum>, %add3A_1140 masked %reduce_sum3A_1142 : vector<16xf32>, vector<16xi1> -> vector<16xf32>
        %reduce_sum3A_1144 = vector.extract %reduce_sum3A_1143[15] : f32 from vector<16xf32>
        %eq3A_1145 = arith.constant 8 : i32
        %eq3A_1146 = vector.broadcast %eq3A_1145 : i32 to vector<16xi32>
        %eq3A_1147 = arith.cmpi eq, %iota3A, %eq3A_1146 : vector<16xi32>
        %broadcast_in_dim3A_1148 = vector.broadcast %reduce_sum3A_1144 : f32 to vector<16xf32>
        %select_n3A_1149 = arith.select %eq3A_1147, %broadcast_in_dim3A_1148, %select_n3A_1119 : vector<16xi1>, vector<16xf32>
        %add3A_1150 = arith.constant 25 : i32
        %add3A_1151 = arith.addi %mul3A_384, %add3A_1150 : i32
        %get3A_1152 = arith.index_cast %add3A_1151 : i32 to index
        %get3A_1153 = arith.constant 0 : index
        %get3A_1154 = tpu.vector_load %arg9[%get3A_1152, %get3A_1153] {strides = array<i32>} : memref<416x64xf32, #tpu.memory_space<vmem>>, vector<16xf32>,
        %mul3A_1155 = arith.mulf %get3A_386, %get3A_1154 : vector<16xf32>
        %get3A_1156 = arith.index_cast %add3A_1151 : i32 to index
        %get3A_1157 = arith.constant 16 : index
        %get3A_1158 = tpu.vector_load %arg9[%get3A_1156, %get3A_1157] {strides = array<i32>} : memref<416x64xf32, #tpu.memory_space<vmem>>, vector<16xf32>,
        %mul3A_1159 = arith.mulf %get3A_389, %get3A_1158 : vector<16xf32>
        %add3A_1160 = arith.addf %mul3A_1155, %mul3A_1159 : vector<16xf32>
        %get3A_1161 = arith.index_cast %add3A_1151 : i32 to index
        %get3A_1162 = arith.constant 32 : index
        %get3A_1163 = tpu.vector_load %arg9[%get3A_1161, %get3A_1162] {strides = array<i32>} : memref<416x64xf32, #tpu.memory_space<vmem>>, vector<16xf32>,
        %mul3A_1164 = arith.mulf %get3A_392, %get3A_1163 : vector<16xf32>
        %add3A_1165 = arith.addf %add3A_1160, %mul3A_1164 : vector<16xf32>
        %get3A_1166 = arith.index_cast %add3A_1151 : i32 to index
        %get3A_1167 = arith.constant 48 : index
        %get3A_1168 = tpu.vector_load %arg9[%get3A_1166, %get3A_1167] {strides = array<i32>} : memref<416x64xf32, #tpu.memory_space<vmem>>, vector<16xf32>,
        %mul3A_1169 = arith.mulf %get3A_395, %get3A_1168 : vector<16xf32>
        %add3A_1170 = arith.addf %add3A_1165, %mul3A_1169 : vector<16xf32>
        %reduce_sum3A_1171 = arith.constant true
        %reduce_sum3A_1172 = vector.broadcast %reduce_sum3A_1171 : i1 to vector<16xi1>
        %reduce_sum3A_1173 = tpu.scan <sum>, %add3A_1170 masked %reduce_sum3A_1172 : vector<16xf32>, vector<16xi1> -> vector<16xf32>
        %reduce_sum3A_1174 = vector.extract %reduce_sum3A_1173[15] : f32 from vector<16xf32>
        %eq3A_1175 = arith.constant 9 : i32
        %eq3A_1176 = vector.broadcast %eq3A_1175 : i32 to vector<16xi32>
        %eq3A_1177 = arith.cmpi eq, %iota3A, %eq3A_1176 : vector<16xi32>
        %broadcast_in_dim3A_1178 = vector.broadcast %reduce_sum3A_1174 : f32 to vector<16xf32>
        %select_n3A_1179 = arith.select %eq3A_1177, %broadcast_in_dim3A_1178, %select_n3A_1149 : vector<16xi1>, vector<16xf32>
        %add3A_1180 = arith.constant 26 : i32
        %add3A_1181 = arith.addi %mul3A_384, %add3A_1180 : i32
        %get3A_1182 = arith.index_cast %add3A_1181 : i32 to index
        %get3A_1183 = arith.constant 0 : index
        %get3A_1184 = tpu.vector_load %arg9[%get3A_1182, %get3A_1183] {strides = array<i32>} : memref<416x64xf32, #tpu.memory_space<vmem>>, vector<16xf32>,
        %mul3A_1185 = arith.mulf %get3A_386, %get3A_1184 : vector<16xf32>
        %get3A_1186 = arith.index_cast %add3A_1181 : i32 to index
        %get3A_1187 = arith.constant 16 : index
        %get3A_1188 = tpu.vector_load %arg9[%get3A_1186, %get3A_1187] {strides = array<i32>} : memref<416x64xf32, #tpu.memory_space<vmem>>, vector<16xf32>,
        %mul3A_1189 = arith.mulf %get3A_389, %get3A_1188 : vector<16xf32>
        %add3A_1190 = arith.addf %mul3A_1185, %mul3A_1189 : vector<16xf32>
        %get3A_1191 = arith.index_cast %add3A_1181 : i32 to index
        %get3A_1192 = arith.constant 32 : index
        %get3A_1193 = tpu.vector_load %arg9[%get3A_1191, %get3A_1192] {strides = array<i32>} : memref<416x64xf32, #tpu.memory_space<vmem>>, vector<16xf32>,
        %mul3A_1194 = arith.mulf %get3A_392, %get3A_1193 : vector<16xf32>
        %add3A_1195 = arith.addf %add3A_1190, %mul3A_1194 : vector<16xf32>
        %get3A_1196 = arith.index_cast %add3A_1181 : i32 to index
        %get3A_1197 = arith.constant 48 : index
        %get3A_1198 = tpu.vector_load %arg9[%get3A_1196, %get3A_1197] {strides = array<i32>} : memref<416x64xf32, #tpu.memory_space<vmem>>, vector<16xf32>,
        %mul3A_1199 = arith.mulf %get3A_395, %get3A_1198 : vector<16xf32>
        %add3A_1200 = arith.addf %add3A_1195, %mul3A_1199 : vector<16xf32>
        %reduce_sum3A_1201 = arith.constant true
        %reduce_sum3A_1202 = vector.broadcast %reduce_sum3A_1201 : i1 to vector<16xi1>
        %reduce_sum3A_1203 = tpu.scan <sum>, %add3A_1200 masked %reduce_sum3A_1202 : vector<16xf32>, vector<16xi1> -> vector<16xf32>
        %reduce_sum3A_1204 = vector.extract %reduce_sum3A_1203[15] : f32 from vector<16xf32>
        %eq3A_1205 = arith.constant 10 : i32
        %eq3A_1206 = vector.broadcast %eq3A_1205 : i32 to vector<16xi32>
        %eq3A_1207 = arith.cmpi eq, %iota3A, %eq3A_1206 : vector<16xi32>
        %broadcast_in_dim3A_1208 = vector.broadcast %reduce_sum3A_1204 : f32 to vector<16xf32>
        %select_n3A_1209 = arith.select %eq3A_1207, %broadcast_in_dim3A_1208, %select_n3A_1179 : vector<16xi1>, vector<16xf32>
        %add3A_1210 = arith.constant 27 : i32
        %add3A_1211 = arith.addi %mul3A_384, %add3A_1210 : i32
        %get3A_1212 = arith.index_cast %add3A_1211 : i32 to index
        %get3A_1213 = arith.constant 0 : index
        %get3A_1214 = tpu.vector_load %arg9[%get3A_1212, %get3A_1213] {strides = array<i32>} : memref<416x64xf32, #tpu.memory_space<vmem>>, vector<16xf32>,
        %mul3A_1215 = arith.mulf %get3A_386, %get3A_1214 : vector<16xf32>
        %get3A_1216 = arith.index_cast %add3A_1211 : i32 to index
        %get3A_1217 = arith.constant 16 : index
        %get3A_1218 = tpu.vector_load %arg9[%get3A_1216, %get3A_1217] {strides = array<i32>} : memref<416x64xf32, #tpu.memory_space<vmem>>, vector<16xf32>,
        %mul3A_1219 = arith.mulf %get3A_389, %get3A_1218 : vector<16xf32>
        %add3A_1220 = arith.addf %mul3A_1215, %mul3A_1219 : vector<16xf32>
        %get3A_1221 = arith.index_cast %add3A_1211 : i32 to index
        %get3A_1222 = arith.constant 32 : index
        %get3A_1223 = tpu.vector_load %arg9[%get3A_1221, %get3A_1222] {strides = array<i32>} : memref<416x64xf32, #tpu.memory_space<vmem>>, vector<16xf32>,
        %mul3A_1224 = arith.mulf %get3A_392, %get3A_1223 : vector<16xf32>
        %add3A_1225 = arith.addf %add3A_1220, %mul3A_1224 : vector<16xf32>
        %get3A_1226 = arith.index_cast %add3A_1211 : i32 to index
        %get3A_1227 = arith.constant 48 : index
        %get3A_1228 = tpu.vector_load %arg9[%get3A_1226, %get3A_1227] {strides = array<i32>} : memref<416x64xf32, #tpu.memory_space<vmem>>, vector<16xf32>,
        %mul3A_1229 = arith.mulf %get3A_395, %get3A_1228 : vector<16xf32>
        %add3A_1230 = arith.addf %add3A_1225, %mul3A_1229 : vector<16xf32>
        %reduce_sum3A_1231 = arith.constant true
        %reduce_sum3A_1232 = vector.broadcast %reduce_sum3A_1231 : i1 to vector<16xi1>
        %reduce_sum3A_1233 = tpu.scan <sum>, %add3A_1230 masked %reduce_sum3A_1232 : vector<16xf32>, vector<16xi1> -> vector<16xf32>
        %reduce_sum3A_1234 = vector.extract %reduce_sum3A_1233[15] : f32 from vector<16xf32>
        %eq3A_1235 = arith.constant 11 : i32
        %eq3A_1236 = vector.broadcast %eq3A_1235 : i32 to vector<16xi32>
        %eq3A_1237 = arith.cmpi eq, %iota3A, %eq3A_1236 : vector<16xi32>
        %broadcast_in_dim3A_1238 = vector.broadcast %reduce_sum3A_1234 : f32 to vector<16xf32>
        %select_n3A_1239 = arith.select %eq3A_1237, %broadcast_in_dim3A_1238, %select_n3A_1209 : vector<16xi1>, vector<16xf32>
        %add3A_1240 = arith.constant 28 : i32
        %add3A_1241 = arith.addi %mul3A_384, %add3A_1240 : i32
        %get3A_1242 = arith.index_cast %add3A_1241 : i32 to index
        %get3A_1243 = arith.constant 0 : index
        %get3A_1244 = tpu.vector_load %arg9[%get3A_1242, %get3A_1243] {strides = array<i32>} : memref<416x64xf32, #tpu.memory_space<vmem>>, vector<16xf32>,
        %mul3A_1245 = arith.mulf %get3A_386, %get3A_1244 : vector<16xf32>
        %get3A_1246 = arith.index_cast %add3A_1241 : i32 to index
        %get3A_1247 = arith.constant 16 : index
        %get3A_1248 = tpu.vector_load %arg9[%get3A_1246, %get3A_1247] {strides = array<i32>} : memref<416x64xf32, #tpu.memory_space<vmem>>, vector<16xf32>,
        %mul3A_1249 = arith.mulf %get3A_389, %get3A_1248 : vector<16xf32>
        %add3A_1250 = arith.addf %mul3A_1245, %mul3A_1249 : vector<16xf32>
        %get3A_1251 = arith.index_cast %add3A_1241 : i32 to index
        %get3A_1252 = arith.constant 32 : index
        %get3A_1253 = tpu.vector_load %arg9[%get3A_1251, %get3A_1252] {strides = array<i32>} : memref<416x64xf32, #tpu.memory_space<vmem>>, vector<16xf32>,
        %mul3A_1254 = arith.mulf %get3A_392, %get3A_1253 : vector<16xf32>
        %add3A_1255 = arith.addf %add3A_1250, %mul3A_1254 : vector<16xf32>
        %get3A_1256 = arith.index_cast %add3A_1241 : i32 to index
        %get3A_1257 = arith.constant 48 : index
        %get3A_1258 = tpu.vector_load %arg9[%get3A_1256, %get3A_1257] {strides = array<i32>} : memref<416x64xf32, #tpu.memory_space<vmem>>, vector<16xf32>,
        %mul3A_1259 = arith.mulf %get3A_395, %get3A_1258 : vector<16xf32>
        %add3A_1260 = arith.addf %add3A_1255, %mul3A_1259 : vector<16xf32>
        %reduce_sum3A_1261 = arith.constant true
        %reduce_sum3A_1262 = vector.broadcast %reduce_sum3A_1261 : i1 to vector<16xi1>
        %reduce_sum3A_1263 = tpu.scan <sum>, %add3A_1260 masked %reduce_sum3A_1262 : vector<16xf32>, vector<16xi1> -> vector<16xf32>
        %reduce_sum3A_1264 = vector.extract %reduce_sum3A_1263[15] : f32 from vector<16xf32>
        %eq3A_1265 = arith.constant 12 : i32
        %eq3A_1266 = vector.broadcast %eq3A_1265 : i32 to vector<16xi32>
        %eq3A_1267 = arith.cmpi eq, %iota3A, %eq3A_1266 : vector<16xi32>
        %broadcast_in_dim3A_1268 = vector.broadcast %reduce_sum3A_1264 : f32 to vector<16xf32>
        %select_n3A_1269 = arith.select %eq3A_1267, %broadcast_in_dim3A_1268, %select_n3A_1239 : vector<16xi1>, vector<16xf32>
        %add3A_1270 = arith.constant 29 : i32
        %add3A_1271 = arith.addi %mul3A_384, %add3A_1270 : i32
        %get3A_1272 = arith.index_cast %add3A_1271 : i32 to index
        %get3A_1273 = arith.constant 0 : index
        %get3A_1274 = tpu.vector_load %arg9[%get3A_1272, %get3A_1273] {strides = array<i32>} : memref<416x64xf32, #tpu.memory_space<vmem>>, vector<16xf32>,
        %mul3A_1275 = arith.mulf %get3A_386, %get3A_1274 : vector<16xf32>
        %get3A_1276 = arith.index_cast %add3A_1271 : i32 to index
        %get3A_1277 = arith.constant 16 : index
        %get3A_1278 = tpu.vector_load %arg9[%get3A_1276, %get3A_1277] {strides = array<i32>} : memref<416x64xf32, #tpu.memory_space<vmem>>, vector<16xf32>,
        %mul3A_1279 = arith.mulf %get3A_389, %get3A_1278 : vector<16xf32>
        %add3A_1280 = arith.addf %mul3A_1275, %mul3A_1279 : vector<16xf32>
        %get3A_1281 = arith.index_cast %add3A_1271 : i32 to index
        %get3A_1282 = arith.constant 32 : index
        %get3A_1283 = tpu.vector_load %arg9[%get3A_1281, %get3A_1282] {strides = array<i32>} : memref<416x64xf32, #tpu.memory_space<vmem>>, vector<16xf32>,
        %mul3A_1284 = arith.mulf %get3A_392, %get3A_1283 : vector<16xf32>
        %add3A_1285 = arith.addf %add3A_1280, %mul3A_1284 : vector<16xf32>
        %get3A_1286 = arith.index_cast %add3A_1271 : i32 to index
        %get3A_1287 = arith.constant 48 : index
        %get3A_1288 = tpu.vector_load %arg9[%get3A_1286, %get3A_1287] {strides = array<i32>} : memref<416x64xf32, #tpu.memory_space<vmem>>, vector<16xf32>,
        %mul3A_1289 = arith.mulf %get3A_395, %get3A_1288 : vector<16xf32>
        %add3A_1290 = arith.addf %add3A_1285, %mul3A_1289 : vector<16xf32>
        %reduce_sum3A_1291 = arith.constant true
        %reduce_sum3A_1292 = vector.broadcast %reduce_sum3A_1291 : i1 to vector<16xi1>
        %reduce_sum3A_1293 = tpu.scan <sum>, %add3A_1290 masked %reduce_sum3A_1292 : vector<16xf32>, vector<16xi1> -> vector<16xf32>
        %reduce_sum3A_1294 = vector.extract %reduce_sum3A_1293[15] : f32 from vector<16xf32>
        %eq3A_1295 = arith.constant 13 : i32
        %eq3A_1296 = vector.broadcast %eq3A_1295 : i32 to vector<16xi32>
        %eq3A_1297 = arith.cmpi eq, %iota3A, %eq3A_1296 : vector<16xi32>
        %broadcast_in_dim3A_1298 = vector.broadcast %reduce_sum3A_1294 : f32 to vector<16xf32>
        %select_n3A_1299 = arith.select %eq3A_1297, %broadcast_in_dim3A_1298, %select_n3A_1269 : vector<16xi1>, vector<16xf32>
        %add3A_1300 = arith.constant 30 : i32
        %add3A_1301 = arith.addi %mul3A_384, %add3A_1300 : i32
        %get3A_1302 = arith.index_cast %add3A_1301 : i32 to index
        %get3A_1303 = arith.constant 0 : index
        %get3A_1304 = tpu.vector_load %arg9[%get3A_1302, %get3A_1303] {strides = array<i32>} : memref<416x64xf32, #tpu.memory_space<vmem>>, vector<16xf32>,
        %mul3A_1305 = arith.mulf %get3A_386, %get3A_1304 : vector<16xf32>
        %get3A_1306 = arith.index_cast %add3A_1301 : i32 to index
        %get3A_1307 = arith.constant 16 : index
        %get3A_1308 = tpu.vector_load %arg9[%get3A_1306, %get3A_1307] {strides = array<i32>} : memref<416x64xf32, #tpu.memory_space<vmem>>, vector<16xf32>,
        %mul3A_1309 = arith.mulf %get3A_389, %get3A_1308 : vector<16xf32>
        %add3A_1310 = arith.addf %mul3A_1305, %mul3A_1309 : vector<16xf32>
        %get3A_1311 = arith.index_cast %add3A_1301 : i32 to index
        %get3A_1312 = arith.constant 32 : index
        %get3A_1313 = tpu.vector_load %arg9[%get3A_1311, %get3A_1312] {strides = array<i32>} : memref<416x64xf32, #tpu.memory_space<vmem>>, vector<16xf32>,
        %mul3A_1314 = arith.mulf %get3A_392, %get3A_1313 : vector<16xf32>
        %add3A_1315 = arith.addf %add3A_1310, %mul3A_1314 : vector<16xf32>
        %get3A_1316 = arith.index_cast %add3A_1301 : i32 to index
        %get3A_1317 = arith.constant 48 : index
        %get3A_1318 = tpu.vector_load %arg9[%get3A_1316, %get3A_1317] {strides = array<i32>} : memref<416x64xf32, #tpu.memory_space<vmem>>, vector<16xf32>,
        %mul3A_1319 = arith.mulf %get3A_395, %get3A_1318 : vector<16xf32>
        %add3A_1320 = arith.addf %add3A_1315, %mul3A_1319 : vector<16xf32>
        %reduce_sum3A_1321 = arith.constant true
        %reduce_sum3A_1322 = vector.broadcast %reduce_sum3A_1321 : i1 to vector<16xi1>
        %reduce_sum3A_1323 = tpu.scan <sum>, %add3A_1320 masked %reduce_sum3A_1322 : vector<16xf32>, vector<16xi1> -> vector<16xf32>
        %reduce_sum3A_1324 = vector.extract %reduce_sum3A_1323[15] : f32 from vector<16xf32>
        %eq3A_1325 = arith.constant 14 : i32
        %eq3A_1326 = vector.broadcast %eq3A_1325 : i32 to vector<16xi32>
        %eq3A_1327 = arith.cmpi eq, %iota3A, %eq3A_1326 : vector<16xi32>
        %broadcast_in_dim3A_1328 = vector.broadcast %reduce_sum3A_1324 : f32 to vector<16xf32>
        %select_n3A_1329 = arith.select %eq3A_1327, %broadcast_in_dim3A_1328, %select_n3A_1299 : vector<16xi1>, vector<16xf32>
        %add3A_1330 = arith.constant 31 : i32
        %add3A_1331 = arith.addi %mul3A_384, %add3A_1330 : i32
        %get3A_1332 = arith.index_cast %add3A_1331 : i32 to index
        %get3A_1333 = arith.constant 0 : index
        %get3A_1334 = tpu.vector_load %arg9[%get3A_1332, %get3A_1333] {strides = array<i32>} : memref<416x64xf32, #tpu.memory_space<vmem>>, vector<16xf32>,
        %mul3A_1335 = arith.mulf %get3A_386, %get3A_1334 : vector<16xf32>
        %get3A_1336 = arith.index_cast %add3A_1331 : i32 to index
        %get3A_1337 = arith.constant 16 : index
        %get3A_1338 = tpu.vector_load %arg9[%get3A_1336, %get3A_1337] {strides = array<i32>} : memref<416x64xf32, #tpu.memory_space<vmem>>, vector<16xf32>,
        %mul3A_1339 = arith.mulf %get3A_389, %get3A_1338 : vector<16xf32>
        %add3A_1340 = arith.addf %mul3A_1335, %mul3A_1339 : vector<16xf32>
        %get3A_1341 = arith.index_cast %add3A_1331 : i32 to index
        %get3A_1342 = arith.constant 32 : index
        %get3A_1343 = tpu.vector_load %arg9[%get3A_1341, %get3A_1342] {strides = array<i32>} : memref<416x64xf32, #tpu.memory_space<vmem>>, vector<16xf32>,
        %mul3A_1344 = arith.mulf %get3A_392, %get3A_1343 : vector<16xf32>
        %add3A_1345 = arith.addf %add3A_1340, %mul3A_1344 : vector<16xf32>
        %get3A_1346 = arith.index_cast %add3A_1331 : i32 to index
        %get3A_1347 = arith.constant 48 : index
        %get3A_1348 = tpu.vector_load %arg9[%get3A_1346, %get3A_1347] {strides = array<i32>} : memref<416x64xf32, #tpu.memory_space<vmem>>, vector<16xf32>,
        %mul3A_1349 = arith.mulf %get3A_395, %get3A_1348 : vector<16xf32>
        %add3A_1350 = arith.addf %add3A_1345, %mul3A_1349 : vector<16xf32>
        %reduce_sum3A_1351 = arith.constant true
        %reduce_sum3A_1352 = vector.broadcast %reduce_sum3A_1351 : i1 to vector<16xi1>
        %reduce_sum3A_1353 = tpu.scan <sum>, %add3A_1350 masked %reduce_sum3A_1352 : vector<16xf32>, vector<16xi1> -> vector<16xf32>
        %reduce_sum3A_1354 = vector.extract %reduce_sum3A_1353[15] : f32 from vector<16xf32>
        %eq3A_1355 = arith.constant 15 : i32
        %eq3A_1356 = vector.broadcast %eq3A_1355 : i32 to vector<16xi32>
        %eq3A_1357 = arith.cmpi eq, %iota3A, %eq3A_1356 : vector<16xi32>
        %broadcast_in_dim3A_1358 = vector.broadcast %reduce_sum3A_1354 : f32 to vector<16xf32>
        %select_n3A_1359 = arith.select %eq3A_1357, %broadcast_in_dim3A_1358, %select_n3A_1329 : vector<16xi1>, vector<16xf32>
        %add3A_1360 = arith.constant 32 : i32
        %add3A_1361 = arith.addi %mul3A_384, %add3A_1360 : i32
        %get3A_1362 = arith.index_cast %add3A_1361 : i32 to index
        %get3A_1363 = arith.constant 0 : index
        %get3A_1364 = tpu.vector_load %arg9[%get3A_1362, %get3A_1363] {strides = array<i32>} : memref<416x64xf32, #tpu.memory_space<vmem>>, vector<16xf32>,
        %mul3A_1365 = arith.mulf %get3A_386, %get3A_1364 : vector<16xf32>
        %get3A_1366 = arith.index_cast %add3A_1361 : i32 to index
        %get3A_1367 = arith.constant 16 : index
        %get3A_1368 = tpu.vector_load %arg9[%get3A_1366, %get3A_1367] {strides = array<i32>} : memref<416x64xf32, #tpu.memory_space<vmem>>, vector<16xf32>,
        %mul3A_1369 = arith.mulf %get3A_389, %get3A_1368 : vector<16xf32>
        %add3A_1370 = arith.addf %mul3A_1365, %mul3A_1369 : vector<16xf32>
        %get3A_1371 = arith.index_cast %add3A_1361 : i32 to index
        %get3A_1372 = arith.constant 32 : index
        %get3A_1373 = tpu.vector_load %arg9[%get3A_1371, %get3A_1372] {strides = array<i32>} : memref<416x64xf32, #tpu.memory_space<vmem>>, vector<16xf32>,
        %mul3A_1374 = arith.mulf %get3A_392, %get3A_1373 : vector<16xf32>
        %add3A_1375 = arith.addf %add3A_1370, %mul3A_1374 : vector<16xf32>
        %get3A_1376 = arith.index_cast %add3A_1361 : i32 to index
        %get3A_1377 = arith.constant 48 : index
        %get3A_1378 = tpu.vector_load %arg9[%get3A_1376, %get3A_1377] {strides = array<i32>} : memref<416x64xf32, #tpu.memory_space<vmem>>, vector<16xf32>,
        %mul3A_1379 = arith.mulf %get3A_395, %get3A_1378 : vector<16xf32>
        %add3A_1380 = arith.addf %add3A_1375, %mul3A_1379 : vector<16xf32>
        %reduce_sum3A_1381 = arith.constant true
        %reduce_sum3A_1382 = vector.broadcast %reduce_sum3A_1381 : i1 to vector<16xi1>
        %reduce_sum3A_1383 = tpu.scan <sum>, %add3A_1380 masked %reduce_sum3A_1382 : vector<16xf32>, vector<16xi1> -> vector<16xf32>
        %reduce_sum3A_1384 = vector.extract %reduce_sum3A_1383[15] : f32 from vector<16xf32>
        %eq3A_1385 = arith.constant 0 : i32
        %eq3A_1386 = vector.broadcast %eq3A_1385 : i32 to vector<16xi32>
        %eq3A_1387 = arith.cmpi eq, %iota3A, %eq3A_1386 : vector<16xi32>
        %broadcast_in_dim3A_1388 = vector.broadcast %reduce_sum3A_1384 : f32 to vector<16xf32>
        %select_n3A_1389 = arith.select %eq3A_1387, %broadcast_in_dim3A_1388, %broadcast_in_dim3A_400 : vector<16xi1>, vector<16xf32>
        %add3A_1390 = arith.constant 33 : i32
        %add3A_1391 = arith.addi %mul3A_384, %add3A_1390 : i32
        %get3A_1392 = arith.index_cast %add3A_1391 : i32 to index
        %get3A_1393 = arith.constant 0 : index
        %get3A_1394 = tpu.vector_load %arg9[%get3A_1392, %get3A_1393] {strides = array<i32>} : memref<416x64xf32, #tpu.memory_space<vmem>>, vector<16xf32>,
        %mul3A_1395 = arith.mulf %get3A_386, %get3A_1394 : vector<16xf32>
        %get3A_1396 = arith.index_cast %add3A_1391 : i32 to index
        %get3A_1397 = arith.constant 16 : index
        %get3A_1398 = tpu.vector_load %arg9[%get3A_1396, %get3A_1397] {strides = array<i32>} : memref<416x64xf32, #tpu.memory_space<vmem>>, vector<16xf32>,
        %mul3A_1399 = arith.mulf %get3A_389, %get3A_1398 : vector<16xf32>
        %add3A_1400 = arith.addf %mul3A_1395, %mul3A_1399 : vector<16xf32>
        %get3A_1401 = arith.index_cast %add3A_1391 : i32 to index
        %get3A_1402 = arith.constant 32 : index
        %get3A_1403 = tpu.vector_load %arg9[%get3A_1401, %get3A_1402] {strides = array<i32>} : memref<416x64xf32, #tpu.memory_space<vmem>>, vector<16xf32>,
        %mul3A_1404 = arith.mulf %get3A_392, %get3A_1403 : vector<16xf32>
        %add3A_1405 = arith.addf %add3A_1400, %mul3A_1404 : vector<16xf32>
        %get3A_1406 = arith.index_cast %add3A_1391 : i32 to index
        %get3A_1407 = arith.constant 48 : index
        %get3A_1408 = tpu.vector_load %arg9[%get3A_1406, %get3A_1407] {strides = array<i32>} : memref<416x64xf32, #tpu.memory_space<vmem>>, vector<16xf32>,
        %mul3A_1409 = arith.mulf %get3A_395, %get3A_1408 : vector<16xf32>
        %add3A_1410 = arith.addf %add3A_1405, %mul3A_1409 : vector<16xf32>
        %reduce_sum3A_1411 = arith.constant true
        %reduce_sum3A_1412 = vector.broadcast %reduce_sum3A_1411 : i1 to vector<16xi1>
        %reduce_sum3A_1413 = tpu.scan <sum>, %add3A_1410 masked %reduce_sum3A_1412 : vector<16xf32>, vector<16xi1> -> vector<16xf32>
        %reduce_sum3A_1414 = vector.extract %reduce_sum3A_1413[15] : f32 from vector<16xf32>
        %eq3A_1415 = arith.constant 1 : i32
        %eq3A_1416 = vector.broadcast %eq3A_1415 : i32 to vector<16xi32>
        %eq3A_1417 = arith.cmpi eq, %iota3A, %eq3A_1416 : vector<16xi32>
        %broadcast_in_dim3A_1418 = vector.broadcast %reduce_sum3A_1414 : f32 to vector<16xf32>
        %select_n3A_1419 = arith.select %eq3A_1417, %broadcast_in_dim3A_1418, %select_n3A_1389 : vector<16xi1>, vector<16xf32>
        %add3A_1420 = arith.constant 34 : i32
        %add3A_1421 = arith.addi %mul3A_384, %add3A_1420 : i32
        %get3A_1422 = arith.index_cast %add3A_1421 : i32 to index
        %get3A_1423 = arith.constant 0 : index
        %get3A_1424 = tpu.vector_load %arg9[%get3A_1422, %get3A_1423] {strides = array<i32>} : memref<416x64xf32, #tpu.memory_space<vmem>>, vector<16xf32>,
        %mul3A_1425 = arith.mulf %get3A_386, %get3A_1424 : vector<16xf32>
        %get3A_1426 = arith.index_cast %add3A_1421 : i32 to index
        %get3A_1427 = arith.constant 16 : index
        %get3A_1428 = tpu.vector_load %arg9[%get3A_1426, %get3A_1427] {strides = array<i32>} : memref<416x64xf32, #tpu.memory_space<vmem>>, vector<16xf32>,
        %mul3A_1429 = arith.mulf %get3A_389, %get3A_1428 : vector<16xf32>
        %add3A_1430 = arith.addf %mul3A_1425, %mul3A_1429 : vector<16xf32>
        %get3A_1431 = arith.index_cast %add3A_1421 : i32 to index
        %get3A_1432 = arith.constant 32 : index
        %get3A_1433 = tpu.vector_load %arg9[%get3A_1431, %get3A_1432] {strides = array<i32>} : memref<416x64xf32, #tpu.memory_space<vmem>>, vector<16xf32>,
        %mul3A_1434 = arith.mulf %get3A_392, %get3A_1433 : vector<16xf32>
        %add3A_1435 = arith.addf %add3A_1430, %mul3A_1434 : vector<16xf32>
        %get3A_1436 = arith.index_cast %add3A_1421 : i32 to index
        %get3A_1437 = arith.constant 48 : index
        %get3A_1438 = tpu.vector_load %arg9[%get3A_1436, %get3A_1437] {strides = array<i32>} : memref<416x64xf32, #tpu.memory_space<vmem>>, vector<16xf32>,
        %mul3A_1439 = arith.mulf %get3A_395, %get3A_1438 : vector<16xf32>
        %add3A_1440 = arith.addf %add3A_1435, %mul3A_1439 : vector<16xf32>
        %reduce_sum3A_1441 = arith.constant true
        %reduce_sum3A_1442 = vector.broadcast %reduce_sum3A_1441 : i1 to vector<16xi1>
        %reduce_sum3A_1443 = tpu.scan <sum>, %add3A_1440 masked %reduce_sum3A_1442 : vector<16xf32>, vector<16xi1> -> vector<16xf32>
        %reduce_sum3A_1444 = vector.extract %reduce_sum3A_1443[15] : f32 from vector<16xf32>
        %eq3A_1445 = arith.constant 2 : i32
        %eq3A_1446 = vector.broadcast %eq3A_1445 : i32 to vector<16xi32>
        %eq3A_1447 = arith.cmpi eq, %iota3A, %eq3A_1446 : vector<16xi32>
        %broadcast_in_dim3A_1448 = vector.broadcast %reduce_sum3A_1444 : f32 to vector<16xf32>
        %select_n3A_1449 = arith.select %eq3A_1447, %broadcast_in_dim3A_1448, %select_n3A_1419 : vector<16xi1>, vector<16xf32>
        %add3A_1450 = arith.constant 35 : i32
        %add3A_1451 = arith.addi %mul3A_384, %add3A_1450 : i32
        %get3A_1452 = arith.index_cast %add3A_1451 : i32 to index
        %get3A_1453 = arith.constant 0 : index
        %get3A_1454 = tpu.vector_load %arg9[%get3A_1452, %get3A_1453] {strides = array<i32>} : memref<416x64xf32, #tpu.memory_space<vmem>>, vector<16xf32>,
        %mul3A_1455 = arith.mulf %get3A_386, %get3A_1454 : vector<16xf32>
        %get3A_1456 = arith.index_cast %add3A_1451 : i32 to index
        %get3A_1457 = arith.constant 16 : index
        %get3A_1458 = tpu.vector_load %arg9[%get3A_1456, %get3A_1457] {strides = array<i32>} : memref<416x64xf32, #tpu.memory_space<vmem>>, vector<16xf32>,
        %mul3A_1459 = arith.mulf %get3A_389, %get3A_1458 : vector<16xf32>
        %add3A_1460 = arith.addf %mul3A_1455, %mul3A_1459 : vector<16xf32>
        %get3A_1461 = arith.index_cast %add3A_1451 : i32 to index
        %get3A_1462 = arith.constant 32 : index
        %get3A_1463 = tpu.vector_load %arg9[%get3A_1461, %get3A_1462] {strides = array<i32>} : memref<416x64xf32, #tpu.memory_space<vmem>>, vector<16xf32>,
        %mul3A_1464 = arith.mulf %get3A_392, %get3A_1463 : vector<16xf32>
        %add3A_1465 = arith.addf %add3A_1460, %mul3A_1464 : vector<16xf32>
        %get3A_1466 = arith.index_cast %add3A_1451 : i32 to index
        %get3A_1467 = arith.constant 48 : index
        %get3A_1468 = tpu.vector_load %arg9[%get3A_1466, %get3A_1467] {strides = array<i32>} : memref<416x64xf32, #tpu.memory_space<vmem>>, vector<16xf32>,
        %mul3A_1469 = arith.mulf %get3A_395, %get3A_1468 : vector<16xf32>
        %add3A_1470 = arith.addf %add3A_1465, %mul3A_1469 : vector<16xf32>
        %reduce_sum3A_1471 = arith.constant true
        %reduce_sum3A_1472 = vector.broadcast %reduce_sum3A_1471 : i1 to vector<16xi1>
        %reduce_sum3A_1473 = tpu.scan <sum>, %add3A_1470 masked %reduce_sum3A_1472 : vector<16xf32>, vector<16xi1> -> vector<16xf32>
        %reduce_sum3A_1474 = vector.extract %reduce_sum3A_1473[15] : f32 from vector<16xf32>
        %eq3A_1475 = arith.constant 3 : i32
        %eq3A_1476 = vector.broadcast %eq3A_1475 : i32 to vector<16xi32>
        %eq3A_1477 = arith.cmpi eq, %iota3A, %eq3A_1476 : vector<16xi32>
        %broadcast_in_dim3A_1478 = vector.broadcast %reduce_sum3A_1474 : f32 to vector<16xf32>
        %select_n3A_1479 = arith.select %eq3A_1477, %broadcast_in_dim3A_1478, %select_n3A_1449 : vector<16xi1>, vector<16xf32>
        %add3A_1480 = arith.constant 36 : i32
        %add3A_1481 = arith.addi %mul3A_384, %add3A_1480 : i32
        %get3A_1482 = arith.index_cast %add3A_1481 : i32 to index
        %get3A_1483 = arith.constant 0 : index
        %get3A_1484 = tpu.vector_load %arg9[%get3A_1482, %get3A_1483] {strides = array<i32>} : memref<416x64xf32, #tpu.memory_space<vmem>>, vector<16xf32>,
        %mul3A_1485 = arith.mulf %get3A_386, %get3A_1484 : vector<16xf32>
        %get3A_1486 = arith.index_cast %add3A_1481 : i32 to index
        %get3A_1487 = arith.constant 16 : index
        %get3A_1488 = tpu.vector_load %arg9[%get3A_1486, %get3A_1487] {strides = array<i32>} : memref<416x64xf32, #tpu.memory_space<vmem>>, vector<16xf32>,
        %mul3A_1489 = arith.mulf %get3A_389, %get3A_1488 : vector<16xf32>
        %add3A_1490 = arith.addf %mul3A_1485, %mul3A_1489 : vector<16xf32>
        %get3A_1491 = arith.index_cast %add3A_1481 : i32 to index
        %get3A_1492 = arith.constant 32 : index
        %get3A_1493 = tpu.vector_load %arg9[%get3A_1491, %get3A_1492] {strides = array<i32>} : memref<416x64xf32, #tpu.memory_space<vmem>>, vector<16xf32>,
        %mul3A_1494 = arith.mulf %get3A_392, %get3A_1493 : vector<16xf32>
        %add3A_1495 = arith.addf %add3A_1490, %mul3A_1494 : vector<16xf32>
        %get3A_1496 = arith.index_cast %add3A_1481 : i32 to index
        %get3A_1497 = arith.constant 48 : index
        %get3A_1498 = tpu.vector_load %arg9[%get3A_1496, %get3A_1497] {strides = array<i32>} : memref<416x64xf32, #tpu.memory_space<vmem>>, vector<16xf32>,
        %mul3A_1499 = arith.mulf %get3A_395, %get3A_1498 : vector<16xf32>
        %add3A_1500 = arith.addf %add3A_1495, %mul3A_1499 : vector<16xf32>
        %reduce_sum3A_1501 = arith.constant true
        %reduce_sum3A_1502 = vector.broadcast %reduce_sum3A_1501 : i1 to vector<16xi1>
        %reduce_sum3A_1503 = tpu.scan <sum>, %add3A_1500 masked %reduce_sum3A_1502 : vector<16xf32>, vector<16xi1> -> vector<16xf32>
        %reduce_sum3A_1504 = vector.extract %reduce_sum3A_1503[15] : f32 from vector<16xf32>
        %eq3A_1505 = arith.constant 4 : i32
        %eq3A_1506 = vector.broadcast %eq3A_1505 : i32 to vector<16xi32>
        %eq3A_1507 = arith.cmpi eq, %iota3A, %eq3A_1506 : vector<16xi32>
        %broadcast_in_dim3A_1508 = vector.broadcast %reduce_sum3A_1504 : f32 to vector<16xf32>
        %select_n3A_1509 = arith.select %eq3A_1507, %broadcast_in_dim3A_1508, %select_n3A_1479 : vector<16xi1>, vector<16xf32>
        %add3A_1510 = arith.constant 37 : i32
        %add3A_1511 = arith.addi %mul3A_384, %add3A_1510 : i32
        %get3A_1512 = arith.index_cast %add3A_1511 : i32 to index
        %get3A_1513 = arith.constant 0 : index
        %get3A_1514 = tpu.vector_load %arg9[%get3A_1512, %get3A_1513] {strides = array<i32>} : memref<416x64xf32, #tpu.memory_space<vmem>>, vector<16xf32>,
        %mul3A_1515 = arith.mulf %get3A_386, %get3A_1514 : vector<16xf32>
        %get3A_1516 = arith.index_cast %add3A_1511 : i32 to index
        %get3A_1517 = arith.constant 16 : index
        %get3A_1518 = tpu.vector_load %arg9[%get3A_1516, %get3A_1517] {strides = array<i32>} : memref<416x64xf32, #tpu.memory_space<vmem>>, vector<16xf32>,
        %mul3A_1519 = arith.mulf %get3A_389, %get3A_1518 : vector<16xf32>
        %add3A_1520 = arith.addf %mul3A_1515, %mul3A_1519 : vector<16xf32>
        %get3A_1521 = arith.index_cast %add3A_1511 : i32 to index
        %get3A_1522 = arith.constant 32 : index
        %get3A_1523 = tpu.vector_load %arg9[%get3A_1521, %get3A_1522] {strides = array<i32>} : memref<416x64xf32, #tpu.memory_space<vmem>>, vector<16xf32>,
        %mul3A_1524 = arith.mulf %get3A_392, %get3A_1523 : vector<16xf32>
        %add3A_1525 = arith.addf %add3A_1520, %mul3A_1524 : vector<16xf32>
        %get3A_1526 = arith.index_cast %add3A_1511 : i32 to index
        %get3A_1527 = arith.constant 48 : index
        %get3A_1528 = tpu.vector_load %arg9[%get3A_1526, %get3A_1527] {strides = array<i32>} : memref<416x64xf32, #tpu.memory_space<vmem>>, vector<16xf32>,
        %mul3A_1529 = arith.mulf %get3A_395, %get3A_1528 : vector<16xf32>
        %add3A_1530 = arith.addf %add3A_1525, %mul3A_1529 : vector<16xf32>
        %reduce_sum3A_1531 = arith.constant true
        %reduce_sum3A_1532 = vector.broadcast %reduce_sum3A_1531 : i1 to vector<16xi1>
        %reduce_sum3A_1533 = tpu.scan <sum>, %add3A_1530 masked %reduce_sum3A_1532 : vector<16xf32>, vector<16xi1> -> vector<16xf32>
        %reduce_sum3A_1534 = vector.extract %reduce_sum3A_1533[15] : f32 from vector<16xf32>
        %eq3A_1535 = arith.constant 5 : i32
        %eq3A_1536 = vector.broadcast %eq3A_1535 : i32 to vector<16xi32>
        %eq3A_1537 = arith.cmpi eq, %iota3A, %eq3A_1536 : vector<16xi32>
        %broadcast_in_dim3A_1538 = vector.broadcast %reduce_sum3A_1534 : f32 to vector<16xf32>
        %select_n3A_1539 = arith.select %eq3A_1537, %broadcast_in_dim3A_1538, %select_n3A_1509 : vector<16xi1>, vector<16xf32>
        %add3A_1540 = arith.constant 38 : i32
        %add3A_1541 = arith.addi %mul3A_384, %add3A_1540 : i32
        %get3A_1542 = arith.index_cast %add3A_1541 : i32 to index
        %get3A_1543 = arith.constant 0 : index
        %get3A_1544 = tpu.vector_load %arg9[%get3A_1542, %get3A_1543] {strides = array<i32>} : memref<416x64xf32, #tpu.memory_space<vmem>>, vector<16xf32>,
        %mul3A_1545 = arith.mulf %get3A_386, %get3A_1544 : vector<16xf32>
        %get3A_1546 = arith.index_cast %add3A_1541 : i32 to index
        %get3A_1547 = arith.constant 16 : index
        %get3A_1548 = tpu.vector_load %arg9[%get3A_1546, %get3A_1547] {strides = array<i32>} : memref<416x64xf32, #tpu.memory_space<vmem>>, vector<16xf32>,
        %mul3A_1549 = arith.mulf %get3A_389, %get3A_1548 : vector<16xf32>
        %add3A_1550 = arith.addf %mul3A_1545, %mul3A_1549 : vector<16xf32>
        %get3A_1551 = arith.index_cast %add3A_1541 : i32 to index
        %get3A_1552 = arith.constant 32 : index
        %get3A_1553 = tpu.vector_load %arg9[%get3A_1551, %get3A_1552] {strides = array<i32>} : memref<416x64xf32, #tpu.memory_space<vmem>>, vector<16xf32>,
        %mul3A_1554 = arith.mulf %get3A_392, %get3A_1553 : vector<16xf32>
        %add3A_1555 = arith.addf %add3A_1550, %mul3A_1554 : vector<16xf32>
        %get3A_1556 = arith.index_cast %add3A_1541 : i32 to index
        %get3A_1557 = arith.constant 48 : index
        %get3A_1558 = tpu.vector_load %arg9[%get3A_1556, %get3A_1557] {strides = array<i32>} : memref<416x64xf32, #tpu.memory_space<vmem>>, vector<16xf32>,
        %mul3A_1559 = arith.mulf %get3A_395, %get3A_1558 : vector<16xf32>
        %add3A_1560 = arith.addf %add3A_1555, %mul3A_1559 : vector<16xf32>
        %reduce_sum3A_1561 = arith.constant true
        %reduce_sum3A_1562 = vector.broadcast %reduce_sum3A_1561 : i1 to vector<16xi1>
        %reduce_sum3A_1563 = tpu.scan <sum>, %add3A_1560 masked %reduce_sum3A_1562 : vector<16xf32>, vector<16xi1> -> vector<16xf32>
        %reduce_sum3A_1564 = vector.extract %reduce_sum3A_1563[15] : f32 from vector<16xf32>
        %eq3A_1565 = arith.constant 6 : i32
        %eq3A_1566 = vector.broadcast %eq3A_1565 : i32 to vector<16xi32>
        %eq3A_1567 = arith.cmpi eq, %iota3A, %eq3A_1566 : vector<16xi32>
        %broadcast_in_dim3A_1568 = vector.broadcast %reduce_sum3A_1564 : f32 to vector<16xf32>
        %select_n3A_1569 = arith.select %eq3A_1567, %broadcast_in_dim3A_1568, %select_n3A_1539 : vector<16xi1>, vector<16xf32>
        %add3A_1570 = arith.constant 39 : i32
        %add3A_1571 = arith.addi %mul3A_384, %add3A_1570 : i32
        %get3A_1572 = arith.index_cast %add3A_1571 : i32 to index
        %get3A_1573 = arith.constant 0 : index
        %get3A_1574 = tpu.vector_load %arg9[%get3A_1572, %get3A_1573] {strides = array<i32>} : memref<416x64xf32, #tpu.memory_space<vmem>>, vector<16xf32>,
        %mul3A_1575 = arith.mulf %get3A_386, %get3A_1574 : vector<16xf32>
        %get3A_1576 = arith.index_cast %add3A_1571 : i32 to index
        %get3A_1577 = arith.constant 16 : index
        %get3A_1578 = tpu.vector_load %arg9[%get3A_1576, %get3A_1577] {strides = array<i32>} : memref<416x64xf32, #tpu.memory_space<vmem>>, vector<16xf32>,
        %mul3A_1579 = arith.mulf %get3A_389, %get3A_1578 : vector<16xf32>
        %add3A_1580 = arith.addf %mul3A_1575, %mul3A_1579 : vector<16xf32>
        %get3A_1581 = arith.index_cast %add3A_1571 : i32 to index
        %get3A_1582 = arith.constant 32 : index
        %get3A_1583 = tpu.vector_load %arg9[%get3A_1581, %get3A_1582] {strides = array<i32>} : memref<416x64xf32, #tpu.memory_space<vmem>>, vector<16xf32>,
        %mul3A_1584 = arith.mulf %get3A_392, %get3A_1583 : vector<16xf32>
        %add3A_1585 = arith.addf %add3A_1580, %mul3A_1584 : vector<16xf32>
        %get3A_1586 = arith.index_cast %add3A_1571 : i32 to index
        %get3A_1587 = arith.constant 48 : index
        %get3A_1588 = tpu.vector_load %arg9[%get3A_1586, %get3A_1587] {strides = array<i32>} : memref<416x64xf32, #tpu.memory_space<vmem>>, vector<16xf32>,
        %mul3A_1589 = arith.mulf %get3A_395, %get3A_1588 : vector<16xf32>
        %add3A_1590 = arith.addf %add3A_1585, %mul3A_1589 : vector<16xf32>
        %reduce_sum3A_1591 = arith.constant true
        %reduce_sum3A_1592 = vector.broadcast %reduce_sum3A_1591 : i1 to vector<16xi1>
        %reduce_sum3A_1593 = tpu.scan <sum>, %add3A_1590 masked %reduce_sum3A_1592 : vector<16xf32>, vector<16xi1> -> vector<16xf32>
        %reduce_sum3A_1594 = vector.extract %reduce_sum3A_1593[15] : f32 from vector<16xf32>
        %eq3A_1595 = arith.constant 7 : i32
        %eq3A_1596 = vector.broadcast %eq3A_1595 : i32 to vector<16xi32>
        %eq3A_1597 = arith.cmpi eq, %iota3A, %eq3A_1596 : vector<16xi32>
        %broadcast_in_dim3A_1598 = vector.broadcast %reduce_sum3A_1594 : f32 to vector<16xf32>
        %select_n3A_1599 = arith.select %eq3A_1597, %broadcast_in_dim3A_1598, %select_n3A_1569 : vector<16xi1>, vector<16xf32>
        %add3A_1600 = arith.constant 40 : i32
        %add3A_1601 = arith.addi %mul3A_384, %add3A_1600 : i32
        %get3A_1602 = arith.index_cast %add3A_1601 : i32 to index
        %get3A_1603 = arith.constant 0 : index
        %get3A_1604 = tpu.vector_load %arg9[%get3A_1602, %get3A_1603] {strides = array<i32>} : memref<416x64xf32, #tpu.memory_space<vmem>>, vector<16xf32>,
        %mul3A_1605 = arith.mulf %get3A_386, %get3A_1604 : vector<16xf32>
        %get3A_1606 = arith.index_cast %add3A_1601 : i32 to index
        %get3A_1607 = arith.constant 16 : index
        %get3A_1608 = tpu.vector_load %arg9[%get3A_1606, %get3A_1607] {strides = array<i32>} : memref<416x64xf32, #tpu.memory_space<vmem>>, vector<16xf32>,
        %mul3A_1609 = arith.mulf %get3A_389, %get3A_1608 : vector<16xf32>
        %add3A_1610 = arith.addf %mul3A_1605, %mul3A_1609 : vector<16xf32>
        %get3A_1611 = arith.index_cast %add3A_1601 : i32 to index
        %get3A_1612 = arith.constant 32 : index
        %get3A_1613 = tpu.vector_load %arg9[%get3A_1611, %get3A_1612] {strides = array<i32>} : memref<416x64xf32, #tpu.memory_space<vmem>>, vector<16xf32>,
        %mul3A_1614 = arith.mulf %get3A_392, %get3A_1613 : vector<16xf32>
        %add3A_1615 = arith.addf %add3A_1610, %mul3A_1614 : vector<16xf32>
        %get3A_1616 = arith.index_cast %add3A_1601 : i32 to index
        %get3A_1617 = arith.constant 48 : index
        %get3A_1618 = tpu.vector_load %arg9[%get3A_1616, %get3A_1617] {strides = array<i32>} : memref<416x64xf32, #tpu.memory_space<vmem>>, vector<16xf32>,
        %mul3A_1619 = arith.mulf %get3A_395, %get3A_1618 : vector<16xf32>
        %add3A_1620 = arith.addf %add3A_1615, %mul3A_1619 : vector<16xf32>
        %reduce_sum3A_1621 = arith.constant true
        %reduce_sum3A_1622 = vector.broadcast %reduce_sum3A_1621 : i1 to vector<16xi1>
        %reduce_sum3A_1623 = tpu.scan <sum>, %add3A_1620 masked %reduce_sum3A_1622 : vector<16xf32>, vector<16xi1> -> vector<16xf32>
        %reduce_sum3A_1624 = vector.extract %reduce_sum3A_1623[15] : f32 from vector<16xf32>
        %eq3A_1625 = arith.constant 8 : i32
        %eq3A_1626 = vector.broadcast %eq3A_1625 : i32 to vector<16xi32>
        %eq3A_1627 = arith.cmpi eq, %iota3A, %eq3A_1626 : vector<16xi32>
        %broadcast_in_dim3A_1628 = vector.broadcast %reduce_sum3A_1624 : f32 to vector<16xf32>
        %select_n3A_1629 = arith.select %eq3A_1627, %broadcast_in_dim3A_1628, %select_n3A_1599 : vector<16xi1>, vector<16xf32>
        %add3A_1630 = arith.constant 41 : i32
        %add3A_1631 = arith.addi %mul3A_384, %add3A_1630 : i32
        %get3A_1632 = arith.index_cast %add3A_1631 : i32 to index
        %get3A_1633 = arith.constant 0 : index
        %get3A_1634 = tpu.vector_load %arg9[%get3A_1632, %get3A_1633] {strides = array<i32>} : memref<416x64xf32, #tpu.memory_space<vmem>>, vector<16xf32>,
        %mul3A_1635 = arith.mulf %get3A_386, %get3A_1634 : vector<16xf32>
        %get3A_1636 = arith.index_cast %add3A_1631 : i32 to index
        %get3A_1637 = arith.constant 16 : index
        %get3A_1638 = tpu.vector_load %arg9[%get3A_1636, %get3A_1637] {strides = array<i32>} : memref<416x64xf32, #tpu.memory_space<vmem>>, vector<16xf32>,
        %mul3A_1639 = arith.mulf %get3A_389, %get3A_1638 : vector<16xf32>
        %add3A_1640 = arith.addf %mul3A_1635, %mul3A_1639 : vector<16xf32>
        %get3A_1641 = arith.index_cast %add3A_1631 : i32 to index
        %get3A_1642 = arith.constant 32 : index
        %get3A_1643 = tpu.vector_load %arg9[%get3A_1641, %get3A_1642] {strides = array<i32>} : memref<416x64xf32, #tpu.memory_space<vmem>>, vector<16xf32>,
        %mul3A_1644 = arith.mulf %get3A_392, %get3A_1643 : vector<16xf32>
        %add3A_1645 = arith.addf %add3A_1640, %mul3A_1644 : vector<16xf32>
        %get3A_1646 = arith.index_cast %add3A_1631 : i32 to index
        %get3A_1647 = arith.constant 48 : index
        %get3A_1648 = tpu.vector_load %arg9[%get3A_1646, %get3A_1647] {strides = array<i32>} : memref<416x64xf32, #tpu.memory_space<vmem>>, vector<16xf32>,
        %mul3A_1649 = arith.mulf %get3A_395, %get3A_1648 : vector<16xf32>
        %add3A_1650 = arith.addf %add3A_1645, %mul3A_1649 : vector<16xf32>
        %reduce_sum3A_1651 = arith.constant true
        %reduce_sum3A_1652 = vector.broadcast %reduce_sum3A_1651 : i1 to vector<16xi1>
        %reduce_sum3A_1653 = tpu.scan <sum>, %add3A_1650 masked %reduce_sum3A_1652 : vector<16xf32>, vector<16xi1> -> vector<16xf32>
        %reduce_sum3A_1654 = vector.extract %reduce_sum3A_1653[15] : f32 from vector<16xf32>
        %eq3A_1655 = arith.constant 9 : i32
        %eq3A_1656 = vector.broadcast %eq3A_1655 : i32 to vector<16xi32>
        %eq3A_1657 = arith.cmpi eq, %iota3A, %eq3A_1656 : vector<16xi32>
        %broadcast_in_dim3A_1658 = vector.broadcast %reduce_sum3A_1654 : f32 to vector<16xf32>
        %select_n3A_1659 = arith.select %eq3A_1657, %broadcast_in_dim3A_1658, %select_n3A_1629 : vector<16xi1>, vector<16xf32>
        %add3A_1660 = arith.constant 42 : i32
        %add3A_1661 = arith.addi %mul3A_384, %add3A_1660 : i32
        %get3A_1662 = arith.index_cast %add3A_1661 : i32 to index
        %get3A_1663 = arith.constant 0 : index
        %get3A_1664 = tpu.vector_load %arg9[%get3A_1662, %get3A_1663] {strides = array<i32>} : memref<416x64xf32, #tpu.memory_space<vmem>>, vector<16xf32>,
        %mul3A_1665 = arith.mulf %get3A_386, %get3A_1664 : vector<16xf32>
        %get3A_1666 = arith.index_cast %add3A_1661 : i32 to index
        %get3A_1667 = arith.constant 16 : index
        %get3A_1668 = tpu.vector_load %arg9[%get3A_1666, %get3A_1667] {strides = array<i32>} : memref<416x64xf32, #tpu.memory_space<vmem>>, vector<16xf32>,
        %mul3A_1669 = arith.mulf %get3A_389, %get3A_1668 : vector<16xf32>
        %add3A_1670 = arith.addf %mul3A_1665, %mul3A_1669 : vector<16xf32>
        %get3A_1671 = arith.index_cast %add3A_1661 : i32 to index
        %get3A_1672 = arith.constant 32 : index
        %get3A_1673 = tpu.vector_load %arg9[%get3A_1671, %get3A_1672] {strides = array<i32>} : memref<416x64xf32, #tpu.memory_space<vmem>>, vector<16xf32>,
        %mul3A_1674 = arith.mulf %get3A_392, %get3A_1673 : vector<16xf32>
        %add3A_1675 = arith.addf %add3A_1670, %mul3A_1674 : vector<16xf32>
        %get3A_1676 = arith.index_cast %add3A_1661 : i32 to index
        %get3A_1677 = arith.constant 48 : index
        %get3A_1678 = tpu.vector_load %arg9[%get3A_1676, %get3A_1677] {strides = array<i32>} : memref<416x64xf32, #tpu.memory_space<vmem>>, vector<16xf32>,
        %mul3A_1679 = arith.mulf %get3A_395, %get3A_1678 : vector<16xf32>
        %add3A_1680 = arith.addf %add3A_1675, %mul3A_1679 : vector<16xf32>
        %reduce_sum3A_1681 = arith.constant true
        %reduce_sum3A_1682 = vector.broadcast %reduce_sum3A_1681 : i1 to vector<16xi1>
        %reduce_sum3A_1683 = tpu.scan <sum>, %add3A_1680 masked %reduce_sum3A_1682 : vector<16xf32>, vector<16xi1> -> vector<16xf32>
        %reduce_sum3A_1684 = vector.extract %reduce_sum3A_1683[15] : f32 from vector<16xf32>
        %eq3A_1685 = arith.constant 10 : i32
        %eq3A_1686 = vector.broadcast %eq3A_1685 : i32 to vector<16xi32>
        %eq3A_1687 = arith.cmpi eq, %iota3A, %eq3A_1686 : vector<16xi32>
        %broadcast_in_dim3A_1688 = vector.broadcast %reduce_sum3A_1684 : f32 to vector<16xf32>
        %select_n3A_1689 = arith.select %eq3A_1687, %broadcast_in_dim3A_1688, %select_n3A_1659 : vector<16xi1>, vector<16xf32>
        %add3A_1690 = arith.constant 43 : i32
        %add3A_1691 = arith.addi %mul3A_384, %add3A_1690 : i32
        %get3A_1692 = arith.index_cast %add3A_1691 : i32 to index
        %get3A_1693 = arith.constant 0 : index
        %get3A_1694 = tpu.vector_load %arg9[%get3A_1692, %get3A_1693] {strides = array<i32>} : memref<416x64xf32, #tpu.memory_space<vmem>>, vector<16xf32>,
        %mul3A_1695 = arith.mulf %get3A_386, %get3A_1694 : vector<16xf32>
        %get3A_1696 = arith.index_cast %add3A_1691 : i32 to index
        %get3A_1697 = arith.constant 16 : index
        %get3A_1698 = tpu.vector_load %arg9[%get3A_1696, %get3A_1697] {strides = array<i32>} : memref<416x64xf32, #tpu.memory_space<vmem>>, vector<16xf32>,
        %mul3A_1699 = arith.mulf %get3A_389, %get3A_1698 : vector<16xf32>
        %add3A_1700 = arith.addf %mul3A_1695, %mul3A_1699 : vector<16xf32>
        %get3A_1701 = arith.index_cast %add3A_1691 : i32 to index
        %get3A_1702 = arith.constant 32 : index
        %get3A_1703 = tpu.vector_load %arg9[%get3A_1701, %get3A_1702] {strides = array<i32>} : memref<416x64xf32, #tpu.memory_space<vmem>>, vector<16xf32>,
        %mul3A_1704 = arith.mulf %get3A_392, %get3A_1703 : vector<16xf32>
        %add3A_1705 = arith.addf %add3A_1700, %mul3A_1704 : vector<16xf32>
        %get3A_1706 = arith.index_cast %add3A_1691 : i32 to index
        %get3A_1707 = arith.constant 48 : index
        %get3A_1708 = tpu.vector_load %arg9[%get3A_1706, %get3A_1707] {strides = array<i32>} : memref<416x64xf32, #tpu.memory_space<vmem>>, vector<16xf32>,
        %mul3A_1709 = arith.mulf %get3A_395, %get3A_1708 : vector<16xf32>
        %add3A_1710 = arith.addf %add3A_1705, %mul3A_1709 : vector<16xf32>
        %reduce_sum3A_1711 = arith.constant true
        %reduce_sum3A_1712 = vector.broadcast %reduce_sum3A_1711 : i1 to vector<16xi1>
        %reduce_sum3A_1713 = tpu.scan <sum>, %add3A_1710 masked %reduce_sum3A_1712 : vector<16xf32>, vector<16xi1> -> vector<16xf32>
        %reduce_sum3A_1714 = vector.extract %reduce_sum3A_1713[15] : f32 from vector<16xf32>
        %eq3A_1715 = arith.constant 11 : i32
        %eq3A_1716 = vector.broadcast %eq3A_1715 : i32 to vector<16xi32>
        %eq3A_1717 = arith.cmpi eq, %iota3A, %eq3A_1716 : vector<16xi32>
        %broadcast_in_dim3A_1718 = vector.broadcast %reduce_sum3A_1714 : f32 to vector<16xf32>
        %select_n3A_1719 = arith.select %eq3A_1717, %broadcast_in_dim3A_1718, %select_n3A_1689 : vector<16xi1>, vector<16xf32>
        %add3A_1720 = arith.constant 44 : i32
        %add3A_1721 = arith.addi %mul3A_384, %add3A_1720 : i32
        %get3A_1722 = arith.index_cast %add3A_1721 : i32 to index
        %get3A_1723 = arith.constant 0 : index
        %get3A_1724 = tpu.vector_load %arg9[%get3A_1722, %get3A_1723] {strides = array<i32>} : memref<416x64xf32, #tpu.memory_space<vmem>>, vector<16xf32>,
        %mul3A_1725 = arith.mulf %get3A_386, %get3A_1724 : vector<16xf32>
        %get3A_1726 = arith.index_cast %add3A_1721 : i32 to index
        %get3A_1727 = arith.constant 16 : index
        %get3A_1728 = tpu.vector_load %arg9[%get3A_1726, %get3A_1727] {strides = array<i32>} : memref<416x64xf32, #tpu.memory_space<vmem>>, vector<16xf32>,
        %mul3A_1729 = arith.mulf %get3A_389, %get3A_1728 : vector<16xf32>
        %add3A_1730 = arith.addf %mul3A_1725, %mul3A_1729 : vector<16xf32>
        %get3A_1731 = arith.index_cast %add3A_1721 : i32 to index
        %get3A_1732 = arith.constant 32 : index
        %get3A_1733 = tpu.vector_load %arg9[%get3A_1731, %get3A_1732] {strides = array<i32>} : memref<416x64xf32, #tpu.memory_space<vmem>>, vector<16xf32>,
        %mul3A_1734 = arith.mulf %get3A_392, %get3A_1733 : vector<16xf32>
        %add3A_1735 = arith.addf %add3A_1730, %mul3A_1734 : vector<16xf32>
        %get3A_1736 = arith.index_cast %add3A_1721 : i32 to index
        %get3A_1737 = arith.constant 48 : index
        %get3A_1738 = tpu.vector_load %arg9[%get3A_1736, %get3A_1737] {strides = array<i32>} : memref<416x64xf32, #tpu.memory_space<vmem>>, vector<16xf32>,
        %mul3A_1739 = arith.mulf %get3A_395, %get3A_1738 : vector<16xf32>
        %add3A_1740 = arith.addf %add3A_1735, %mul3A_1739 : vector<16xf32>
        %reduce_sum3A_1741 = arith.constant true
        %reduce_sum3A_1742 = vector.broadcast %reduce_sum3A_1741 : i1 to vector<16xi1>
        %reduce_sum3A_1743 = tpu.scan <sum>, %add3A_1740 masked %reduce_sum3A_1742 : vector<16xf32>, vector<16xi1> -> vector<16xf32>
        %reduce_sum3A_1744 = vector.extract %reduce_sum3A_1743[15] : f32 from vector<16xf32>
        %eq3A_1745 = arith.constant 12 : i32
        %eq3A_1746 = vector.broadcast %eq3A_1745 : i32 to vector<16xi32>
        %eq3A_1747 = arith.cmpi eq, %iota3A, %eq3A_1746 : vector<16xi32>
        %broadcast_in_dim3A_1748 = vector.broadcast %reduce_sum3A_1744 : f32 to vector<16xf32>
        %select_n3A_1749 = arith.select %eq3A_1747, %broadcast_in_dim3A_1748, %select_n3A_1719 : vector<16xi1>, vector<16xf32>
        %add3A_1750 = arith.constant 45 : i32
        %add3A_1751 = arith.addi %mul3A_384, %add3A_1750 : i32
        %get3A_1752 = arith.index_cast %add3A_1751 : i32 to index
        %get3A_1753 = arith.constant 0 : index
        %get3A_1754 = tpu.vector_load %arg9[%get3A_1752, %get3A_1753] {strides = array<i32>} : memref<416x64xf32, #tpu.memory_space<vmem>>, vector<16xf32>,
        %mul3A_1755 = arith.mulf %get3A_386, %get3A_1754 : vector<16xf32>
        %get3A_1756 = arith.index_cast %add3A_1751 : i32 to index
        %get3A_1757 = arith.constant 16 : index
        %get3A_1758 = tpu.vector_load %arg9[%get3A_1756, %get3A_1757] {strides = array<i32>} : memref<416x64xf32, #tpu.memory_space<vmem>>, vector<16xf32>,
        %mul3A_1759 = arith.mulf %get3A_389, %get3A_1758 : vector<16xf32>
        %add3A_1760 = arith.addf %mul3A_1755, %mul3A_1759 : vector<16xf32>
        %get3A_1761 = arith.index_cast %add3A_1751 : i32 to index
        %get3A_1762 = arith.constant 32 : index
        %get3A_1763 = tpu.vector_load %arg9[%get3A_1761, %get3A_1762] {strides = array<i32>} : memref<416x64xf32, #tpu.memory_space<vmem>>, vector<16xf32>,
        %mul3A_1764 = arith.mulf %get3A_392, %get3A_1763 : vector<16xf32>
        %add3A_1765 = arith.addf %add3A_1760, %mul3A_1764 : vector<16xf32>
        %get3A_1766 = arith.index_cast %add3A_1751 : i32 to index
        %get3A_1767 = arith.constant 48 : index
        %get3A_1768 = tpu.vector_load %arg9[%get3A_1766, %get3A_1767] {strides = array<i32>} : memref<416x64xf32, #tpu.memory_space<vmem>>, vector<16xf32>,
        %mul3A_1769 = arith.mulf %get3A_395, %get3A_1768 : vector<16xf32>
        %add3A_1770 = arith.addf %add3A_1765, %mul3A_1769 : vector<16xf32>
        %reduce_sum3A_1771 = arith.constant true
        %reduce_sum3A_1772 = vector.broadcast %reduce_sum3A_1771 : i1 to vector<16xi1>
        %reduce_sum3A_1773 = tpu.scan <sum>, %add3A_1770 masked %reduce_sum3A_1772 : vector<16xf32>, vector<16xi1> -> vector<16xf32>
        %reduce_sum3A_1774 = vector.extract %reduce_sum3A_1773[15] : f32 from vector<16xf32>
        %eq3A_1775 = arith.constant 13 : i32
        %eq3A_1776 = vector.broadcast %eq3A_1775 : i32 to vector<16xi32>
        %eq3A_1777 = arith.cmpi eq, %iota3A, %eq3A_1776 : vector<16xi32>
        %broadcast_in_dim3A_1778 = vector.broadcast %reduce_sum3A_1774 : f32 to vector<16xf32>
        %select_n3A_1779 = arith.select %eq3A_1777, %broadcast_in_dim3A_1778, %select_n3A_1749 : vector<16xi1>, vector<16xf32>
        %add3A_1780 = arith.constant 46 : i32
        %add3A_1781 = arith.addi %mul3A_384, %add3A_1780 : i32
        %get3A_1782 = arith.index_cast %add3A_1781 : i32 to index
        %get3A_1783 = arith.constant 0 : index
        %get3A_1784 = tpu.vector_load %arg9[%get3A_1782, %get3A_1783] {strides = array<i32>} : memref<416x64xf32, #tpu.memory_space<vmem>>, vector<16xf32>,
        %mul3A_1785 = arith.mulf %get3A_386, %get3A_1784 : vector<16xf32>
        %get3A_1786 = arith.index_cast %add3A_1781 : i32 to index
        %get3A_1787 = arith.constant 16 : index
        %get3A_1788 = tpu.vector_load %arg9[%get3A_1786, %get3A_1787] {strides = array<i32>} : memref<416x64xf32, #tpu.memory_space<vmem>>, vector<16xf32>,
        %mul3A_1789 = arith.mulf %get3A_389, %get3A_1788 : vector<16xf32>
        %add3A_1790 = arith.addf %mul3A_1785, %mul3A_1789 : vector<16xf32>
        %get3A_1791 = arith.index_cast %add3A_1781 : i32 to index
        %get3A_1792 = arith.constant 32 : index
        %get3A_1793 = tpu.vector_load %arg9[%get3A_1791, %get3A_1792] {strides = array<i32>} : memref<416x64xf32, #tpu.memory_space<vmem>>, vector<16xf32>,
        %mul3A_1794 = arith.mulf %get3A_392, %get3A_1793 : vector<16xf32>
        %add3A_1795 = arith.addf %add3A_1790, %mul3A_1794 : vector<16xf32>
        %get3A_1796 = arith.index_cast %add3A_1781 : i32 to index
        %get3A_1797 = arith.constant 48 : index
        %get3A_1798 = tpu.vector_load %arg9[%get3A_1796, %get3A_1797] {strides = array<i32>} : memref<416x64xf32, #tpu.memory_space<vmem>>, vector<16xf32>,
        %mul3A_1799 = arith.mulf %get3A_395, %get3A_1798 : vector<16xf32>
        %add3A_1800 = arith.addf %add3A_1795, %mul3A_1799 : vector<16xf32>
        %reduce_sum3A_1801 = arith.constant true
        %reduce_sum3A_1802 = vector.broadcast %reduce_sum3A_1801 : i1 to vector<16xi1>
        %reduce_sum3A_1803 = tpu.scan <sum>, %add3A_1800 masked %reduce_sum3A_1802 : vector<16xf32>, vector<16xi1> -> vector<16xf32>
        %reduce_sum3A_1804 = vector.extract %reduce_sum3A_1803[15] : f32 from vector<16xf32>
        %eq3A_1805 = arith.constant 14 : i32
        %eq3A_1806 = vector.broadcast %eq3A_1805 : i32 to vector<16xi32>
        %eq3A_1807 = arith.cmpi eq, %iota3A, %eq3A_1806 : vector<16xi32>
        %broadcast_in_dim3A_1808 = vector.broadcast %reduce_sum3A_1804 : f32 to vector<16xf32>
        %select_n3A_1809 = arith.select %eq3A_1807, %broadcast_in_dim3A_1808, %select_n3A_1779 : vector<16xi1>, vector<16xf32>
        %add3A_1810 = arith.constant 47 : i32
        %add3A_1811 = arith.addi %mul3A_384, %add3A_1810 : i32
        %get3A_1812 = arith.index_cast %add3A_1811 : i32 to index
        %get3A_1813 = arith.constant 0 : index
        %get3A_1814 = tpu.vector_load %arg9[%get3A_1812, %get3A_1813] {strides = array<i32>} : memref<416x64xf32, #tpu.memory_space<vmem>>, vector<16xf32>,
        %mul3A_1815 = arith.mulf %get3A_386, %get3A_1814 : vector<16xf32>
        %get3A_1816 = arith.index_cast %add3A_1811 : i32 to index
        %get3A_1817 = arith.constant 16 : index
        %get3A_1818 = tpu.vector_load %arg9[%get3A_1816, %get3A_1817] {strides = array<i32>} : memref<416x64xf32, #tpu.memory_space<vmem>>, vector<16xf32>,
        %mul3A_1819 = arith.mulf %get3A_389, %get3A_1818 : vector<16xf32>
        %add3A_1820 = arith.addf %mul3A_1815, %mul3A_1819 : vector<16xf32>
        %get3A_1821 = arith.index_cast %add3A_1811 : i32 to index
        %get3A_1822 = arith.constant 32 : index
        %get3A_1823 = tpu.vector_load %arg9[%get3A_1821, %get3A_1822] {strides = array<i32>} : memref<416x64xf32, #tpu.memory_space<vmem>>, vector<16xf32>,
        %mul3A_1824 = arith.mulf %get3A_392, %get3A_1823 : vector<16xf32>
        %add3A_1825 = arith.addf %add3A_1820, %mul3A_1824 : vector<16xf32>
        %get3A_1826 = arith.index_cast %add3A_1811 : i32 to index
        %get3A_1827 = arith.constant 48 : index
        %get3A_1828 = tpu.vector_load %arg9[%get3A_1826, %get3A_1827] {strides = array<i32>} : memref<416x64xf32, #tpu.memory_space<vmem>>, vector<16xf32>,
        %mul3A_1829 = arith.mulf %get3A_395, %get3A_1828 : vector<16xf32>
        %add3A_1830 = arith.addf %add3A_1825, %mul3A_1829 : vector<16xf32>
        %reduce_sum3A_1831 = arith.constant true
        %reduce_sum3A_1832 = vector.broadcast %reduce_sum3A_1831 : i1 to vector<16xi1>
        %reduce_sum3A_1833 = tpu.scan <sum>, %add3A_1830 masked %reduce_sum3A_1832 : vector<16xf32>, vector<16xi1> -> vector<16xf32>
        %reduce_sum3A_1834 = vector.extract %reduce_sum3A_1833[15] : f32 from vector<16xf32>
        %eq3A_1835 = arith.constant 15 : i32
        %eq3A_1836 = vector.broadcast %eq3A_1835 : i32 to vector<16xi32>
        %eq3A_1837 = arith.cmpi eq, %iota3A, %eq3A_1836 : vector<16xi32>
        %broadcast_in_dim3A_1838 = vector.broadcast %reduce_sum3A_1834 : f32 to vector<16xf32>
        %select_n3A_1839 = arith.select %eq3A_1837, %broadcast_in_dim3A_1838, %select_n3A_1809 : vector<16xi1>, vector<16xf32>
        %add3A_1840 = arith.constant 48 : i32
        %add3A_1841 = arith.addi %mul3A_384, %add3A_1840 : i32
        %get3A_1842 = arith.index_cast %add3A_1841 : i32 to index
        %get3A_1843 = arith.constant 0 : index
        %get3A_1844 = tpu.vector_load %arg9[%get3A_1842, %get3A_1843] {strides = array<i32>} : memref<416x64xf32, #tpu.memory_space<vmem>>, vector<16xf32>,
        %mul3A_1845 = arith.mulf %get3A_386, %get3A_1844 : vector<16xf32>
        %get3A_1846 = arith.index_cast %add3A_1841 : i32 to index
        %get3A_1847 = arith.constant 16 : index
        %get3A_1848 = tpu.vector_load %arg9[%get3A_1846, %get3A_1847] {strides = array<i32>} : memref<416x64xf32, #tpu.memory_space<vmem>>, vector<16xf32>,
        %mul3A_1849 = arith.mulf %get3A_389, %get3A_1848 : vector<16xf32>
        %add3A_1850 = arith.addf %mul3A_1845, %mul3A_1849 : vector<16xf32>
        %get3A_1851 = arith.index_cast %add3A_1841 : i32 to index
        %get3A_1852 = arith.constant 32 : index
        %get3A_1853 = tpu.vector_load %arg9[%get3A_1851, %get3A_1852] {strides = array<i32>} : memref<416x64xf32, #tpu.memory_space<vmem>>, vector<16xf32>,
        %mul3A_1854 = arith.mulf %get3A_392, %get3A_1853 : vector<16xf32>
        %add3A_1855 = arith.addf %add3A_1850, %mul3A_1854 : vector<16xf32>
        %get3A_1856 = arith.index_cast %add3A_1841 : i32 to index
        %get3A_1857 = arith.constant 48 : index
        %get3A_1858 = tpu.vector_load %arg9[%get3A_1856, %get3A_1857] {strides = array<i32>} : memref<416x64xf32, #tpu.memory_space<vmem>>, vector<16xf32>,
        %mul3A_1859 = arith.mulf %get3A_395, %get3A_1858 : vector<16xf32>
        %add3A_1860 = arith.addf %add3A_1855, %mul3A_1859 : vector<16xf32>
        %reduce_sum3A_1861 = arith.constant true
        %reduce_sum3A_1862 = vector.broadcast %reduce_sum3A_1861 : i1 to vector<16xi1>
        %reduce_sum3A_1863 = tpu.scan <sum>, %add3A_1860 masked %reduce_sum3A_1862 : vector<16xf32>, vector<16xi1> -> vector<16xf32>
        %reduce_sum3A_1864 = vector.extract %reduce_sum3A_1863[15] : f32 from vector<16xf32>
        %eq3A_1865 = arith.constant 0 : i32
        %eq3A_1866 = vector.broadcast %eq3A_1865 : i32 to vector<16xi32>
        %eq3A_1867 = arith.cmpi eq, %iota3A, %eq3A_1866 : vector<16xi32>
        %broadcast_in_dim3A_1868 = vector.broadcast %reduce_sum3A_1864 : f32 to vector<16xf32>
        %select_n3A_1869 = arith.select %eq3A_1867, %broadcast_in_dim3A_1868, %broadcast_in_dim3A_402 : vector<16xi1>, vector<16xf32>
        %add3A_1870 = arith.constant 49 : i32
        %add3A_1871 = arith.addi %mul3A_384, %add3A_1870 : i32
        %get3A_1872 = arith.index_cast %add3A_1871 : i32 to index
        %get3A_1873 = arith.constant 0 : index
        %get3A_1874 = tpu.vector_load %arg9[%get3A_1872, %get3A_1873] {strides = array<i32>} : memref<416x64xf32, #tpu.memory_space<vmem>>, vector<16xf32>,
        %mul3A_1875 = arith.mulf %get3A_386, %get3A_1874 : vector<16xf32>
        %get3A_1876 = arith.index_cast %add3A_1871 : i32 to index
        %get3A_1877 = arith.constant 16 : index
        %get3A_1878 = tpu.vector_load %arg9[%get3A_1876, %get3A_1877] {strides = array<i32>} : memref<416x64xf32, #tpu.memory_space<vmem>>, vector<16xf32>,
        %mul3A_1879 = arith.mulf %get3A_389, %get3A_1878 : vector<16xf32>
        %add3A_1880 = arith.addf %mul3A_1875, %mul3A_1879 : vector<16xf32>
        %get3A_1881 = arith.index_cast %add3A_1871 : i32 to index
        %get3A_1882 = arith.constant 32 : index
        %get3A_1883 = tpu.vector_load %arg9[%get3A_1881, %get3A_1882] {strides = array<i32>} : memref<416x64xf32, #tpu.memory_space<vmem>>, vector<16xf32>,
        %mul3A_1884 = arith.mulf %get3A_392, %get3A_1883 : vector<16xf32>
        %add3A_1885 = arith.addf %add3A_1880, %mul3A_1884 : vector<16xf32>
        %get3A_1886 = arith.index_cast %add3A_1871 : i32 to index
        %get3A_1887 = arith.constant 48 : index
        %get3A_1888 = tpu.vector_load %arg9[%get3A_1886, %get3A_1887] {strides = array<i32>} : memref<416x64xf32, #tpu.memory_space<vmem>>, vector<16xf32>,
        %mul3A_1889 = arith.mulf %get3A_395, %get3A_1888 : vector<16xf32>
        %add3A_1890 = arith.addf %add3A_1885, %mul3A_1889 : vector<16xf32>
        %reduce_sum3A_1891 = arith.constant true
        %reduce_sum3A_1892 = vector.broadcast %reduce_sum3A_1891 : i1 to vector<16xi1>
        %reduce_sum3A_1893 = tpu.scan <sum>, %add3A_1890 masked %reduce_sum3A_1892 : vector<16xf32>, vector<16xi1> -> vector<16xf32>
        %reduce_sum3A_1894 = vector.extract %reduce_sum3A_1893[15] : f32 from vector<16xf32>
        %eq3A_1895 = arith.constant 1 : i32
        %eq3A_1896 = vector.broadcast %eq3A_1895 : i32 to vector<16xi32>
        %eq3A_1897 = arith.cmpi eq, %iota3A, %eq3A_1896 : vector<16xi32>
        %broadcast_in_dim3A_1898 = vector.broadcast %reduce_sum3A_1894 : f32 to vector<16xf32>
        %select_n3A_1899 = arith.select %eq3A_1897, %broadcast_in_dim3A_1898, %select_n3A_1869 : vector<16xi1>, vector<16xf32>
        %broadcast_in_dim3A_1900 = vector.broadcast %scan3A_379 : i32 to vector<16xi32>
        %add3A_1901 = arith.constant 0 : i32
        %add3A_1902 = vector.broadcast %add3A_1901 : i32 to vector<16xi32>
        %add3A_1903 = arith.addi %add3A_1902, %iota3A : vector<16xi32>
        %lt3A_1904 = arith.constant 50 : i32
        %lt3A_1905 = vector.broadcast %lt3A_1904 : i32 to vector<16xi32>
        %lt3A_1906 = arith.cmpi slt, %add3A_1903, %lt3A_1905 : vector<16xi32>
        tpu.vector_store_idx %arg10[%broadcast_in_dim3A_1900, %add3A_1903], %select_n3A_879 masked %lt3A_1906 : memref<8x50xf32, #tpu.memory_space<vmem>>[vector<16xi32>, vector<16xi32>], vector<16xf32>, vector<16xi1>
        %add3A_1907 = arith.constant 16 : i32
        %add3A_1908 = vector.broadcast %add3A_1907 : i32 to vector<16xi32>
        %add3A_1909 = arith.addi %add3A_1908, %iota3A : vector<16xi32>
        %lt3A_1910 = arith.constant 50 : i32
        %lt3A_1911 = vector.broadcast %lt3A_1910 : i32 to vector<16xi32>
        %lt3A_1912 = arith.cmpi slt, %add3A_1909, %lt3A_1911 : vector<16xi32>
        tpu.vector_store_idx %arg10[%broadcast_in_dim3A_1900, %add3A_1909], %select_n3A_1359 masked %lt3A_1912 : memref<8x50xf32, #tpu.memory_space<vmem>>[vector<16xi32>, vector<16xi32>], vector<16xf32>, vector<16xi1>
        %add3A_1913 = arith.constant 32 : i32
        %add3A_1914 = vector.broadcast %add3A_1913 : i32 to vector<16xi32>
        %add3A_1915 = arith.addi %add3A_1914, %iota3A : vector<16xi32>
        %lt3A_1916 = arith.constant 50 : i32
        %lt3A_1917 = vector.broadcast %lt3A_1916 : i32 to vector<16xi32>
        %lt3A_1918 = arith.cmpi slt, %add3A_1915, %lt3A_1917 : vector<16xi32>
        tpu.vector_store_idx %arg10[%broadcast_in_dim3A_1900, %add3A_1915], %select_n3A_1839 masked %lt3A_1918 : memref<8x50xf32, #tpu.memory_space<vmem>>[vector<16xi32>, vector<16xi32>], vector<16xf32>, vector<16xi1>
        %add3A_1919 = arith.constant 48 : i32
        %add3A_1920 = vector.broadcast %add3A_1919 : i32 to vector<16xi32>
        %add3A_1921 = arith.addi %add3A_1920, %iota3A : vector<16xi32>
        %lt3A_1922 = arith.constant 50 : i32
        %lt3A_1923 = vector.broadcast %lt3A_1922 : i32 to vector<16xi32>
        %lt3A_1924 = arith.cmpi slt, %add3A_1921, %lt3A_1923 : vector<16xi32>
        tpu.vector_store_idx %arg10[%broadcast_in_dim3A_1900, %add3A_1921], %select_n3A_1899 masked %lt3A_1924 : memref<8x50xf32, #tpu.memory_space<vmem>>[vector<16xi32>, vector<16xi32>], vector<16xf32>, vector<16xi1>
      }
      %scan3A_375 = arith.constant 8 : i32
      %mul3A_376 = arith.constant 8 : i32
      %mul3A_377 = arith.muli %add3A_369, %mul3A_376 : i32
      %add3A_378 = arith.addi %mul3A_2, %mul3A_377 : i32
      "tpu.region"() ({
        %run_scoped3A = tpu.sem_alloc : memref<!tpu.dma_semaphore, #tpu.memory_space<semaphore_mem>>
        %dma_start3A_379 = arith.constant 0 : i32
        %dma_start3A_380 = tpu.memref_slice %arg5[%add3A_378, %dma_start3A_379] : memref<4096x50xf32, #tpu.memory_space<hbm>> -> memref<8x50xf32, #tpu.memory_space<hbm>>
        %dma_start3A_381 = arith.constant 0 : i32
        %dma_start3A_382 = tpu.memref_slice %arg5[%add3A_378, %dma_start3A_381] : memref<4096x50xf32, #tpu.memory_space<hbm>> -> memref<8x50xf32, #tpu.memory_space<hbm>>
        tpu.enqueue_dma source(%arg10 : memref<8x50xf32, #tpu.memory_space<vmem>>) target(%dma_start3A_382 : memref<8x50xf32, #tpu.memory_space<hbm>>) target_semaphore(%run_scoped3A : memref<!tpu.dma_semaphore, #tpu.memory_space<semaphore_mem>>)
        %dma_wait3A_383 = arith.constant 0 : i32
        %dma_wait3A_384 = tpu.memref_slice %arg5[%add3A_378, %dma_wait3A_383] : memref<4096x50xf32, #tpu.memory_space<hbm>> -> memref<8x50xf32, #tpu.memory_space<hbm>>
        %dma_wait3A_385 = arith.constant 0 : i32
        %dma_wait3A_386 = tpu.memref_slice %arg5[%add3A_378, %dma_wait3A_385] : memref<4096x50xf32, #tpu.memory_space<hbm>> -> memref<8x50xf32, #tpu.memory_space<hbm>>
        tpu.wait_dma2 semaphore(%run_scoped3A : memref<!tpu.dma_semaphore, #tpu.memory_space<semaphore_mem>>) src(%arg10 : memref<8x50xf32, #tpu.memory_space<vmem>>) dst(%dma_wait3A_386 : memref<8x50xf32, #tpu.memory_space<hbm>>)
        tpu.yield
      }) : () -> ()
    }
    %scan3A_86 = arith.constant 8 : i32
    return
  }
}

</mosaic_0001>

<sc_bundles>
// kernel: gather_offload_async_start
scs
__scs_entry_jumppad:
0x0: {  	(pc) =	sbr.rel $0x88, $3  }
0x1: {  	(tag) =	ssettag $0x0;
	lr =	simm.s32 $0x1  }
0x2: {  	[smem:$0x3F9D] =	sst lr;
	_ =	strace $0xD0000000  }
0x3: {  	_ = 	snop  }
0x4: {  	_ = 	snop  }
0x5: {  	_ = 	snop  }
0x6: {  	_ = 	snop  }
0x7: {  	_ = 	snop  }
__scs_overlays_trampoline_lowered:
0x8: {  	[smem:$0x3FAC] =	sst s0  }
0x9: {  	[smem:$0x3FAD] =	sst s1  }
0xa: {  	[smem:$0x3FAE] =	sst s2  }
0xb: {  	[smem:$0x3FAF] =	sst s3  }
0xc: {  	[smem:$0x3FB0] =	sst s4  }
0xd: {  	[smem:$0x3FB1] =	sst s5  }
0xe: {  	[smem:$0x3FB2] =	sst s6  }
0xf: {  	[smem:$0x3FB3] =	sst s7  }
0x10: {  	[smem:$0x3FB4] =	sst s8  }
0x11: {  	[smem:$0x3FB5] =	sst s9;
	s0 =	simm.s32 @!p0 $0x0  }
0x12: {  	s1 =	sld [smem:$0x3F9B];
	s0 =	simm.s32 @p0 $0x1  }
0x13: {  	[smem:$0x3FB6] =	sst s0;
	s0 =	simm.s32 @!p1 $0x0  }
0x14: {  	s2 =	sld [smem:$0x3F9A];
	s0 =	simm.s32 @p1 $0x1  }
0x15: {  	[smem:$0x3FB7] =	sst s0;
	s0 =	simm.s32 @!p2 $0x0  }
0x16: {  	s3 =	sld [smem:$0x3FDB];
	s0 =	simm.s32 @p2 $0x1  }
0x17: {  	s4 =	simm.s32 $0x1BF5;
	[smem:$0x3FB9] =	sst s0  }
0x18: {  	s0 =	sld [smem:$0x3F9C];
	_ =	swait.ge [sflag:s4], $0x0  }
0x19: {  	s7 =	sld [smem:$0x3F9D]  }
0x1a: {  	s8 =	sadd.s32 $0xFFFFE003, lr  }
0x1b: {  	s9 =	sadd.s32 $0xFFFFFEF7, lr;
	s5 =	simm.s32 $0xFFFFFFFF;
	p2 =	slt.u32 s8, $0xFFFFF086  }
0x1c: {  	p1 =	slt.u32 s9, $0xF7A;
	s5 =	simm.s32 @!p2 $0x0  }
0x1d: {  	s5 =	simm.s32 @p1 $0x1;
	p0 =	seq.s32 s7, s2  }
0x1e: {  	s7 =	smul.u32 @!p0 $0xF7A, s2;
	p2 =	seq.s32 @!p0 s5, $0x0  }
0x1f: {  	s9 =	smul.u32 $0xF7A, s1;
	s8 =	simm.s32 @!p0 $0x1BF5;
	p2 =	por !p2, p0  }
0x20: {  	[sflag:s8] =	ssyncset.s32 @!p0 $0xFFFFF086;
	s6 =	sadd.s32 @!p0 s3, s7;
	s7 =	simm.s32 @!p0 $0x108  }
0x21: {  	s3 =	sadd.s32 s3, s9;
	s6 =	sadd.s32 @!p0 $0x88, s6;
	s7 =	simm.s32 @p2 $0x1082  }
0x22: {  	[simem:s7], [sflag:s8] =	dma.local @!p0 [hbm:s6], $0xF7A  }
0x23: {  	s9 =	sor.u32 $0xD0000000, s2;
	s6 =	simm.s32 $0x108;
	_ =	swait.ge @!p0 [sflag:s8], $0x0  }
0x24: {  	s3 =	sadd.s32 $0x88, s3;
	s6 =	simm.s32 @!p1 $0x1082;
	[sflag:s4] =	ssyncset.s32 $0xFFFFF086  }
0x25: {  	[simem:s6], [sflag:s4] =	dma.local [hbm:s3], $0xF7A  }
0x26: {  	[smem:$0x3F9D] =	sst s1;
	(tag) =	ssettag s2;
	_ =	strace s9  }
0x27: {  	s1 =	sld [smem:$0x3FAD]  }
0x28: {  	s2 =	sld [smem:$0x3FAE]  }
0x29: {  	s4 =	sld [smem:$0x3FB0]  }
0x2a: {  	p0 =	seq.s32 s5, $0x0;
	s5 =	sld [smem:$0x3FB1]  }
0x2b: {  	s6 =	sld [smem:$0x3FB2]  }
0x2c: {  	s7 =	sld [smem:$0x3FB3]  }
0x2d: {  	s3 =	simm.s32 $0x108;
	s8 =	sld [smem:$0x3FB4]  }
0x2e: {  	s3 =	simm.s32 @!p0 $0x1082;
	s9 =	sld [smem:$0x3FB5]  }
0x2f: {  	lr =	sadd.s32 s0, s3;
	s0 =	sld [smem:$0x3FAC]  }
0x30: {  	s3 =	sld [smem:$0x3FAF]  }
0x31: {  	[smem:$0x3FB8] =	sst s10  }
0x32: {  	s10 =	sld [smem:$0x3FB6];
	_ =	sdelay $0x3  }
0x33: {  	p0 =	seq.s32 s10, $0x1;
	s10 =	sld [smem:$0x3FB8];
	_ =	sdelay $0x3  }
0x34: {  	[smem:$0x3FB8] =	sst s10  }
0x35: {  	s10 =	sld [smem:$0x3FB7];
	_ =	sdelay $0x3  }
0x36: {  	p1 =	seq.s32 s10, $0x1;
	s10 =	sld [smem:$0x3FB8];
	_ =	sdelay $0x3  }
0x37: {  	[smem:$0x3FB8] =	sst s10  }
0x38: {  	s10 =	sld [smem:$0x3FB9]  }
0x39: {  	_ = 	snop;
	(pc) =	sbr.ind lr, $3  }
0x3a: {  	_ = 	snop  }
0x3b: {  	_ = 	snop  }
0x3c: {  	p2 =	seq.s32 s10, $0x1;
	s10 =	sld [smem:$0x3FB8]  }
0x3d: {  	_ =	shalt  }
0x3e: {  	_ =	shalt  }
0x3f: {  	_ =	shalt  }
0x40: {  	_ =	shalt  }
0x41: {  	_ =	shalt  }
0x42: {  	_ =	shalt  }
0x43: {  	_ =	shalt  }
0x44: {  	_ =	shalt  }
0x45: {  	_ =	shalt  }
0x46: {  	_ =	shalt  }
0x47: {  	_ =	shalt  }
0x48: {  	_ =	shalt  }
0x49: {  	_ =	shalt  }
0x4a: {  	_ =	shalt  }
0x4b: {  	_ =	shalt  }
0x4c: {  	_ =	shalt  }
0x4d: {  	_ =	shalt  }
0x4e: {  	_ =	shalt  }
0x4f: {  	_ =	shalt  }
0x50: {  	_ =	shalt  }
0x51: {  	_ =	shalt  }
0x52: {  	_ =	shalt  }
0x53: {  	_ =	shalt  }
0x54: {  	_ =	shalt  }
0x55: {  	_ =	shalt  }
0x56: {  	_ =	shalt  }
0x57: {  	_ =	shalt  }
0x58: {  	_ =	shalt  }
0x59: {  	_ =	shalt  }
0x5a: {  	_ =	shalt  }
0x5b: {  	_ =	shalt  }
0x5c: {  	_ =	shalt  }
0x5d: {  	_ =	shalt  }
0x5e: {  	_ =	shalt  }
0x5f: {  	_ =	shalt  }
0x60: {  	_ =	shalt  }
0x61: {  	_ =	shalt  }
0x62: {  	_ =	shalt  }
0x63: {  	_ =	shalt  }
0x64: {  	_ =	shalt  }
0x65: {  	_ =	shalt  }
0x66: {  	_ =	shalt  }
0x67: {  	_ =	shalt  }
0x68: {  	_ =	shalt  }
0x69: {  	_ =	shalt  }
0x6a: {  	_ =	shalt  }
0x6b: {  	_ =	shalt  }
0x6c: {  	_ =	shalt  }
0x6d: {  	_ =	shalt  }
0x6e: {  	_ =	shalt  }
0x6f: {  	_ =	shalt  }
0x70: {  	_ =	shalt  }
0x71: {  	_ =	shalt  }
0x72: {  	_ =	shalt  }
0x73: {  	_ =	shalt  }
0x74: {  	_ =	shalt  }
0x75: {  	_ =	shalt  }
0x76: {  	_ =	shalt  }
0x77: {  	_ =	shalt  }
0x78: {  	_ =	shalt  }
0x79: {  	_ =	shalt  }
0x7a: {  	_ =	shalt  }
0x7b: {  	_ =	shalt  }
0x7c: {  	_ =	shalt  }
0x7d: {  	_ =	shalt  }
0x7e: {  	_ =	shalt  }
0x7f: {  	_ =	shalt  }
0x80: {  	_ =	shalt  }
0x81: {  	_ =	shalt  }
0x82: {  	_ =	shalt  }
0x83: {  	_ =	shalt  }
0x84: {  	_ =	shalt  }
0x85: {  	_ =	shalt  }
0x86: {  	_ =	shalt  }
0x87: {  	_ =	shalt  }
.Lfunc_end0:
.L_simem_size_0:
called_computation_lowered:
.L_overlay_start_0:
0x88: {  	s2 =	sld [smem:$0x3FD9]  }
0x89: {  	s3 =	sld [smem:$0x3FFE];
	_ =	sdelay $0x1  }
0x8a: {  	s1 =	srdreg.scid  }
0x8b: {  	s0 =	sand.u32 $0x1, s1  }
0x8c: {  	s16 =	sshll.u32 s0, $0xA;
	s2 =	sadd.s32 s3, s2  }
0x8d: {  	s2 =	sadd.s32 s2, s16  }
0x8e: {  	[smem:$0x3FC4] =	sst s2  }
0x8f: {  	_ = 	snop  }
0x90: {  	(tm) =	ssettm $0x1  }
0x91: {  	s17 =	sld [smem:$0x3FFB];
	_ =	sdelay $0x3  }
0x92: {  	_ =	strace s17  }
0x93: {  	s2 =	sld [smem:$0x3FFC];
	_ =	sdelay $0x3  }
0x94: {  	_ =	strace s2  }
0x95: {  	s2 =	sld [smem:$0x3FFD];
	_ =	sdelay $0x3  }
0x96: {  	_ =	strace s2  }
0x97: {  	_ =	strace $0x8FFFFFFF  }
0x98: {  	s18 =	sld [smem:$0x3FDB];
	_ =	sdelay $0x1  }
0x99: {  	s19 =	simm.s32 $_scs_section_size  }
0x9a: {  	s4 =	simm.s32 $_size__tile_overlayer_lowered;
	s5 =	simm.s32 $_tile_overlayer_lowered  }
0x9b: {  	s22 =	simm.s32 $0x1BFF;
	s21 =	sshll.u32 s5, $0x1;
	s2 =	sadd.s32 s19, s18  }
0x9c: {  	s6 =	simm.s32 $0x0;
	s20 =	sshll.u32 s4, $0x1;
	s4 =	sadd.s32 s21, s2  }
0x9d: {  	[timem:s6], [sflag:s22] =	dma.local [hbm:s4], s20  }
0x9e: {  	_ =	swait.ge [sflag:s22], s20  }
0x9f: {  	s3 =	ssub.s32 $0x0, s20;
	[sflag:s22] =	ssyncset.done $0x0  }
0xa0: {  	[sflag:s22] =	ssyncadd.s32 s3;
	_ =	sdelay $0x1  }
0xa1: {  	s23 =	simm.s32 $0x1B8B  }
0xa2: {  	_ =	swait.ge [sflag:s23], $0x1  }
0xa3: {  	[sflag:s23] =	ssyncset.done $0x0  }
0xa4: {  	s25 =	simm.s32 $0x1B8E;
	s24 =	sld [smem:$0x3FFE];
	[sflag:s23] =	ssyncadd.s32 $0xFFFFFFFF  }
0xa5: {  	s26 =	simm.s32 $execute0_lowered;
	[smem:$0x3FD2] =	sst s25  }
0xa6: {  	s4 =	sshll.u32 s26, $0x1;
	_ =	strace $0x80000046;
	[dreg:$0x1] =	wrdreg $0xFFFFFFFF  }
0xa7: {  	s28 =	simm.s32 $_size_execute0_lowered;
	s2 =	sadd.s32 s2, s4;
	[dreg:$0x0] =	wrdreg $0x0  }
0xa8: {  	s4 =	sshll.u32 s28, $0x1;
	[dreg:$0x2] =	wrdreg s2  }
0xa9: {  	[dreg:$0x3] =	wrdreg s4  }
0xaa: {  	[dreg:$0x4] =	wrdreg $0xC0  }
0xab: {  	_ =	task [dreg:s6], $0x5FFFF  }
0xac: {  	[dreg:$0x1] =	wrdreg $0xFFFFFFFF  }
0xad: {  	[dreg:$0x0] =	wrdreg $0x60  }
0xae: {  	[dreg:$0x2] =	wrdreg s24  }
0xaf: {  	[dreg:$0x3] =	wrdreg $0x9  }
0xb0: {  	_ =	task.clear_ibuf [dreg:s6], $0x4FFFF;
	_ =	strace $0x90000046  }
0xb1: {  	s29 =	simm.s32 $0x9;
	_ =	strace $0x80000048  }
0xb2: {  	_ =	swait.ge [sflag:s29], $0x1  }
0xb3: {  	[sflag:s29] =	ssyncadd.s32 $0xFFFFFFFF  }
0xb4: {  	_ =	strace $0x90000048  }
0xb5: {  	_ =	sfence  }
0xb6: {  	s30 =	sld [smem:$0x0];
	_ =	sdelay $0x2  }
0xb7: {  	s31 =	sshll.u32 s1, $0xD;
	s1 =	sshrl.u32 s1, $0x2  }
0xb8: {  	s3 =	sand.u32 $0x4000, s31;
	s1 =	sadd.s32 s1, s30  }
0xb9: {  	s0 =	sor.u32 s3, s0;
	s1 =	sshll.u32 s1, $0x11  }
0xba: {  	s0 =	sor.u32 s1, s0  }
0xbb: {  	s0 =	sadd.s32 $0x8F2B, s0  }
0xbc: {  	[sflag:s0] =	ssyncadd.remote.s32 $0x1  }
0xbd: {  	_ =	sfence.sel $0xFFFF  }
0xbe: {  	[dreg:$0x0] =	wrdreg $0xFFFFFFFF;
	(pc) =	sbr.abs _section_cstart, $3  }
0xbf: {  	[dreg:$0x1] =	wrdreg $0xFFFFFFFF  }
0xc0: {  	_ =	task.clear_ibuf [dreg:s6], $0x2FFFF;
	_ =	strace $0x9FFFFFFF  }
0xc1: {  	(tm) =	ssettm $0x7FFFFFFF  }
tec
execute0_lowered:
.L_overlay_start_1:
0x0: {  	(tag) =	ssettag $0x1  }
0x1: {  	s7 =	rddreg [dreg:$0x0]  }
0x2: {  	s0 =	rddreg [dreg:$0x1];
	_ =	strace $0x80000047  }
0x3: {  	s1 =	srdreg.scid;
	s4 =	simm.s32 $0x1;
	s9 =	simm.s32 $0x3  }
0x4: {  	s12 =	simm.s32 $0x0;
	s10 =	simm.s32 $0x0;
	s5 =	sshll.u32 s1, $0x4  }
.Ltmp0:
0x5: {  	s1 =	stileid.u32;
	s5 =	sand.u32 $0x10, s5;
	(pc) =	sbr.rel .LBB2_1-.Ltmp0, $4  }
0x6: {  	s2 =	sadd.s32 $0x2800, s7;
	s3 =	sadd.s32 $0x2600, s7;
	s6 =	sor.u32 s1, s5  }
0x7: {  	[sflag:s4] =	ssyncpa.u1 $0x0;
	s5 =	simm.s32 $0x2;
	s6 =	sshll.u32 s6, $0x7  }
0x8: {  	s7 =	sadd.s32 $0x189200, s7;
	[sflag:s5] =	ssyncpa.u1 $0x0;
	s8 =	sadd.s32 $0x80, s6  }
0x9: {  	vm0 =	vmmov $0xff;
	vm1 =	vcmask $0x3F20;
	[sflag:s9] =	ssyncpa.u1 $0x0;
	s9 =	simm.s32 $0x80;
	s11 =	smov.u32 s6  }
.LBB2_9:
0xa: {  	p0 =	seq.s32 s10, $0x2  }
.Ltmp1:
0xb: {  	_ = 	snop;
	(pc) =	sbr.rel @p0 .LBB2_11-.Ltmp1, $1  }
0xc: {  	_ =	sdelay $0x3  }
.LBB2_10:
0xd: {  	s12 =	sadd.s32 $0x80, s11  }
0xe: {  	s13 =	smov.u32 s6;
	p0 =	slt.s32 s12, s8  }
0xf: {  	s13 =	smov.u32 @p0 s12  }
0x10: {  	s10 =	sadd.s32 $0x1, s10;
	s12 =	smov.u32 s11;
	s11 =	smov.u32 s13  }
.LBB2_1:
0x11: {  	p0 =	sne.s32 s10, $0x0  }
.Ltmp2:
0x12: {  	_ = 	snop;
	(pc) =	sbr.rel @!p0 .LBB2_2-.Ltmp2, $1  }
0x13: {  	_ =	sdelay $0x3  }
0x14: {  	s13 =	sand.u32 $0x1, s10  }
0x15: {  	p0 =	seq.s32 s13, $0x0  }
.Ltmp3:
0x16: {  	_ = 	snop;
	(pc) =	sbr.rel @p0 .LBB2_9-.Ltmp3, $1  }
0x17: {  	_ =	sdelay $0x3  }
0x18: {  	_ =	swait.ge [sflag:s5], $0x80  }
0x19: {  	[sflag:s5] =	ssyncset.done $0x0  }
0x1a: {  	s13 =	simm.s32 $0x0;
	[sflag:s5] =	ssyncadd.s32 $0xFFFFFF80  }
0x1b: {  	v0 =	vld.msk [tilespmem:s13+$0x80 ss:$0x1], $0xffff;
	_ =	sdelay $0x4  }
0x1c: {  	vm2 =	vgt.s32 v0, $0x0  }
0x1d: {  	v0 =	vnsel vm2, $0x0, v0  }
0x1e: {  	v0 =	vmin.u32 v0, $0x1869F  }
0x1f: {  	v0 =	vshll.u32 v0, $0x4;
	_ =	sdelay $0x3  }
0x20: {  	s13 =	simm.s32 $0x4100  }
0x21: {  	[tilespmem:s13], [sflag:$0x1] =	stream.indirect_vreg.gather [hbm:s2], $0x80, v0, vm0, $0x38;
	[tilespmem:$0x8100] =	vst v63  }
0x22: {  	s14 =	simm.s32 $0x4500;
	s31 =	simm.s32 $0x10  }
0x23: {  	[tilespmem:s14], [sflag:$0x1] =	stream.indirect_vreg.gather [hbm:s2], $0x80, v0, vm1, $0x38;
	[tilespmem:$0x8100] =	vst v63  }
0x24: {  	s14 =	simm.s32 $0x80;
	v0 =	vld.msk [tilespmem:s31+$0x80 ss:$0x1], $0xffff  }
.LBB2_5:
0x25: {  	p0 =	sne.s32 s14, $0x1C0;
	_ =	sdelay $0x4  }
0x26: {  	vm2 =	vgt.s32 v0, $0x0  }
0x27: {  	v0 =	vnsel vm2, $0x0, v0  }
0x28: {  	v0 =	vmin.u32 v0, $0x1869F  }
0x29: {  	v0 =	vshll.u32 v0, $0x4;
	_ =	sdelay $0x3  }
.Ltmp4:
0x2a: {  	s13 =	sadd.s32 $0x800, s13;
	(pc) =	sbr.rel @p0 .LBB2_5-.Ltmp4, $4  }
0x2b: {  	[tilespmem:s13], [sflag:$0x1] =	stream.indirect_vreg.gather [hbm:s2], $0x80, v0, vm0, $0x38;
	[tilespmem:$0x8100] =	vst v63  }
0x2c: {  	s15 =	sshra.s32 s14, $0x2;
	s16 =	sadd.s32 $0x400, s13  }
0x2d: {  	[tilespmem:s16], [sflag:$0x1] =	stream.indirect_vreg.gather [hbm:s2], $0x80, v0, vm1, $0x38;
	[tilespmem:$0x8100] =	vst v63  }
0x2e: {  	s14 =	sadd.s32 $0x40, s14;
	v0 =	vld.msk [tilespmem:s15+$0x80 ss:$0x1], $0xffff  }
0x2f: {  	_ =	sdelay $0x3  }
0x30: {  	vm2 =	vgt.s32 v0, $0x0  }
0x31: {  	v0 =	vnsel vm2, $0x0, v0  }
0x32: {  	v0 =	vmin.u32 v0, $0x1869F  }
0x33: {  	v0 =	vshll.u32 v0, $0x4;
	_ =	sdelay $0x3  }
0x34: {  	s13 =	sadd.s32 $0x800, s13  }
0x35: {  	[tilespmem:s13], [sflag:$0x1] =	stream.indirect_vreg.gather [hbm:s2], $0x80, v0, vm0, $0x38;
	[tilespmem:$0x8100] =	vst v63  }
0x36: {  	s13 =	sadd.s32 $0x400, s13  }
0x37: {  	[tilespmem:s13], [sflag:$0x1] =	stream.indirect_vreg.gather [hbm:s2], $0x80, v0, vm1, $0x38;
	[tilespmem:$0x8100] =	vst v63  }
0x38: {  	s12 =	sshll.u32 s12, $0x4;
	s14 =	simm.s32 $0x80;
	_ =	swait.ge [sflag:s4], $0x4000  }
0x39: {  	s15 =	simm.s32 $0x4500;
	s12 =	sadd.s32 s12, s7;
	[sflag:s4] =	ssyncset.done $0x0  }
0x3a: {  	s16 =	sadd.s32 $0x0, s12;
	s13 =	simm.s32 $0x4100;
	[sflag:s4] =	ssyncadd.s32 $0xFFFFC000  }
.LBB2_7:
0x3b: {  	[hbm:s16] =	stream.linear.scatter [tilespmem:s13], [sflag:$0x3], $0x400, $0x38;
	[tilespmem:$0x8100] =	vst v63  }
0x3c: {  	s16 =	smov.u32 s14;
	s13 =	smov.u32 s15;
	p0 =	sne.s32 s14, $0x780  }
.Ltmp5:
0x3d: {  	s14 =	sadd.s32 $0x80, s14;
	(pc) =	sbr.rel @p0 .LBB2_7-.Ltmp5, $2  }
0x3e: {  	_ =	sdelay $0x2  }
0x3f: {  	s15 =	sadd.s32 $0x400, s15;
	s16 =	sadd.s32 s16, s12  }
.Ltmp6:
0x40: {  	(pc) =	sbr.rel .LBB2_9-.Ltmp6, $2  }
0x41: {  	_ =	sdelay $0x2  }
0x42: {  	[hbm:s16] =	stream.linear.scatter [tilespmem:s13], [sflag:$0x3], $0x400, $0x38;
	[tilespmem:$0x8100] =	vst v63  }
.LBB2_2:
.Ltmp7:
0x43: {  	(pc) =	sbr.rel .LBB2_10-.Ltmp7, $4  }
0x44: {  	_ = 	snop  }
0x45: {  	s12 =	sshrl.u32 s11, $0x3  }
0x46: {  	s13 =	sand.u32 $0x7, s11;
	s12 =	sadd.s32 s3, s12  }
0x47: {  	[tilespmem:s9], [sflag:$0x2] =	stream.linear.gather [hbm4b:s12+s13], $0x80, $0x38;
	[tilespmem:$0x8100] =	vst v63  }
.LBB2_11:
0x48: {  	s2 =	simm.s32 $0x3  }
0x49: {  	_ =	swait.ge [sflag:s2], $0x4000  }
0x4a: {  	[sflag:s2] =	ssyncset.done $0x0  }
0x4b: {  	[sflag:s2] =	ssyncadd.s32 $0xFFFFC000  }
0x4c: {  	_ =	sfence.sel $0x180000  }
0x4d: {  	s3 =	simm.s32 $0x2;
	[bflag:$0x0] =	sbarrier.arrive $0xFFFF  }
0x4e: {  	[sflag:s3] =	ssyncpa.u1 $0x1  }
0x4f: {  	s31 =	simm.s32 $0x1;
	[sflag:s2] =	ssyncpa.u1 $0x1  }
0x50: {  	[sflag:s31] =	ssyncpa.u1 $0x1  }
0x51: {  	p0 =	sne.s32 s1, $0x0;
	_ =	strace $0x90000047  }
0x52: {  	s0 =	sadd.s32 @!p0 $0x100000, s0;
	[bflag:$0x2] =	sbarrier.arrive $0xFFFF  }
0x53: {  	[sflag:s0] =	ssyncadd.tile.s32 @!p0 $0x1;
	_ =	shalt  }
.Lfunc_end2:
_tile_overlayer_lowered:
.L_overlay_start_2:
0x54: {  	(tag) =	ssettag $0x2  }
0x55: {  	s0 =	rddreg [dreg:$0x0];
	s2 =	stileid.u32  }
0x56: {  	s1 =	rddreg [dreg:$0x1];
	p0 =	sne.s32 s2, $0x0  }
0x57: {  	s3 =	rddreg [dreg:$0x2];
	[bflag:$0x3] =	sbarrier.arrive $0xFFFF;
	s2 =	simm.s32 @!p0 $0x1C01  }
0x58: {  	[timem:s3], [sflag:s2] =	dma.local @!p0 [hbm:s0], s1  }
0x59: {  	s0 =	simm.s32 @!p0 $0x1  }
0x5a: {  	_ =	swait.ge @!p0 [sflag:s0], s1  }
0x5b: {  	s1 =	ssub.s32 @!p0 $0x0, s1;
	[sflag:s0] =	ssyncset.done @!p0 $0x0  }
0x5c: {  	[sflag:s0] =	ssyncadd.s32 @!p0 s1  }
0x5d: {  	[bflag:$0x3] =	sbarrier.arrive $0xFFFF  }
0x5e: {  	_ =	shalt  }

// kernel: kernel.3.cloned.1.call-start
scs
__scs_entry_jumppad:
0x0: {  	(pc) =	sbr.rel $0x88, $3  }
0x1: {  	(tag) =	ssettag $0x0;
	lr =	simm.s32 $0x1  }
0x2: {  	[smem:$0x3F9D] =	sst lr;
	_ =	strace $0xD0000000  }
0x3: {  	_ = 	snop  }
0x4: {  	_ = 	snop  }
0x5: {  	_ = 	snop  }
0x6: {  	_ = 	snop  }
0x7: {  	_ = 	snop  }
__scs_overlays_trampoline_lowered:
0x8: {  	[smem:$0x3FAC] =	sst s0  }
0x9: {  	[smem:$0x3FAD] =	sst s1  }
0xa: {  	[smem:$0x3FAE] =	sst s2  }
0xb: {  	[smem:$0x3FAF] =	sst s3  }
0xc: {  	[smem:$0x3FB0] =	sst s4  }
0xd: {  	[smem:$0x3FB1] =	sst s5  }
0xe: {  	[smem:$0x3FB2] =	sst s6  }
0xf: {  	[smem:$0x3FB3] =	sst s7  }
0x10: {  	[smem:$0x3FB4] =	sst s8  }
0x11: {  	[smem:$0x3FB5] =	sst s9;
	s0 =	simm.s32 @!p0 $0x0  }
0x12: {  	s1 =	sld [smem:$0x3F9B];
	s0 =	simm.s32 @p0 $0x1  }
0x13: {  	[smem:$0x3FB6] =	sst s0;
	s0 =	simm.s32 @!p1 $0x0  }
0x14: {  	s2 =	sld [smem:$0x3F9A];
	s0 =	simm.s32 @p1 $0x1  }
0x15: {  	[smem:$0x3FB7] =	sst s0;
	s0 =	simm.s32 @!p2 $0x0  }
0x16: {  	s3 =	sld [smem:$0x3FDB];
	s0 =	simm.s32 @p2 $0x1  }
0x17: {  	s4 =	simm.s32 $0x1BF5;
	[smem:$0x3FB9] =	sst s0  }
0x18: {  	s0 =	sld [smem:$0x3F9C];
	_ =	swait.ge [sflag:s4], $0x0  }
0x19: {  	s7 =	sld [smem:$0x3F9D]  }
0x1a: {  	s8 =	sadd.s32 $0xFFFFE003, lr  }
0x1b: {  	s9 =	sadd.s32 $0xFFFFFEF7, lr;
	s5 =	simm.s32 $0xFFFFFFFF;
	p2 =	slt.u32 s8, $0xFFFFF086  }
0x1c: {  	p1 =	slt.u32 s9, $0xF7A;
	s5 =	simm.s32 @!p2 $0x0  }
0x1d: {  	s5 =	simm.s32 @p1 $0x1;
	p0 =	seq.s32 s7, s2  }
0x1e: {  	s7 =	smul.u32 @!p0 $0xF7A, s2;
	p2 =	seq.s32 @!p0 s5, $0x0  }
0x1f: {  	s9 =	smul.u32 $0xF7A, s1;
	s8 =	simm.s32 @!p0 $0x1BF5;
	p2 =	por !p2, p0  }
0x20: {  	[sflag:s8] =	ssyncset.s32 @!p0 $0xFFFFF086;
	s6 =	sadd.s32 @!p0 s3, s7;
	s7 =	simm.s32 @!p0 $0x108  }
0x21: {  	s3 =	sadd.s32 s3, s9;
	s6 =	sadd.s32 @!p0 $0x88, s6;
	s7 =	simm.s32 @p2 $0x1082  }
0x22: {  	[simem:s7], [sflag:s8] =	dma.local @!p0 [hbm:s6], $0xF7A  }
0x23: {  	s9 =	sor.u32 $0xD0000000, s2;
	s6 =	simm.s32 $0x108;
	_ =	swait.ge @!p0 [sflag:s8], $0x0  }
0x24: {  	s3 =	sadd.s32 $0x88, s3;
	s6 =	simm.s32 @!p1 $0x1082;
	[sflag:s4] =	ssyncset.s32 $0xFFFFF086  }
0x25: {  	[simem:s6], [sflag:s4] =	dma.local [hbm:s3], $0xF7A  }
0x26: {  	[smem:$0x3F9D] =	sst s1;
	(tag) =	ssettag s2;
	_ =	strace s9  }
0x27: {  	s1 =	sld [smem:$0x3FAD]  }
0x28: {  	s2 =	sld [smem:$0x3FAE]  }
0x29: {  	s4 =	sld [smem:$0x3FB0]  }
0x2a: {  	p0 =	seq.s32 s5, $0x0;
	s5 =	sld [smem:$0x3FB1]  }
0x2b: {  	s6 =	sld [smem:$0x3FB2]  }
0x2c: {  	s7 =	sld [smem:$0x3FB3]  }
0x2d: {  	s3 =	simm.s32 $0x108;
	s8 =	sld [smem:$0x3FB4]  }
0x2e: {  	s3 =	simm.s32 @!p0 $0x1082;
	s9 =	sld [smem:$0x3FB5]  }
0x2f: {  	lr =	sadd.s32 s0, s3;
	s0 =	sld [smem:$0x3FAC]  }
0x30: {  	s3 =	sld [smem:$0x3FAF]  }
0x31: {  	[smem:$0x3FB8] =	sst s10  }
0x32: {  	s10 =	sld [smem:$0x3FB6];
	_ =	sdelay $0x3  }
0x33: {  	p0 =	seq.s32 s10, $0x1;
	s10 =	sld [smem:$0x3FB8];
	_ =	sdelay $0x3  }
0x34: {  	[smem:$0x3FB8] =	sst s10  }
0x35: {  	s10 =	sld [smem:$0x3FB7];
	_ =	sdelay $0x3  }
0x36: {  	p1 =	seq.s32 s10, $0x1;
	s10 =	sld [smem:$0x3FB8];
	_ =	sdelay $0x3  }
0x37: {  	[smem:$0x3FB8] =	sst s10  }
0x38: {  	s10 =	sld [smem:$0x3FB9]  }
0x39: {  	_ = 	snop;
	(pc) =	sbr.ind lr, $3  }
0x3a: {  	_ = 	snop  }
0x3b: {  	_ = 	snop  }
0x3c: {  	p2 =	seq.s32 s10, $0x1;
	s10 =	sld [smem:$0x3FB8]  }
0x3d: {  	_ =	shalt  }
0x3e: {  	_ =	shalt  }
0x3f: {  	_ =	shalt  }
0x40: {  	_ =	shalt  }
0x41: {  	_ =	shalt  }
0x42: {  	_ =	shalt  }
0x43: {  	_ =	shalt  }
0x44: {  	_ =	shalt  }
0x45: {  	_ =	shalt  }
0x46: {  	_ =	shalt  }
0x47: {  	_ =	shalt  }
0x48: {  	_ =	shalt  }
0x49: {  	_ =	shalt  }
0x4a: {  	_ =	shalt  }
0x4b: {  	_ =	shalt  }
0x4c: {  	_ =	shalt  }
0x4d: {  	_ =	shalt  }
0x4e: {  	_ =	shalt  }
0x4f: {  	_ =	shalt  }
0x50: {  	_ =	shalt  }
0x51: {  	_ =	shalt  }
0x52: {  	_ =	shalt  }
0x53: {  	_ =	shalt  }
0x54: {  	_ =	shalt  }
0x55: {  	_ =	shalt  }
0x56: {  	_ =	shalt  }
0x57: {  	_ =	shalt  }
0x58: {  	_ =	shalt  }
0x59: {  	_ =	shalt  }
0x5a: {  	_ =	shalt  }
0x5b: {  	_ =	shalt  }
0x5c: {  	_ =	shalt  }
0x5d: {  	_ =	shalt  }
0x5e: {  	_ =	shalt  }
0x5f: {  	_ =	shalt  }
0x60: {  	_ =	shalt  }
0x61: {  	_ =	shalt  }
0x62: {  	_ =	shalt  }
0x63: {  	_ =	shalt  }
0x64: {  	_ =	shalt  }
0x65: {  	_ =	shalt  }
0x66: {  	_ =	shalt  }
0x67: {  	_ =	shalt  }
0x68: {  	_ =	shalt  }
0x69: {  	_ =	shalt  }
0x6a: {  	_ =	shalt  }
0x6b: {  	_ =	shalt  }
0x6c: {  	_ =	shalt  }
0x6d: {  	_ =	shalt  }
0x6e: {  	_ =	shalt  }
0x6f: {  	_ =	shalt  }
0x70: {  	_ =	shalt  }
0x71: {  	_ =	shalt  }
0x72: {  	_ =	shalt  }
0x73: {  	_ =	shalt  }
0x74: {  	_ =	shalt  }
0x75: {  	_ =	shalt  }
0x76: {  	_ =	shalt  }
0x77: {  	_ =	shalt  }
0x78: {  	_ =	shalt  }
0x79: {  	_ =	shalt  }
0x7a: {  	_ =	shalt  }
0x7b: {  	_ =	shalt  }
0x7c: {  	_ =	shalt  }
0x7d: {  	_ =	shalt  }
0x7e: {  	_ =	shalt  }
0x7f: {  	_ =	shalt  }
0x80: {  	_ =	shalt  }
0x81: {  	_ =	shalt  }
0x82: {  	_ =	shalt  }
0x83: {  	_ =	shalt  }
0x84: {  	_ =	shalt  }
0x85: {  	_ =	shalt  }
0x86: {  	_ =	shalt  }
0x87: {  	_ =	shalt  }
.Lfunc_end0:
.L_simem_size_0:
called_computation.1_lowered:
.L_overlay_start_0:
0x88: {  	s2 =	sld [smem:$0x3FD9]  }
0x89: {  	s3 =	sld [smem:$0x3FFE];
	_ =	sdelay $0x1  }
0x8a: {  	s1 =	srdreg.scid  }
0x8b: {  	s0 =	sand.u32 $0x1, s1  }
0x8c: {  	s17 =	sshll.u32 s0, $0xA;
	s2 =	sadd.s32 s3, s2  }
0x8d: {  	s2 =	sadd.s32 s2, s17  }
0x8e: {  	[smem:$0x3FC4] =	sst s2  }
0x8f: {  	_ = 	snop  }
0x90: {  	s2 =	sld [smem:$0x3FD0];
	(tm) =	ssettm $0x1  }
0x91: {  	s18 =	sld [smem:$0x3FFB];
	_ =	sdelay $0x3  }
0x92: {  	_ =	strace s18  }
0x93: {  	s3 =	sld [smem:$0x3FFC];
	_ =	sdelay $0x3  }
0x94: {  	_ =	strace s3  }
0x95: {  	s3 =	sld [smem:$0x3FFD];
	_ =	sdelay $0x3  }
0x96: {  	_ =	strace s3  }
0x97: {  	_ =	strace $0x8FFFFFFF  }
0x98: {  	s19 =	sld [smem:$0x3FDB];
	_ =	sdelay $0x1  }
0x99: {  	s4 =	simm.s32 $_scs_section_size  }
0x9a: {  	s5 =	simm.s32 $_size__tile_overlayer_lowered;
	s6 =	simm.s32 $_tile_overlayer_lowered  }
0x9b: {  	s22 =	simm.s32 $0x1BFF;
	s21 =	sshll.u32 s6, $0x1;
	s3 =	sadd.s32 s4, s19  }
0x9c: {  	s7 =	simm.s32 $0x0;
	s20 =	sshll.u32 s5, $0x1;
	s5 =	sadd.s32 s21, s3  }
0x9d: {  	[timem:s7], [sflag:s22] =	dma.local [hbm:s5], s20  }
0x9e: {  	_ =	swait.ge [sflag:s22], s20  }
0x9f: {  	s4 =	ssub.s32 $0x0, s20;
	[sflag:s22] =	ssyncset.done $0x0  }
0xa0: {  	[sflag:s22] =	ssyncadd.s32 s4;
	_ =	sdelay $0x1  }
0xa1: {  	s23 =	simm.s32 $0x1B8B  }
0xa2: {  	_ =	swait.ge [sflag:s23], $0x1  }
0xa3: {  	[sflag:s23] =	ssyncset.done $0x0  }
0xa4: {  	s25 =	simm.s32 $0x1B8E;
	s24 =	sld [smem:$0x3FFE];
	[sflag:s23] =	ssyncadd.s32 $0xFFFFFFFF  }
0xa5: {  	s26 =	simm.s32 $execute0_lowered;
	[smem:$0x3FD2] =	sst s25  }
0xa6: {  	s5 =	sshll.u32 s26, $0x1;
	_ =	strace $0x80000049;
	[dreg:$0x1] =	wrdreg $0xFFFFFFFF  }
0xa7: {  	s28 =	simm.s32 $_size_execute0_lowered;
	s3 =	sadd.s32 s3, s5;
	[dreg:$0x0] =	wrdreg $0x0  }
0xa8: {  	s5 =	sshll.u32 s28, $0x1;
	[dreg:$0x2] =	wrdreg s3  }
0xa9: {  	[dreg:$0x3] =	wrdreg s5  }
0xaa: {  	[dreg:$0x4] =	wrdreg $0xC0  }
0xab: {  	_ =	task [dreg:s7], $0x5FFFF  }
0xac: {  	[dreg:$0x1] =	wrdreg $0xFFFFFFFF  }
0xad: {  	[dreg:$0x0] =	wrdreg $0x60  }
0xae: {  	[dreg:$0x2] =	wrdreg s2  }
0xaf: {  	[dreg:$0x3] =	wrdreg s24  }
0xb0: {  	[dreg:$0x4] =	wrdreg $0x9  }
0xb1: {  	_ =	task.clear_ibuf [dreg:s7], $0x5FFFF;
	_ =	strace $0x90000049  }
0xb2: {  	s29 =	simm.s32 $0x9;
	_ =	strace $0x8000004B  }
0xb3: {  	_ =	swait.ge [sflag:s29], $0x1  }
0xb4: {  	[sflag:s29] =	ssyncadd.s32 $0xFFFFFFFF  }
0xb5: {  	_ =	strace $0x9000004B  }
0xb6: {  	_ =	sfence  }
0xb7: {  	s30 =	sld [smem:$0x0];
	_ =	sdelay $0x2  }
0xb8: {  	s31 =	sshll.u32 s1, $0xD;
	s1 =	sshrl.u32 s1, $0x2  }
0xb9: {  	s3 =	sand.u32 $0x4000, s31;
	s1 =	sadd.s32 s1, s30  }
0xba: {  	s0 =	sor.u32 s3, s0;
	s1 =	sshll.u32 s1, $0x11  }
0xbb: {  	s0 =	sor.u32 s1, s0  }
0xbc: {  	s0 =	sadd.s32 $0x8F2B, s0  }
0xbd: {  	[sflag:s0] =	ssyncadd.remote.s32 $0x1  }
0xbe: {  	_ =	sfence.sel $0xFFFF  }
0xbf: {  	[dreg:$0x0] =	wrdreg $0xFFFFFFFF;
	(pc) =	sbr.abs _section_cstart, $3  }
0xc0: {  	[dreg:$0x1] =	wrdreg $0xFFFFFFFF  }
0xc1: {  	_ =	task.clear_ibuf [dreg:s7], $0x2FFFF;
	_ =	strace $0x9FFFFFFF  }
0xc2: {  	(tm) =	ssettm $0x7FFFFFFF  }
0xc3: {  	_ =	shalt  }
tec
execute0_lowered:
.L_overlay_start_1:
0x0: {  	(tag) =	ssettag $0x1  }
0x1: {  	s0 =	rddreg [dreg:$0x0]  }
0x2: {  	s1 =	rddreg [dreg:$0x1];
	s2 =	simm.s32 $0x0  }
0x3: {  	s3 =	srdreg.scid;
	s4 =	stileid.u32;
	s11 =	simm.s32 $0x32  }
0x4: {  	s28 =	simm.s32 $0xA400;
	s29 =	simm.s32 $0xB080;
	s30 =	simm.s32 $0xBD00  }
0x5: {  	s31 =	simm.s32 $0xC980;
	s10 =	simm.s32 $0xEF00;
	s12 =	simm.s32 $0xFB80  }
0x6: {  	s13 =	simm.s32 $0x1;
	s14 =	simm.s32 $0x10C00;
	s15 =	simm.s32 $0x2  }
0x7: {  	s16 =	simm.s32 $0x0;
	[smem:$0x7FF] =	sst s2;
	s5 =	sand.u32 $0x1, s3  }
0x8: {  	vm0 =	vmmov $0x1;
	vm1 =	vmmov $0x3;
	s4 =	sshll.u32 s4, $0x8;
	s3 =	sadd.s32 $0x31FC00, s1;
	s6 =	sshll.u32 s5, $0x7  }
0x9: {  	vm2 =	vmmov $0x7;
	vm3 =	vmmov $0xf;
	vm4 =	vmmov $0x1f;
	_ =	strace $0x8000004A;
	s24 =	ssub.s32 $0x2, s5;
	s4 =	sor.u32 s6, s4  }
0xa: {  	vm5 =	vmmov $0x3f;
	vm6 =	vmmov $0x7f;
	v0 =	vlaneseq.u32;
	s5 =	sadd.s32 $0x1A1200, s1;
	s7 =	sshrl.u32 s24, $0x1;
	s25 =	sshll.u32 s4, $0x3  }
0xb: {  	vm7 =	vmmov $0xff;
	vm8 =	vmmov $0x1ff;
	v13 =	vor.u32 $0x10, v0;
	s8 =	smul.u32 $0x7, s4;
	s26 =	ssub.s32 s24, s7;
	s24 =	simm.s32 $0x8700  }
0xc: {  	vm9 =	vmmov $0x3ff;
	vm10 =	vmmov $0x7ff;
	v14 =	vor.u32 $0x20, v0;
	[tilespmem:$0x1FFD0] =	vst v13;
	s9 =	sadd.s32 s25, s1;
	s25 =	simm.s32 $0x188;
	s1 =	simm.s32 $0xE280  }
0xd: {  	vm11 =	vmmov $0xfff;
	vm12 =	vmmov $0x1fff;
	v10 =	vor.u32 $0x30, v0;
	[tilespmem:$0x1FFE0] =	vst v14;
	s6 =	sadd.s32 s0, s8;
	s7 =	sadd.s32 $0x199200, s9;
	s8 =	smax.u32 s26, $0x1  }
0xe: {  	vm13 =	vmmov $0x3fff;
	vm14 =	vmmov $0x7fff;
	vm15 =	vcmask $0x308;
	[tilespmem:$0x1FFF0] =	vst v10;
	s9 =	simm.s32 $0x3;
	s26 =	simm.s32 $0x9380;
	s0 =	simm.s32 $0xD600  }
.LBB2_1:
0xf: {  	[tilespmem:s2], [sflag:$0x3] =	stream.linear.gather [hbm4b:s6+s2], $0x1C00, $0x38;
	[tilespmem:$0x10DC0] =	vst v63  }
0x10: {  	_ =	swait.ge [sflag:s9], $0x1C00  }
0x11: {  	[sflag:s9] =	ssyncset.done $0x0  }
0x12: {  	s17 =	simm.s32 $0x1C00;
	[sflag:s9] =	ssyncadd.s32 $0xFFFFE400  }
0x13: {  	[tilespmem:s17], [sflag:$0x3] =	stream.linear.gather [hbm4b:s7+s2], $0x2000, $0x38;
	[tilespmem:$0x10DC0] =	vst v63  }
0x14: {  	_ =	swait.ge [sflag:s9], $0x2000  }
0x15: {  	[sflag:s9] =	ssyncset.done $0x0  }
0x16: {  	s18 =	simm.s32 $0x3C00;
	[sflag:s9] =	ssyncadd.s32 $0xFFFFE000  }
0x17: {  	[tilespmem:s18], [sflag:$0x1] =	stream.indirect.gather [hbm4b:s3+s11], $0x40, s2, s11, $0xb8;
	[tilespmem:$0x10DC0] =	vst v63  }
0x18: {  	s19 =	simm.s32 $0x38;
	s18 =	simm.s32 $0x4880  }
0x19: {  	[tilespmem:s18], [sflag:$0x1] =	stream.indirect.gather [hbm4b:s3+s11], $0x40, s19, s11, $0xb8;
	[tilespmem:$0x10DC0] =	vst v63  }
0x1a: {  	s20 =	simm.s32 $0x70;
	s21 =	simm.s32 $0x5500  }
0x1b: {  	[tilespmem:s21], [sflag:$0x1] =	stream.indirect.gather [hbm4b:s3+s11], $0x40, s20, s11, $0xb8;
	[tilespmem:$0x10DC0] =	vst v63  }
0x1c: {  	s22 =	simm.s32 $0xA8;
	s23 =	simm.s32 $0x6180  }
0x1d: {  	[tilespmem:s23], [sflag:$0x1] =	stream.indirect.gather [hbm4b:s3+s11], $0x40, s22, s11, $0xb8;
	[tilespmem:$0x10DC0] =	vst v63  }
0x1e: {  	s19 =	simm.s32 $0xE0;
	s20 =	simm.s32 $0x6E00  }
0x1f: {  	[tilespmem:s20], [sflag:$0x1] =	stream.indirect.gather [hbm4b:s3+s11], $0x40, s19, s11, $0xb8;
	[tilespmem:$0x10DC0] =	vst v63  }
0x20: {  	s21 =	simm.s32 $0x118;
	s22 =	simm.s32 $0x7A80  }
0x21: {  	[tilespmem:s22], [sflag:$0x1] =	stream.indirect.gather [hbm4b:s3+s11], $0x40, s21, s11, $0xb8;
	[tilespmem:$0x10DC0] =	vst v63  }
0x22: {  	s23 =	simm.s32 $0x150  }
0x23: {  	[tilespmem:s24], [sflag:$0x1] =	stream.indirect.gather [hbm4b:s3+s11], $0x40, s23, s11, $0xb8;
	[tilespmem:$0x10DC0] =	vst v63  }
0x24: {  	s17 =	simm.s32 $0x0  }
0x25: {  	[tilespmem:s26], [sflag:$0x1] =	stream.indirect.gather [hbm4b:s3+s11], $0x40, s25, s11, $0xb8;
	[tilespmem:$0x10DC0] =	vst v63  }
.LBB2_2:
0x26: {  	s20 =	sshll.u32 s17, $0x4  }
0x27: {  	s18 =	sor.u32 $0x8, s20  }
0x28: {  	s19 =	smul.u32 $0xE0, s18;
	_ =	sdelay $0x1  }
0x29: {  	s21 =	smul.u32 $0xE00, s17;
	s19 =	sshra.s32 s19, $0x2  }
0x2a: {  	[tilespmem:s28], [sflag:$0x2] =	stream.indirect.gather [hbm4b:s3+s11], $0x40, s19, s11, $0xb8;
	[tilespmem:$0x10DC0] =	vst v63  }
0x2b: {  	s19 =	sshra.s32 s21, $0x2  }
0x2c: {  	s21 =	sadd.s32 $0x1F8, s19  }
0x2d: {  	[tilespmem:s29], [sflag:$0x2] =	stream.indirect.gather [hbm4b:s3+s11], $0x40, s21, s11, $0xb8;
	[tilespmem:$0x10DC0] =	vst v63  }
0x2e: {  	s23 =	sadd.s32 $0x230, s19  }
0x2f: {  	[tilespmem:s30], [sflag:$0x2] =	stream.indirect.gather [hbm4b:s3+s11], $0x40, s23, s11, $0xb8;
	[tilespmem:$0x10DC0] =	vst v63  }
0x30: {  	s22 =	sadd.s32 $0x268, s19  }
0x31: {  	[tilespmem:s31], [sflag:$0x2] =	stream.indirect.gather [hbm4b:s3+s11], $0x40, s22, s11, $0xb8;
	[tilespmem:$0x10DC0] =	vst v63  }
0x32: {  	s23 =	sadd.s32 $0x2A0, s19  }
0x33: {  	[tilespmem:s0], [sflag:$0x2] =	stream.indirect.gather [hbm4b:s3+s11], $0x40, s23, s11, $0xb8;
	[tilespmem:$0x10DC0] =	vst v63  }
0x34: {  	s22 =	sadd.s32 $0x2D8, s19  }
0x35: {  	[tilespmem:s1], [sflag:$0x2] =	stream.indirect.gather [hbm4b:s3+s11], $0x40, s22, s11, $0xb8;
	[tilespmem:$0x10DC0] =	vst v63  }
0x36: {  	s23 =	sadd.s32 $0x310, s19  }
0x37: {  	[tilespmem:s10], [sflag:$0x2] =	stream.indirect.gather [hbm4b:s3+s11], $0x40, s23, s11, $0xb8;
	[tilespmem:$0x10DC0] =	vst v63  }
0x38: {  	s22 =	sadd.s32 $0x348, s19  }
0x39: {  	[tilespmem:s12], [sflag:$0x2] =	stream.indirect.gather [hbm4b:s3+s11], $0x40, s22, s11, $0xb8;
	[tilespmem:$0x10DC0] =	vst v63  }
0x3a: {  	_ =	swait.ge [sflag:s13], $0xC80  }
0x3b: {  	[sflag:s13] =	ssyncset.done $0x0  }
0x3c: {  	[sflag:s13] =	ssyncadd.s32 $0xFFFFF380  }
0x3d: {  	_ =	swait.ge [sflag:s13], $0xC80  }
0x3e: {  	[sflag:s13] =	ssyncset.done $0x0  }
0x3f: {  	[sflag:s13] =	ssyncadd.s32 $0xFFFFF380  }
0x40: {  	_ =	swait.ge [sflag:s13], $0xC80  }
0x41: {  	[sflag:s13] =	ssyncset.done $0x0  }
0x42: {  	[sflag:s13] =	ssyncadd.s32 $0xFFFFF380  }
0x43: {  	_ =	swait.ge [sflag:s13], $0xC80  }
0x44: {  	[sflag:s13] =	ssyncset.done $0x0  }
0x45: {  	[sflag:s13] =	ssyncadd.s32 $0xFFFFF380  }
0x46: {  	_ =	swait.ge [sflag:s13], $0xC80  }
0x47: {  	[sflag:s13] =	ssyncset.done $0x0  }
0x48: {  	[sflag:s13] =	ssyncadd.s32 $0xFFFFF380  }
0x49: {  	_ =	swait.ge [sflag:s13], $0xC80  }
0x4a: {  	[sflag:s13] =	ssyncset.done $0x0  }
0x4b: {  	[sflag:s13] =	ssyncadd.s32 $0xFFFFF380  }
0x4c: {  	_ =	swait.ge [sflag:s13], $0xC80  }
0x4d: {  	s23 =	sshll.u32 s17, $0xA;
	[sflag:s13] =	ssyncset.done $0x0  }
0x4e: {  	s21 =	sand.u32 $0x3FFFFC00, s23;
	[sflag:s13] =	ssyncadd.s32 $0xFFFFF380  }
0x4f: {  	s22 =	sadd.s32 $0x1C00, s21;
	_ =	swait.ge [sflag:s13], $0xC80  }
0x50: {  	v0 =	vmov s22;
	[sflag:s13] =	ssyncset.done $0x0  }
0x51: {  	s21 =	simm.s32 $0x0;
	[tilespmem:$0x1FFC0] =	vst v0;
	[sflag:s13] =	ssyncadd.s32 $0xFFFFF380  }
.LBB2_3:
0x52: {  	s23 =	smul.u32 $0x3200, s21;
	_ =	sdelay $0x1  }
0x53: {  	v0 =	vld [tilespmem:$0x1FFC0];
	s23 =	sshra.s32 s23, $0x2  }
0x54: {  	v9 =	vld [tilespmem:s23+$0x3C00]  }
0x55: {  	v11 =	vld [tilespmem:s23+$0x3C10]  }
0x56: {  	v12 =	vld [tilespmem:s23+$0x3C20]  }
0x57: {  	v14 =	vld [tilespmem:s23+$0x3C30]  }
0x58: {  	v18 =	vld [tilespmem:s23+$0x3C40]  }
0x59: {  	v19 =	vld [tilespmem:s23+$0x3C50]  }
0x5a: {  	v20 =	vld [tilespmem:s23+$0x3C60]  }
0x5b: {  	v23 =	vld [tilespmem:s23+$0x3C70]  }
0x5c: {  	v24 =	vld [tilespmem:s23+$0x3C80]  }
0x5d: {  	v28 =	vld [tilespmem:s23+$0x3C90]  }
0x5e: {  	v32 =	vld [tilespmem:s23+$0x3CA0]  }
0x5f: {  	v34 =	vld [tilespmem:s23+$0x3CB0]  }
0x60: {  	v35 =	vld [tilespmem:s23+$0x3CC0]  }
0x61: {  	v36 =	vld [tilespmem:s23+$0x3CD0]  }
0x62: {  	v37 =	vld [tilespmem:s23+$0x3CE0]  }
0x63: {  	v39 =	vld [tilespmem:s23+$0x3CF0]  }
0x64: {  	v45 =	vld [tilespmem:s23+$0x3D00]  }
0x65: {  	v46 =	vld [tilespmem:s23+$0x3D10]  }
0x66: {  	v48 =	vld [tilespmem:s23+$0x3D20]  }
0x67: {  	v51 =	vld [tilespmem:s23+$0x3D30]  }
0x68: {  	v52 =	vld [tilespmem:s23+$0x3D40]  }
0x69: {  	v57 =	vld [tilespmem:s23+$0x3D50]  }
0x6a: {  	v58 =	vld [tilespmem:s23+$0x3D60]  }
0x6b: {  	v15 =	vld [tilespmem:s23+$0x3D70]  }
0x6c: {  	v59 =	vld [tilespmem:s23+$0x3D80]  }
0x6d: {  	v2 =	vld [tilespmem:s23+$0x3D90]  }
0x6e: {  	v4 =	vld [tilespmem:s23+$0x3DA0]  }
0x6f: {  	v16 =	vld [tilespmem:s23+$0x3DB0]  }
0x70: {  	v13 =	vld [tilespmem:s23+$0x3DC0]  }
0x71: {  	v10 =	vld [tilespmem:s23+$0x3DD0]  }
0x72: {  	v60 =	vld [tilespmem:s23+$0x3DE0]  }
0x73: {  	v61 =	vld [tilespmem:s23+$0x3DF0]  }
0x74: {  	v29 =	vld [tilespmem:s23+$0x3E00]  }
0x75: {  	v40 =	vld [tilespmem:s23+$0x3E10]  }
0x76: {  	v22 =	vld [tilespmem:s23+$0x3E20]  }
0x77: {  	v62 =	vld [tilespmem:s23+$0x3E30]  }
0x78: {  	v17 =	vld [tilespmem:s23+$0x3E40]  }
0x79: {  	v21 =	vld [tilespmem:s23+$0x3E50]  }
0x7a: {  	v25 =	vld [tilespmem:s23+$0x3E60]  }
0x7b: {  	v49 =	vld [tilespmem:s23+$0x3E70]  }
0x7c: {  	v63 =	vld [tilespmem:s23+$0x3E80]  }
0x7d: {  	v26 =	vld [tilespmem:s23+$0x3E90]  }
0x7e: {  	v47 =	vld [tilespmem:s23+$0x3EA0]  }
0x7f: {  	v43 =	vld [tilespmem:s23+$0x3EB0]  }
0x80: {  	v41 =	vld [tilespmem:s23+$0x3EC0]  }
0x81: {  	v42 =	vld [tilespmem:s23+$0x3ED0]  }
0x82: {  	v30 =	vld [tilespmem:s23+$0x3EE0]  }
0x83: {  	v44 =	vld [tilespmem:s23+$0x3EF0]  }
0x84: {  	v31 =	vld [tilespmem:s23+$0x3F20]  }
0x85: {  	v50 =	vld [tilespmem:s23+$0x3F30]  }
0x86: {  	s22 =	sshll.u32 s21, $0x6;
	v53 =	vld [tilespmem:s23+$0x3F40]  }
0x87: {  	s22 =	sand.u32 $0x3FFFFFC0, s22;
	v54 =	vld [tilespmem:s23+$0x3F50]  }
0x88: {  	v8 =	vld.idx.msk [tilespmem:v0+s22+$0x0 ss:$0x1], $0xffff  }
0x89: {  	v7 =	vld.idx.msk [tilespmem:v0+s22+$0x10 ss:$0x1], $0xffff  }
0x8a: {  	v6 =	vld.idx.msk [tilespmem:v0+s22+$0x20 ss:$0x1], $0xffff  }
0x8b: {  	v5 =	vld.idx.msk [tilespmem:v0+s22+$0x30 ss:$0x1], $0xffff  }
0x8c: {  	v55 =	vld [tilespmem:s23+$0x3F60]  }
0x8d: {  	v56 =	vld [tilespmem:s23+$0x3F70]  }
0x8e: {  	v38 =	vld [tilespmem:s23+$0x3FA0];
	[tilespmem:$0x1FF20] =	vst v43;
	v27 =	vmul.f32 v9, v8;
	v33 =	vmul.f32 v11, v7  }
0x8f: {  	[tilespmem:$0x1FF30] =	vst v44;
	v43 =	vld [tilespmem:s23+$0x3F00];
	v12 =	vmul.f32 v12, v6;
	v18 =	vmul.f32 v18, v8  }
0x90: {  	v44 =	vld [tilespmem:s23+$0x3F10];
	[tilespmem:$0x1FF60] =	vst v50;
	v19 =	vmul.f32 v19, v7;
	v14 =	vmul.f32 v14, v5  }
0x91: {  	[tilespmem:$0x1FF40] =	vst v53;
	v50 =	vld [tilespmem:s23+$0x3FB0];
	v53 =	vmul.f32 v20, v6;
	v24 =	vmul.f32 v24, v8  }
0x92: {  	[tilespmem:$0x1FF50] =	vst v54;
	v9 =	vld [tilespmem:s23+$0x3F80];
	v28 =	vmul.f32 v28, v7;
	v54 =	vmul.f32 v35, v8  }
0x93: {  	[tilespmem:$0x1FF70] =	vst v55;
	v11 =	vld [tilespmem:s23+$0x3F90];
	v36 =	vmul.f32 v36, v7;
	v23 =	vmul.f32 v23, v5;
	v27 =	vadd.f32 v33, v27  }
0x94: {  	[tilespmem:$0x1FF80] =	vst v56;
	v20 =	vld [tilespmem:s23+$0x3FE0];
	v55 =	vmul.f32 v32, v6;
	v56 =	vmul.f32 v34, v5;
	v18 =	vadd.f32 v19, v18  }
0x95: {  	[tilespmem:$0x1FF90] =	vst v38;
	v35 =	vld [tilespmem:s23+$0x4000];
	v37 =	vmul.f32 v37, v6;
	v24 =	vadd.f32 v28, v24;
	v38 =	vadd.f32 v12, v27  }
0x96: {  	v0 =	vmul.f32 v45, v8;
	v34 =	vld [tilespmem:s23+$0x4020];
	v36 =	vadd.f32 v36, v54;
	v19 =	vadd.f32 v53, v18  }
0x97: {  	v1 =	vmul.f32 v46, v7;
	v45 =	vld [tilespmem:s23+$0x4040];
	v24 =	vadd.f32 v55, v24;
	v14 =	vadd.f32 v14, v38  }
0x98: {  	[tilespmem:$0x1FFA0] =	vst v50;
	v3 =	vmul.f32 v39, v5;
	v50 =	vld [tilespmem:s23+$0x4050];
	v36 =	vadd.f32 v37, v36;
	v19 =	vadd.f32 v23, v19  }
0x99: {  	v33 =	vld [tilespmem:s23+$0x3FD0];
	v39 =	vadd.f32 v1, v0;
	v53 =	vmul.f32 v48, v6;
	v32 =	vadd.f32 v56, v24;
	(xrf2) =	vadd.scan.msk.f32 $0xffff, v14  }
0x9a: {  	v28 =	vld [tilespmem:s23+$0x4070];
	v54 =	vadd.f32 v3, v36;
	(xrf2) =	vadd.scan.msk.f32 $0xffff, v19  }
0x9b: {  	v27 =	vld [tilespmem:s23+$0x3FC0];
	v55 =	vadd.f32 v53, v39;
	v56 =	vmul.f32 v51, v5;
	(xrf2) =	vadd.scan.msk.f32 $0xffff, v32  }
0x9c: {  	v18 =	vld [tilespmem:s23+$0x3FF0];
	(xrf2) =	vadd.scan.msk.f32 $0xffff, v54  }
0x9d: {  	v48 =	vld [tilespmem:s23+$0x4110];
	v14 =	vadd.f32 v56, v55  }
0x9e: {  	v38 =	vld [tilespmem:s23+$0x4010]  }
0x9f: {  	v23 =	vld [tilespmem:s23+$0x4030];
	(xrf2) =	vadd.scan.msk.f32 $0xffff, v14  }
0xa0: {  	v51 =	vld [tilespmem:s23+$0x4060]  }
0xa1: {  	v53 =	vld [tilespmem:s23+$0x4080]  }
0xa2: {  	v36 =	vld [tilespmem:s23+$0x40E0]  }
0xa3: {  	v57 =	vmul.f32 v57, v7;
	v39 =	vld [tilespmem:s23+$0x4100];
	v0, _, _ =	vpop (xrf2)  }
0xa4: {  	v2 =	vmul.f32 v2, v7;
	v15 =	vmul.f32 v15, v5;
	v55 =	vld [tilespmem:s23+$0x40C0];
	v1, _, _ =	vpop (xrf2)  }
0xa5: {  	v56 =	vld [tilespmem:s23+$0x40D0];
	v24 =	vbroadcast v0, $0xF;
	v37 =	vbroadcast v1, $0xF;
	v3, _, _ =	vpop (xrf2)  }
0xa6: {  	v19 =	vld [tilespmem:s23+$0x40F0];
	v1 =	vmul.f32 v52, v8;
	v46 =	vbroadcast v3, $0xF;
	v12, _, _ =	vpop (xrf2)  }
0xa7: {  	v4 =	vmul.f32 v4, v6;
	v32 =	vld [tilespmem:s23+$0x40A0];
	v24 =	vsel vm0, v24, v37;
	v0 =	vbroadcast v12, $0xF  }
0xa8: {  	v54 =	vld [tilespmem:s23+$0x4090];
	v1 =	vadd.f32 v57, v1;
	v57 =	vmul.f32 v58, v6;
	v46 =	vsel vm1, v24, v46  }
0xa9: {  	v13 =	vmul.f32 v13, v8;
	v14 =	vld [tilespmem:s23+$0x40B0];
	v12, _, _ =	vpop (xrf2);
	v3 =	vsel vm2, v46, v0;
	v46 =	vmul.f32 v59, v8  }
0xaa: {  	v10 =	vmul.f32 v10, v7;
	v52 =	vld [tilespmem:s23+$0x4140];
	v0 =	vbroadcast v12, $0xF;
	v1 =	vadd.f32 v57, v1  }
0xab: {  	v17 =	vmul.f32 v17, v8;
	v37 =	vld [tilespmem:s23+$0x4120];
	v12 =	vmul.f32 v29, v8;
	v2 =	vadd.f32 v2, v46  }
0xac: {  	v58 =	vld [tilespmem:s23+$0x4180];
	v0 =	vsel vm3, v3, v0;
	v15 =	vadd.f32 v15, v1;
	v1 =	vadd.f32 v10, v13  }
0xad: {  	v24 =	vld [tilespmem:s23+$0x4130];
	v13 =	vmul.f32 v40, v7;
	[tilespmem:$0x1FFB0] =	vst v0;
	v0 =	vadd.f32 v4, v2;
	v2 =	vmul.f32 v16, v5  }
0xae: {  	v21 =	vmul.f32 v21, v7;
	v59 =	vld [tilespmem:s23+$0x4150];
	v10 =	vmul.f32 v60, v6  }
0xaf: {  	v22 =	vmul.f32 v22, v6;
	v57 =	vld [tilespmem:s23+$0x4170];
	v16 =	vadd.f32 v2, v0;
	v0 =	vadd.f32 v13, v12  }
0xb0: {  	v29 =	vld [tilespmem:s23+$0x41B0];
	v1 =	vadd.f32 v10, v1;
	v4 =	vadd.f32 v21, v17;
	v21 =	vmul.f32 v63, v8  }
0xb1: {  	v46 =	vld [tilespmem:s23+$0x4160];
	v2 =	vmul.f32 v61, v5;
	v10 =	vadd.f32 v22, v0;
	v22 =	vmul.f32 v26, v7  }
0xb2: {  	v60 =	vld [tilespmem:s23+$0x4190];
	v13 =	vmul.f32 v62, v5;
	v62 =	vmul.f32 v25, v6  }
0xb3: {  	v40 =	vld [tilespmem:s23+$0x41A0];
	v26 =	vmul.f32 v47, v6;
	v17 =	vadd.f32 v22, v21  }
0xb4: {  	v3 =	vld [tilespmem:s23+$0x41D0];
	v25 =	vadd.f32 v2, v1;
	v1 =	vadd.f32 v62, v4  }
0xb5: {  	v62 =	vadd.f32 v13, v10;
	v10 =	vadd.f32 v26, v17;
	v26 =	vmul.f32 v44, v7;
	v44 =	vld [tilespmem:$0x1FF20]  }
0xb6: {  	v63 =	vmul.f32 v41, v8;
	v41 =	vld [tilespmem:s23+$0x4230];
	(xrf2) =	vadd.scan.msk.f32 $0xffff, v15;
	v15 =	vmul.f32 v55, v8  }
0xb7: {  	v55 =	vmul.f32 v36, v6;
	v36 =	vmul.f32 v37, v6;
	v37 =	vld [tilespmem:s23+$0x4370]  }
0xb8: {  	v61 =	vld [tilespmem:s23+$0x41C0]  }
0xb9: {  	v12 =	vld [tilespmem:s23+$0x41E0];
	v2 =	vmul.f32 v49, v5;
	v21 =	vmul.f32 v42, v7  }
0xba: {  	v13 =	vmul.f32 v44, v5;
	v44 =	vld [tilespmem:$0x1FF30]  }
0xbb: {  	v49 =	vld [tilespmem:s23+$0x41F0];
	v22 =	vadd.f32 v2, v1;
	v2 =	vadd.f32 v21, v63;
	v63 =	vmul.f32 v30, v6  }
0xbc: {  	v47 =	vld [tilespmem:s23+$0x4200];
	v4 =	vmul.f32 v43, v8  }
0xbd: {  	v2 =	vadd.f32 v63, v2;
	v63 =	vld [tilespmem:$0x1FF40]  }
0xbe: {  	v17 =	vadd.f32 v26, v4;
	v26 =	vmul.f32 v31, v6;
	v4 =	vld [tilespmem:$0x1FF50]  }
0xbf: {  	v30 =	vmul.f32 v44, v5;
	v44 =	vadd.f32 v13, v10;
	v13 =	vld [tilespmem:$0x1FF60]  }
0xc0: {  	v10 =	vadd.f32 v26, v17;
	v17 =	vld [tilespmem:$0x1FF70]  }
0xc1: {  	v0 =	vmul.f32 v11, v7;
	v11 =	vld [tilespmem:s23+$0x4280]  }
0xc2: {  	v42 =	vld [tilespmem:s23+$0x4210]  }
0xc3: {  	(xrf2) =	vadd.scan.msk.f32 $0xffff, v16;
	v1 =	vld [tilespmem:s23+$0x4220];
	v21 =	vmul.f32 v63, v8;
	v43 =	vmul.f32 v4, v7  }
0xc4: {  	(xrf2) =	vadd.scan.msk.f32 $0xffff, v25;
	v25 =	vld [tilespmem:s23+$0x43D0];
	v63 =	vadd.f32 v30, v2;
	v13 =	vmul.f32 v13, v5  }
0xc5: {  	v2 =	vadd.f32 v43, v21;
	v21 =	vmul.f32 v17, v6;
	v17 =	vmul.f32 v27, v8;
	v27 =	vld [tilespmem:s23+$0x4290]  }
0xc6: {  	v43 =	vadd.f32 v13, v10;
	v10 =	vld [tilespmem:$0x1FF80]  }
0xc7: {  	v13 =	vadd.f32 v21, v2;
	v21 =	vmul.f32 v33, v7;
	v33 =	vld [tilespmem:$0x1FF90]  }
0xc8: {  	v2 =	vld [tilespmem:s23+$0x42A0]  }
0xc9: {  	v31 =	vld [tilespmem:s23+$0x4240]  }
0xca: {  	v9 =	vmul.f32 v9, v8;
	v20 =	vmul.f32 v20, v6;
	v4 =	vld [tilespmem:s23+$0x4250]  }
0xcb: {  	v11 =	vmul.f32 v11, v8;
	v26 =	vld [tilespmem:s23+$0x4260];
	v27 =	vmul.f32 v27, v7  }
0xcc: {  	v9 =	vadd.f32 v0, v9;
	v30 =	vld [tilespmem:s23+$0x4270];
	v17 =	vadd.f32 v21, v17;
	v0 =	vmul.f32 v33, v6  }
0xcd: {  	v10 =	vmul.f32 v10, v5;
	v33 =	vld [tilespmem:$0x1FFA0];
	v11 =	vadd.f32 v27, v11;
	v2 =	vmul.f32 v2, v6  }
0xce: {  	v0 =	vadd.f32 v0, v9;
	v9 =	vmul.f32 v35, v8;
	v35 =	vmul.f32 v38, v7;
	v38 =	vld [tilespmem:s23+$0x42C0]  }
0xcf: {  	v10 =	vadd.f32 v10, v13;
	v13 =	vadd.f32 v20, v17;
	v17 =	vmul.f32 v18, v5;
	v18 =	vld [tilespmem:s23+$0x42D0]  }
0xd0: {  	v20 =	vmul.f32 v34, v6;
	v34 =	vld [tilespmem:s23+$0x42F0]  }
0xd1: {  	v11 =	vadd.f32 v2, v11;
	v2 =	vld [tilespmem:s23+$0x4490];
	v9 =	vadd.f32 v35, v9  }
0xd2: {  	v35 =	vld [tilespmem:s23+$0x42E0];
	v13 =	vadd.f32 v17, v13;
	v17 =	vmul.f32 v45, v8;
	v45 =	vmul.f32 v50, v7  }
0xd3: {  	v50 =	vld [tilespmem:s23+$0x4300];
	v21 =	vmul.f32 v33, v5;
	v9 =	vadd.f32 v20, v9  }
0xd4: {  	v33 =	vld [tilespmem:s23+$0x42B0];
	v20 =	vmul.f32 v23, v5;
	v23 =	vmul.f32 v51, v6;
	v17 =	vadd.f32 v45, v17  }
0xd5: {  	v45 =	vld [tilespmem:s23+$0x4310];
	v0 =	vadd.f32 v21, v0;
	v21 =	vmul.f32 v53, v8;
	v53 =	vmul.f32 v54, v7  }
0xd6: {  	v51 =	vld [tilespmem:s23+$0x4320];
	v9 =	vadd.f32 v20, v9;
	v20 =	vmul.f32 v56, v7  }
0xd7: {  	v17 =	vadd.f32 v23, v17;
	v56 =	vmul.f32 v28, v5;
	v21 =	vadd.f32 v53, v21;
	v53 =	vld [tilespmem:s23+$0x4330]  }
0xd8: {  	v16 =	vmul.f32 v32, v6;
	v20 =	vadd.f32 v20, v15;
	v15 =	vld [tilespmem:s23+$0x4340]  }
0xd9: {  	v14 =	vmul.f32 v14, v5;
	v32 =	vadd.f32 v56, v17;
	v17 =	vld [tilespmem:s23+$0x4350]  }
0xda: {  	v24 =	vmul.f32 v24, v5;
	v54 =	vmul.f32 v48, v7;
	v21 =	vadd.f32 v16, v21;
	v16 =	vld [tilespmem:s23+$0x4360]  }
0xdb: {  	v56 =	vmul.f32 v39, v8;
	v20 =	vadd.f32 v55, v20;
	v55 =	vmul.f32 v19, v5;
	v19 =	vld [tilespmem:s23+$0x4380]  }
0xdc: {  	v59 =	vmul.f32 v59, v7;
	v29 =	vmul.f32 v29, v5;
	v39 =	vadd.f32 v14, v21;
	v21 =	vld [tilespmem:s23+$0x4390]  }
0xdd: {  	v3 =	vmul.f32 v3, v7;
	(xrf2) =	vadd.scan.msk.f32 $0xffff, v62;
	v23 =	vadd.f32 v54, v56;
	v56 =	vmul.f32 v52, v8;
	v14 =	vld [tilespmem:s23+$0x43B0]  }
0xde: {  	v40 =	vmul.f32 v40, v6;
	v12 =	vmul.f32 v12, v6;
	(xrf2) =	vadd.scan.msk.f32 $0xffff, v22;
	v52 =	vadd.f32 v55, v20;
	v20 =	vld [tilespmem:s23+$0x43A0]  }
0xdf: {  	(xrf2) =	vadd.scan.msk.f32 $0xffff, v44;
	v23 =	vadd.f32 v36, v23;
	v48 =	vadd.f32 v59, v56;
	v56 =	vmul.f32 v58, v8;
	v58, _, _ =	vpop (xrf2);
	v36 =	vld [tilespmem:s23+$0x4400]  }
0xe0: {  	(xrf2) =	vadd.scan.msk.f32 $0xffff, v63;
	v44 =	vbroadcast v58, $0xF;
	v58 =	vmul.f32 v26, v6;
	v26 =	vld [tilespmem:s23+$0x4430]  }
0xe1: {  	v1 =	vmul.f32 v1, v6;
	v54 =	vmul.f32 v46, v6;
	(xrf2) =	vadd.scan.msk.f32 $0xffff, v43;
	v46 =	vadd.f32 v24, v23;
	v23 =	vld [tilespmem:s23+$0x43C0]  }
0xe2: {  	v55 =	vmul.f32 v57, v5;
	v57 =	vmul.f32 v60, v7;
	v60, _, _ =	vpop (xrf2);
	(xrf2) =	vadd.scan.msk.f32 $0xffff, v10;
	v24 =	vld [tilespmem:s23+$0x43E0]  }
0xe3: {  	v4 =	vmul.f32 v4, v7;
	v63 =	vmul.f32 v49, v5;
	(xrf2) =	vadd.scan.msk.f32 $0xffff, v0;
	v0 =	vld [tilespmem:s23+$0x4450]  }
0xe4: {  	v28 =	vadd.f32 v54, v48;
	v48 =	vmul.f32 v47, v8;
	v47 =	vmul.f32 v33, v5;
	v33 =	vld [tilespmem:s23+$0x4480]  }
0xe5: {  	v59 =	vmul.f32 v61, v8;
	v22 =	vadd.f32 v57, v56;
	v57 =	vmul.f32 v41, v5;
	v41 =	vld [tilespmem:s23+$0x44F0]  }
0xe6: {  	v18 =	vmul.f32 v18, v7;
	v54 =	vmul.f32 v42, v7;
	v42 =	vld [tilespmem:s23+$0x4500]  }
0xe7: {  	v2 =	vmul.f32 v2, v7;
	v3 =	vadd.f32 v3, v59;
	v61 =	vadd.f32 v40, v22;
	v22 =	vld [tilespmem:s23+$0x43F0]  }
0xe8: {  	v10 =	vbroadcast v60, $0xF;
	v19 =	vmul.f32 v19, v8;
	v43 =	vadd.f32 v55, v28;
	v28 =	vld [tilespmem:s23+$0x4420]  }
0xe9: {  	(xrf2) =	vadd.scan.msk.f32 $0xffff, v13;
	v62 =	vadd.f32 v12, v3;
	v55 =	vmul.f32 v31, v8;
	v12 =	vadd.f32 v54, v48;
	v31 =	vld [tilespmem:s23+$0x4440]  }
0xea: {  	(xrf2) =	vadd.scan.msk.f32 $0xffff, v9;
	v56, _, _ =	vpop (xrf2);
	v54 =	vld [tilespmem:$0x1FFB0];
	v11 =	vadd.f32 v47, v11;
	v21 =	vmul.f32 v21, v7;
	v14 =	vmul.f32 v14, v5  }
0xeb: {  	(xrf2) =	vadd.scan.msk.f32 $0xffff, v32;
	v32 =	vld [tilespmem:s23+$0x4460];
	v9 =	vbroadcast v56, $0xF;
	v20 =	vmul.f32 v20, v6;
	v49 =	vadd.f32 v29, v61  }
0xec: {  	v59, _, _ =	vpop (xrf2);
	v29 =	vld [tilespmem:s23+$0x4410];
	v3 =	vadd.f32 v63, v62;
	(xrf2) =	vadd.scan.msk.f32 $0xffff, v39;
	v4 =	vadd.f32 v4, v55;
	v61 =	vmul.f32 v38, v8  }
0xed: {  	v60, _, _ =	vpop (xrf2);
	v1 =	vadd.f32 v1, v12;
	v63 =	vmul.f32 v30, v5;
	v30 =	vld [tilespmem:s23+$0x4470];
	v55 =	vbroadcast v59, $0xF;
	(xrf2) =	vadd.scan.msk.f32 $0xffff, v52  }
0xee: {  	v39 =	vld [tilespmem:s23+$0x44E0];
	v19 =	vadd.f32 v21, v19;
	v52 =	vmul.f32 v34, v5;
	v56 =	vbroadcast v60, $0xF;
	v62, _, _ =	vpop (xrf2);
	(xrf2) =	vadd.scan.msk.f32 $0xffff, v46  }
0xef: {  	v21 =	vld [tilespmem:s23+$0x45F0];
	v0 =	vmul.f32 v0, v7;
	v4 =	vadd.f32 v58, v4;
	v12 =	vadd.f32 v18, v61;
	v27, _, _ =	vpop (xrf2);
	(xrf2) =	vadd.scan.msk.f32 $0xffff, v43  }
0xf0: {  	v38 =	vld [tilespmem:s23+$0x4520];
	v46 =	vmul.f32 v35, v6;
	v1 =	vadd.f32 v57, v1;
	v18 =	vsel vm4, v54, v44;
	v35, _, _ =	vpop (xrf2)  }
0xf1: {  	v58 =	vbroadcast v62, $0xF;
	v43 =	vld [tilespmem:s23+$0x4510];
	v22 =	vmul.f32 v22, v5;
	(xrf2) =	vadd.scan.msk.f32 $0xffff, v49;
	v10 =	vsel vm5, v18, v10;
	v40, _, _ =	vpop (xrf2)  }
0xf2: {  	v48 =	vadd.f32 v63, v4;
	v49 =	vadd.f32 v46, v12;
	(xrf2) =	vadd.scan.msk.f32 $0xffff, v3;
	v3 =	vld [tilespmem:s23+$0x44B0];
	v9 =	vsel vm6, v10, v9;
	v34, _, _ =	vpop (xrf2)  }
0xf3: {  	v27 =	vbroadcast v27, $0xF;
	v35 =	vbroadcast v35, $0xF;
	(xrf2) =	vadd.scan.msk.f32 $0xffff, v1;
	v1 =	vld [tilespmem:s23+$0x44A0];
	v9 =	vsel vm7, v9, v55;
	v18, _, _ =	vpop (xrf2)  }
0xf4: {  	v44 =	vld [tilespmem:s23+$0x4540];
	v21 =	vmul.f32 v21, v5;
	v4 =	vadd.f32 v52, v49;
	(xrf2) =	vadd.scan.msk.f32 $0xffff, v48;
	v9 =	vsel vm8, v9, v56;
	v57, _, _ =	vpop (xrf2)  }
0xf5: {  	v40 =	vbroadcast v40, $0xF;
	v34 =	vbroadcast v34, $0xF;
	(xrf2) =	vadd.scan.msk.f32 $0xffff, v11;
	v11 =	vld [tilespmem:s23+$0x44C0];
	v9 =	vsel vm9, v9, v58;
	v59, _, _ =	vpop (xrf2)  }
0xf6: {  	(xrf2) =	vadd.scan.msk.f32 $0xffff, v4;
	v4 =	vld [tilespmem:s23+$0x44D0];
	v60 =	vbroadcast v57, $0xF;
	v9 =	vsel vm10, v9, v27;
	v61 =	vbroadcast v59, $0xF;
	v62, _, _ =	vpop (xrf2)  }
0xf7: {  	v27 =	vld [tilespmem:s23+$0x45D0];
	v9 =	vsel vm11, v9, v35;
	v3 =	vmul.f32 v3, v5;
	v63 =	vbroadcast v62, $0xF;
	v46, _, _ =	vpop (xrf2)  }
0xf8: {  	v35 =	vld [tilespmem:s23+$0x4530];
	v9 =	vsel vm12, v9, v40;
	v1 =	vmul.f32 v1, v6;
	v10 =	vsel vm0, v60, v61;
	v48, _, _ =	vpop (xrf2)  }
0xf9: {  	v40 =	vld [tilespmem:s23+$0x4560];
	v47 =	vbroadcast v46, $0xF;
	v9 =	vsel vm13, v9, v34;
	v49 =	vbroadcast v48, $0xF;
	v52, _, _ =	vpop (xrf2)  }
0xfa: {  	v46 =	vld [tilespmem:s23+$0x4550];
	v10 =	vsel vm1, v10, v63;
	v11 =	vmul.f32 v11, v8;
	v54 =	vbroadcast v52, $0xF  }
0xfb: {  	v34 =	vld [tilespmem:s23+$0x4570];
	v9 =	vsel vm14, v9, v18;
	v52 =	vmul.f32 v50, v8;
	v50 =	vmul.f32 v31, v8  }
0xfc: {  	v18 =	vld [tilespmem:s23+$0x4580];
	v10 =	vsel vm2, v10, v47;
	v55, _, _ =	vpop (xrf2);
	v4 =	vmul.f32 v4, v7;
	v27 =	vmul.f32 v27, v7  }
0xfd: {  	v31 =	vld [tilespmem:s23+$0x4620];
	v10 =	vsel vm3, v10, v49;
	v56 =	vbroadcast v55, $0xF;
	v57, _, _ =	vpop (xrf2);
	v55 =	vmul.f32 v15, v8  }
0xfe: {  	v10 =	vsel vm4, v10, v54;
	v58 =	vbroadcast v57, $0xF;
	v54 =	vmul.f32 v45, v7;
	v45 =	vld [tilespmem:s23+$0x4590]  }
0xff: {  	v19 =	vadd.f32 v20, v19;
	v57 =	vmul.f32 v51, v6;
	v51 =	vmul.f32 v28, v6;
	v28 =	vld [tilespmem:s23+$0x4630]  }
0x100: {  	v35 =	vmul.f32 v35, v5;
	v59, _, _ =	vpop (xrf2);
	v10 =	vsel vm5, v10, v56;
	v56 =	vmul.f32 v17, v7;
	v17 =	vld [tilespmem:s23+$0x45A0]  }
0x101: {  	v14 =	vadd.f32 v14, v19;
	v60 =	vbroadcast v59, $0xF;
	v61, _, _ =	vpop (xrf2);
	v59 =	vmul.f32 v16, v6;
	v16 =	vld [tilespmem:s23+$0x4680]  }
0x102: {  	v0 =	vadd.f32 v0, v50;
	v62 =	vbroadcast v61, $0xF;
	v61 =	vmul.f32 v23, v8;
	v23 =	vld [tilespmem:s23+$0x4600]  }
0x103: {  	v4 =	vadd.f32 v4, v11;
	v13 =	vadd.f32 v54, v52;
	v52 =	vmul.f32 v32, v6;
	v32 =	vld [tilespmem:s23+$0x4640]  }
0x104: {  	v34 =	vmul.f32 v34, v5;
	v10 =	vsel vm6, v10, v58;
	v54 =	vmul.f32 v26, v5;
	v26 =	vld [tilespmem:s23+$0x4670]  }
0x105: {  	v63, _, _ =	vpop (xrf2);
	v58 =	vmul.f32 v53, v5;
	v10 =	vsel vm7, v10, v60;
	v60 =	vmul.f32 v37, v5;
	v37 =	vld [tilespmem:s23+$0x45C0]  }
0x106: {  	v47 =	vbroadcast v63, $0xF;
	v12 =	vadd.f32 v56, v55;
	v63 =	vmul.f32 v24, v6;
	v24 =	vld [tilespmem:s23+$0x4650]  }
0x107: {  	v48, _, _ =	vpop (xrf2);
	v55 =	vmul.f32 v30, v5;
	v56 =	vmul.f32 v33, v8;
	v33 =	vld [tilespmem:s23+$0x46A0];
	v10 =	vsel vm8, v10, v62  }
0x108: {  	v30 =	vld [tilespmem:s23+$0x4720];
	v49 =	vbroadcast v48, $0xF;
	v13 =	vadd.f32 v57, v13;
	v62 =	vmul.f32 v25, v7  }
0x109: {  	v48 =	vld [tilespmem:s23+$0x45B0];
	v0 =	vadd.f32 v52, v0;
	v57 =	vmul.f32 v39, v6;
	v10 =	vsel vm9, v10, v47  }
0x10a: {  	v25 =	vld [tilespmem:s23+$0x45E0];
	v12 =	vadd.f32 v59, v12;
	v47 =	vmul.f32 v36, v8;
	v59 =	vmul.f32 v42, v8  }
0x10b: {  	v39 =	vld [tilespmem:s23+$0x46B0];
	v2 =	vadd.f32 v2, v56;
	v50 =	vmul.f32 v45, v7;
	v28 =	vmul.f32 v28, v5  }
0x10c: {  	v52 =	vld [tilespmem:s23+$0x4700];
	v10 =	vsel vm10, v10, v49;
	v13 =	vadd.f32 v58, v13;
	v49 =	vmul.f32 v29, v7  }
0x10d: {  	v36 =	vld [tilespmem:s23+$0x47A0];
	v15 =	vadd.f32 v62, v61;
	v58 =	vmul.f32 v41, v5;
	v61 =	vmul.f32 v44, v8  }
0x10e: {  	v45 =	vld [tilespmem:s23+$0x47C0];
	v0 =	vadd.f32 v55, v0;
	v62 =	vmul.f32 v46, v7;
	v46 =	vmul.f32 v40, v6  }
0x10f: {  	v29 =	vld [tilespmem:s23+$0x4610];
	v4 =	vadd.f32 v57, v4;
	v17 =	vmul.f32 v17, v6;
	v16 =	vmul.f32 v16, v8  }
0x110: {  	v44 =	vld [tilespmem:s23+$0x46D0];
	v12 =	vadd.f32 v60, v12;
	v1 =	vadd.f32 v1, v2;
	v60 =	vmul.f32 v43, v7  }
0x111: {  	v40 =	vld [tilespmem:s23+$0x46F0];
	v43 =	vmul.f32 v38, v6;
	v56 =	vmul.f32 v23, v8;
	v15 =	vadd.f32 v63, v15  }
0x112: {  	v55 =	vld [tilespmem:s23+$0x4740];
	v20 =	vadd.f32 v49, v47;
	v4 =	vadd.f32 v58, v4;
	v49 =	vmul.f32 v18, v8  }
0x113: {  	v23 =	vld [tilespmem:s23+$0x4790];
	v11 =	vadd.f32 v62, v61;
	v24 =	vmul.f32 v24, v7;
	v61 =	vmul.f32 v31, v6  }
0x114: {  	v63 =	vld [tilespmem:s23+$0x46C0];
	v62 =	vmul.f32 v26, v5;
	v42 =	vmul.f32 v33, v6;
	v1 =	vadd.f32 v3, v1  }
0x115: {  	v47 =	vld [tilespmem:s23+$0x46E0];
	v2 =	vadd.f32 v60, v59;
	v25 =	vmul.f32 v25, v6;
	v53 =	vadd.f32 v51, v20  }
0x116: {  	v58 =	vld [tilespmem:s23+$0x4750];
	v59 =	vmul.f32 v32, v8;
	v15 =	vadd.f32 v22, v15;
	v11 =	vadd.f32 v46, v11  }
0x117: {  	v31 =	vld [tilespmem:s23+$0x4770];
	v51 =	vmul.f32 v37, v8;
	v3 =	vadd.f32 v50, v49;
	v37 =	vmul.f32 v45, v8  }
0x118: {  	v26 =	vld [tilespmem:s23+$0x4780];
	v2 =	vadd.f32 v43, v2;
	v57 =	vmul.f32 v29, v7;
	v24 =	vadd.f32 v24, v59  }
0x119: {  	v60 =	vld [tilespmem:s23+$0x4760];
	v41 =	vmul.f32 v44, v7;
	v19 =	vadd.f32 v54, v53;
	v54 =	vmul.f32 v48, v5  }
0x11a: {  	v22 =	vld [tilespmem:s23+$0x4660];
	v27 =	vadd.f32 v27, v51;
	v51 =	vmul.f32 v55, v8;
	v55 =	vmul.f32 v30, v6  }
0x11b: {  	v20 =	vld [tilespmem:s23+$0x4690];
	v11 =	vadd.f32 v34, v11;
	v34 =	vmul.f32 v23, v7;
	v63 =	vmul.f32 v63, v8  }
0x11c: {  	v49 =	vld [tilespmem:s23+$0x47D0];
	v3 =	vadd.f32 v17, v3;
	v44 =	vmul.f32 v47, v6;
	v47 =	vmul.f32 v52, v8  }
0x11d: {  	(xrf2) =	vadd.scan.msk.f32 $0xffff, v13;
	v59 =	vld [tilespmem:s23+$0x4800];
	v17 =	vadd.f32 v57, v56;
	v52 =	vmul.f32 v58, v7;
	v57 =	vmul.f32 v40, v5  }
0x11e: {  	v53 =	vld [tilespmem:s23+$0x4710];
	v2 =	vadd.f32 v35, v2;
	v30 =	vmul.f32 v31, v5;
	v33 =	vmul.f32 v26, v8  }
0x11f: {  	(xrf2) =	vadd.scan.msk.f32 $0xffff, v12;
	v35 =	vld [tilespmem:s23+$0x4730];
	v25 =	vadd.f32 v25, v27;
	v3 =	vadd.f32 v54, v3;
	v22 =	vmul.f32 v22, v6  }
0x120: {  	(xrf2) =	vadd.scan.msk.f32 $0xffff, v14;
	v56 =	vld [tilespmem:s23+$0x47F0];
	v17 =	vadd.f32 v61, v17;
	v20 =	vmul.f32 v20, v7;
	v43 =	vadd.f32 v41, v63  }
0x121: {  	(xrf2) =	vadd.scan.msk.f32 $0xffff, v15;
	v31 =	vld [tilespmem:s23+$0x4840];
	v54 =	vmul.f32 v39, v5;
	v41 =	vadd.f32 v34, v33;
	v21 =	vadd.f32 v21, v25  }
0x122: {  	(xrf2) =	vadd.scan.msk.f32 $0xffff, v19;
	v58 =	vmul.f32 v60, v6;
	v39 =	vld [tilespmem:s23+$0x4820];
	v22 =	vadd.f32 v22, v24;
	v16 =	vadd.f32 v20, v16  }
0x123: {  	(xrf2) =	vadd.scan.msk.f32 $0xffff, v0;
	v63 =	vld [tilespmem:s23+$0x4810];
	v13 =	vadd.f32 v28, v17;
	v48 =	vmul.f32 v53, v7;
	v50 =	vadd.f32 v44, v43  }
0x124: {  	v38 =	vmul.f32 v49, v7;
	(xrf2) =	vadd.scan.msk.f32 $0xffff, v1;
	v20 =	vld [tilespmem:s23+$0x47B0];
	v12 =	vadd.f32 v62, v22;
	v46 =	vadd.f32 v42, v16  }
0x125: {  	v53 =	vld [tilespmem:s23+$0x47E0];
	(xrf2) =	vadd.scan.msk.f32 $0xffff, v4;
	v16 =	vadd.f32 v48, v47;
	v22 =	vadd.f32 v52, v51;
	v62 =	vmul.f32 v35, v5  }
0x126: {  	(xrf2) =	vadd.scan.msk.f32 $0xffff, v2;
	v0 =	vadd.f32 v57, v50;
	v35 =	vld [tilespmem:s23+$0x4850];
	v42 =	vmul.f32 v36, v6;
	v47 =	vmul.f32 v59, v8  }
0x127: {  	v44 =	vld [tilespmem:s23+$0x4860];
	v40, _, _ =	vpop (xrf2);
	(xrf2) =	vadd.scan.msk.f32 $0xffff, v11;
	v11 =	vadd.f32 v38, v37;
	v8 =	vmul.f32 v31, v8;
	v52 =	vmul.f32 v56, v5  }
0x128: {  	v48 =	vld [tilespmem:s23+$0x4830];
	v56 =	vmul.f32 v39, v6;
	v23 =	vbroadcast v40, $0xF;
	(xrf2) =	vadd.scan.msk.f32 $0xffff, v3;
	v60 =	vadd.f32 v54, v46  }
0x129: {  	v45, _, _ =	vpop (xrf2);
	v51 =	vld [tilespmem:s23+$0x4870];
	v50 =	vmul.f32 v63, v7;
	v61 =	vadd.f32 v55, v16;
	v24 =	vadd.f32 v58, v22;
	(xrf2) =	vadd.scan.msk.f32 $0xffff, v21  }
0x12a: {  	v49, _, _ =	vpop (xrf2);
	v3 =	vadd.f32 v42, v41;
	v43 =	vmul.f32 v20, v5;
	v46 =	vmul.f32 v53, v6;
	(xrf2) =	vadd.scan.msk.f32 $0xffff, v13  }
0x12b: {  	v17, _, _ =	vpop (xrf2);
	v55 =	vadd.f32 v50, v47;
	v32 =	vadd.f32 v62, v61;
	(xrf2) =	vadd.scan.msk.f32 $0xffff, v12;
	v7 =	vmul.f32 v35, v7  }
0x12c: {  	v6 =	vmul.f32 v44, v6;
	v4 =	vadd.f32 v30, v24;
	v11 =	vadd.f32 v46, v11;
	v53, _, _ =	vpop (xrf2);
	(xrf2) =	vadd.scan.msk.f32 $0xffff, v60  }
0x12d: {  	v54 =	vadd.f32 v43, v3;
	v62 =	vmul.f32 v48, v5;
	v57, _, _ =	vpop (xrf2);
	(xrf2) =	vadd.scan.msk.f32 $0xffff, v0;
	v7 =	vadd.f32 v7, v8  }
0x12e: {  	v3 =	vadd.f32 v56, v55;
	v5 =	vmul.f32 v51, v5;
	v60 =	vbroadcast v53, $0xF;
	v59, _, _ =	vpop (xrf2);
	(xrf2) =	vadd.scan.msk.f32 $0xffff, v32  }
0x12f: {  	v58 =	vadd.f32 v52, v11;
	v19 =	vbroadcast v57, $0xF;
	v63, _, _ =	vpop (xrf2);
	(xrf2) =	vadd.scan.msk.f32 $0xffff, v4;
	v18 =	vadd.f32 v6, v7  }
0x130: {  	v61 =	vlaneseq.u32;
	v22 =	vadd.f32 v62, v3;
	v8 =	vbroadcast v59, $0xF;
	v21, _, _ =	vpop (xrf2);
	(xrf2) =	vadd.scan.msk.f32 $0xffff, v54  }
0x131: {  	v2 =	vsel vm0, v60, v19;
	v27 =	vbroadcast v63, $0xF;
	v25, _, _ =	vpop (xrf2);
	(xrf2) =	vadd.scan.msk.f32 $0xffff, v58;
	v4 =	vadd.f32 v5, v18  }
0x132: {  	v30 =	vbroadcast v45, $0xF;
	v2 =	vsel vm1, v2, v8;
	v28 =	vbroadcast v21, $0xF;
	v29, _, _ =	vpop (xrf2);
	(xrf2) =	vadd.scan.msk.f32 $0xffff, v22  }
0x133: {  	v45 =	vbroadcast v49, $0xF;
	v0 =	vsel vm2, v2, v27;
	v31 =	vbroadcast v25, $0xF;
	v32, _, _ =	vpop (xrf2);
	(xrf2) =	vadd.scan.msk.f32 $0xffff, v4  }
0x134: {  	v35 =	vmov s21;
	v0 =	vsel vm3, v0, v28;
	v34 =	vbroadcast v29, $0xF;
	v33, _, _ =	vpop (xrf2)  }
0x135: {  	v50 =	vld [tilespmem:$0x1FFD0];
	v38 =	vmul.u32 $0x38, v35;
	v0 =	vsel vm4, v0, v31;
	v37 =	vbroadcast v32, $0xF;
	v36, _, _ =	vpop (xrf2)  }
0x136: {  	v20 =	vld [tilespmem:$0x1FFE0];
	v3 =	vsel vm11, v10, v23;
	v0 =	vsel vm5, v0, v34;
	v40 =	vbroadcast v33, $0xF;
	v39, _, _ =	vpop (xrf2)  }
0x137: {  	v43 =	vbroadcast v38, $0x0;
	v59 =	vld [tilespmem:$0x1FFF0];
	v0 =	vsel vm6, v0, v37;
	v42 =	vbroadcast v36, $0xF;
	v41, _, _ =	vpop (xrf2)  }
0x138: {  	v1 =	vsel vm12, v3, v30;
	v0 =	vsel vm7, v0, v40;
	v46 =	vbroadcast v39, $0xF;
	v44, _, _ =	vpop (xrf2)  }
0x139: {  	v49 =	vadd.s32 v61, v43;
	v0 =	vsel vm8, v0, v42;
	v48 =	vbroadcast v41, $0xF;
	v47, _, _ =	vpop (xrf2)  }
0x13a: {  	v53 =	vadd.s32 v50, v43;
	v0 =	vsel vm9, v0, v46;
	v52 =	vbroadcast v44, $0xF;
	v51, _, _ =	vpop (xrf2)  }
0x13b: {  	v56 =	vadd.s32 v20, v43;
	v0 =	vsel vm10, v0, v48;
	v55 =	vbroadcast v47, $0xF;
	v54, _, _ =	vpop (xrf2)  }
0x13c: {  	p0 =	sne.s32 s21, $0x7;
	v5 =	vadd.s32 v59, v43;
	v0 =	vsel vm11, v0, v52;
	v58 =	vbroadcast v51, $0xF;
	v57, _, _ =	vpop (xrf2)  }
.Ltmp0:
0x13d: {  	v1 =	vsel vm13, v1, v45;
	v0 =	vsel vm12, v0, v55;
	v60 =	vbroadcast v57, $0xF;
	v61, _, _ =	vpop (xrf2);
	(pc) =	sbr.rel @p0 .LBB2_3-.Ltmp0, $4  }
0x13e: {  	v1 =	vsel vm14, v1, v17;
	[tilespmem:v49+s14+$0x0] =	vst.idx.msk $0xffff, v9;
	v0 =	vsel vm13, v0, v58;
	v62 =	vbroadcast v61, $0xF  }
0x13f: {  	[tilespmem:v53+s14+$0x0] =	vst.idx.msk $0xffff, v1;
	v0 =	vsel vm14, v0, v54;
	v2 =	vnsel vm0, $0x0, v60  }
0x140: {  	[tilespmem:v56+s14+$0x0] =	vst.idx.msk $0xffff, v0;
	v63 =	vsel vm15, v2, v62  }
0x141: {  	s21 =	sadd.s32 $0x1, s21;
	[tilespmem:v5+s14+$0x0] =	vst.idx.msk $0x3, v63  }
0x142: {  	s20 =	sadd.s32 s4, s20  }
0x143: {  	s20 =	smul.u32 $0x7, s20;
	_ =	sdelay $0x1  }
0x144: {  	s20 =	sadd.s32 s5, s20  }
0x145: {  	[hbm4b:s20+s2] =	stream.linear.scatter [tilespmem:s14], [sflag:$0x3], $0x1C0, $0x38;
	[tilespmem:$0x10DC0] =	vst v63  }
0x146: {  	p0 =	seq.s32 s17, $0x7;
	_ =	swait.ge [sflag:s9], $0x1C0  }
0x147: {  	s21 =	simm.s32 @!p0 $0x32;
	[sflag:s9] =	ssyncset.done $0x0  }
0x148: {  	s22 =	simm.s32 @!p0 $0x3C00;
	s20 =	sadd.s32 @!p0 $0x380, s19;
	[sflag:s9] =	ssyncadd.s32 $0xFFFFFE40  }
0x149: {  	[tilespmem:s22], [sflag:$0x1] =	stream.indirect.gather @!p0 [hbm4b:s3+s21], $0x40, s20, s21, $0xb8;
	[tilespmem:$0x10DC0] =	vst v63  }
0x14a: {  	s20 =	sadd.s32 @!p0 $0x3B8, s19;
	s22 =	simm.s32 @!p0 $0x4880  }
0x14b: {  	[tilespmem:s22], [sflag:$0x1] =	stream.indirect.gather @!p0 [hbm4b:s3+s21], $0x40, s20, s21, $0xb8;
	[tilespmem:$0x10DC0] =	vst v63  }
0x14c: {  	s20 =	sadd.s32 @!p0 $0x3F0, s19;
	s22 =	simm.s32 @!p0 $0x5500  }
0x14d: {  	[tilespmem:s22], [sflag:$0x1] =	stream.indirect.gather @!p0 [hbm4b:s3+s21], $0x40, s20, s21, $0xb8;
	[tilespmem:$0x10DC0] =	vst v63  }
0x14e: {  	s20 =	sadd.s32 @!p0 $0x428, s19;
	s22 =	simm.s32 @!p0 $0x6180  }
0x14f: {  	[tilespmem:s22], [sflag:$0x1] =	stream.indirect.gather @!p0 [hbm4b:s3+s21], $0x40, s20, s21, $0xb8;
	[tilespmem:$0x10DC0] =	vst v63  }
0x150: {  	s20 =	sadd.s32 @!p0 $0x460, s19;
	s22 =	simm.s32 @!p0 $0x6E00  }
0x151: {  	[tilespmem:s22], [sflag:$0x1] =	stream.indirect.gather @!p0 [hbm4b:s3+s21], $0x40, s20, s21, $0xb8;
	[tilespmem:$0x10DC0] =	vst v63  }
0x152: {  	s20 =	sadd.s32 @!p0 $0x498, s19;
	s22 =	simm.s32 @!p0 $0x7A80  }
0x153: {  	[tilespmem:s22], [sflag:$0x1] =	stream.indirect.gather @!p0 [hbm4b:s3+s21], $0x40, s20, s21, $0xb8;
	[tilespmem:$0x10DC0] =	vst v63  }
0x154: {  	s20 =	sadd.s32 @!p0 $0x4D0, s19;
	s22 =	simm.s32 @!p0 $0x8700  }
0x155: {  	[tilespmem:s22], [sflag:$0x1] =	stream.indirect.gather @!p0 [hbm4b:s3+s21], $0x40, s20, s21, $0xb8;
	[tilespmem:$0x10DC0] =	vst v63  }
0x156: {  	s19 =	sadd.s32 @!p0 $0x508, s19;
	s20 =	simm.s32 @!p0 $0x9380  }
0x157: {  	[tilespmem:s20], [sflag:$0x1] =	stream.indirect.gather @!p0 [hbm4b:s3+s21], $0x40, s19, s21, $0xb8;
	[tilespmem:$0x10DC0] =	vst v63  }
0x158: {  	_ =	swait.ge [sflag:s15], $0xC80  }
0x159: {  	[sflag:s15] =	ssyncset.done $0x0  }
0x15a: {  	[sflag:s15] =	ssyncadd.s32 $0xFFFFF380  }
0x15b: {  	_ =	swait.ge [sflag:s15], $0xC80  }
0x15c: {  	[sflag:s15] =	ssyncset.done $0x0  }
0x15d: {  	[sflag:s15] =	ssyncadd.s32 $0xFFFFF380  }
0x15e: {  	_ =	swait.ge [sflag:s15], $0xC80  }
0x15f: {  	[sflag:s15] =	ssyncset.done $0x0  }
0x160: {  	[sflag:s15] =	ssyncadd.s32 $0xFFFFF380  }
0x161: {  	_ =	swait.ge [sflag:s15], $0xC80  }
0x162: {  	[sflag:s15] =	ssyncset.done $0x0  }
0x163: {  	[sflag:s15] =	ssyncadd.s32 $0xFFFFF380  }
0x164: {  	_ =	swait.ge [sflag:s15], $0xC80  }
0x165: {  	[sflag:s15] =	ssyncset.done $0x0  }
0x166: {  	[sflag:s15] =	ssyncadd.s32 $0xFFFFF380  }
0x167: {  	_ =	swait.ge [sflag:s15], $0xC80  }
0x168: {  	[sflag:s15] =	ssyncset.done $0x0  }
0x169: {  	[sflag:s15] =	ssyncadd.s32 $0xFFFFF380  }
0x16a: {  	_ =	swait.ge [sflag:s15], $0xC80  }
0x16b: {  	[sflag:s15] =	ssyncset.done $0x0  }
0x16c: {  	[sflag:s15] =	ssyncadd.s32 $0xFFFFF380  }
0x16d: {  	_ =	swait.ge [sflag:s15], $0xC80  }
0x16e: {  	[sflag:s15] =	ssyncset.done $0x0  }
0x16f: {  	s19 =	simm.s32 $0x0;
	[sflag:s15] =	ssyncadd.s32 $0xFFFFF380  }
.LBB2_5:
0x170: {  	s20 =	sadd.s32 s18, s19  }
0x171: {  	s20 =	sshll.u32 s20, $0x6  }
0x172: {  	s20 =	sand.u32 $0x3FFFFFC0, s20  }
0x173: {  	v7 =	vld [tilespmem:s20+$0x1C00]  }
0x174: {  	s21 =	smul.u32 $0x3200, s19;
	v6 =	vld [tilespmem:s20+$0x1C10]  }
0x175: {  	v5 =	vld [tilespmem:s20+$0x1C20]  }
0x176: {  	s23 =	sshra.s32 s21, $0x2;
	v4 =	vld [tilespmem:s20+$0x1C30]  }
0x177: {  	v8 =	vld [tilespmem:s23+$0xA400]  }
0x178: {  	v10 =	vld [tilespmem:s23+$0xA410]  }
0x179: {  	v11 =	vld [tilespmem:s23+$0xA420]  }
0x17a: {  	v13 =	vld [tilespmem:s23+$0xA430]  }
0x17b: {  	v17 =	vld [tilespmem:s23+$0xA440]  }
0x17c: {  	v18 =	vld [tilespmem:s23+$0xA450]  }
0x17d: {  	v19 =	vld [tilespmem:s23+$0xA460]  }
0x17e: {  	v22 =	vld [tilespmem:s23+$0xA470]  }
0x17f: {  	v23 =	vld [tilespmem:s23+$0xA480]  }
0x180: {  	v27 =	vld [tilespmem:s23+$0xA490]  }
0x181: {  	v31 =	vld [tilespmem:s23+$0xA4A0]  }
0x182: {  	v33 =	vld [tilespmem:s23+$0xA4B0]  }
0x183: {  	v34 =	vld [tilespmem:s23+$0xA4C0]  }
0x184: {  	v35 =	vld [tilespmem:s23+$0xA4D0]  }
0x185: {  	v36 =	vld [tilespmem:s23+$0xA4E0]  }
0x186: {  	v38 =	vld [tilespmem:s23+$0xA4F0]  }
0x187: {  	v44 =	vld [tilespmem:s23+$0xA500]  }
0x188: {  	v45 =	vld [tilespmem:s23+$0xA510]  }
0x189: {  	v47 =	vld [tilespmem:s23+$0xA520]  }
0x18a: {  	v50 =	vld [tilespmem:s23+$0xA530]  }
0x18b: {  	v51 =	vld [tilespmem:s23+$0xA540]  }
0x18c: {  	v56 =	vld [tilespmem:s23+$0xA550]  }
0x18d: {  	v57 =	vld [tilespmem:s23+$0xA560]  }
0x18e: {  	v15 =	vld [tilespmem:s23+$0xA570]  }
0x18f: {  	v58 =	vld [tilespmem:s23+$0xA580]  }
0x190: {  	v2 =	vld [tilespmem:s23+$0xA590]  }
0x191: {  	v9 =	vld [tilespmem:s23+$0xA5A0]  }
0x192: {  	v16 =	vld [tilespmem:s23+$0xA5B0]  }
0x193: {  	v14 =	vld [tilespmem:s23+$0xA5C0]  }
0x194: {  	v12 =	vld [tilespmem:s23+$0xA5D0]  }
0x195: {  	v59 =	vld [tilespmem:s23+$0xA5E0]  }
0x196: {  	v60 =	vld [tilespmem:s23+$0xA5F0]  }
0x197: {  	v20 =	vld [tilespmem:s23+$0xA600]  }
0x198: {  	v28 =	vld [tilespmem:s23+$0xA610]  }
0x199: {  	v21 =	vld [tilespmem:s23+$0xA620]  }
0x19a: {  	v61 =	vld [tilespmem:s23+$0xA630]  }
0x19b: {  	v63 =	vld [tilespmem:s23+$0xA640]  }
0x19c: {  	v39 =	vld [tilespmem:s23+$0xA650]  }
0x19d: {  	v24 =	vld [tilespmem:s23+$0xA660]  }
0x19e: {  	v48 =	vld [tilespmem:s23+$0xA670]  }
0x19f: {  	v25 =	vld [tilespmem:s23+$0xA680]  }
0x1a0: {  	v62 =	vld [tilespmem:s23+$0xA690]  }
0x1a1: {  	v46 =	vld [tilespmem:s23+$0xA6A0]  }
0x1a2: {  	v0 =	vld [tilespmem:s23+$0xA6B0]  }
0x1a3: {  	v40 =	vld [tilespmem:s23+$0xA6C0]  }
0x1a4: {  	v41 =	vld [tilespmem:s23+$0xA6D0]  }
0x1a5: {  	v29 =	vld [tilespmem:s23+$0xA6E0]  }
0x1a6: {  	v52 =	vld [tilespmem:s23+$0xA6F0]  }
0x1a7: {  	v26 =	vld [tilespmem:s23+$0xA760]  }
0x1a8: {  	v32 =	vld [tilespmem:s23+$0xA770]  }
0x1a9: {  	v42 =	vld [tilespmem:s23+$0xA700]  }
0x1aa: {  	v53 =	vld [tilespmem:s23+$0xA730]  }
0x1ab: {  	v43 =	vld [tilespmem:s23+$0xA710]  }
0x1ac: {  	v54 =	vld [tilespmem:s23+$0xA740];
	[tilespmem:$0x1FED0] =	vst v26;
	v26 =	vmul.f32 v8, v7  }
0x1ad: {  	v55 =	vld [tilespmem:s23+$0xA750];
	[tilespmem:$0x1FEE0] =	vst v32;
	v32 =	vmul.f32 v10, v6;
	v37 =	vmul.f32 v11, v5  }
0x1ae: {  	v30 =	vld [tilespmem:s23+$0xA720];
	v17 =	vmul.f32 v17, v7;
	v18 =	vmul.f32 v18, v6  }
0x1af: {  	v49 =	vld [tilespmem:s23+$0xA7A0];
	[tilespmem:$0x1FEC0] =	vst v53;
	v13 =	vmul.f32 v13, v4;
	v53 =	vmul.f32 v19, v5  }
0x1b0: {  	[tilespmem:$0x1FE90] =	vst v52;
	v8 =	vld [tilespmem:s23+$0xA780];
	v23 =	vmul.f32 v23, v7;
	v27 =	vmul.f32 v27, v6  }
0x1b1: {  	[tilespmem:$0x1FEA0] =	vst v54;
	v10 =	vld [tilespmem:s23+$0xA790];
	v54 =	vmul.f32 v34, v7;
	v35 =	vmul.f32 v35, v6  }
0x1b2: {  	[tilespmem:$0x1FEB0] =	vst v55;
	v52 =	vld [tilespmem:s23+$0xA7B0];
	v22 =	vmul.f32 v22, v4;
	v55 =	vmul.f32 v31, v5  }
0x1b3: {  	[tilespmem:$0x1FE80] =	vst v0;
	v19 =	vld [tilespmem:s23+$0xA7E0];
	v0 =	vmul.f32 v33, v4;
	v1 =	vmul.f32 v44, v7;
	v26 =	vadd.f32 v32, v26  }
0x1b4: {  	v34 =	vld [tilespmem:s23+$0xA800];
	v3 =	vmul.f32 v45, v6;
	v17 =	vadd.f32 v18, v17;
	v23 =	vadd.f32 v27, v23  }
0x1b5: {  	v36 =	vmul.f32 v36, v5;
	v33 =	vld [tilespmem:s23+$0xA820];
	v35 =	vadd.f32 v35, v54;
	v37 =	vadd.f32 v37, v26  }
0x1b6: {  	v11 =	vmul.f32 v38, v4;
	v44 =	vld [tilespmem:s23+$0xA840];
	v38 =	vadd.f32 v3, v1;
	v18 =	vadd.f32 v53, v17  }
0x1b7: {  	[tilespmem:$0x1FEF0] =	vst v49;
	v49 =	vld [tilespmem:s23+$0xA850];
	v23 =	vadd.f32 v55, v23;
	v13 =	vadd.f32 v13, v37  }
0x1b8: {  	v32 =	vld [tilespmem:s23+$0xA7D0];
	v35 =	vadd.f32 v36, v35;
	v18 =	vadd.f32 v22, v18  }
0x1b9: {  	v27 =	vld [tilespmem:s23+$0xA870];
	[tilespmem:$0x1FF00] =	vst v52;
	v52 =	vmul.f32 v47, v5;
	v31 =	vadd.f32 v0, v23;
	(xrf2) =	vadd.scan.msk.f32 $0xffff, v13  }
0x1ba: {  	v26 =	vld [tilespmem:s23+$0xA7C0];
	v53 =	vadd.f32 v11, v35;
	(xrf2) =	vadd.scan.msk.f32 $0xffff, v18  }
0x1bb: {  	v17 =	vld [tilespmem:s23+$0xA7F0];
	v55 =	vmul.f32 v50, v4;
	v54 =	vadd.f32 v52, v38;
	(xrf2) =	vadd.scan.msk.f32 $0xffff, v31  }
0x1bc: {  	v50 =	vld [tilespmem:s23+$0xA860];
	(xrf2) =	vadd.scan.msk.f32 $0xffff, v53  }
0x1bd: {  	v47 =	vld [tilespmem:s23+$0xA910];
	v13 =	vadd.f32 v55, v54  }
0x1be: {  	v37 =	vld [tilespmem:s23+$0xA810]  }
0x1bf: {  	v22 =	vld [tilespmem:s23+$0xA830];
	(xrf2) =	vadd.scan.msk.f32 $0xffff, v13  }
0x1c0: {  	v35 =	vld [tilespmem:s23+$0xA8E0]  }
0x1c1: {  	v8 =	vmul.f32 v8, v7;
	v10 =	vmul.f32 v10, v6;
	v52 =	vld [tilespmem:s23+$0xA880]  }
0x1c2: {  	v38 =	vld [tilespmem:s23+$0xA900]  }
0x1c3: {  	v8 =	vadd.f32 v10, v8;
	v10 =	vld [tilespmem:$0x1FEE0];
	v0, _, _ =	vpop (xrf2)  }
0x1c4: {  	v54 =	vld [tilespmem:s23+$0xA8C0];
	v1, _, _ =	vpop (xrf2)  }
0x1c5: {  	v55 =	vld [tilespmem:s23+$0xA8D0];
	v23 =	vbroadcast v0, $0xF;
	v36 =	vbroadcast v1, $0xF;
	v3, _, _ =	vpop (xrf2)  }
0x1c6: {  	v18 =	vld [tilespmem:s23+$0xA8F0];
	v45 =	vbroadcast v3, $0xF;
	v11, _, _ =	vpop (xrf2)  }
0x1c7: {  	v56 =	vmul.f32 v56, v6;
	v31 =	vld [tilespmem:s23+$0xA8A0];
	v23 =	vsel vm0, v23, v36;
	v0 =	vbroadcast v11, $0xF  }
0x1c8: {  	v2 =	vmul.f32 v2, v6;
	v53 =	vld [tilespmem:s23+$0xA890];
	v1 =	vmul.f32 v51, v7;
	v45 =	vsel vm1, v23, v45  }
0x1c9: {  	v15 =	vmul.f32 v15, v4;
	v13 =	vld [tilespmem:s23+$0xA8B0];
	v11, _, _ =	vpop (xrf2);
	v3 =	vsel vm2, v45, v0;
	v45 =	vmul.f32 v58, v7  }
0x1ca: {  	v51 =	vld [tilespmem:s23+$0xA940];
	v1 =	vadd.f32 v56, v1;
	v56 =	vmul.f32 v57, v5;
	v0 =	vbroadcast v11, $0xF  }
0x1cb: {  	v9 =	vmul.f32 v9, v5;
	v14 =	vmul.f32 v14, v7;
	v36 =	vld [tilespmem:s23+$0xA920];
	v2 =	vadd.f32 v2, v45  }
0x1cc: {  	v12 =	vmul.f32 v12, v6;
	v57 =	vld [tilespmem:s23+$0xA980];
	v1 =	vadd.f32 v56, v1;
	v0 =	vsel vm3, v3, v0  }
0x1cd: {  	v39 =	vmul.f32 v39, v6;
	v23 =	vld [tilespmem:s23+$0xA930];
	[tilespmem:$0x1FF10] =	vst v0;
	v0 =	vadd.f32 v9, v2;
	v2 =	vmul.f32 v16, v4  }
0x1ce: {  	v58 =	vld [tilespmem:s23+$0xA950];
	v15 =	vadd.f32 v15, v1;
	v1 =	vadd.f32 v12, v14;
	v9 =	vmul.f32 v59, v5  }
0x1cf: {  	v56 =	vld [tilespmem:s23+$0xA970];
	v14 =	vadd.f32 v2, v0;
	v0 =	vmul.f32 v20, v7;
	v20 =	vmul.f32 v63, v7  }
0x1d0: {  	v11 =	vld [tilespmem:s23+$0xA9A0];
	v3 =	vmul.f32 v21, v5;
	v21 =	vmul.f32 v25, v7  }
0x1d1: {  	v45 =	vld [tilespmem:s23+$0xA960];
	v1 =	vadd.f32 v9, v1;
	v9 =	vadd.f32 v39, v20;
	v20 =	vmul.f32 v24, v5  }
0x1d2: {  	v25 =	vmul.f32 v48, v4;
	v48 =	vld [tilespmem:s23+$0xA9F0];
	v24 =	vmul.f32 v62, v6  }
0x1d3: {  	v59 =	vld [tilespmem:s23+$0xA990];
	v16 =	vmul.f32 v28, v6;
	v2 =	vmul.f32 v60, v4;
	v20 =	vadd.f32 v20, v9  }
0x1d4: {  	v28 =	vld [tilespmem:s23+$0xA9B0];
	v63 =	vmul.f32 v46, v5;
	v9 =	vadd.f32 v24, v21;
	v24 =	vmul.f32 v40, v7  }
0x1d5: {  	v21 =	vadd.f32 v25, v20;
	v25 =	vmul.f32 v41, v6;
	v20 =	vmul.f32 v43, v6;
	v43 =	vld [tilespmem:$0x1FE80]  }
0x1d6: {  	v12 =	vmul.f32 v61, v4;
	v60 =	vld [tilespmem:s23+$0xA9C0];
	v0 =	vadd.f32 v16, v0;
	v61 =	vadd.f32 v2, v1  }
0x1d7: {  	v46 =	vld [tilespmem:s23+$0xAA00];
	v9 =	vadd.f32 v63, v9;
	v63 =	vmul.f32 v29, v5;
	v2 =	vadd.f32 v25, v24  }
0x1d8: {  	v39 =	vld [tilespmem:s23+$0xA9D0];
	v16 =	vadd.f32 v3, v0  }
0x1d9: {  	v2 =	vadd.f32 v63, v2;
	v63 =	vld [tilespmem:$0x1FEB0]  }
0x1da: {  	v62 =	vadd.f32 v12, v16;
	v16 =	vmul.f32 v43, v4;
	v43 =	vld [tilespmem:$0x1FEA0]  }
0x1db: {  	(xrf2) =	vadd.scan.msk.f32 $0xffff, v15;
	v1 =	vld [tilespmem:s23+$0xAA20]  }
0x1dc: {  	(xrf2) =	vadd.scan.msk.f32 $0xffff, v14;
	v14 =	vld [tilespmem:s23+$0xAB40]  }
0x1dd: {  	v3 =	vld [tilespmem:s23+$0xA9E0]  }
0x1de: {  	v40 =	vld [tilespmem:s23+$0xAA30];
	v12 =	vmul.f32 v42, v7  }
0x1df: {  	v42 =	vld [tilespmem:$0x1FE90];
	v29 =	vmul.f32 v63, v6;
	v24 =	vmul.f32 v43, v7  }
0x1e0: {  	v43 =	vadd.f32 v16, v9;
	v16 =	vld [tilespmem:$0x1FEC0]  }
0x1e1: {  	v24 =	vadd.f32 v29, v24;
	v29 =	vld [tilespmem:$0x1FED0]  }
0x1e2: {  	(xrf2) =	vadd.scan.msk.f32 $0xffff, v61;
	v61 =	vmul.f32 v11, v5;
	v11 =	vld [tilespmem:s23+$0xABD0]  }
0x1e3: {  	v41 =	vld [tilespmem:s23+$0xAA10];
	v12 =	vadd.f32 v20, v12;
	v25 =	vmul.f32 v30, v5  }
0x1e4: {  	v30 =	vld [tilespmem:s23+$0xAA40];
	v20 =	vmul.f32 v42, v4  }
0x1e5: {  	v42 =	vld [tilespmem:s23+$0xAA50];
	v9 =	vadd.f32 v25, v12;
	v12 =	vmul.f32 v16, v4  }
0x1e6: {  	v63 =	vadd.f32 v20, v2;
	v20 =	vmul.f32 v26, v7;
	v26 =	vld [tilespmem:s23+$0xAA90];
	v0 =	vmul.f32 v29, v5  }
0x1e7: {  	v9 =	vadd.f32 v12, v9;
	v12 =	vld [tilespmem:s23+$0xAA80]  }
0x1e8: {  	v16 =	vadd.f32 v0, v24;
	v24 =	vmul.f32 v32, v6;
	v32 =	vld [tilespmem:$0x1FEF0]  }
0x1e9: {  	v19 =	vmul.f32 v19, v5;
	v49 =	vmul.f32 v49, v6;
	v2 =	vld [tilespmem:s23+$0xAAA0]  }
0x1ea: {  	v17 =	vmul.f32 v17, v4;
	v10 =	vmul.f32 v10, v4;
	v25 =	vld [tilespmem:s23+$0xAA60];
	v20 =	vadd.f32 v24, v20  }
0x1eb: {  	v35 =	vmul.f32 v35, v5;
	v26 =	vmul.f32 v26, v6;
	v29 =	vld [tilespmem:s23+$0xAA70]  }
0x1ec: {  	v10 =	vadd.f32 v10, v16;
	v12 =	vmul.f32 v12, v7;
	v16 =	vadd.f32 v19, v20;
	v19 =	vld [tilespmem:s23+$0xAAD0]  }
0x1ed: {  	v20 =	vmul.f32 v33, v5;
	v33 =	vld [tilespmem:s23+$0xAAF0];
	v0 =	vmul.f32 v32, v5  }
0x1ee: {  	v31 =	vmul.f32 v31, v5;
	v2 =	vmul.f32 v2, v5;
	v32 =	vld [tilespmem:$0x1FF00];
	v12 =	vadd.f32 v26, v12  }
0x1ef: {  	v16 =	vadd.f32 v17, v16;
	v17 =	vmul.f32 v44, v7;
	v44 =	vld [tilespmem:s23+$0xAB10];
	v0 =	vadd.f32 v0, v8  }
0x1f0: {  	v8 =	vmul.f32 v34, v7;
	v34 =	vmul.f32 v37, v6;
	v37 =	vld [tilespmem:s23+$0xAAC0];
	v12 =	vadd.f32 v2, v12  }
0x1f1: {  	v2 =	vld [tilespmem:s23+$0xAC90];
	v17 =	vadd.f32 v49, v17;
	v49 =	vmul.f32 v52, v7;
	v52 =	vmul.f32 v53, v6  }
0x1f2: {  	v53 =	vmul.f32 v54, v7;
	v54 =	vmul.f32 v55, v6;
	v8 =	vadd.f32 v34, v8;
	v34 =	vld [tilespmem:s23+$0xAB00]  }
0x1f3: {  	v55 =	vmul.f32 v27, v4;
	v24 =	vmul.f32 v32, v4;
	v32 =	vld [tilespmem:s23+$0xAAB0]  }
0x1f4: {  	v27 =	vadd.f32 v52, v49;
	v49 =	vld [tilespmem:s23+$0xAB30];
	v15 =	vadd.f32 v54, v53;
	v53 =	vmul.f32 v38, v7  }
0x1f5: {  	v38 =	vld [tilespmem:s23+$0xAB50];
	v8 =	vadd.f32 v20, v8;
	v20 =	vmul.f32 v22, v4;
	v22 =	vmul.f32 v50, v5  }
0x1f6: {  	v54 =	vmul.f32 v47, v6;
	v50 =	vld [tilespmem:s23+$0xAB20];
	v0 =	vadd.f32 v24, v0;
	v27 =	vadd.f32 v31, v27  }
0x1f7: {  	v13 =	vmul.f32 v13, v4;
	v24 =	vld [tilespmem:s23+$0xAAE0];
	v8 =	vadd.f32 v20, v8;
	v17 =	vadd.f32 v22, v17  }
0x1f8: {  	(xrf2) =	vadd.scan.msk.f32 $0xffff, v62;
	v20 =	vadd.f32 v35, v15;
	v15 =	vld [tilespmem:s23+$0xAB60];
	v22 =	vadd.f32 v54, v53  }
0x1f9: {  	(xrf2) =	vadd.scan.msk.f32 $0xffff, v21;
	v54 =	vmul.f32 v58, v6;
	v58 =	vmul.f32 v59, v6;
	v59, _, _ =	vpop (xrf2);
	v47 =	vadd.f32 v13, v27;
	v13 =	vld [tilespmem:s23+$0xABB0]  }
0x1fa: {  	(xrf2) =	vadd.scan.msk.f32 $0xffff, v43;
	v43 =	vbroadcast v59, $0xF;
	v59 =	vmul.f32 v25, v5;
	v25 =	vld [tilespmem:s23+$0xAC30]  }
0x1fb: {  	v36 =	vmul.f32 v36, v5;
	(xrf2) =	vadd.scan.msk.f32 $0xffff, v63;
	v52 =	vadd.f32 v55, v17;
	v17 =	vld [tilespmem:s23+$0xAB70]  }
0x1fc: {  	(xrf2) =	vadd.scan.msk.f32 $0xffff, v9;
	v55 =	vmul.f32 v18, v4;
	v18 =	vld [tilespmem:s23+$0xAB80]  }
0x1fd: {  	v57 =	vmul.f32 v57, v7;
	v62, _, _ =	vpop (xrf2);
	(xrf2) =	vadd.scan.msk.f32 $0xffff, v10;
	v22 =	vadd.f32 v36, v22;
	v36 =	vld [tilespmem:s23+$0xABA0]  }
0x1fe: {  	v23 =	vmul.f32 v23, v4;
	(xrf2) =	vadd.scan.msk.f32 $0xffff, v0;
	v0 =	vld [tilespmem:s23+$0xAC50]  }
0x1ff: {  	v56 =	vmul.f32 v56, v4;
	v21 =	vadd.f32 v58, v57;
	v57 =	vmul.f32 v42, v6;
	v42 =	vld [tilespmem:s23+$0xACF0]  }
0x200: {  	v60 =	vmul.f32 v60, v7;
	v39 =	vmul.f32 v39, v6;
	v31 =	vadd.f32 v55, v20;
	v20 =	vld [tilespmem:s23+$0xAB90]  }
0x201: {  	v28 =	vmul.f32 v28, v4;
	v53 =	vmul.f32 v51, v7;
	v51 =	vadd.f32 v23, v22;
	v22 =	vld [tilespmem:s23+$0xABC0]  }
0x202: {  	v3 =	vmul.f32 v3, v5;
	v41 =	vmul.f32 v41, v6;
	v35 =	vadd.f32 v39, v60;
	v23 =	vld [tilespmem:s23+$0xABE0]  }
0x203: {  	v27 =	vadd.f32 v54, v53;
	v54 =	vmul.f32 v46, v7;
	v63 =	vadd.f32 v61, v21;
	v21 =	vld [tilespmem:s23+$0xABF0]  }
0x204: {  	v1 =	vmul.f32 v1, v5;
	v55 =	vmul.f32 v45, v5;
	v45 =	vadd.f32 v3, v35;
	v35 =	vld [tilespmem:s23+$0xAC00]  }
0x205: {  	v19 =	vmul.f32 v19, v6;
	v53 =	vmul.f32 v48, v4;
	(xrf2) =	vadd.scan.msk.f32 $0xffff, v16;
	v39 =	vadd.f32 v41, v54;
	v41 =	vld [tilespmem:s23+$0xACD0]  }
0x206: {  	v37 =	vmul.f32 v37, v7;
	(xrf2) =	vadd.scan.msk.f32 $0xffff, v8;
	v27 =	vadd.f32 v55, v27;
	v55 =	vadd.f32 v28, v63;
	v28 =	vld [tilespmem:s23+$0xAC10]  }
0x207: {  	v40 =	vmul.f32 v40, v4;
	v11 =	vmul.f32 v11, v6;
	v58, _, _ =	vpop (xrf2);
	(xrf2) =	vadd.scan.msk.f32 $0xffff, v52;
	v3 =	vadd.f32 v53, v45;
	v53 =	vld [tilespmem:$0x1FF10]  }
0x208: {  	v2 =	vmul.f32 v2, v6;
	v19 =	vadd.f32 v19, v37;
	v60, _, _ =	vpop (xrf2);
	(xrf2) =	vadd.scan.msk.f32 $0xffff, v47;
	v63 =	vmul.f32 v29, v4;
	v29 =	vld [tilespmem:s23+$0xAC70]  }
0x209: {  	v61, _, _ =	vpop (xrf2);
	v47 =	vmul.f32 v32, v4;
	v32 =	vld [tilespmem:s23+$0xAC80];
	v9 =	vadd.f32 v56, v27;
	v56 =	vmul.f32 v30, v7  }
0x20a: {  	v10 =	vbroadcast v62, $0xF;
	v24 =	vmul.f32 v24, v5;
	v1 =	vadd.f32 v1, v39;
	v39 =	vld [tilespmem:s23+$0xACE0];
	(xrf2) =	vadd.scan.msk.f32 $0xffff, v31;
	v62, _, _ =	vpop (xrf2)  }
0x20b: {  	v52 =	vmul.f32 v33, v4;
	v54 =	vbroadcast v58, $0xF;
	v31 =	vld [tilespmem:s23+$0xAC60];
	v26, _, _ =	vpop (xrf2);
	v8 =	vadd.f32 v57, v56  }
0x20c: {  	v13 =	vmul.f32 v13, v4;
	v27 =	vld [tilespmem:s23+$0xAC20];
	(xrf2) =	vadd.scan.msk.f32 $0xffff, v51;
	v51 =	vadd.f32 v24, v19;
	v37, _, _ =	vpop (xrf2);
	v19 =	vsel vm4, v53, v43  }
0x20d: {  	v18 =	vmul.f32 v18, v7;
	v30 =	vld [tilespmem:s23+$0xAC40];
	v1 =	vadd.f32 v40, v1;
	(xrf2) =	vadd.scan.msk.f32 $0xffff, v9;
	v40, _, _ =	vpop (xrf2);
	v8 =	vadd.f32 v59, v8  }
0x20e: {  	v0 =	vmul.f32 v0, v6;
	v12 =	vadd.f32 v47, v12;
	v24 =	vld [tilespmem:s23+$0xADD0];
	v26 =	vbroadcast v26, $0xF;
	(xrf2) =	vadd.scan.msk.f32 $0xffff, v55;
	v33, _, _ =	vpop (xrf2)  }
0x20f: {  	v55 =	vbroadcast v60, $0xF;
	v43 =	vld [tilespmem:s23+$0xAD00];
	(xrf2) =	vadd.scan.msk.f32 $0xffff, v3;
	v10 =	vsel vm5, v19, v10;
	v48 =	vadd.f32 v63, v8;
	v19, _, _ =	vpop (xrf2)  }
0x210: {  	v20 =	vmul.f32 v20, v6;
	v57 =	vbroadcast v61, $0xF;
	v3 =	vld [tilespmem:s23+$0xACB0];
	(xrf2) =	vadd.scan.msk.f32 $0xffff, v1;
	v56 =	vsel vm6, v10, v54;
	v58, _, _ =	vpop (xrf2)  }
0x211: {  	v59 =	vbroadcast v62, $0xF;
	v1 =	vld [tilespmem:s23+$0xACA0];
	v8 =	vadd.f32 v52, v51;
	v9 =	vsel vm7, v56, v55;
	(xrf2) =	vadd.scan.msk.f32 $0xffff, v48;
	v60, _, _ =	vpop (xrf2)  }
0x212: {  	v35 =	vmul.f32 v35, v7;
	v21 =	vmul.f32 v21, v4;
	v61 =	vsel vm8, v9, v57;
	(xrf2) =	vadd.scan.msk.f32 $0xffff, v12;
	v12 =	vld [tilespmem:s23+$0xACC0];
	v45, _, _ =	vpop (xrf2)  }
0x213: {  	v37 =	vbroadcast v37, $0xF;
	(xrf2) =	vadd.scan.msk.f32 $0xffff, v8;
	v8 =	vsel vm9, v61, v59;
	v46 =	vbroadcast v45, $0xF;
	v45 =	vld [tilespmem:s23+$0xAD10]  }
0x214: {  	v62 =	vbroadcast v58, $0xF;
	v63 =	vbroadcast v60, $0xF;
	v47, _, _ =	vpop (xrf2);
	v8 =	vsel vm10, v8, v26;
	v26 =	vld [tilespmem:s23+$0xAD20]  }
0x215: {  	v40 =	vbroadcast v40, $0xF;
	v48 =	vbroadcast v47, $0xF;
	v47 =	vld [tilespmem:s23+$0xAD50]  }
0x216: {  	v33 =	vbroadcast v33, $0xF;
	v9 =	vsel vm0, v62, v63;
	v8 =	vsel vm11, v8, v37;
	v37 =	vld [tilespmem:s23+$0xAD30]  }
0x217: {  	v24 =	vmul.f32 v24, v6;
	v3 =	vmul.f32 v3, v4;
	v51, _, _ =	vpop (xrf2);
	v9 =	vsel vm1, v9, v46;
	v46 =	vld [tilespmem:s23+$0xAD40]  }
0x218: {  	v1 =	vmul.f32 v1, v5;
	v52 =	vbroadcast v51, $0xF;
	v53, _, _ =	vpop (xrf2);
	v8 =	vsel vm12, v8, v40;
	v40 =	vld [tilespmem:s23+$0xAD60]  }
0x219: {  	v9 =	vsel vm2, v9, v48;
	v54 =	vbroadcast v53, $0xF;
	v55, _, _ =	vpop (xrf2);
	v53 =	vmul.f32 v34, v7;
	v34 =	vld [tilespmem:s23+$0xAD90]  }
0x21a: {  	v9 =	vsel vm3, v9, v52;
	v56 =	vbroadcast v55, $0xF;
	v57, _, _ =	vpop (xrf2);
	v8 =	vsel vm13, v8, v33;
	v33 =	vld [tilespmem:s23+$0xAD70]  }
0x21b: {  	v55 =	vmul.f32 v14, v7;
	v58 =	vbroadcast v57, $0xF;
	v8 =	vsel vm14, v8, v19;
	v19 =	vld [tilespmem:s23+$0xAD80]  }
0x21c: {  	v9 =	vsel vm4, v9, v54;
	v54 =	vmul.f32 v44, v6;
	v44 =	vmul.f32 v28, v6;
	v28 =	vld [tilespmem:s23+$0xAE10]  }
0x21d: {  	v18 =	vadd.f32 v20, v18;
	v57 =	vmul.f32 v50, v5;
	v50 =	vmul.f32 v27, v5;
	v27 =	vld [tilespmem:s23+$0xAE30]  }
0x21e: {  	v12 =	vmul.f32 v12, v7;
	v59, _, _ =	vpop (xrf2);
	v9 =	vsel vm5, v9, v56;
	v56 =	vmul.f32 v38, v6;
	v38 =	vld [tilespmem:s23+$0xADA0]  }
0x21f: {  	v60 =	vbroadcast v59, $0xF;
	v59 =	vmul.f32 v15, v5;
	v15 =	vld [tilespmem:s23+$0xAE00];
	v9 =	vsel vm6, v9, v58  }
0x220: {  	v16 =	vadd.f32 v54, v53;
	v58 =	vmul.f32 v49, v4;
	v49 =	vmul.f32 v30, v7;
	v30 =	vld [tilespmem:s23+$0xAE20]  }
0x221: {  	v20 =	vadd.f32 v44, v35;
	v53 =	vmul.f32 v25, v4;
	v54 =	vmul.f32 v29, v4;
	v25 =	vld [tilespmem:s23+$0xAE70]  }
0x222: {  	v29 =	vld [tilespmem:s23+$0xAE80];
	v37 =	vmul.f32 v37, v4;
	v9 =	vsel vm7, v9, v60;
	v60 =	vmul.f32 v17, v4  }
0x223: {  	v35 =	vld [tilespmem:s23+$0xAEA0];
	v61, _, _ =	vpop (xrf2);
	v10 =	vadd.f32 v56, v55;
	v55 =	vmul.f32 v32, v7;
	v56 =	vmul.f32 v41, v6  }
0x224: {  	v44 =	vld [tilespmem:s23+$0xAED0];
	v62 =	vbroadcast v61, $0xF;
	v16 =	vadd.f32 v57, v16;
	v61 =	vmul.f32 v22, v7  }
0x225: {  	v17 =	vld [tilespmem:s23+$0xADC0];
	v63, _, _ =	vpop (xrf2);
	v0 =	vadd.f32 v0, v49;
	v57 =	vmul.f32 v39, v5;
	v49 =	vmul.f32 v34, v6  }
0x226: {  	v41 =	vld [tilespmem:s23+$0xAEB0];
	v33 =	vmul.f32 v33, v4;
	v48 =	vbroadcast v63, $0xF;
	v10 =	vadd.f32 v59, v10  }
0x227: {  	v22 =	vld [tilespmem:s23+$0xADE0];
	v63 =	vmul.f32 v23, v5;
	v2 =	vadd.f32 v2, v55;
	v59 =	vmul.f32 v43, v7  }
0x228: {  	v34 =	vld [tilespmem:s23+$0xAEF0];
	v51, _, _ =	vpop (xrf2);
	v12 =	vadd.f32 v56, v12;
	v56 =	vmul.f32 v28, v6;
	v27 =	vmul.f32 v27, v4  }
0x229: {  	v23 =	vld [tilespmem:s23+$0xAE50];
	v9 =	vsel vm8, v9, v62;
	v52 =	vbroadcast v51, $0xF;
	v62 =	vmul.f32 v36, v5  }
0x22a: {  	v43 =	vld [tilespmem:s23+$0xAEC0];
	v16 =	vadd.f32 v58, v16;
	v51 =	vmul.f32 v31, v5;
	v58 =	vmul.f32 v42, v4  }
0x22b: {  	v55 =	vld [tilespmem:s23+$0xAF40];
	v11 =	vadd.f32 v11, v61;
	v61 =	vmul.f32 v46, v7;
	v15 =	vmul.f32 v15, v7  }
0x22c: {  	v36 =	vld [tilespmem:s23+$0xADF0];
	v9 =	vsel vm9, v9, v48;
	v10 =	vadd.f32 v60, v10;
	v1 =	vadd.f32 v1, v2  }
0x22d: {  	v31 =	vld [tilespmem:s23+$0xAE40];
	v60 =	vmul.f32 v45, v6;
	v12 =	vadd.f32 v57, v12;
	v45 =	vmul.f32 v40, v5  }
0x22e: {  	v46 =	vld [tilespmem:s23+$0xAEE0];
	v40 =	vmul.f32 v35, v5;
	v9 =	vsel vm10, v9, v52;
	v18 =	vadd.f32 v62, v18  }
0x22f: {  	v48 =	vld [tilespmem:s23+$0xADB0];
	v11 =	vadd.f32 v63, v11;
	v52 =	vadd.f32 v50, v20;
	v62 =	vmul.f32 v47, v6  }
0x230: {  	v57 =	vld [tilespmem:s23+$0xAF50];
	v0 =	vadd.f32 v51, v0;
	v63 =	vmul.f32 v26, v5;
	v47 =	vmul.f32 v19, v7  }
0x231: {  	v20 =	vld [tilespmem:s23+$0xAE90];
	v17 =	vmul.f32 v17, v7;
	v51 =	vmul.f32 v38, v5;
	v15 =	vadd.f32 v56, v15  }
0x232: {  	v50 =	vld [tilespmem:s23+$0xAF00];
	v26 =	vmul.f32 v44, v6;
	v1 =	vadd.f32 v3, v1;
	v2 =	vadd.f32 v60, v59  }
0x233: {  	v44 =	vld [tilespmem:s23+$0xAFC0];
	v12 =	vadd.f32 v58, v12;
	v22 =	vmul.f32 v22, v5;
	v13 =	vadd.f32 v13, v18  }
0x234: {  	v59 =	vld [tilespmem:s23+$0xAF60];
	v60 =	vmul.f32 v30, v5;
	v11 =	vadd.f32 v21, v11;
	v18 =	vadd.f32 v53, v52  }
0x235: {  	v30 =	vld [tilespmem:s23+$0xAF70];
	v56 =	vmul.f32 v34, v4;
	v0 =	vadd.f32 v54, v0;
	v14 =	vadd.f32 v62, v61  }
0x236: {  	v21 =	vld [tilespmem:s23+$0xAE60];
	v3 =	vadd.f32 v49, v47;
	v17 =	vadd.f32 v24, v17;
	v23 =	vmul.f32 v23, v6  }
0x237: {  	v52 =	vld [tilespmem:s23+$0xAF10];
	v61 =	vmul.f32 v25, v4;
	v62 =	vmul.f32 v29, v7;
	v2 =	vadd.f32 v63, v2  }
0x238: {  	v24 =	vld [tilespmem:s23+$0xAF20];
	v54 =	vmul.f32 v36, v4;
	v58 =	vmul.f32 v31, v7;
	v15 =	vadd.f32 v60, v15  }
0x239: {  	v25 =	vld [tilespmem:s23+$0xAF80];
	v63 =	vmul.f32 v43, v7;
	v43 =	vmul.f32 v46, v5;
	v14 =	vadd.f32 v45, v14  }
0x23a: {  	v29 =	vld [tilespmem:s23+$0xAF90];
	v3 =	vadd.f32 v51, v3;
	v53 =	vmul.f32 v48, v4;
	v17 =	vadd.f32 v22, v17  }
0x23b: {  	v36 =	vld [tilespmem:s23+$0xAFA0];
	v51 =	vmul.f32 v57, v6;
	v2 =	vadd.f32 v37, v2;
	v22 =	vadd.f32 v23, v58  }
0x23c: {  	v31 =	vld [tilespmem:s23+$0xB040];
	v20 =	vmul.f32 v20, v6;
	v15 =	vadd.f32 v27, v15;
	v42 =	vadd.f32 v26, v63  }
0x23d: {  	(xrf2) =	vadd.scan.msk.f32 $0xffff, v16;
	v48 =	vld [tilespmem:s23+$0xAFD0];
	v46 =	vmul.f32 v50, v7;
	v50 =	vmul.f32 v55, v7;
	v14 =	vadd.f32 v33, v14  }
0x23e: {  	(xrf2) =	vadd.scan.msk.f32 $0xffff, v10;
	v37 =	vld [tilespmem:s23+$0xAF30];
	v3 =	vadd.f32 v53, v3;
	v53 =	vmul.f32 v41, v4;
	v57 =	vmul.f32 v59, v5  }
0x23f: {  	(xrf2) =	vadd.scan.msk.f32 $0xffff, v13;
	v58 =	vld [tilespmem:s23+$0xB000];
	v17 =	vadd.f32 v54, v17;
	v30 =	vmul.f32 v30, v4;
	v21 =	vmul.f32 v21, v5  }
0x240: {  	(xrf2) =	vadd.scan.msk.f32 $0xffff, v11;
	v55 =	vld [tilespmem:s23+$0xAFF0];
	v27 =	vadd.f32 v20, v62;
	v47 =	vmul.f32 v52, v6;
	v54 =	vmul.f32 v24, v5  }
0x241: {  	(xrf2) =	vadd.scan.msk.f32 $0xffff, v18;
	v20 =	vld [tilespmem:s23+$0xAFB0];
	v49 =	vadd.f32 v43, v42;
	v33 =	vmul.f32 v25, v7;
	v34 =	vmul.f32 v29, v6  }
0x242: {  	v52 =	vld [tilespmem:s23+$0xAFE0];
	(xrf2) =	vadd.scan.msk.f32 $0xffff, v0;
	v42 =	vmul.f32 v36, v5;
	v21 =	vadd.f32 v21, v22;
	v45 =	vadd.f32 v40, v27  }
0x243: {  	v62 =	vld [tilespmem:s23+$0xB010];
	(xrf2) =	vadd.scan.msk.f32 $0xffff, v1;
	v16 =	vadd.f32 v47, v46;
	v0 =	vadd.f32 v56, v49;
	v38 =	vmul.f32 v48, v6  }
0x244: {  	v35 =	vld [tilespmem:s23+$0xB050];
	(xrf2) =	vadd.scan.msk.f32 $0xffff, v12;
	v41 =	vadd.f32 v34, v33;
	v47 =	vmul.f32 v58, v7;
	v10 =	vadd.f32 v61, v21  }
0x245: {  	v39 =	vld [tilespmem:s23+$0xB020];
	(xrf2) =	vadd.scan.msk.f32 $0xffff, v2;
	v21 =	vadd.f32 v51, v50;
	v61 =	vmul.f32 v37, v4;
	v37 =	vmul.f32 v44, v7  }
0x246: {  	v48 =	vld [tilespmem:s23+$0xB030];
	v59 =	vadd.f32 v53, v45;
	(xrf2) =	vadd.scan.msk.f32 $0xffff, v14;
	v7 =	vmul.f32 v31, v7;
	v53 =	vmul.f32 v55, v4  }
0x247: {  	v40, _, _ =	vpop (xrf2);
	v60 =	vadd.f32 v54, v16;
	v44 =	vld [tilespmem:s23+$0xB060];
	(xrf2) =	vadd.scan.msk.f32 $0xffff, v3;
	v43 =	vmul.f32 v20, v4;
	v46 =	vmul.f32 v52, v5  }
0x248: {  	v51 =	vld [tilespmem:s23+$0xB070];
	v3 =	vadd.f32 v42, v41;
	v50 =	vmul.f32 v62, v6;
	v63 =	vadd.f32 v57, v21;
	v45, _, _ =	vpop (xrf2);
	(xrf2) =	vadd.scan.msk.f32 $0xffff, v17  }
0x249: {  	v6 =	vmul.f32 v35, v6;
	v32 =	vadd.f32 v61, v60;
	v12 =	vadd.f32 v38, v37;
	v49, _, _ =	vpop (xrf2);
	(xrf2) =	vadd.scan.msk.f32 $0xffff, v15  }
0x24a: {  	v23 =	vbroadcast v40, $0xF;
	v55 =	vadd.f32 v43, v3;
	v56 =	vadd.f32 v50, v47;
	v18, _, _ =	vpop (xrf2);
	(xrf2) =	vadd.scan.msk.f32 $0xffff, v10  }
0x24b: {  	v57 =	vmul.f32 v39, v5;
	v6 =	vadd.f32 v6, v7;
	v52 =	vadd.f32 v46, v12;
	v54, _, _ =	vpop (xrf2);
	(xrf2) =	vadd.scan.msk.f32 $0xffff, v59  }
0x24c: {  	v17 =	vmul.f32 v48, v4;
	v11 =	vadd.f32 v30, v63;
	v5 =	vmul.f32 v44, v5;
	v58, _, _ =	vpop (xrf2);
	(xrf2) =	vadd.scan.msk.f32 $0xffff, v0  }
0x24d: {  	v3 =	vadd.f32 v57, v56;
	v4 =	vmul.f32 v51, v4;
	v59 =	vadd.f32 v53, v52;
	v60, _, _ =	vpop (xrf2);
	(xrf2) =	vadd.scan.msk.f32 $0xffff, v32  }
0x24e: {  	v61 =	vbroadcast v54, $0xF;
	v5 =	vadd.f32 v5, v6;
	v20 =	vbroadcast v58, $0xF;
	v19, _, _ =	vpop (xrf2);
	(xrf2) =	vadd.scan.msk.f32 $0xffff, v11  }
0x24f: {  	v35 =	vmov s19;
	v22 =	vadd.f32 v17, v3;
	v7 =	vbroadcast v60, $0xF;
	v21, _, _ =	vpop (xrf2);
	(xrf2) =	vadd.scan.msk.f32 $0xffff, v55  }
0x250: {  	v2 =	vsel vm0, v61, v20;
	v26 =	vbroadcast v19, $0xF;
	v4 =	vadd.f32 v4, v5;
	v24, _, _ =	vpop (xrf2);
	(xrf2) =	vadd.scan.msk.f32 $0xffff, v59  }
0x251: {  	v38 =	vmul.u32 $0x38, v35;
	v2 =	vsel vm1, v2, v7;
	v28 =	vbroadcast v21, $0xF;
	v29, _, _ =	vpop (xrf2);
	(xrf2) =	vadd.scan.msk.f32 $0xffff, v22  }
0x252: {  	v62 =	vld [tilespmem:$0x1FFE0];
	v63 =	vlaneseq.u32;
	v0 =	vsel vm2, v2, v26;
	v31 =	vbroadcast v24, $0xF;
	v32, _, _ =	vpop (xrf2);
	(xrf2) =	vadd.scan.msk.f32 $0xffff, v4  }
0x253: {  	v30 =	vbroadcast v45, $0xF;
	v0 =	vsel vm3, v0, v28;
	v34 =	vbroadcast v29, $0xF;
	v33, _, _ =	vpop (xrf2)  }
0x254: {  	v50 =	vld [tilespmem:$0x1FFD0];
	v43 =	vbroadcast v38, $0x0;
	v0 =	vsel vm4, v0, v31;
	v37 =	vbroadcast v32, $0xF;
	v36, _, _ =	vpop (xrf2)  }
0x255: {  	v45 =	vbroadcast v49, $0xF;
	v0 =	vsel vm5, v0, v34;
	v40 =	vbroadcast v33, $0xF;
	v39, _, _ =	vpop (xrf2)  }
0x256: {  	v49 =	vadd.s32 v63, v43;
	v59 =	vld [tilespmem:$0x1FFF0];
	v0 =	vsel vm6, v0, v37;
	v42 =	vbroadcast v36, $0xF;
	v41, _, _ =	vpop (xrf2)  }
0x257: {  	v56 =	vadd.s32 v62, v43;
	v0 =	vsel vm7, v0, v40;
	v46 =	vbroadcast v39, $0xF;
	v44, _, _ =	vpop (xrf2)  }
0x258: {  	v3 =	vsel vm11, v9, v23;
	v0 =	vsel vm8, v0, v42;
	v48 =	vbroadcast v41, $0xF;
	v47, _, _ =	vpop (xrf2)  }
0x259: {  	v53 =	vadd.s32 v50, v43;
	v0 =	vsel vm9, v0, v46;
	v52 =	vbroadcast v44, $0xF;
	v51, _, _ =	vpop (xrf2)  }
0x25a: {  	v1 =	vsel vm12, v3, v30;
	v0 =	vsel vm10, v0, v48;
	v55 =	vbroadcast v47, $0xF;
	v54, _, _ =	vpop (xrf2)  }
0x25b: {  	p0 =	sne.s32 s19, $0x7;
	v5 =	vadd.s32 v59, v43;
	v0 =	vsel vm11, v0, v52;
	v58 =	vbroadcast v51, $0xF;
	v57, _, _ =	vpop (xrf2)  }
.Ltmp1:
0x25c: {  	v1 =	vsel vm13, v1, v45;
	v0 =	vsel vm12, v0, v55;
	v60 =	vbroadcast v57, $0xF;
	v61, _, _ =	vpop (xrf2);
	(pc) =	sbr.rel @p0 .LBB2_5-.Ltmp1, $4  }
0x25d: {  	v1 =	vsel vm14, v1, v18;
	[tilespmem:v49+s14+$0x0] =	vst.idx.msk $0xffff, v8;
	v0 =	vsel vm13, v0, v58;
	v62 =	vbroadcast v61, $0xF  }
0x25e: {  	[tilespmem:v53+s14+$0x0] =	vst.idx.msk $0xffff, v1;
	v0 =	vsel vm14, v0, v54;
	v2 =	vnsel vm0, $0x0, v60  }
0x25f: {  	[tilespmem:v56+s14+$0x0] =	vst.idx.msk $0xffff, v0;
	v63 =	vsel vm15, v2, v62  }
0x260: {  	s19 =	sadd.s32 $0x1, s19;
	[tilespmem:v5+s14+$0x0] =	vst.idx.msk $0x3, v63  }
0x261: {  	s18 =	sadd.s32 s4, s18  }
0x262: {  	s17 =	sadd.s32 $0x1, s17;
	s18 =	smul.u32 $0x7, s18  }
0x263: {  	p0 =	sne.s32 s17, $0x8  }
.Ltmp2:
0x264: {  	s18 =	sadd.s32 s5, s18;
	(pc) =	sbr.rel @p0 .LBB2_2-.Ltmp2, $4  }
0x265: {  	[hbm4b:s18+s2] =	stream.linear.scatter [tilespmem:s14], [sflag:$0x3], $0x1C0, $0x38;
	[tilespmem:$0x10DC0] =	vst v63  }
0x266: {  	_ =	swait.ge [sflag:s9], $0x1C0  }
0x267: {  	[sflag:s9] =	ssyncset.done $0x0  }
0x268: {  	[sflag:s9] =	ssyncadd.s32 $0xFFFFFE40  }
0x269: {  	s16 =	sadd.s32 $0x1, s16  }
0x26a: {  	p0 =	sne.s32 s16, s8  }
.Ltmp3:
0x26b: {  	_ = 	snop;
	(pc) =	sbr.rel @p0 .LBB2_1-.Ltmp3, $1  }
0x26c: {  	_ =	sdelay $0x3  }
0x26d: {  	_ =	sfence.sel $0x180000  }
0x26e: {  	[bflag:$0x0] =	sbarrier.arrive $0xFFFF  }
0x26f: {  	_ =	strace $0x9000004A  }
0x270: {  	s0 =	stileid.u32;
	[bflag:$0x2] =	sbarrier.arrive $0xFFFF  }
0x271: {  	p0 =	sne.s32 s0, $0x0;
	s0 =	rddreg [dreg:$0x2]  }
0x272: {  	s0 =	sadd.s32 @!p0 $0x100000, s0  }
0x273: {  	[sflag:s0] =	ssyncadd.tile.s32 @!p0 $0x1;
	_ =	shalt  }
.Lfunc_end2:
_tile_overlayer_lowered:
.L_overlay_start_2:
0x274: {  	(tag) =	ssettag $0x2  }
0x275: {  	s0 =	rddreg [dreg:$0x0];
	s2 =	stileid.u32  }
0x276: {  	s1 =	rddreg [dreg:$0x1];
	p0 =	sne.s32 s2, $0x0  }
0x277: {  	s3 =	rddreg [dreg:$0x2];
	[bflag:$0x3] =	sbarrier.arrive $0xFFFF;
	s2 =	simm.s32 @!p0 $0x1C03  }
0x278: {  	[timem:s3], [sflag:s2] =	dma.local @!p0 [hbm:s0], s1  }
0x279: {  	s0 =	simm.s32 @!p0 $0x3  }
0x27a: {  	_ =	swait.ge @!p0 [sflag:s0], s1  }
0x27b: {  	s1 =	ssub.s32 @!p0 $0x0, s1;
	[sflag:s0] =	ssyncset.done @!p0 $0x0  }
0x27c: {  	[sflag:s0] =	ssyncadd.s32 @!p0 s1  }
0x27d: {  	[bflag:$0x3] =	sbarrier.arrive $0xFFFF  }
0x27e: {  	_ =	shalt  }

</sc_bundles>
